<compile_context>
chip_gen: v7x
topology: tpu7x:2x2x1
jax: 0.10.2.dev20260603
libtpu: 0.0.44.dev20260713+nightly
codegen_flags: <defaults>
</compile_context>

<pallas_src>
import functools

import jax
import jax.numpy as jnp
from jax import lax
from jax.experimental import pallas as pl
from jax.experimental.pallas import tpu as pltpu
from jax.experimental.pallas import tpu_sc as plsc

N = 10000
E = 320000
D = 128
H = 128
G = 128

NP = 10240
EP = 327680
NC = 2
NS = 16
NW = NC * NS
EDGES_PER_TILE = EP // NW
CHUNK = 128
NCHUNK = EDGES_PER_TILE // CHUNK
GRP = 8
ROWS_PER_TILE = NP // NS
BN = 1024
NBLK = NP // BN


def _sc_mesh():
    return plsc.VectorSubcoreMesh(core_axis_name="c", subcore_axis_name="s",
                                  num_cores=NC, num_subcores=NS)


@functools.cache
def _get_sc_degree():
    @functools.partial(
        pl.kernel,
        mesh=_sc_mesh(),
        out_type=jax.ShapeDtypeStruct((NC, NP, H), jnp.float32),
        scratch_types=[
            pltpu.VMEM((NCHUNK, CHUNK), jnp.int32),
            pltpu.VMEM((CHUNK, H), jnp.float32),
            pltpu.VMEM_SHARED((NP, H), jnp.float32),
            pltpu.SemaphoreType.DMA,
        ],
    )
    def body(dst_hbm, ones_hbm, zeros_hbm, out_hbm, dst_all, ones_v, acc_sh,
             sem):
        cid = lax.axis_index("c")
        sid = lax.axis_index("s")
        wid = sid * NC + cid
        row0 = sid * ROWS_PER_TILE
        pltpu.sync_copy(zeros_hbm.at[pl.ds(row0, ROWS_PER_TILE)],
                        acc_sh.at[pl.ds(row0, ROWS_PER_TILE)])
        pltpu.sync_copy(ones_hbm, ones_v)
        pltpu.sync_copy(dst_hbm.at[pl.ds(wid * NCHUNK, NCHUNK)], dst_all)
        plsc.subcore_barrier()

        def fire(w):
            for k in range(GRP):
                pltpu.async_copy(ones_v, acc_sh.at[dst_all.at[w * GRP + k]],
                                 sem, add=True)

        def drain(w):
            for k in range(GRP):
                pltpu.make_async_copy(
                    ones_v, acc_sh.at[dst_all.at[w * GRP + k]], sem).wait()

        fire(0)

        def wave(w, carry):
            fire(w + 1)
            drain(w)
            return carry

        lax.fori_loop(0, NCHUNK // GRP - 1, wave, 0)
        drain(NCHUNK // GRP - 1)
        plsc.subcore_barrier()
        pltpu.sync_copy(acc_sh.at[pl.ds(row0, ROWS_PER_TILE)],
                        out_hbm.at[cid, pl.ds(row0, ROWS_PER_TILE)])

    return body


def _sc_degree(dst2d, ones, zeros):
    return _get_sc_degree()(dst2d, ones, zeros)


@functools.cache
def _get_sc_scatter():
    @functools.partial(
        pl.kernel,
        mesh=_sc_mesh(),
        out_type=jax.ShapeDtypeStruct((NC, NP, H), jnp.float32),
        scratch_types=[
            pltpu.VMEM((GRP, CHUNK), jnp.int32),
            pltpu.VMEM((GRP, CHUNK), jnp.int32),
            pltpu.VMEM((CHUNK, H), jnp.float32),
            pltpu.VMEM((CHUNK, H), jnp.float32),
            pltpu.VMEM_SHARED((NP, H), jnp.float32),
            pltpu.SemaphoreType.DMA,
            pltpu.SemaphoreType.DMA,
            pltpu.SemaphoreType.DMA,
            pltpu.SemaphoreType.DMA,
        ],
    )
    def body(ht_hbm, src_hbm, dst_hbm, zeros_hbm, out_hbm,
             src_grp, dst_grp, rows_a, rows_b, acc_sh,
             sem_ga, sem_gb, sem_sa, sem_sb):
        cid = lax.axis_index("c")
        sid = lax.axis_index("s")
        wid = sid * NC + cid
        row0 = sid * ROWS_PER_TILE
        pltpu.sync_copy(zeros_hbm.at[pl.ds(row0, ROWS_PER_TILE)],
                        acc_sh.at[pl.ds(row0, ROWS_PER_TILE)])
        plsc.subcore_barrier()

        bufs = ((rows_a, sem_ga, sem_sa), (rows_b, sem_gb, sem_sb))

        def group(g, carry):
            base = wid * NCHUNK + g * GRP
            pltpu.sync_copy(src_hbm.at[pl.ds(base, GRP)], src_grp)
            pltpu.sync_copy(dst_hbm.at[pl.ds(base, GRP)], dst_grp)
            pltpu.async_copy(ht_hbm.at[src_grp.at[0]], rows_a, sem_ga)
            for k in range(GRP):
                buf, gsem, ssem = bufs[k % 2]
                obuf, ogsem, ossem = bufs[(k + 1) % 2]
                pltpu.make_async_copy(ht_hbm.at[src_grp.at[k]],
                                      buf, gsem).wait()
                if k + 1 < GRP:
                    if k >= 1:
                        pltpu.make_async_copy(
                            obuf, acc_sh.at[dst_grp.at[k - 1]], ossem).wait()
                    pltpu.async_copy(ht_hbm.at[src_grp.at[k + 1]],
                                     obuf, ogsem)
                pltpu.async_copy(buf, acc_sh.at[dst_grp.at[k]], ssem,
                                 add=True)
            pltpu.make_async_copy(rows_a, acc_sh.at[dst_grp.at[GRP - 2]],
                                  sem_sa).wait()
            pltpu.make_async_copy(rows_b, acc_sh.at[dst_grp.at[GRP - 1]],
                                  sem_sb).wait()
            return carry

        lax.fori_loop(0, NCHUNK // GRP, group, 0)
        plsc.subcore_barrier()
        pltpu.sync_copy(acc_sh.at[pl.ds(row0, ROWS_PER_TILE)],
                        out_hbm.at[cid, pl.ds(row0, ROWS_PER_TILE)])

    return body


def _sc_scatter(ht, src2d, dst2d, zeros):
    return _get_sc_scatter()(ht, src2d, dst2d, zeros)


def _tc_first_body(cnt_ref, x_ref, W_ref, dinv_ref, ht_ref):
    cnt = cnt_ref[0, :, 0:1] + cnt_ref[1, :, 0:1]
    dinv = lax.rsqrt(cnt + 1.0)
    dinv_b = jnp.broadcast_to(dinv, (BN, H))
    dinv_ref[...] = dinv_b
    ht_ref[...] = dinv_b * jnp.dot(x_ref[...], W_ref[...],
                                   preferred_element_type=jnp.float32)


def _tc_first(cnt_parts, xp, W1):
    return pl.pallas_call(
        _tc_first_body,
        grid=(NBLK,),
        in_specs=[
            pl.BlockSpec((NC, BN, H), lambda i: (0, i, 0)),
            pl.BlockSpec((BN, H), lambda i: (i, 0)),
            pl.BlockSpec((H, H), lambda i: (0, 0)),
        ],
        out_specs=[
            pl.BlockSpec((BN, H), lambda i: (i, 0)),
            pl.BlockSpec((BN, H), lambda i: (i, 0)),
        ],
        out_shape=[
            jax.ShapeDtypeStruct((NP, H), jnp.float32),
            jax.ShapeDtypeStruct((NP, H), jnp.float32),
        ],
    )(cnt_parts, xp, W1)


def _tc_layer_body(acc_ref, ht_ref, dinv_ref, b_ref, W_ref, out_ref):
    acc = acc_ref[0] + acc_ref[1]
    h = jnp.maximum(dinv_ref[...] * (acc + ht_ref[...]) + b_ref[0:1, :], 0.0)
    out_ref[...] = dinv_ref[...] * jnp.dot(h, W_ref[...],
                                           preferred_element_type=jnp.float32)


def _tc_layer(acc_parts, ht, dinv_b, b2d, Wn):
    return pl.pallas_call(
        _tc_layer_body,
        grid=(NBLK,),
        in_specs=[
            pl.BlockSpec((NC, BN, H), lambda i: (0, i, 0)),
            pl.BlockSpec((BN, H), lambda i: (i, 0)),
            pl.BlockSpec((BN, H), lambda i: (i, 0)),
            pl.BlockSpec((8, H), lambda i: (0, 0)),
            pl.BlockSpec((H, H), lambda i: (0, 0)),
        ],
        out_specs=pl.BlockSpec((BN, H), lambda i: (i, 0)),
        out_shape=jax.ShapeDtypeStruct((NP, H), jnp.float32),
    )(acc_parts, ht, dinv_b, b2d, Wn)


def _tc_head_body(acc_ref, ht_ref, dinv_ref, b_ref, batch_ref,
                  L1_ref, bl1_ref, L2_ref, bl2_ref, out_ref,
                  sums_ref, cnts_ref):
    i = pl.program_id(0)

    @pl.when(i == 0)
    def _():
        sums_ref[...] = jnp.zeros_like(sums_ref)
        cnts_ref[...] = jnp.zeros_like(cnts_ref)

    acc = acc_ref[0] + acc_ref[1]
    h = jnp.maximum(dinv_ref[...] * (acc + ht_ref[...]) + b_ref[0:1, :], 0.0)
    b_ids = batch_ref[0]
    gids = lax.broadcasted_iota(jnp.int32, (G, 1), 0)
    P = (jnp.broadcast_to(b_ids, (G, BN)) == gids).astype(jnp.float32)
    sums_ref[...] += jnp.dot(P, h, preferred_element_type=jnp.float32)
    cnts_ref[...] += jnp.broadcast_to(
        jnp.sum(P, axis=1, keepdims=True), (G, H))

    @pl.when(i == NBLK - 1)
    def _():
        g = sums_ref[...] / jnp.maximum(cnts_ref[...], 1.0)
        z = jnp.maximum(jnp.dot(g, L1_ref[...],
                                preferred_element_type=jnp.float32)
                        + bl1_ref[0:1, :], 0.0)
        out_ref[...] = jnp.dot(z, L2_ref[...],
                               preferred_element_type=jnp.float32) \
            + bl2_ref[0:1, :]


def _tc_head(acc_parts, ht, dinv_b, b2d, batch3, L1, bl1_2d, L2b, bl2_2d):
    return pl.pallas_call(
        _tc_head_body,
        grid=(NBLK,),
        in_specs=[
            pl.BlockSpec((NC, BN, H), lambda i: (0, i, 0)),
            pl.BlockSpec((BN, H), lambda i: (i, 0)),
            pl.BlockSpec((BN, H), lambda i: (i, 0)),
            pl.BlockSpec((8, H), lambda i: (0, 0)),
            pl.BlockSpec((1, 1, BN), lambda i: (i, 0, 0)),
            pl.BlockSpec((H, H), lambda i: (0, 0)),
            pl.BlockSpec((8, H), lambda i: (0, 0)),
            pl.BlockSpec((H, H), lambda i: (0, 0)),
            pl.BlockSpec((8, H), lambda i: (0, 0)),
        ],
        out_specs=pl.BlockSpec((G, H), lambda i: (0, 0)),
        out_shape=jax.ShapeDtypeStruct((G, H), jnp.float32),
        scratch_shapes=[
            pltpu.VMEM((G, H), jnp.float32),
            pltpu.VMEM((G, H), jnp.float32),
        ],
    )(acc_parts, ht, dinv_b, b2d, batch3, L1, bl1_2d, L2b, bl2_2d)


def kernel(x, edge_index, batch, W1, b1, W2, b2, W3, b3, L1, bl1, L2, bl2):
    f32 = jnp.float32
    npad = NP - N
    epad = EP - E
    xp = jnp.concatenate([x.astype(f32), jnp.zeros((npad, D), f32)], axis=0)
    pad_rows = (N + (jnp.arange(epad, dtype=jnp.int32) % npad))
    srcp = jnp.concatenate([edge_index[0], pad_rows]).reshape(EP // CHUNK,
                                                              CHUNK)
    dstp = jnp.concatenate([edge_index[1], pad_rows]).reshape(EP // CHUNK,
                                                              CHUNK)
    batchp = jnp.concatenate(
        [batch, jnp.full((npad,), G, jnp.int32)]).reshape(NBLK, 1, BN)
    zeros = jnp.zeros((NP, H), f32)
    ones = jnp.ones((CHUNK, H), f32)
    b1_2d = jnp.broadcast_to(b1.reshape(1, H), (8, H))
    b2_2d = jnp.broadcast_to(b2.reshape(1, H), (8, H))
    b3_2d = jnp.broadcast_to(b3.reshape(1, H), (8, H))
    bl1_2d = jnp.broadcast_to(bl1.reshape(1, H), (8, H))
    L2b = jnp.broadcast_to(L2.reshape(H, 1), (H, H))
    bl2_2d = jnp.broadcast_to(bl2.reshape(1, 1), (8, H))

    cnt_parts = _sc_degree(dstp, ones, zeros)

    dinv_b, ht = _tc_first(cnt_parts, xp, W1)
    acc = _sc_scatter(ht, srcp, dstp, zeros)
    ht = _tc_layer(acc, ht, dinv_b, b1_2d, W2)
    acc = _sc_scatter(ht, srcp, dstp, zeros)
    ht = _tc_layer(acc, ht, dinv_b, b2_2d, W3)
    acc = _sc_scatter(ht, srcp, dstp, zeros)
    out = _tc_head(acc, ht, dinv_b, b3_2d, batchp,
                   L1, bl1_2d, L2b, bl2_2d)
    return out[:, 0]

# --- scband reference (transcript-rebuilt; emitter-appended) ---
"""Pipeline reference for scband-gcn-43860206027066 (READ-ONLY COPY).

The authoritative reference and input builder live on the scoring server;
editing this copy changes nothing except your own understanding.
"""

import jax, jax.numpy as jnp
import numpy as np

N = 10000
E = 320000
D = 128
H = 128
G = 128


def setup_inputs(seed: int = 0) -> dict:
    key = jax.random.key(seed)
    ks = jax.random.split(key, 16)
    x = jax.random.normal(ks[0], (N, D), dtype=jnp.float32)
    edge_index = jax.random.randint(ks[1], (2, E), 0, N, dtype=jnp.int32)
    batch = jnp.sort(jax.random.randint(ks[2], (N,), 0, G, dtype=jnp.int32))
    s = 0.05
    W1 = jax.random.normal(ks[3], (D, H), dtype=jnp.float32) * s
    b1 = jnp.zeros((H,), dtype=jnp.float32)
    W2 = jax.random.normal(ks[4], (H, H), dtype=jnp.float32) * s
    b2 = jnp.zeros((H,), dtype=jnp.float32)
    W3 = jax.random.normal(ks[5], (H, H), dtype=jnp.float32) * s
    b3 = jnp.zeros((H,), dtype=jnp.float32)
    L1 = jax.random.normal(ks[6], (H, H), dtype=jnp.float32) * s
    bl1 = jnp.zeros((H,), dtype=jnp.float32)
    L2 = jax.random.normal(ks[7], (H, 1), dtype=jnp.float32) * s
    bl2 = jnp.zeros((1,), dtype=jnp.float32)
    return {"x": x, "edge_index": edge_index, "batch": batch,
            "W1": W1, "b1": b1, "W2": W2, "b2": b2, "W3": W3, "b3": b3,
            "L1": L1, "bl1": bl1, "L2": L2, "bl2": bl2}


def _gcn_conv(x, src, dst, W, b):
    n = x.shape[0]
    loop = jnp.arange(n, dtype=src.dtype)
    s = jnp.concatenate([src, loop])
    d = jnp.concatenate([dst, loop])
    deg = jnp.zeros((n,), dtype=jnp.float32).at[d].add(1.0)
    dinv = jnp.where(deg > 0, jax.lax.rsqrt(deg), 0.0)
    norm = dinv[s] * dinv[d]
    h = x @ W
    msg = h[s] * norm[:, None]
    out = jnp.zeros((n, W.shape[1]), dtype=jnp.float32).at[d].add(msg)
    return out + b


def _global_mean_pool(x, batch, num_graphs):
    sums = jax.ops.segment_sum(x, batch, num_segments=num_graphs)
    cnts = jax.ops.segment_sum(jnp.ones((x.shape[0],), dtype=jnp.float32), batch, num_segments=num_graphs)
    return sums / jnp.clip(cnts, 1.0)[:, None]


def reference(x, edge_index, batch, W1, b1, W2, b2, W3, b3, L1, bl1, L2, bl2):
    src, dst = edge_index[0], edge_index[1]
    h = x.astype(jnp.float32)
    g = None
    for (W, b) in ((W1, b1), (W2, b2), (W3, b3)):
        h = _gcn_conv(h, src, dst, W, b)
        h = jax.nn.relu(h)
        # dropout in eval mode is identity
        g = _global_mean_pool(h, batch, G)
    z = jax.nn.relu(g @ L1 + bl1)
    out = z @ L2 + bl2
    return out.reshape(-1)

if __name__ == "__main__":
    import jax
    _d = setup_inputs()
    print(jax.jit(kernel)(*tuple(_d.values())))

</pallas_src>

<mosaic_0001>
#map = affine_map<(d0, d1) -> (0, 0)>
#map1 = affine_map<(d0, d1) -> (0, 0, 0)>
module attributes {stable_mosaic.version = 14 : i64} {
  func.func @body(%arg0: i32, %arg1: i32, %arg2: memref<10240x128xf32, #tpu.memory_space<hbm>>, %arg3: memref<2560x128xi32, #tpu.memory_space<hbm>>, %arg4: memref<2560x128xi32, #tpu.memory_space<hbm>>, %arg5: memref<10240x128xf32, #tpu.memory_space<hbm>>, %arg6: memref<2x10240x128xf32, #tpu.memory_space<hbm>>, %arg7: memref<8x128xi32, #tpu.memory_space<vmem>>, %arg8: memref<8x128xi32, #tpu.memory_space<vmem>>, %arg9: memref<128x128xf32, #tpu.memory_space<vmem>>, %arg10: memref<128x128xf32, #tpu.memory_space<vmem>>, %arg11: memref<10240x128xf32, #tpu.memory_space<vmem_shared>>, %arg12: memref<!tpu.dma_semaphore, #tpu.memory_space<semaphore_mem>>, %arg13: memref<!tpu.dma_semaphore, #tpu.memory_space<semaphore_mem>>, %arg14: memref<!tpu.dma_semaphore, #tpu.memory_space<semaphore_mem>>, %arg15: memref<!tpu.dma_semaphore, #tpu.memory_space<semaphore_mem>>) attributes {dimension_semantics = [#tpu.dimension_semantics<core_parallel>, #tpu.dimension_semantics<subcore_parallel>], iteration_bounds = array<i64: 2, 16>, scalar_prefetch = 0 : i64, scratch_operands = 9 : i64, tpu.core_type = #tpu.core_type<sc_vector_subcore>, window_params = [{transform_indices = #map}, {transform_indices = #map}, {transform_indices = #map}, {transform_indices = #map}, {transform_indices = #map1}]} {
    %mul3A = arith.constant 2 : i32
    %mul3A_0 = arith.muli %arg1, %mul3A : i32
    %add3A = arith.addi %mul3A_0, %arg0 : i32
    %mul3A_1 = arith.constant 640 : i32
    %mul3A_2 = arith.muli %arg1, %mul3A_1 : i32
    "tpu.region"() ({
      %run_scoped3A = tpu.sem_alloc : memref<!tpu.dma_semaphore, #tpu.memory_space<semaphore_mem>>
      %dma_start3A = arith.constant 0 : i32
      %dma_start3A_9 = tpu.memref_slice %arg11[%mul3A_2, %dma_start3A] : memref<10240x128xf32, #tpu.memory_space<vmem_shared>> -> memref<640x128xf32, #tpu.memory_space<vmem_shared>>
      %dma_start3A_10 = arith.constant 0 : i32
      %dma_start3A_11 = tpu.memref_slice %arg5[%mul3A_2, %dma_start3A_10] : memref<10240x128xf32, #tpu.memory_space<hbm>> -> memref<640x128xf32, #tpu.memory_space<hbm>>
      tpu.enqueue_dma source(%dma_start3A_11 : memref<640x128xf32, #tpu.memory_space<hbm>>) target(%dma_start3A_9 : memref<640x128xf32, #tpu.memory_space<vmem_shared>>) target_semaphore(%run_scoped3A : memref<!tpu.dma_semaphore, #tpu.memory_space<semaphore_mem>>)
      %dma_wait3A = arith.constant 0 : i32
      %dma_wait3A_12 = tpu.memref_slice %arg11[%mul3A_2, %dma_wait3A] : memref<10240x128xf32, #tpu.memory_space<vmem_shared>> -> memref<640x128xf32, #tpu.memory_space<vmem_shared>>
      %dma_wait3A_13 = arith.constant 0 : i32
      %dma_wait3A_14 = tpu.memref_slice %arg5[%mul3A_2, %dma_wait3A_13] : memref<10240x128xf32, #tpu.memory_space<hbm>> -> memref<640x128xf32, #tpu.memory_space<hbm>>
      tpu.wait_dma2 semaphore(%run_scoped3A : memref<!tpu.dma_semaphore, #tpu.memory_space<semaphore_mem>>) src(%dma_wait3A_14 : memref<640x128xf32, #tpu.memory_space<hbm>>) dst(%dma_wait3A_12 : memref<640x128xf32, #tpu.memory_space<vmem_shared>>)
      tpu.yield
    }) : () -> ()
    %barrier3A = arith.constant 0 : index
    tpu.barrier barrier_id(%barrier3A)
    %scan3A = arith.constant 0 : i32
    %scan3A_3 = arith.constant 0 : i32
    %scan3A_4 = arith.constant 10 : i32
    %scan3A_5 = arith.addi %scan3A_3, %scan3A_4 : i32
    %scan3A_6 = arith.constant 1 : i32
    scf.for %scan3A_9 = %scan3A_3 to %scan3A_5 step %scan3A_6  : i32 {
      %mul3A_10 = arith.constant 80 : i32
      %mul3A_11 = arith.muli %add3A, %mul3A_10 : i32
      %mul3A_12 = arith.constant 8 : i32
      %mul3A_13 = arith.muli %scan3A_9, %mul3A_12 : i32
      %add3A_14 = arith.addi %mul3A_11, %mul3A_13 : i32
      "tpu.region"() ({
        %run_scoped3A = tpu.sem_alloc : memref<!tpu.dma_semaphore, #tpu.memory_space<semaphore_mem>>
        %dma_start3A_237 = arith.constant 0 : i32
        %dma_start3A_238 = tpu.memref_slice %arg3[%add3A_14, %dma_start3A_237] : memref<2560x128xi32, #tpu.memory_space<hbm>> -> memref<8x128xi32, #tpu.memory_space<hbm>>
        %dma_start3A_239 = arith.constant 0 : i32
        %dma_start3A_240 = tpu.memref_slice %arg3[%add3A_14, %dma_start3A_239] : memref<2560x128xi32, #tpu.memory_space<hbm>> -> memref<8x128xi32, #tpu.memory_space<hbm>>
        tpu.enqueue_dma source(%dma_start3A_240 : memref<8x128xi32, #tpu.memory_space<hbm>>) target(%arg7 : memref<8x128xi32, #tpu.memory_space<vmem>>) target_semaphore(%run_scoped3A : memref<!tpu.dma_semaphore, #tpu.memory_space<semaphore_mem>>)
        %dma_wait3A_241 = arith.constant 0 : i32
        %dma_wait3A_242 = tpu.memref_slice %arg3[%add3A_14, %dma_wait3A_241] : memref<2560x128xi32, #tpu.memory_space<hbm>> -> memref<8x128xi32, #tpu.memory_space<hbm>>
        %dma_wait3A_243 = arith.constant 0 : i32
        %dma_wait3A_244 = tpu.memref_slice %arg3[%add3A_14, %dma_wait3A_243] : memref<2560x128xi32, #tpu.memory_space<hbm>> -> memref<8x128xi32, #tpu.memory_space<hbm>>
        tpu.wait_dma2 semaphore(%run_scoped3A : memref<!tpu.dma_semaphore, #tpu.memory_space<semaphore_mem>>) src(%dma_wait3A_244 : memref<8x128xi32, #tpu.memory_space<hbm>>) dst(%arg7 : memref<8x128xi32, #tpu.memory_space<vmem>>)
        tpu.yield
      }) : () -> ()
      "tpu.region"() ({
        %run_scoped3A = tpu.sem_alloc : memref<!tpu.dma_semaphore, #tpu.memory_space<semaphore_mem>>
        %dma_start3A_237 = arith.constant 0 : i32
        %dma_start3A_238 = tpu.memref_slice %arg4[%add3A_14, %dma_start3A_237] : memref<2560x128xi32, #tpu.memory_space<hbm>> -> memref<8x128xi32, #tpu.memory_space<hbm>>
        %dma_start3A_239 = arith.constant 0 : i32
        %dma_start3A_240 = tpu.memref_slice %arg4[%add3A_14, %dma_start3A_239] : memref<2560x128xi32, #tpu.memory_space<hbm>> -> memref<8x128xi32, #tpu.memory_space<hbm>>
        tpu.enqueue_dma source(%dma_start3A_240 : memref<8x128xi32, #tpu.memory_space<hbm>>) target(%arg8 : memref<8x128xi32, #tpu.memory_space<vmem>>) target_semaphore(%run_scoped3A : memref<!tpu.dma_semaphore, #tpu.memory_space<semaphore_mem>>)
        %dma_wait3A_241 = arith.constant 0 : i32
        %dma_wait3A_242 = tpu.memref_slice %arg4[%add3A_14, %dma_wait3A_241] : memref<2560x128xi32, #tpu.memory_space<hbm>> -> memref<8x128xi32, #tpu.memory_space<hbm>>
        %dma_wait3A_243 = arith.constant 0 : i32
        %dma_wait3A_244 = tpu.memref_slice %arg4[%add3A_14, %dma_wait3A_243] : memref<2560x128xi32, #tpu.memory_space<hbm>> -> memref<8x128xi32, #tpu.memory_space<hbm>>
        tpu.wait_dma2 semaphore(%run_scoped3A : memref<!tpu.dma_semaphore, #tpu.memory_space<semaphore_mem>>) src(%dma_wait3A_244 : memref<8x128xi32, #tpu.memory_space<hbm>>) dst(%arg8 : memref<8x128xi32, #tpu.memory_space<vmem>>)
        tpu.yield
      }) : () -> ()
      %dma_start3A = arith.constant 0 : i32
      %dma_start3A_15 = arith.constant 0 : i32
      %dma_start3A_16 = tpu.memref_slice %arg7[%dma_start3A, %dma_start3A_15] : memref<8x128xi32, #tpu.memory_space<vmem>> -> memref<1x128xi32, #tpu.memory_space<vmem>>
      %dma_start3A_17 = tpu.memref_squeeze %dma_start3A_16 : memref<1x128xi32, #tpu.memory_space<vmem>> -> memref<128xi32, #tpu.memory_space<vmem>>
      %dma_start3A_18 = arith.constant 0 : i32
      %dma_start3A_19 = arith.constant 0 : i32
      %dma_start3A_20 = tpu.memref_slice %arg2[%dma_start3A_18, %dma_start3A_19] : memref<10240x128xf32, #tpu.memory_space<hbm>> -> memref<10240x128xf32, #tpu.memory_space<hbm>>
      tpu.enqueue_indirect_dma source(%dma_start3A_20 : memref<10240x128xf32, #tpu.memory_space<hbm>>) target(%arg9 : memref<128x128xf32, #tpu.memory_space<vmem>>) offsets(%dma_start3A_17 : memref<128xi32, #tpu.memory_space<vmem>>) semaphore(%arg12 : memref<!tpu.dma_semaphore, #tpu.memory_space<semaphore_mem>>)
      %dma_wait3A = arith.constant 0 : i32
      %dma_wait3A_21 = arith.constant 0 : i32
      %dma_wait3A_22 = tpu.memref_slice %arg7[%dma_wait3A, %dma_wait3A_21] : memref<8x128xi32, #tpu.memory_space<vmem>> -> memref<1x128xi32, #tpu.memory_space<vmem>>
      %dma_wait3A_23 = tpu.memref_squeeze %dma_wait3A_22 : memref<1x128xi32, #tpu.memory_space<vmem>> -> memref<128xi32, #tpu.memory_space<vmem>>
      %dma_wait3A_24 = arith.constant 0 : i32
      %dma_wait3A_25 = arith.constant 0 : i32
      %dma_wait3A_26 = tpu.memref_slice %arg2[%dma_wait3A_24, %dma_wait3A_25] : memref<10240x128xf32, #tpu.memory_space<hbm>> -> memref<10240x128xf32, #tpu.memory_space<hbm>>
      tpu.wait_indirect_dma semaphore(%arg12 : memref<!tpu.dma_semaphore, #tpu.memory_space<semaphore_mem>>) src(%dma_wait3A_26 : memref<10240x128xf32, #tpu.memory_space<hbm>>) dst(%arg9 : memref<128x128xf32, #tpu.memory_space<vmem>>)
      %dma_start3A_27 = arith.constant 1 : i32
      %dma_start3A_28 = arith.constant 0 : i32
      %dma_start3A_29 = tpu.memref_slice %arg7[%dma_start3A_27, %dma_start3A_28] : memref<8x128xi32, #tpu.memory_space<vmem>> -> memref<1x128xi32, #tpu.memory_space<vmem>>
      %dma_start3A_30 = tpu.memref_squeeze %dma_start3A_29 : memref<1x128xi32, #tpu.memory_space<vmem>> -> memref<128xi32, #tpu.memory_space<vmem>>
      %dma_start3A_31 = arith.constant 0 : i32
      %dma_start3A_32 = arith.constant 0 : i32
      %dma_start3A_33 = tpu.memref_slice %arg2[%dma_start3A_31, %dma_start3A_32] : memref<10240x128xf32, #tpu.memory_space<hbm>> -> memref<10240x128xf32, #tpu.memory_space<hbm>>
      tpu.enqueue_indirect_dma source(%dma_start3A_33 : memref<10240x128xf32, #tpu.memory_space<hbm>>) target(%arg10 : memref<128x128xf32, #tpu.memory_space<vmem>>) offsets(%dma_start3A_30 : memref<128xi32, #tpu.memory_space<vmem>>) semaphore(%arg13 : memref<!tpu.dma_semaphore, #tpu.memory_space<semaphore_mem>>)
      %dma_start3A_34 = arith.constant 0 : i32
      %dma_start3A_35 = arith.constant 0 : i32
      %dma_start3A_36 = tpu.memref_slice %arg8[%dma_start3A_34, %dma_start3A_35] : memref<8x128xi32, #tpu.memory_space<vmem>> -> memref<1x128xi32, #tpu.memory_space<vmem>>
      %dma_start3A_37 = tpu.memref_squeeze %dma_start3A_36 : memref<1x128xi32, #tpu.memory_space<vmem>> -> memref<128xi32, #tpu.memory_space<vmem>>
      %dma_start3A_38 = arith.constant 0 : i32
      %dma_start3A_39 = arith.constant 0 : i32
      %dma_start3A_40 = tpu.memref_slice %arg11[%dma_start3A_38, %dma_start3A_39] : memref<10240x128xf32, #tpu.memory_space<vmem_shared>> -> memref<10240x128xf32, #tpu.memory_space<vmem_shared>>
      tpu.enqueue_indirect_dma source(%arg9 : memref<128x128xf32, #tpu.memory_space<vmem>>) target(%dma_start3A_40 : memref<10240x128xf32, #tpu.memory_space<vmem_shared>>) offsets(%dma_start3A_37 : memref<128xi32, #tpu.memory_space<vmem>>) semaphore(%arg14 : memref<!tpu.dma_semaphore, #tpu.memory_space<semaphore_mem>>) {add = true}
      %dma_wait3A_41 = arith.constant 1 : i32
      %dma_wait3A_42 = arith.constant 0 : i32
      %dma_wait3A_43 = tpu.memref_slice %arg7[%dma_wait3A_41, %dma_wait3A_42] : memref<8x128xi32, #tpu.memory_space<vmem>> -> memref<1x128xi32, #tpu.memory_space<vmem>>
      %dma_wait3A_44 = tpu.memref_squeeze %dma_wait3A_43 : memref<1x128xi32, #tpu.memory_space<vmem>> -> memref<128xi32, #tpu.memory_space<vmem>>
      %dma_wait3A_45 = arith.constant 0 : i32
      %dma_wait3A_46 = arith.constant 0 : i32
      %dma_wait3A_47 = tpu.memref_slice %arg2[%dma_wait3A_45, %dma_wait3A_46] : memref<10240x128xf32, #tpu.memory_space<hbm>> -> memref<10240x128xf32, #tpu.memory_space<hbm>>
      tpu.wait_indirect_dma semaphore(%arg13 : memref<!tpu.dma_semaphore, #tpu.memory_space<semaphore_mem>>) src(%dma_wait3A_47 : memref<10240x128xf32, #tpu.memory_space<hbm>>) dst(%arg10 : memref<128x128xf32, #tpu.memory_space<vmem>>)
      %dma_wait3A_48 = arith.constant 0 : i32
      %dma_wait3A_49 = arith.constant 0 : i32
      %dma_wait3A_50 = tpu.memref_slice %arg8[%dma_wait3A_48, %dma_wait3A_49] : memref<8x128xi32, #tpu.memory_space<vmem>> -> memref<1x128xi32, #tpu.memory_space<vmem>>
      %dma_wait3A_51 = tpu.memref_squeeze %dma_wait3A_50 : memref<1x128xi32, #tpu.memory_space<vmem>> -> memref<128xi32, #tpu.memory_space<vmem>>
      %dma_wait3A_52 = arith.constant 0 : i32
      %dma_wait3A_53 = arith.constant 0 : i32
      %dma_wait3A_54 = tpu.memref_slice %arg11[%dma_wait3A_52, %dma_wait3A_53] : memref<10240x128xf32, #tpu.memory_space<vmem_shared>> -> memref<10240x128xf32, #tpu.memory_space<vmem_shared>>
      tpu.wait_indirect_dma semaphore(%arg14 : memref<!tpu.dma_semaphore, #tpu.memory_space<semaphore_mem>>) src(%arg9 : memref<128x128xf32, #tpu.memory_space<vmem>>) dst(%dma_wait3A_54 : memref<10240x128xf32, #tpu.memory_space<vmem_shared>>)
      %dma_start3A_55 = arith.constant 2 : i32
      %dma_start3A_56 = arith.constant 0 : i32
      %dma_start3A_57 = tpu.memref_slice %arg7[%dma_start3A_55, %dma_start3A_56] : memref<8x128xi32, #tpu.memory_space<vmem>> -> memref<1x128xi32, #tpu.memory_space<vmem>>
      %dma_start3A_58 = tpu.memref_squeeze %dma_start3A_57 : memref<1x128xi32, #tpu.memory_space<vmem>> -> memref<128xi32, #tpu.memory_space<vmem>>
      %dma_start3A_59 = arith.constant 0 : i32
      %dma_start3A_60 = arith.constant 0 : i32
      %dma_start3A_61 = tpu.memref_slice %arg2[%dma_start3A_59, %dma_start3A_60] : memref<10240x128xf32, #tpu.memory_space<hbm>> -> memref<10240x128xf32, #tpu.memory_space<hbm>>
      tpu.enqueue_indirect_dma source(%dma_start3A_61 : memref<10240x128xf32, #tpu.memory_space<hbm>>) target(%arg9 : memref<128x128xf32, #tpu.memory_space<vmem>>) offsets(%dma_start3A_58 : memref<128xi32, #tpu.memory_space<vmem>>) semaphore(%arg12 : memref<!tpu.dma_semaphore, #tpu.memory_space<semaphore_mem>>)
      %dma_start3A_62 = arith.constant 1 : i32
      %dma_start3A_63 = arith.constant 0 : i32
      %dma_start3A_64 = tpu.memref_slice %arg8[%dma_start3A_62, %dma_start3A_63] : memref<8x128xi32, #tpu.memory_space<vmem>> -> memref<1x128xi32, #tpu.memory_space<vmem>>
      %dma_start3A_65 = tpu.memref_squeeze %dma_start3A_64 : memref<1x128xi32, #tpu.memory_space<vmem>> -> memref<128xi32, #tpu.memory_space<vmem>>
      %dma_start3A_66 = arith.constant 0 : i32
      %dma_start3A_67 = arith.constant 0 : i32
      %dma_start3A_68 = tpu.memref_slice %arg11[%dma_start3A_66, %dma_start3A_67] : memref<10240x128xf32, #tpu.memory_space<vmem_shared>> -> memref<10240x128xf32, #tpu.memory_space<vmem_shared>>
      tpu.enqueue_indirect_dma source(%arg10 : memref<128x128xf32, #tpu.memory_space<vmem>>) target(%dma_start3A_68 : memref<10240x128xf32, #tpu.memory_space<vmem_shared>>) offsets(%dma_start3A_65 : memref<128xi32, #tpu.memory_space<vmem>>) semaphore(%arg15 : memref<!tpu.dma_semaphore, #tpu.memory_space<semaphore_mem>>) {add = true}
      %dma_wait3A_69 = arith.constant 2 : i32
      %dma_wait3A_70 = arith.constant 0 : i32
      %dma_wait3A_71 = tpu.memref_slice %arg7[%dma_wait3A_69, %dma_wait3A_70] : memref<8x128xi32, #tpu.memory_space<vmem>> -> memref<1x128xi32, #tpu.memory_space<vmem>>
      %dma_wait3A_72 = tpu.memref_squeeze %dma_wait3A_71 : memref<1x128xi32, #tpu.memory_space<vmem>> -> memref<128xi32, #tpu.memory_space<vmem>>
      %dma_wait3A_73 = arith.constant 0 : i32
      %dma_wait3A_74 = arith.constant 0 : i32
      %dma_wait3A_75 = tpu.memref_slice %arg2[%dma_wait3A_73, %dma_wait3A_74] : memref<10240x128xf32, #tpu.memory_space<hbm>> -> memref<10240x128xf32, #tpu.memory_space<hbm>>
      tpu.wait_indirect_dma semaphore(%arg12 : memref<!tpu.dma_semaphore, #tpu.memory_space<semaphore_mem>>) src(%dma_wait3A_75 : memref<10240x128xf32, #tpu.memory_space<hbm>>) dst(%arg9 : memref<128x128xf32, #tpu.memory_space<vmem>>)
      %dma_wait3A_76 = arith.constant 1 : i32
      %dma_wait3A_77 = arith.constant 0 : i32
      %dma_wait3A_78 = tpu.memref_slice %arg8[%dma_wait3A_76, %dma_wait3A_77] : memref<8x128xi32, #tpu.memory_space<vmem>> -> memref<1x128xi32, #tpu.memory_space<vmem>>
      %dma_wait3A_79 = tpu.memref_squeeze %dma_wait3A_78 : memref<1x128xi32, #tpu.memory_space<vmem>> -> memref<128xi32, #tpu.memory_space<vmem>>
      %dma_wait3A_80 = arith.constant 0 : i32
      %dma_wait3A_81 = arith.constant 0 : i32
      %dma_wait3A_82 = tpu.memref_slice %arg11[%dma_wait3A_80, %dma_wait3A_81] : memref<10240x128xf32, #tpu.memory_space<vmem_shared>> -> memref<10240x128xf32, #tpu.memory_space<vmem_shared>>
      tpu.wait_indirect_dma semaphore(%arg15 : memref<!tpu.dma_semaphore, #tpu.memory_space<semaphore_mem>>) src(%arg10 : memref<128x128xf32, #tpu.memory_space<vmem>>) dst(%dma_wait3A_82 : memref<10240x128xf32, #tpu.memory_space<vmem_shared>>)
      %dma_start3A_83 = arith.constant 3 : i32
      %dma_start3A_84 = arith.constant 0 : i32
      %dma_start3A_85 = tpu.memref_slice %arg7[%dma_start3A_83, %dma_start3A_84] : memref<8x128xi32, #tpu.memory_space<vmem>> -> memref<1x128xi32, #tpu.memory_space<vmem>>
      %dma_start3A_86 = tpu.memref_squeeze %dma_start3A_85 : memref<1x128xi32, #tpu.memory_space<vmem>> -> memref<128xi32, #tpu.memory_space<vmem>>
      %dma_start3A_87 = arith.constant 0 : i32
      %dma_start3A_88 = arith.constant 0 : i32
      %dma_start3A_89 = tpu.memref_slice %arg2[%dma_start3A_87, %dma_start3A_88] : memref<10240x128xf32, #tpu.memory_space<hbm>> -> memref<10240x128xf32, #tpu.memory_space<hbm>>
      tpu.enqueue_indirect_dma source(%dma_start3A_89 : memref<10240x128xf32, #tpu.memory_space<hbm>>) target(%arg10 : memref<128x128xf32, #tpu.memory_space<vmem>>) offsets(%dma_start3A_86 : memref<128xi32, #tpu.memory_space<vmem>>) semaphore(%arg13 : memref<!tpu.dma_semaphore, #tpu.memory_space<semaphore_mem>>)
      %dma_start3A_90 = arith.constant 2 : i32
      %dma_start3A_91 = arith.constant 0 : i32
      %dma_start3A_92 = tpu.memref_slice %arg8[%dma_start3A_90, %dma_start3A_91] : memref<8x128xi32, #tpu.memory_space<vmem>> -> memref<1x128xi32, #tpu.memory_space<vmem>>
      %dma_start3A_93 = tpu.memref_squeeze %dma_start3A_92 : memref<1x128xi32, #tpu.memory_space<vmem>> -> memref<128xi32, #tpu.memory_space<vmem>>
      %dma_start3A_94 = arith.constant 0 : i32
      %dma_start3A_95 = arith.constant 0 : i32
      %dma_start3A_96 = tpu.memref_slice %arg11[%dma_start3A_94, %dma_start3A_95] : memref<10240x128xf32, #tpu.memory_space<vmem_shared>> -> memref<10240x128xf32, #tpu.memory_space<vmem_shared>>
      tpu.enqueue_indirect_dma source(%arg9 : memref<128x128xf32, #tpu.memory_space<vmem>>) target(%dma_start3A_96 : memref<10240x128xf32, #tpu.memory_space<vmem_shared>>) offsets(%dma_start3A_93 : memref<128xi32, #tpu.memory_space<vmem>>) semaphore(%arg14 : memref<!tpu.dma_semaphore, #tpu.memory_space<semaphore_mem>>) {add = true}
      %dma_wait3A_97 = arith.constant 3 : i32
      %dma_wait3A_98 = arith.constant 0 : i32
      %dma_wait3A_99 = tpu.memref_slice %arg7[%dma_wait3A_97, %dma_wait3A_98] : memref<8x128xi32, #tpu.memory_space<vmem>> -> memref<1x128xi32, #tpu.memory_space<vmem>>
      %dma_wait3A_100 = tpu.memref_squeeze %dma_wait3A_99 : memref<1x128xi32, #tpu.memory_space<vmem>> -> memref<128xi32, #tpu.memory_space<vmem>>
      %dma_wait3A_101 = arith.constant 0 : i32
      %dma_wait3A_102 = arith.constant 0 : i32
      %dma_wait3A_103 = tpu.memref_slice %arg2[%dma_wait3A_101, %dma_wait3A_102] : memref<10240x128xf32, #tpu.memory_space<hbm>> -> memref<10240x128xf32, #tpu.memory_space<hbm>>
      tpu.wait_indirect_dma semaphore(%arg13 : memref<!tpu.dma_semaphore, #tpu.memory_space<semaphore_mem>>) src(%dma_wait3A_103 : memref<10240x128xf32, #tpu.memory_space<hbm>>) dst(%arg10 : memref<128x128xf32, #tpu.memory_space<vmem>>)
      %dma_wait3A_104 = arith.constant 2 : i32
      %dma_wait3A_105 = arith.constant 0 : i32
      %dma_wait3A_106 = tpu.memref_slice %arg8[%dma_wait3A_104, %dma_wait3A_105] : memref<8x128xi32, #tpu.memory_space<vmem>> -> memref<1x128xi32, #tpu.memory_space<vmem>>
      %dma_wait3A_107 = tpu.memref_squeeze %dma_wait3A_106 : memref<1x128xi32, #tpu.memory_space<vmem>> -> memref<128xi32, #tpu.memory_space<vmem>>
      %dma_wait3A_108 = arith.constant 0 : i32
      %dma_wait3A_109 = arith.constant 0 : i32
      %dma_wait3A_110 = tpu.memref_slice %arg11[%dma_wait3A_108, %dma_wait3A_109] : memref<10240x128xf32, #tpu.memory_space<vmem_shared>> -> memref<10240x128xf32, #tpu.memory_space<vmem_shared>>
      tpu.wait_indirect_dma semaphore(%arg14 : memref<!tpu.dma_semaphore, #tpu.memory_space<semaphore_mem>>) src(%arg9 : memref<128x128xf32, #tpu.memory_space<vmem>>) dst(%dma_wait3A_110 : memref<10240x128xf32, #tpu.memory_space<vmem_shared>>)
      %dma_start3A_111 = arith.constant 4 : i32
      %dma_start3A_112 = arith.constant 0 : i32
      %dma_start3A_113 = tpu.memref_slice %arg7[%dma_start3A_111, %dma_start3A_112] : memref<8x128xi32, #tpu.memory_space<vmem>> -> memref<1x128xi32, #tpu.memory_space<vmem>>
      %dma_start3A_114 = tpu.memref_squeeze %dma_start3A_113 : memref<1x128xi32, #tpu.memory_space<vmem>> -> memref<128xi32, #tpu.memory_space<vmem>>
      %dma_start3A_115 = arith.constant 0 : i32
      %dma_start3A_116 = arith.constant 0 : i32
      %dma_start3A_117 = tpu.memref_slice %arg2[%dma_start3A_115, %dma_start3A_116] : memref<10240x128xf32, #tpu.memory_space<hbm>> -> memref<10240x128xf32, #tpu.memory_space<hbm>>
      tpu.enqueue_indirect_dma source(%dma_start3A_117 : memref<10240x128xf32, #tpu.memory_space<hbm>>) target(%arg9 : memref<128x128xf32, #tpu.memory_space<vmem>>) offsets(%dma_start3A_114 : memref<128xi32, #tpu.memory_space<vmem>>) semaphore(%arg12 : memref<!tpu.dma_semaphore, #tpu.memory_space<semaphore_mem>>)
      %dma_start3A_118 = arith.constant 3 : i32
      %dma_start3A_119 = arith.constant 0 : i32
      %dma_start3A_120 = tpu.memref_slice %arg8[%dma_start3A_118, %dma_start3A_119] : memref<8x128xi32, #tpu.memory_space<vmem>> -> memref<1x128xi32, #tpu.memory_space<vmem>>
      %dma_start3A_121 = tpu.memref_squeeze %dma_start3A_120 : memref<1x128xi32, #tpu.memory_space<vmem>> -> memref<128xi32, #tpu.memory_space<vmem>>
      %dma_start3A_122 = arith.constant 0 : i32
      %dma_start3A_123 = arith.constant 0 : i32
      %dma_start3A_124 = tpu.memref_slice %arg11[%dma_start3A_122, %dma_start3A_123] : memref<10240x128xf32, #tpu.memory_space<vmem_shared>> -> memref<10240x128xf32, #tpu.memory_space<vmem_shared>>
      tpu.enqueue_indirect_dma source(%arg10 : memref<128x128xf32, #tpu.memory_space<vmem>>) target(%dma_start3A_124 : memref<10240x128xf32, #tpu.memory_space<vmem_shared>>) offsets(%dma_start3A_121 : memref<128xi32, #tpu.memory_space<vmem>>) semaphore(%arg15 : memref<!tpu.dma_semaphore, #tpu.memory_space<semaphore_mem>>) {add = true}
      %dma_wait3A_125 = arith.constant 4 : i32
      %dma_wait3A_126 = arith.constant 0 : i32
      %dma_wait3A_127 = tpu.memref_slice %arg7[%dma_wait3A_125, %dma_wait3A_126] : memref<8x128xi32, #tpu.memory_space<vmem>> -> memref<1x128xi32, #tpu.memory_space<vmem>>
      %dma_wait3A_128 = tpu.memref_squeeze %dma_wait3A_127 : memref<1x128xi32, #tpu.memory_space<vmem>> -> memref<128xi32, #tpu.memory_space<vmem>>
      %dma_wait3A_129 = arith.constant 0 : i32
      %dma_wait3A_130 = arith.constant 0 : i32
      %dma_wait3A_131 = tpu.memref_slice %arg2[%dma_wait3A_129, %dma_wait3A_130] : memref<10240x128xf32, #tpu.memory_space<hbm>> -> memref<10240x128xf32, #tpu.memory_space<hbm>>
      tpu.wait_indirect_dma semaphore(%arg12 : memref<!tpu.dma_semaphore, #tpu.memory_space<semaphore_mem>>) src(%dma_wait3A_131 : memref<10240x128xf32, #tpu.memory_space<hbm>>) dst(%arg9 : memref<128x128xf32, #tpu.memory_space<vmem>>)
      %dma_wait3A_132 = arith.constant 3 : i32
      %dma_wait3A_133 = arith.constant 0 : i32
      %dma_wait3A_134 = tpu.memref_slice %arg8[%dma_wait3A_132, %dma_wait3A_133] : memref<8x128xi32, #tpu.memory_space<vmem>> -> memref<1x128xi32, #tpu.memory_space<vmem>>
      %dma_wait3A_135 = tpu.memref_squeeze %dma_wait3A_134 : memref<1x128xi32, #tpu.memory_space<vmem>> -> memref<128xi32, #tpu.memory_space<vmem>>
      %dma_wait3A_136 = arith.constant 0 : i32
      %dma_wait3A_137 = arith.constant 0 : i32
      %dma_wait3A_138 = tpu.memref_slice %arg11[%dma_wait3A_136, %dma_wait3A_137] : memref<10240x128xf32, #tpu.memory_space<vmem_shared>> -> memref<10240x128xf32, #tpu.memory_space<vmem_shared>>
      tpu.wait_indirect_dma semaphore(%arg15 : memref<!tpu.dma_semaphore, #tpu.memory_space<semaphore_mem>>) src(%arg10 : memref<128x128xf32, #tpu.memory_space<vmem>>) dst(%dma_wait3A_138 : memref<10240x128xf32, #tpu.memory_space<vmem_shared>>)
      %dma_start3A_139 = arith.constant 5 : i32
      %dma_start3A_140 = arith.constant 0 : i32
      %dma_start3A_141 = tpu.memref_slice %arg7[%dma_start3A_139, %dma_start3A_140] : memref<8x128xi32, #tpu.memory_space<vmem>> -> memref<1x128xi32, #tpu.memory_space<vmem>>
      %dma_start3A_142 = tpu.memref_squeeze %dma_start3A_141 : memref<1x128xi32, #tpu.memory_space<vmem>> -> memref<128xi32, #tpu.memory_space<vmem>>
      %dma_start3A_143 = arith.constant 0 : i32
      %dma_start3A_144 = arith.constant 0 : i32
      %dma_start3A_145 = tpu.memref_slice %arg2[%dma_start3A_143, %dma_start3A_144] : memref<10240x128xf32, #tpu.memory_space<hbm>> -> memref<10240x128xf32, #tpu.memory_space<hbm>>
      tpu.enqueue_indirect_dma source(%dma_start3A_145 : memref<10240x128xf32, #tpu.memory_space<hbm>>) target(%arg10 : memref<128x128xf32, #tpu.memory_space<vmem>>) offsets(%dma_start3A_142 : memref<128xi32, #tpu.memory_space<vmem>>) semaphore(%arg13 : memref<!tpu.dma_semaphore, #tpu.memory_space<semaphore_mem>>)
      %dma_start3A_146 = arith.constant 4 : i32
      %dma_start3A_147 = arith.constant 0 : i32
      %dma_start3A_148 = tpu.memref_slice %arg8[%dma_start3A_146, %dma_start3A_147] : memref<8x128xi32, #tpu.memory_space<vmem>> -> memref<1x128xi32, #tpu.memory_space<vmem>>
      %dma_start3A_149 = tpu.memref_squeeze %dma_start3A_148 : memref<1x128xi32, #tpu.memory_space<vmem>> -> memref<128xi32, #tpu.memory_space<vmem>>
      %dma_start3A_150 = arith.constant 0 : i32
      %dma_start3A_151 = arith.constant 0 : i32
      %dma_start3A_152 = tpu.memref_slice %arg11[%dma_start3A_150, %dma_start3A_151] : memref<10240x128xf32, #tpu.memory_space<vmem_shared>> -> memref<10240x128xf32, #tpu.memory_space<vmem_shared>>
      tpu.enqueue_indirect_dma source(%arg9 : memref<128x128xf32, #tpu.memory_space<vmem>>) target(%dma_start3A_152 : memref<10240x128xf32, #tpu.memory_space<vmem_shared>>) offsets(%dma_start3A_149 : memref<128xi32, #tpu.memory_space<vmem>>) semaphore(%arg14 : memref<!tpu.dma_semaphore, #tpu.memory_space<semaphore_mem>>) {add = true}
      %dma_wait3A_153 = arith.constant 5 : i32
      %dma_wait3A_154 = arith.constant 0 : i32
      %dma_wait3A_155 = tpu.memref_slice %arg7[%dma_wait3A_153, %dma_wait3A_154] : memref<8x128xi32, #tpu.memory_space<vmem>> -> memref<1x128xi32, #tpu.memory_space<vmem>>
      %dma_wait3A_156 = tpu.memref_squeeze %dma_wait3A_155 : memref<1x128xi32, #tpu.memory_space<vmem>> -> memref<128xi32, #tpu.memory_space<vmem>>
      %dma_wait3A_157 = arith.constant 0 : i32
      %dma_wait3A_158 = arith.constant 0 : i32
      %dma_wait3A_159 = tpu.memref_slice %arg2[%dma_wait3A_157, %dma_wait3A_158] : memref<10240x128xf32, #tpu.memory_space<hbm>> -> memref<10240x128xf32, #tpu.memory_space<hbm>>
      tpu.wait_indirect_dma semaphore(%arg13 : memref<!tpu.dma_semaphore, #tpu.memory_space<semaphore_mem>>) src(%dma_wait3A_159 : memref<10240x128xf32, #tpu.memory_space<hbm>>) dst(%arg10 : memref<128x128xf32, #tpu.memory_space<vmem>>)
      %dma_wait3A_160 = arith.constant 4 : i32
      %dma_wait3A_161 = arith.constant 0 : i32
      %dma_wait3A_162 = tpu.memref_slice %arg8[%dma_wait3A_160, %dma_wait3A_161] : memref<8x128xi32, #tpu.memory_space<vmem>> -> memref<1x128xi32, #tpu.memory_space<vmem>>
      %dma_wait3A_163 = tpu.memref_squeeze %dma_wait3A_162 : memref<1x128xi32, #tpu.memory_space<vmem>> -> memref<128xi32, #tpu.memory_space<vmem>>
      %dma_wait3A_164 = arith.constant 0 : i32
      %dma_wait3A_165 = arith.constant 0 : i32
      %dma_wait3A_166 = tpu.memref_slice %arg11[%dma_wait3A_164, %dma_wait3A_165] : memref<10240x128xf32, #tpu.memory_space<vmem_shared>> -> memref<10240x128xf32, #tpu.memory_space<vmem_shared>>
      tpu.wait_indirect_dma semaphore(%arg14 : memref<!tpu.dma_semaphore, #tpu.memory_space<semaphore_mem>>) src(%arg9 : memref<128x128xf32, #tpu.memory_space<vmem>>) dst(%dma_wait3A_166 : memref<10240x128xf32, #tpu.memory_space<vmem_shared>>)
      %dma_start3A_167 = arith.constant 6 : i32
      %dma_start3A_168 = arith.constant 0 : i32
      %dma_start3A_169 = tpu.memref_slice %arg7[%dma_start3A_167, %dma_start3A_168] : memref<8x128xi32, #tpu.memory_space<vmem>> -> memref<1x128xi32, #tpu.memory_space<vmem>>
      %dma_start3A_170 = tpu.memref_squeeze %dma_start3A_169 : memref<1x128xi32, #tpu.memory_space<vmem>> -> memref<128xi32, #tpu.memory_space<vmem>>
      %dma_start3A_171 = arith.constant 0 : i32
      %dma_start3A_172 = arith.constant 0 : i32
      %dma_start3A_173 = tpu.memref_slice %arg2[%dma_start3A_171, %dma_start3A_172] : memref<10240x128xf32, #tpu.memory_space<hbm>> -> memref<10240x128xf32, #tpu.memory_space<hbm>>
      tpu.enqueue_indirect_dma source(%dma_start3A_173 : memref<10240x128xf32, #tpu.memory_space<hbm>>) target(%arg9 : memref<128x128xf32, #tpu.memory_space<vmem>>) offsets(%dma_start3A_170 : memref<128xi32, #tpu.memory_space<vmem>>) semaphore(%arg12 : memref<!tpu.dma_semaphore, #tpu.memory_space<semaphore_mem>>)
      %dma_start3A_174 = arith.constant 5 : i32
      %dma_start3A_175 = arith.constant 0 : i32
      %dma_start3A_176 = tpu.memref_slice %arg8[%dma_start3A_174, %dma_start3A_175] : memref<8x128xi32, #tpu.memory_space<vmem>> -> memref<1x128xi32, #tpu.memory_space<vmem>>
      %dma_start3A_177 = tpu.memref_squeeze %dma_start3A_176 : memref<1x128xi32, #tpu.memory_space<vmem>> -> memref<128xi32, #tpu.memory_space<vmem>>
      %dma_start3A_178 = arith.constant 0 : i32
      %dma_start3A_179 = arith.constant 0 : i32
      %dma_start3A_180 = tpu.memref_slice %arg11[%dma_start3A_178, %dma_start3A_179] : memref<10240x128xf32, #tpu.memory_space<vmem_shared>> -> memref<10240x128xf32, #tpu.memory_space<vmem_shared>>
      tpu.enqueue_indirect_dma source(%arg10 : memref<128x128xf32, #tpu.memory_space<vmem>>) target(%dma_start3A_180 : memref<10240x128xf32, #tpu.memory_space<vmem_shared>>) offsets(%dma_start3A_177 : memref<128xi32, #tpu.memory_space<vmem>>) semaphore(%arg15 : memref<!tpu.dma_semaphore, #tpu.memory_space<semaphore_mem>>) {add = true}
      %dma_wait3A_181 = arith.constant 6 : i32
      %dma_wait3A_182 = arith.constant 0 : i32
      %dma_wait3A_183 = tpu.memref_slice %arg7[%dma_wait3A_181, %dma_wait3A_182] : memref<8x128xi32, #tpu.memory_space<vmem>> -> memref<1x128xi32, #tpu.memory_space<vmem>>
      %dma_wait3A_184 = tpu.memref_squeeze %dma_wait3A_183 : memref<1x128xi32, #tpu.memory_space<vmem>> -> memref<128xi32, #tpu.memory_space<vmem>>
      %dma_wait3A_185 = arith.constant 0 : i32
      %dma_wait3A_186 = arith.constant 0 : i32
      %dma_wait3A_187 = tpu.memref_slice %arg2[%dma_wait3A_185, %dma_wait3A_186] : memref<10240x128xf32, #tpu.memory_space<hbm>> -> memref<10240x128xf32, #tpu.memory_space<hbm>>
      tpu.wait_indirect_dma semaphore(%arg12 : memref<!tpu.dma_semaphore, #tpu.memory_space<semaphore_mem>>) src(%dma_wait3A_187 : memref<10240x128xf32, #tpu.memory_space<hbm>>) dst(%arg9 : memref<128x128xf32, #tpu.memory_space<vmem>>)
      %dma_wait3A_188 = arith.constant 5 : i32
      %dma_wait3A_189 = arith.constant 0 : i32
      %dma_wait3A_190 = tpu.memref_slice %arg8[%dma_wait3A_188, %dma_wait3A_189] : memref<8x128xi32, #tpu.memory_space<vmem>> -> memref<1x128xi32, #tpu.memory_space<vmem>>
      %dma_wait3A_191 = tpu.memref_squeeze %dma_wait3A_190 : memref<1x128xi32, #tpu.memory_space<vmem>> -> memref<128xi32, #tpu.memory_space<vmem>>
      %dma_wait3A_192 = arith.constant 0 : i32
      %dma_wait3A_193 = arith.constant 0 : i32
      %dma_wait3A_194 = tpu.memref_slice %arg11[%dma_wait3A_192, %dma_wait3A_193] : memref<10240x128xf32, #tpu.memory_space<vmem_shared>> -> memref<10240x128xf32, #tpu.memory_space<vmem_shared>>
      tpu.wait_indirect_dma semaphore(%arg15 : memref<!tpu.dma_semaphore, #tpu.memory_space<semaphore_mem>>) src(%arg10 : memref<128x128xf32, #tpu.memory_space<vmem>>) dst(%dma_wait3A_194 : memref<10240x128xf32, #tpu.memory_space<vmem_shared>>)
      %dma_start3A_195 = arith.constant 7 : i32
      %dma_start3A_196 = arith.constant 0 : i32
      %dma_start3A_197 = tpu.memref_slice %arg7[%dma_start3A_195, %dma_start3A_196] : memref<8x128xi32, #tpu.memory_space<vmem>> -> memref<1x128xi32, #tpu.memory_space<vmem>>
      %dma_start3A_198 = tpu.memref_squeeze %dma_start3A_197 : memref<1x128xi32, #tpu.memory_space<vmem>> -> memref<128xi32, #tpu.memory_space<vmem>>
      %dma_start3A_199 = arith.constant 0 : i32
      %dma_start3A_200 = arith.constant 0 : i32
      %dma_start3A_201 = tpu.memref_slice %arg2[%dma_start3A_199, %dma_start3A_200] : memref<10240x128xf32, #tpu.memory_space<hbm>> -> memref<10240x128xf32, #tpu.memory_space<hbm>>
      tpu.enqueue_indirect_dma source(%dma_start3A_201 : memref<10240x128xf32, #tpu.memory_space<hbm>>) target(%arg10 : memref<128x128xf32, #tpu.memory_space<vmem>>) offsets(%dma_start3A_198 : memref<128xi32, #tpu.memory_space<vmem>>) semaphore(%arg13 : memref<!tpu.dma_semaphore, #tpu.memory_space<semaphore_mem>>)
      %dma_start3A_202 = arith.constant 6 : i32
      %dma_start3A_203 = arith.constant 0 : i32
      %dma_start3A_204 = tpu.memref_slice %arg8[%dma_start3A_202, %dma_start3A_203] : memref<8x128xi32, #tpu.memory_space<vmem>> -> memref<1x128xi32, #tpu.memory_space<vmem>>
      %dma_start3A_205 = tpu.memref_squeeze %dma_start3A_204 : memref<1x128xi32, #tpu.memory_space<vmem>> -> memref<128xi32, #tpu.memory_space<vmem>>
      %dma_start3A_206 = arith.constant 0 : i32
      %dma_start3A_207 = arith.constant 0 : i32
      %dma_start3A_208 = tpu.memref_slice %arg11[%dma_start3A_206, %dma_start3A_207] : memref<10240x128xf32, #tpu.memory_space<vmem_shared>> -> memref<10240x128xf32, #tpu.memory_space<vmem_shared>>
      tpu.enqueue_indirect_dma source(%arg9 : memref<128x128xf32, #tpu.memory_space<vmem>>) target(%dma_start3A_208 : memref<10240x128xf32, #tpu.memory_space<vmem_shared>>) offsets(%dma_start3A_205 : memref<128xi32, #tpu.memory_space<vmem>>) semaphore(%arg14 : memref<!tpu.dma_semaphore, #tpu.memory_space<semaphore_mem>>) {add = true}
      %dma_wait3A_209 = arith.constant 7 : i32
      %dma_wait3A_210 = arith.constant 0 : i32
      %dma_wait3A_211 = tpu.memref_slice %arg7[%dma_wait3A_209, %dma_wait3A_210] : memref<8x128xi32, #tpu.memory_space<vmem>> -> memref<1x128xi32, #tpu.memory_space<vmem>>
      %dma_wait3A_212 = tpu.memref_squeeze %dma_wait3A_211 : memref<1x128xi32, #tpu.memory_space<vmem>> -> memref<128xi32, #tpu.memory_space<vmem>>
      %dma_wait3A_213 = arith.constant 0 : i32
      %dma_wait3A_214 = arith.constant 0 : i32
      %dma_wait3A_215 = tpu.memref_slice %arg2[%dma_wait3A_213, %dma_wait3A_214] : memref<10240x128xf32, #tpu.memory_space<hbm>> -> memref<10240x128xf32, #tpu.memory_space<hbm>>
      tpu.wait_indirect_dma semaphore(%arg13 : memref<!tpu.dma_semaphore, #tpu.memory_space<semaphore_mem>>) src(%dma_wait3A_215 : memref<10240x128xf32, #tpu.memory_space<hbm>>) dst(%arg10 : memref<128x128xf32, #tpu.memory_space<vmem>>)
      %dma_start3A_216 = arith.constant 7 : i32
      %dma_start3A_217 = arith.constant 0 : i32
      %dma_start3A_218 = tpu.memref_slice %arg8[%dma_start3A_216, %dma_start3A_217] : memref<8x128xi32, #tpu.memory_space<vmem>> -> memref<1x128xi32, #tpu.memory_space<vmem>>
      %dma_start3A_219 = tpu.memref_squeeze %dma_start3A_218 : memref<1x128xi32, #tpu.memory_space<vmem>> -> memref<128xi32, #tpu.memory_space<vmem>>
      %dma_start3A_220 = arith.constant 0 : i32
      %dma_start3A_221 = arith.constant 0 : i32
      %dma_start3A_222 = tpu.memref_slice %arg11[%dma_start3A_220, %dma_start3A_221] : memref<10240x128xf32, #tpu.memory_space<vmem_shared>> -> memref<10240x128xf32, #tpu.memory_space<vmem_shared>>
      tpu.enqueue_indirect_dma source(%arg10 : memref<128x128xf32, #tpu.memory_space<vmem>>) target(%dma_start3A_222 : memref<10240x128xf32, #tpu.memory_space<vmem_shared>>) offsets(%dma_start3A_219 : memref<128xi32, #tpu.memory_space<vmem>>) semaphore(%arg15 : memref<!tpu.dma_semaphore, #tpu.memory_space<semaphore_mem>>) {add = true}
      %dma_wait3A_223 = arith.constant 6 : i32
      %dma_wait3A_224 = arith.constant 0 : i32
      %dma_wait3A_225 = tpu.memref_slice %arg8[%dma_wait3A_223, %dma_wait3A_224] : memref<8x128xi32, #tpu.memory_space<vmem>> -> memref<1x128xi32, #tpu.memory_space<vmem>>
      %dma_wait3A_226 = tpu.memref_squeeze %dma_wait3A_225 : memref<1x128xi32, #tpu.memory_space<vmem>> -> memref<128xi32, #tpu.memory_space<vmem>>
      %dma_wait3A_227 = arith.constant 0 : i32
      %dma_wait3A_228 = arith.constant 0 : i32
      %dma_wait3A_229 = tpu.memref_slice %arg11[%dma_wait3A_227, %dma_wait3A_228] : memref<10240x128xf32, #tpu.memory_space<vmem_shared>> -> memref<10240x128xf32, #tpu.memory_space<vmem_shared>>
      tpu.wait_indirect_dma semaphore(%arg14 : memref<!tpu.dma_semaphore, #tpu.memory_space<semaphore_mem>>) src(%arg9 : memref<128x128xf32, #tpu.memory_space<vmem>>) dst(%dma_wait3A_229 : memref<10240x128xf32, #tpu.memory_space<vmem_shared>>)
      %dma_wait3A_230 = arith.constant 7 : i32
      %dma_wait3A_231 = arith.constant 0 : i32
      %dma_wait3A_232 = tpu.memref_slice %arg8[%dma_wait3A_230, %dma_wait3A_231] : memref<8x128xi32, #tpu.memory_space<vmem>> -> memref<1x128xi32, #tpu.memory_space<vmem>>
      %dma_wait3A_233 = tpu.memref_squeeze %dma_wait3A_232 : memref<1x128xi32, #tpu.memory_space<vmem>> -> memref<128xi32, #tpu.memory_space<vmem>>
      %dma_wait3A_234 = arith.constant 0 : i32
      %dma_wait3A_235 = arith.constant 0 : i32
      %dma_wait3A_236 = tpu.memref_slice %arg11[%dma_wait3A_234, %dma_wait3A_235] : memref<10240x128xf32, #tpu.memory_space<vmem_shared>> -> memref<10240x128xf32, #tpu.memory_space<vmem_shared>>
      tpu.wait_indirect_dma semaphore(%arg15 : memref<!tpu.dma_semaphore, #tpu.memory_space<semaphore_mem>>) src(%arg10 : memref<128x128xf32, #tpu.memory_space<vmem>>) dst(%dma_wait3A_236 : memref<10240x128xf32, #tpu.memory_space<vmem_shared>>)
    }
    %scan3A_7 = arith.constant 10 : i32
    %barrier3A_8 = arith.constant 0 : index
    tpu.barrier barrier_id(%barrier3A_8)
    "tpu.region"() ({
      %run_scoped3A = tpu.sem_alloc : memref<!tpu.dma_semaphore, #tpu.memory_space<semaphore_mem>>
      %dma_start3A = arith.constant 0 : i32
      %dma_start3A_9 = tpu.memref_slice %arg6[%arg0, %mul3A_2, %dma_start3A] : memref<2x10240x128xf32, #tpu.memory_space<hbm>> -> memref<1x640x128xf32, #tpu.memory_space<hbm>>
      %dma_start3A_10 = tpu.memref_squeeze %dma_start3A_9 : memref<1x640x128xf32, #tpu.memory_space<hbm>> -> memref<640x128xf32, #tpu.memory_space<hbm>>
      %dma_start3A_11 = arith.constant 0 : i32
      %dma_start3A_12 = tpu.memref_slice %arg11[%mul3A_2, %dma_start3A_11] : memref<10240x128xf32, #tpu.memory_space<vmem_shared>> -> memref<640x128xf32, #tpu.memory_space<vmem_shared>>
      tpu.enqueue_dma source(%dma_start3A_12 : memref<640x128xf32, #tpu.memory_space<vmem_shared>>) target(%dma_start3A_10 : memref<640x128xf32, #tpu.memory_space<hbm>>) target_semaphore(%run_scoped3A : memref<!tpu.dma_semaphore, #tpu.memory_space<semaphore_mem>>)
      %dma_wait3A = arith.constant 0 : i32
      %dma_wait3A_13 = tpu.memref_slice %arg6[%arg0, %mul3A_2, %dma_wait3A] : memref<2x10240x128xf32, #tpu.memory_space<hbm>> -> memref<1x640x128xf32, #tpu.memory_space<hbm>>
      %dma_wait3A_14 = tpu.memref_squeeze %dma_wait3A_13 : memref<1x640x128xf32, #tpu.memory_space<hbm>> -> memref<640x128xf32, #tpu.memory_space<hbm>>
      %dma_wait3A_15 = arith.constant 0 : i32
      %dma_wait3A_16 = tpu.memref_slice %arg11[%mul3A_2, %dma_wait3A_15] : memref<10240x128xf32, #tpu.memory_space<vmem_shared>> -> memref<640x128xf32, #tpu.memory_space<vmem_shared>>
      tpu.wait_dma2 semaphore(%run_scoped3A : memref<!tpu.dma_semaphore, #tpu.memory_space<semaphore_mem>>) src(%dma_wait3A_16 : memref<640x128xf32, #tpu.memory_space<vmem_shared>>) dst(%dma_wait3A_14 : memref<640x128xf32, #tpu.memory_space<hbm>>)
      tpu.yield
    }) : () -> ()
    return
  }
}

#map = affine_map<(d0, d1) -> (0, 0)>
#map1 = affine_map<(d0, d1) -> (0, 0, 0)>
module attributes {stable_mosaic.version = 14 : i64} {
  func.func @body(%arg0: i32, %arg1: i32, %arg2: memref<2560x128xi32, #tpu.memory_space<hbm>>, %arg3: memref<128x128xf32, #tpu.memory_space<hbm>>, %arg4: memref<10240x128xf32, #tpu.memory_space<hbm>>, %arg5: memref<2x10240x128xf32, #tpu.memory_space<hbm>>, %arg6: memref<80x128xi32, #tpu.memory_space<vmem>>, %arg7: memref<128x128xf32, #tpu.memory_space<vmem>>, %arg8: memref<10240x128xf32, #tpu.memory_space<vmem_shared>>, %arg9: memref<!tpu.dma_semaphore, #tpu.memory_space<semaphore_mem>>) attributes {dimension_semantics = [#tpu.dimension_semantics<core_parallel>, #tpu.dimension_semantics<subcore_parallel>], iteration_bounds = array<i64: 2, 16>, scalar_prefetch = 0 : i64, scratch_operands = 4 : i64, tpu.core_type = #tpu.core_type<sc_vector_subcore>, window_params = [{transform_indices = #map}, {transform_indices = #map}, {transform_indices = #map}, {transform_indices = #map1}]} {
    %mul3A = arith.constant 2 : i32
    %mul3A_0 = arith.muli %arg1, %mul3A : i32
    %add3A = arith.addi %mul3A_0, %arg0 : i32
    %mul3A_1 = arith.constant 640 : i32
    %mul3A_2 = arith.muli %arg1, %mul3A_1 : i32
    "tpu.region"() ({
      %run_scoped3A = tpu.sem_alloc : memref<!tpu.dma_semaphore, #tpu.memory_space<semaphore_mem>>
      %dma_start3A_121 = arith.constant 0 : i32
      %dma_start3A_122 = tpu.memref_slice %arg8[%mul3A_2, %dma_start3A_121] : memref<10240x128xf32, #tpu.memory_space<vmem_shared>> -> memref<640x128xf32, #tpu.memory_space<vmem_shared>>
      %dma_start3A_123 = arith.constant 0 : i32
      %dma_start3A_124 = tpu.memref_slice %arg4[%mul3A_2, %dma_start3A_123] : memref<10240x128xf32, #tpu.memory_space<hbm>> -> memref<640x128xf32, #tpu.memory_space<hbm>>
      tpu.enqueue_dma source(%dma_start3A_124 : memref<640x128xf32, #tpu.memory_space<hbm>>) target(%dma_start3A_122 : memref<640x128xf32, #tpu.memory_space<vmem_shared>>) target_semaphore(%run_scoped3A : memref<!tpu.dma_semaphore, #tpu.memory_space<semaphore_mem>>)
      %dma_wait3A_125 = arith.constant 0 : i32
      %dma_wait3A_126 = tpu.memref_slice %arg8[%mul3A_2, %dma_wait3A_125] : memref<10240x128xf32, #tpu.memory_space<vmem_shared>> -> memref<640x128xf32, #tpu.memory_space<vmem_shared>>
      %dma_wait3A_127 = arith.constant 0 : i32
      %dma_wait3A_128 = tpu.memref_slice %arg4[%mul3A_2, %dma_wait3A_127] : memref<10240x128xf32, #tpu.memory_space<hbm>> -> memref<640x128xf32, #tpu.memory_space<hbm>>
      tpu.wait_dma2 semaphore(%run_scoped3A : memref<!tpu.dma_semaphore, #tpu.memory_space<semaphore_mem>>) src(%dma_wait3A_128 : memref<640x128xf32, #tpu.memory_space<hbm>>) dst(%dma_wait3A_126 : memref<640x128xf32, #tpu.memory_space<vmem_shared>>)
      tpu.yield
    }) : () -> ()
    "tpu.region"() ({
      %run_scoped3A = tpu.sem_alloc : memref<!tpu.dma_semaphore, #tpu.memory_space<semaphore_mem>>
      tpu.enqueue_dma source(%arg3 : memref<128x128xf32, #tpu.memory_space<hbm>>) target(%arg7 : memref<128x128xf32, #tpu.memory_space<vmem>>) target_semaphore(%run_scoped3A : memref<!tpu.dma_semaphore, #tpu.memory_space<semaphore_mem>>)
      tpu.wait_dma2 semaphore(%run_scoped3A : memref<!tpu.dma_semaphore, #tpu.memory_space<semaphore_mem>>) src(%arg3 : memref<128x128xf32, #tpu.memory_space<hbm>>) dst(%arg7 : memref<128x128xf32, #tpu.memory_space<vmem>>)
      tpu.yield
    }) : () -> ()
    %mul3A_3 = arith.constant 80 : i32
    %mul3A_4 = arith.muli %add3A, %mul3A_3 : i32
    "tpu.region"() ({
      %run_scoped3A = tpu.sem_alloc : memref<!tpu.dma_semaphore, #tpu.memory_space<semaphore_mem>>
      %dma_start3A_121 = arith.constant 0 : i32
      %dma_start3A_122 = tpu.memref_slice %arg2[%mul3A_4, %dma_start3A_121] : memref<2560x128xi32, #tpu.memory_space<hbm>> -> memref<80x128xi32, #tpu.memory_space<hbm>>
      %dma_start3A_123 = arith.constant 0 : i32
      %dma_start3A_124 = tpu.memref_slice %arg2[%mul3A_4, %dma_start3A_123] : memref<2560x128xi32, #tpu.memory_space<hbm>> -> memref<80x128xi32, #tpu.memory_space<hbm>>
      tpu.enqueue_dma source(%dma_start3A_124 : memref<80x128xi32, #tpu.memory_space<hbm>>) target(%arg6 : memref<80x128xi32, #tpu.memory_space<vmem>>) target_semaphore(%run_scoped3A : memref<!tpu.dma_semaphore, #tpu.memory_space<semaphore_mem>>)
      %dma_wait3A_125 = arith.constant 0 : i32
      %dma_wait3A_126 = tpu.memref_slice %arg2[%mul3A_4, %dma_wait3A_125] : memref<2560x128xi32, #tpu.memory_space<hbm>> -> memref<80x128xi32, #tpu.memory_space<hbm>>
      %dma_wait3A_127 = arith.constant 0 : i32
      %dma_wait3A_128 = tpu.memref_slice %arg2[%mul3A_4, %dma_wait3A_127] : memref<2560x128xi32, #tpu.memory_space<hbm>> -> memref<80x128xi32, #tpu.memory_space<hbm>>
      tpu.wait_dma2 semaphore(%run_scoped3A : memref<!tpu.dma_semaphore, #tpu.memory_space<semaphore_mem>>) src(%dma_wait3A_128 : memref<80x128xi32, #tpu.memory_space<hbm>>) dst(%arg6 : memref<80x128xi32, #tpu.memory_space<vmem>>)
      tpu.yield
    }) : () -> ()
    %barrier3A = arith.constant 0 : index
    tpu.barrier barrier_id(%barrier3A)
    %dma_start3A = arith.constant 0 : i32
    %dma_start3A_5 = arith.constant 0 : i32
    %dma_start3A_6 = tpu.memref_slice %arg6[%dma_start3A, %dma_start3A_5] : memref<80x128xi32, #tpu.memory_space<vmem>> -> memref<1x128xi32, #tpu.memory_space<vmem>>
    %dma_start3A_7 = tpu.memref_squeeze %dma_start3A_6 : memref<1x128xi32, #tpu.memory_space<vmem>> -> memref<128xi32, #tpu.memory_space<vmem>>
    %dma_start3A_8 = arith.constant 0 : i32
    %dma_start3A_9 = arith.constant 0 : i32
    %dma_start3A_10 = tpu.memref_slice %arg8[%dma_start3A_8, %dma_start3A_9] : memref<10240x128xf32, #tpu.memory_space<vmem_shared>> -> memref<10240x128xf32, #tpu.memory_space<vmem_shared>>
    tpu.enqueue_indirect_dma source(%arg7 : memref<128x128xf32, #tpu.memory_space<vmem>>) target(%dma_start3A_10 : memref<10240x128xf32, #tpu.memory_space<vmem_shared>>) offsets(%dma_start3A_7 : memref<128xi32, #tpu.memory_space<vmem>>) semaphore(%arg9 : memref<!tpu.dma_semaphore, #tpu.memory_space<semaphore_mem>>) {add = true}
    %dma_start3A_11 = arith.constant 1 : i32
    %dma_start3A_12 = arith.constant 0 : i32
    %dma_start3A_13 = tpu.memref_slice %arg6[%dma_start3A_11, %dma_start3A_12] : memref<80x128xi32, #tpu.memory_space<vmem>> -> memref<1x128xi32, #tpu.memory_space<vmem>>
    %dma_start3A_14 = tpu.memref_squeeze %dma_start3A_13 : memref<1x128xi32, #tpu.memory_space<vmem>> -> memref<128xi32, #tpu.memory_space<vmem>>
    %dma_start3A_15 = arith.constant 0 : i32
    %dma_start3A_16 = arith.constant 0 : i32
    %dma_start3A_17 = tpu.memref_slice %arg8[%dma_start3A_15, %dma_start3A_16] : memref<10240x128xf32, #tpu.memory_space<vmem_shared>> -> memref<10240x128xf32, #tpu.memory_space<vmem_shared>>
    tpu.enqueue_indirect_dma source(%arg7 : memref<128x128xf32, #tpu.memory_space<vmem>>) target(%dma_start3A_17 : memref<10240x128xf32, #tpu.memory_space<vmem_shared>>) offsets(%dma_start3A_14 : memref<128xi32, #tpu.memory_space<vmem>>) semaphore(%arg9 : memref<!tpu.dma_semaphore, #tpu.memory_space<semaphore_mem>>) {add = true}
    %dma_start3A_18 = arith.constant 2 : i32
    %dma_start3A_19 = arith.constant 0 : i32
    %dma_start3A_20 = tpu.memref_slice %arg6[%dma_start3A_18, %dma_start3A_19] : memref<80x128xi32, #tpu.memory_space<vmem>> -> memref<1x128xi32, #tpu.memory_space<vmem>>
    %dma_start3A_21 = tpu.memref_squeeze %dma_start3A_20 : memref<1x128xi32, #tpu.memory_space<vmem>> -> memref<128xi32, #tpu.memory_space<vmem>>
    %dma_start3A_22 = arith.constant 0 : i32
    %dma_start3A_23 = arith.constant 0 : i32
    %dma_start3A_24 = tpu.memref_slice %arg8[%dma_start3A_22, %dma_start3A_23] : memref<10240x128xf32, #tpu.memory_space<vmem_shared>> -> memref<10240x128xf32, #tpu.memory_space<vmem_shared>>
    tpu.enqueue_indirect_dma source(%arg7 : memref<128x128xf32, #tpu.memory_space<vmem>>) target(%dma_start3A_24 : memref<10240x128xf32, #tpu.memory_space<vmem_shared>>) offsets(%dma_start3A_21 : memref<128xi32, #tpu.memory_space<vmem>>) semaphore(%arg9 : memref<!tpu.dma_semaphore, #tpu.memory_space<semaphore_mem>>) {add = true}
    %dma_start3A_25 = arith.constant 3 : i32
    %dma_start3A_26 = arith.constant 0 : i32
    %dma_start3A_27 = tpu.memref_slice %arg6[%dma_start3A_25, %dma_start3A_26] : memref<80x128xi32, #tpu.memory_space<vmem>> -> memref<1x128xi32, #tpu.memory_space<vmem>>
    %dma_start3A_28 = tpu.memref_squeeze %dma_start3A_27 : memref<1x128xi32, #tpu.memory_space<vmem>> -> memref<128xi32, #tpu.memory_space<vmem>>
    %dma_start3A_29 = arith.constant 0 : i32
    %dma_start3A_30 = arith.constant 0 : i32
    %dma_start3A_31 = tpu.memref_slice %arg8[%dma_start3A_29, %dma_start3A_30] : memref<10240x128xf32, #tpu.memory_space<vmem_shared>> -> memref<10240x128xf32, #tpu.memory_space<vmem_shared>>
    tpu.enqueue_indirect_dma source(%arg7 : memref<128x128xf32, #tpu.memory_space<vmem>>) target(%dma_start3A_31 : memref<10240x128xf32, #tpu.memory_space<vmem_shared>>) offsets(%dma_start3A_28 : memref<128xi32, #tpu.memory_space<vmem>>) semaphore(%arg9 : memref<!tpu.dma_semaphore, #tpu.memory_space<semaphore_mem>>) {add = true}
    %dma_start3A_32 = arith.constant 4 : i32
    %dma_start3A_33 = arith.constant 0 : i32
    %dma_start3A_34 = tpu.memref_slice %arg6[%dma_start3A_32, %dma_start3A_33] : memref<80x128xi32, #tpu.memory_space<vmem>> -> memref<1x128xi32, #tpu.memory_space<vmem>>
    %dma_start3A_35 = tpu.memref_squeeze %dma_start3A_34 : memref<1x128xi32, #tpu.memory_space<vmem>> -> memref<128xi32, #tpu.memory_space<vmem>>
    %dma_start3A_36 = arith.constant 0 : i32
    %dma_start3A_37 = arith.constant 0 : i32
    %dma_start3A_38 = tpu.memref_slice %arg8[%dma_start3A_36, %dma_start3A_37] : memref<10240x128xf32, #tpu.memory_space<vmem_shared>> -> memref<10240x128xf32, #tpu.memory_space<vmem_shared>>
    tpu.enqueue_indirect_dma source(%arg7 : memref<128x128xf32, #tpu.memory_space<vmem>>) target(%dma_start3A_38 : memref<10240x128xf32, #tpu.memory_space<vmem_shared>>) offsets(%dma_start3A_35 : memref<128xi32, #tpu.memory_space<vmem>>) semaphore(%arg9 : memref<!tpu.dma_semaphore, #tpu.memory_space<semaphore_mem>>) {add = true}
    %dma_start3A_39 = arith.constant 5 : i32
    %dma_start3A_40 = arith.constant 0 : i32
    %dma_start3A_41 = tpu.memref_slice %arg6[%dma_start3A_39, %dma_start3A_40] : memref<80x128xi32, #tpu.memory_space<vmem>> -> memref<1x128xi32, #tpu.memory_space<vmem>>
    %dma_start3A_42 = tpu.memref_squeeze %dma_start3A_41 : memref<1x128xi32, #tpu.memory_space<vmem>> -> memref<128xi32, #tpu.memory_space<vmem>>
    %dma_start3A_43 = arith.constant 0 : i32
    %dma_start3A_44 = arith.constant 0 : i32
    %dma_start3A_45 = tpu.memref_slice %arg8[%dma_start3A_43, %dma_start3A_44] : memref<10240x128xf32, #tpu.memory_space<vmem_shared>> -> memref<10240x128xf32, #tpu.memory_space<vmem_shared>>
    tpu.enqueue_indirect_dma source(%arg7 : memref<128x128xf32, #tpu.memory_space<vmem>>) target(%dma_start3A_45 : memref<10240x128xf32, #tpu.memory_space<vmem_shared>>) offsets(%dma_start3A_42 : memref<128xi32, #tpu.memory_space<vmem>>) semaphore(%arg9 : memref<!tpu.dma_semaphore, #tpu.memory_space<semaphore_mem>>) {add = true}
    %dma_start3A_46 = arith.constant 6 : i32
    %dma_start3A_47 = arith.constant 0 : i32
    %dma_start3A_48 = tpu.memref_slice %arg6[%dma_start3A_46, %dma_start3A_47] : memref<80x128xi32, #tpu.memory_space<vmem>> -> memref<1x128xi32, #tpu.memory_space<vmem>>
    %dma_start3A_49 = tpu.memref_squeeze %dma_start3A_48 : memref<1x128xi32, #tpu.memory_space<vmem>> -> memref<128xi32, #tpu.memory_space<vmem>>
    %dma_start3A_50 = arith.constant 0 : i32
    %dma_start3A_51 = arith.constant 0 : i32
    %dma_start3A_52 = tpu.memref_slice %arg8[%dma_start3A_50, %dma_start3A_51] : memref<10240x128xf32, #tpu.memory_space<vmem_shared>> -> memref<10240x128xf32, #tpu.memory_space<vmem_shared>>
    tpu.enqueue_indirect_dma source(%arg7 : memref<128x128xf32, #tpu.memory_space<vmem>>) target(%dma_start3A_52 : memref<10240x128xf32, #tpu.memory_space<vmem_shared>>) offsets(%dma_start3A_49 : memref<128xi32, #tpu.memory_space<vmem>>) semaphore(%arg9 : memref<!tpu.dma_semaphore, #tpu.memory_space<semaphore_mem>>) {add = true}
    %dma_start3A_53 = arith.constant 7 : i32
    %dma_start3A_54 = arith.constant 0 : i32
    %dma_start3A_55 = tpu.memref_slice %arg6[%dma_start3A_53, %dma_start3A_54] : memref<80x128xi32, #tpu.memory_space<vmem>> -> memref<1x128xi32, #tpu.memory_space<vmem>>
    %dma_start3A_56 = tpu.memref_squeeze %dma_start3A_55 : memref<1x128xi32, #tpu.memory_space<vmem>> -> memref<128xi32, #tpu.memory_space<vmem>>
    %dma_start3A_57 = arith.constant 0 : i32
    %dma_start3A_58 = arith.constant 0 : i32
    %dma_start3A_59 = tpu.memref_slice %arg8[%dma_start3A_57, %dma_start3A_58] : memref<10240x128xf32, #tpu.memory_space<vmem_shared>> -> memref<10240x128xf32, #tpu.memory_space<vmem_shared>>
    tpu.enqueue_indirect_dma source(%arg7 : memref<128x128xf32, #tpu.memory_space<vmem>>) target(%dma_start3A_59 : memref<10240x128xf32, #tpu.memory_space<vmem_shared>>) offsets(%dma_start3A_56 : memref<128xi32, #tpu.memory_space<vmem>>) semaphore(%arg9 : memref<!tpu.dma_semaphore, #tpu.memory_space<semaphore_mem>>) {add = true}
    %scan3A = arith.constant 0 : i32
    %scan3A_60 = arith.constant 0 : i32
    %scan3A_61 = arith.constant 9 : i32
    %scan3A_62 = arith.addi %scan3A_60, %scan3A_61 : i32
    %scan3A_63 = arith.constant 1 : i32
    scf.for %scan3A_121 = %scan3A_60 to %scan3A_62 step %scan3A_63  : i32 {
      %add3A_122 = arith.constant 1 : i32
      %add3A_123 = arith.addi %scan3A_121, %add3A_122 : i32
      %mul3A_124 = arith.constant 8 : i32
      %mul3A_125 = arith.muli %add3A_123, %mul3A_124 : i32
      %add3A_126 = arith.constant 0 : i32
      %add3A_127 = arith.addi %mul3A_125, %add3A_126 : i32
      %dma_start3A_128 = arith.constant 0 : i32
      %dma_start3A_129 = tpu.memref_slice %arg6[%add3A_127, %dma_start3A_128] : memref<80x128xi32, #tpu.memory_space<vmem>> -> memref<1x128xi32, #tpu.memory_space<vmem>>
      %dma_start3A_130 = tpu.memref_squeeze %dma_start3A_129 : memref<1x128xi32, #tpu.memory_space<vmem>> -> memref<128xi32, #tpu.memory_space<vmem>>
      %dma_start3A_131 = arith.constant 0 : i32
      %dma_start3A_132 = arith.constant 0 : i32
      %dma_start3A_133 = tpu.memref_slice %arg8[%dma_start3A_131, %dma_start3A_132] : memref<10240x128xf32, #tpu.memory_space<vmem_shared>> -> memref<10240x128xf32, #tpu.memory_space<vmem_shared>>
      tpu.enqueue_indirect_dma source(%arg7 : memref<128x128xf32, #tpu.memory_space<vmem>>) target(%dma_start3A_133 : memref<10240x128xf32, #tpu.memory_space<vmem_shared>>) offsets(%dma_start3A_130 : memref<128xi32, #tpu.memory_space<vmem>>) semaphore(%arg9 : memref<!tpu.dma_semaphore, #tpu.memory_space<semaphore_mem>>) {add = true}
      %mul3A_134 = arith.constant 8 : i32
      %mul3A_135 = arith.muli %add3A_123, %mul3A_134 : i32
      %add3A_136 = arith.constant 1 : i32
      %add3A_137 = arith.addi %mul3A_135, %add3A_136 : i32
      %dma_start3A_138 = arith.constant 0 : i32
      %dma_start3A_139 = tpu.memref_slice %arg6[%add3A_137, %dma_start3A_138] : memref<80x128xi32, #tpu.memory_space<vmem>> -> memref<1x128xi32, #tpu.memory_space<vmem>>
      %dma_start3A_140 = tpu.memref_squeeze %dma_start3A_139 : memref<1x128xi32, #tpu.memory_space<vmem>> -> memref<128xi32, #tpu.memory_space<vmem>>
      %dma_start3A_141 = arith.constant 0 : i32
      %dma_start3A_142 = arith.constant 0 : i32
      %dma_start3A_143 = tpu.memref_slice %arg8[%dma_start3A_141, %dma_start3A_142] : memref<10240x128xf32, #tpu.memory_space<vmem_shared>> -> memref<10240x128xf32, #tpu.memory_space<vmem_shared>>
      tpu.enqueue_indirect_dma source(%arg7 : memref<128x128xf32, #tpu.memory_space<vmem>>) target(%dma_start3A_143 : memref<10240x128xf32, #tpu.memory_space<vmem_shared>>) offsets(%dma_start3A_140 : memref<128xi32, #tpu.memory_space<vmem>>) semaphore(%arg9 : memref<!tpu.dma_semaphore, #tpu.memory_space<semaphore_mem>>) {add = true}
      %mul3A_144 = arith.constant 8 : i32
      %mul3A_145 = arith.muli %add3A_123, %mul3A_144 : i32
      %add3A_146 = arith.constant 2 : i32
      %add3A_147 = arith.addi %mul3A_145, %add3A_146 : i32
      %dma_start3A_148 = arith.constant 0 : i32
      %dma_start3A_149 = tpu.memref_slice %arg6[%add3A_147, %dma_start3A_148] : memref<80x128xi32, #tpu.memory_space<vmem>> -> memref<1x128xi32, #tpu.memory_space<vmem>>
      %dma_start3A_150 = tpu.memref_squeeze %dma_start3A_149 : memref<1x128xi32, #tpu.memory_space<vmem>> -> memref<128xi32, #tpu.memory_space<vmem>>
      %dma_start3A_151 = arith.constant 0 : i32
      %dma_start3A_152 = arith.constant 0 : i32
      %dma_start3A_153 = tpu.memref_slice %arg8[%dma_start3A_151, %dma_start3A_152] : memref<10240x128xf32, #tpu.memory_space<vmem_shared>> -> memref<10240x128xf32, #tpu.memory_space<vmem_shared>>
      tpu.enqueue_indirect_dma source(%arg7 : memref<128x128xf32, #tpu.memory_space<vmem>>) target(%dma_start3A_153 : memref<10240x128xf32, #tpu.memory_space<vmem_shared>>) offsets(%dma_start3A_150 : memref<128xi32, #tpu.memory_space<vmem>>) semaphore(%arg9 : memref<!tpu.dma_semaphore, #tpu.memory_space<semaphore_mem>>) {add = true}
      %mul3A_154 = arith.constant 8 : i32
      %mul3A_155 = arith.muli %add3A_123, %mul3A_154 : i32
      %add3A_156 = arith.constant 3 : i32
      %add3A_157 = arith.addi %mul3A_155, %add3A_156 : i32
      %dma_start3A_158 = arith.constant 0 : i32
      %dma_start3A_159 = tpu.memref_slice %arg6[%add3A_157, %dma_start3A_158] : memref<80x128xi32, #tpu.memory_space<vmem>> -> memref<1x128xi32, #tpu.memory_space<vmem>>
      %dma_start3A_160 = tpu.memref_squeeze %dma_start3A_159 : memref<1x128xi32, #tpu.memory_space<vmem>> -> memref<128xi32, #tpu.memory_space<vmem>>
      %dma_start3A_161 = arith.constant 0 : i32
      %dma_start3A_162 = arith.constant 0 : i32
      %dma_start3A_163 = tpu.memref_slice %arg8[%dma_start3A_161, %dma_start3A_162] : memref<10240x128xf32, #tpu.memory_space<vmem_shared>> -> memref<10240x128xf32, #tpu.memory_space<vmem_shared>>
      tpu.enqueue_indirect_dma source(%arg7 : memref<128x128xf32, #tpu.memory_space<vmem>>) target(%dma_start3A_163 : memref<10240x128xf32, #tpu.memory_space<vmem_shared>>) offsets(%dma_start3A_160 : memref<128xi32, #tpu.memory_space<vmem>>) semaphore(%arg9 : memref<!tpu.dma_semaphore, #tpu.memory_space<semaphore_mem>>) {add = true}
      %mul3A_164 = arith.constant 8 : i32
      %mul3A_165 = arith.muli %add3A_123, %mul3A_164 : i32
      %add3A_166 = arith.constant 4 : i32
      %add3A_167 = arith.addi %mul3A_165, %add3A_166 : i32
      %dma_start3A_168 = arith.constant 0 : i32
      %dma_start3A_169 = tpu.memref_slice %arg6[%add3A_167, %dma_start3A_168] : memref<80x128xi32, #tpu.memory_space<vmem>> -> memref<1x128xi32, #tpu.memory_space<vmem>>
      %dma_start3A_170 = tpu.memref_squeeze %dma_start3A_169 : memref<1x128xi32, #tpu.memory_space<vmem>> -> memref<128xi32, #tpu.memory_space<vmem>>
      %dma_start3A_171 = arith.constant 0 : i32
      %dma_start3A_172 = arith.constant 0 : i32
      %dma_start3A_173 = tpu.memref_slice %arg8[%dma_start3A_171, %dma_start3A_172] : memref<10240x128xf32, #tpu.memory_space<vmem_shared>> -> memref<10240x128xf32, #tpu.memory_space<vmem_shared>>
      tpu.enqueue_indirect_dma source(%arg7 : memref<128x128xf32, #tpu.memory_space<vmem>>) target(%dma_start3A_173 : memref<10240x128xf32, #tpu.memory_space<vmem_shared>>) offsets(%dma_start3A_170 : memref<128xi32, #tpu.memory_space<vmem>>) semaphore(%arg9 : memref<!tpu.dma_semaphore, #tpu.memory_space<semaphore_mem>>) {add = true}
      %mul3A_174 = arith.constant 8 : i32
      %mul3A_175 = arith.muli %add3A_123, %mul3A_174 : i32
      %add3A_176 = arith.constant 5 : i32
      %add3A_177 = arith.addi %mul3A_175, %add3A_176 : i32
      %dma_start3A_178 = arith.constant 0 : i32
      %dma_start3A_179 = tpu.memref_slice %arg6[%add3A_177, %dma_start3A_178] : memref<80x128xi32, #tpu.memory_space<vmem>> -> memref<1x128xi32, #tpu.memory_space<vmem>>
      %dma_start3A_180 = tpu.memref_squeeze %dma_start3A_179 : memref<1x128xi32, #tpu.memory_space<vmem>> -> memref<128xi32, #tpu.memory_space<vmem>>
      %dma_start3A_181 = arith.constant 0 : i32
      %dma_start3A_182 = arith.constant 0 : i32
      %dma_start3A_183 = tpu.memref_slice %arg8[%dma_start3A_181, %dma_start3A_182] : memref<10240x128xf32, #tpu.memory_space<vmem_shared>> -> memref<10240x128xf32, #tpu.memory_space<vmem_shared>>
      tpu.enqueue_indirect_dma source(%arg7 : memref<128x128xf32, #tpu.memory_space<vmem>>) target(%dma_start3A_183 : memref<10240x128xf32, #tpu.memory_space<vmem_shared>>) offsets(%dma_start3A_180 : memref<128xi32, #tpu.memory_space<vmem>>) semaphore(%arg9 : memref<!tpu.dma_semaphore, #tpu.memory_space<semaphore_mem>>) {add = true}
      %mul3A_184 = arith.constant 8 : i32
      %mul3A_185 = arith.muli %add3A_123, %mul3A_184 : i32
      %add3A_186 = arith.constant 6 : i32
      %add3A_187 = arith.addi %mul3A_185, %add3A_186 : i32
      %dma_start3A_188 = arith.constant 0 : i32
      %dma_start3A_189 = tpu.memref_slice %arg6[%add3A_187, %dma_start3A_188] : memref<80x128xi32, #tpu.memory_space<vmem>> -> memref<1x128xi32, #tpu.memory_space<vmem>>
      %dma_start3A_190 = tpu.memref_squeeze %dma_start3A_189 : memref<1x128xi32, #tpu.memory_space<vmem>> -> memref<128xi32, #tpu.memory_space<vmem>>
      %dma_start3A_191 = arith.constant 0 : i32
      %dma_start3A_192 = arith.constant 0 : i32
      %dma_start3A_193 = tpu.memref_slice %arg8[%dma_start3A_191, %dma_start3A_192] : memref<10240x128xf32, #tpu.memory_space<vmem_shared>> -> memref<10240x128xf32, #tpu.memory_space<vmem_shared>>
      tpu.enqueue_indirect_dma source(%arg7 : memref<128x128xf32, #tpu.memory_space<vmem>>) target(%dma_start3A_193 : memref<10240x128xf32, #tpu.memory_space<vmem_shared>>) offsets(%dma_start3A_190 : memref<128xi32, #tpu.memory_space<vmem>>) semaphore(%arg9 : memref<!tpu.dma_semaphore, #tpu.memory_space<semaphore_mem>>) {add = true}
      %mul3A_194 = arith.constant 8 : i32
      %mul3A_195 = arith.muli %add3A_123, %mul3A_194 : i32
      %add3A_196 = arith.constant 7 : i32
      %add3A_197 = arith.addi %mul3A_195, %add3A_196 : i32
      %dma_start3A_198 = arith.constant 0 : i32
      %dma_start3A_199 = tpu.memref_slice %arg6[%add3A_197, %dma_start3A_198] : memref<80x128xi32, #tpu.memory_space<vmem>> -> memref<1x128xi32, #tpu.memory_space<vmem>>
      %dma_start3A_200 = tpu.memref_squeeze %dma_start3A_199 : memref<1x128xi32, #tpu.memory_space<vmem>> -> memref<128xi32, #tpu.memory_space<vmem>>
      %dma_start3A_201 = arith.constant 0 : i32
      %dma_start3A_202 = arith.constant 0 : i32
      %dma_start3A_203 = tpu.memref_slice %arg8[%dma_start3A_201, %dma_start3A_202] : memref<10240x128xf32, #tpu.memory_space<vmem_shared>> -> memref<10240x128xf32, #tpu.memory_space<vmem_shared>>
      tpu.enqueue_indirect_dma source(%arg7 : memref<128x128xf32, #tpu.memory_space<vmem>>) target(%dma_start3A_203 : memref<10240x128xf32, #tpu.memory_space<vmem_shared>>) offsets(%dma_start3A_200 : memref<128xi32, #tpu.memory_space<vmem>>) semaphore(%arg9 : memref<!tpu.dma_semaphore, #tpu.memory_space<semaphore_mem>>) {add = true}
      %mul3A_204 = arith.constant 8 : i32
      %mul3A_205 = arith.muli %scan3A_121, %mul3A_204 : i32
      %add3A_206 = arith.constant 0 : i32
      %add3A_207 = arith.addi %mul3A_205, %add3A_206 : i32
      %dma_wait3A_208 = arith.constant 0 : i32
      %dma_wait3A_209 = tpu.memref_slice %arg6[%add3A_207, %dma_wait3A_208] : memref<80x128xi32, #tpu.memory_space<vmem>> -> memref<1x128xi32, #tpu.memory_space<vmem>>
      %dma_wait3A_210 = tpu.memref_squeeze %dma_wait3A_209 : memref<1x128xi32, #tpu.memory_space<vmem>> -> memref<128xi32, #tpu.memory_space<vmem>>
      %dma_wait3A_211 = arith.constant 0 : i32
      %dma_wait3A_212 = arith.constant 0 : i32
      %dma_wait3A_213 = tpu.memref_slice %arg8[%dma_wait3A_211, %dma_wait3A_212] : memref<10240x128xf32, #tpu.memory_space<vmem_shared>> -> memref<10240x128xf32, #tpu.memory_space<vmem_shared>>
      tpu.wait_indirect_dma semaphore(%arg9 : memref<!tpu.dma_semaphore, #tpu.memory_space<semaphore_mem>>) src(%arg7 : memref<128x128xf32, #tpu.memory_space<vmem>>) dst(%dma_wait3A_213 : memref<10240x128xf32, #tpu.memory_space<vmem_shared>>)
      %mul3A_214 = arith.constant 8 : i32
      %mul3A_215 = arith.muli %scan3A_121, %mul3A_214 : i32
      %add3A_216 = arith.constant 1 : i32
      %add3A_217 = arith.addi %mul3A_215, %add3A_216 : i32
      %dma_wait3A_218 = arith.constant 0 : i32
      %dma_wait3A_219 = tpu.memref_slice %arg6[%add3A_217, %dma_wait3A_218] : memref<80x128xi32, #tpu.memory_space<vmem>> -> memref<1x128xi32, #tpu.memory_space<vmem>>
      %dma_wait3A_220 = tpu.memref_squeeze %dma_wait3A_219 : memref<1x128xi32, #tpu.memory_space<vmem>> -> memref<128xi32, #tpu.memory_space<vmem>>
      %dma_wait3A_221 = arith.constant 0 : i32
      %dma_wait3A_222 = arith.constant 0 : i32
      %dma_wait3A_223 = tpu.memref_slice %arg8[%dma_wait3A_221, %dma_wait3A_222] : memref<10240x128xf32, #tpu.memory_space<vmem_shared>> -> memref<10240x128xf32, #tpu.memory_space<vmem_shared>>
      tpu.wait_indirect_dma semaphore(%arg9 : memref<!tpu.dma_semaphore, #tpu.memory_space<semaphore_mem>>) src(%arg7 : memref<128x128xf32, #tpu.memory_space<vmem>>) dst(%dma_wait3A_223 : memref<10240x128xf32, #tpu.memory_space<vmem_shared>>)
      %mul3A_224 = arith.constant 8 : i32
      %mul3A_225 = arith.muli %scan3A_121, %mul3A_224 : i32
      %add3A_226 = arith.constant 2 : i32
      %add3A_227 = arith.addi %mul3A_225, %add3A_226 : i32
      %dma_wait3A_228 = arith.constant 0 : i32
      %dma_wait3A_229 = tpu.memref_slice %arg6[%add3A_227, %dma_wait3A_228] : memref<80x128xi32, #tpu.memory_space<vmem>> -> memref<1x128xi32, #tpu.memory_space<vmem>>
      %dma_wait3A_230 = tpu.memref_squeeze %dma_wait3A_229 : memref<1x128xi32, #tpu.memory_space<vmem>> -> memref<128xi32, #tpu.memory_space<vmem>>
      %dma_wait3A_231 = arith.constant 0 : i32
      %dma_wait3A_232 = arith.constant 0 : i32
      %dma_wait3A_233 = tpu.memref_slice %arg8[%dma_wait3A_231, %dma_wait3A_232] : memref<10240x128xf32, #tpu.memory_space<vmem_shared>> -> memref<10240x128xf32, #tpu.memory_space<vmem_shared>>
      tpu.wait_indirect_dma semaphore(%arg9 : memref<!tpu.dma_semaphore, #tpu.memory_space<semaphore_mem>>) src(%arg7 : memref<128x128xf32, #tpu.memory_space<vmem>>) dst(%dma_wait3A_233 : memref<10240x128xf32, #tpu.memory_space<vmem_shared>>)
      %mul3A_234 = arith.constant 8 : i32
      %mul3A_235 = arith.muli %scan3A_121, %mul3A_234 : i32
      %add3A_236 = arith.constant 3 : i32
      %add3A_237 = arith.addi %mul3A_235, %add3A_236 : i32
      %dma_wait3A_238 = arith.constant 0 : i32
      %dma_wait3A_239 = tpu.memref_slice %arg6[%add3A_237, %dma_wait3A_238] : memref<80x128xi32, #tpu.memory_space<vmem>> -> memref<1x128xi32, #tpu.memory_space<vmem>>
      %dma_wait3A_240 = tpu.memref_squeeze %dma_wait3A_239 : memref<1x128xi32, #tpu.memory_space<vmem>> -> memref<128xi32, #tpu.memory_space<vmem>>
      %dma_wait3A_241 = arith.constant 0 : i32
      %dma_wait3A_242 = arith.constant 0 : i32
      %dma_wait3A_243 = tpu.memref_slice %arg8[%dma_wait3A_241, %dma_wait3A_242] : memref<10240x128xf32, #tpu.memory_space<vmem_shared>> -> memref<10240x128xf32, #tpu.memory_space<vmem_shared>>
      tpu.wait_indirect_dma semaphore(%arg9 : memref<!tpu.dma_semaphore, #tpu.memory_space<semaphore_mem>>) src(%arg7 : memref<128x128xf32, #tpu.memory_space<vmem>>) dst(%dma_wait3A_243 : memref<10240x128xf32, #tpu.memory_space<vmem_shared>>)
      %mul3A_244 = arith.constant 8 : i32
      %mul3A_245 = arith.muli %scan3A_121, %mul3A_244 : i32
      %add3A_246 = arith.constant 4 : i32
      %add3A_247 = arith.addi %mul3A_245, %add3A_246 : i32
      %dma_wait3A_248 = arith.constant 0 : i32
      %dma_wait3A_249 = tpu.memref_slice %arg6[%add3A_247, %dma_wait3A_248] : memref<80x128xi32, #tpu.memory_space<vmem>> -> memref<1x128xi32, #tpu.memory_space<vmem>>
      %dma_wait3A_250 = tpu.memref_squeeze %dma_wait3A_249 : memref<1x128xi32, #tpu.memory_space<vmem>> -> memref<128xi32, #tpu.memory_space<vmem>>
      %dma_wait3A_251 = arith.constant 0 : i32
      %dma_wait3A_252 = arith.constant 0 : i32
      %dma_wait3A_253 = tpu.memref_slice %arg8[%dma_wait3A_251, %dma_wait3A_252] : memref<10240x128xf32, #tpu.memory_space<vmem_shared>> -> memref<10240x128xf32, #tpu.memory_space<vmem_shared>>
      tpu.wait_indirect_dma semaphore(%arg9 : memref<!tpu.dma_semaphore, #tpu.memory_space<semaphore_mem>>) src(%arg7 : memref<128x128xf32, #tpu.memory_space<vmem>>) dst(%dma_wait3A_253 : memref<10240x128xf32, #tpu.memory_space<vmem_shared>>)
      %mul3A_254 = arith.constant 8 : i32
      %mul3A_255 = arith.muli %scan3A_121, %mul3A_254 : i32
      %add3A_256 = arith.constant 5 : i32
      %add3A_257 = arith.addi %mul3A_255, %add3A_256 : i32
      %dma_wait3A_258 = arith.constant 0 : i32
      %dma_wait3A_259 = tpu.memref_slice %arg6[%add3A_257, %dma_wait3A_258] : memref<80x128xi32, #tpu.memory_space<vmem>> -> memref<1x128xi32, #tpu.memory_space<vmem>>
      %dma_wait3A_260 = tpu.memref_squeeze %dma_wait3A_259 : memref<1x128xi32, #tpu.memory_space<vmem>> -> memref<128xi32, #tpu.memory_space<vmem>>
      %dma_wait3A_261 = arith.constant 0 : i32
      %dma_wait3A_262 = arith.constant 0 : i32
      %dma_wait3A_263 = tpu.memref_slice %arg8[%dma_wait3A_261, %dma_wait3A_262] : memref<10240x128xf32, #tpu.memory_space<vmem_shared>> -> memref<10240x128xf32, #tpu.memory_space<vmem_shared>>
      tpu.wait_indirect_dma semaphore(%arg9 : memref<!tpu.dma_semaphore, #tpu.memory_space<semaphore_mem>>) src(%arg7 : memref<128x128xf32, #tpu.memory_space<vmem>>) dst(%dma_wait3A_263 : memref<10240x128xf32, #tpu.memory_space<vmem_shared>>)
      %mul3A_264 = arith.constant 8 : i32
      %mul3A_265 = arith.muli %scan3A_121, %mul3A_264 : i32
      %add3A_266 = arith.constant 6 : i32
      %add3A_267 = arith.addi %mul3A_265, %add3A_266 : i32
      %dma_wait3A_268 = arith.constant 0 : i32
      %dma_wait3A_269 = tpu.memref_slice %arg6[%add3A_267, %dma_wait3A_268] : memref<80x128xi32, #tpu.memory_space<vmem>> -> memref<1x128xi32, #tpu.memory_space<vmem>>
      %dma_wait3A_270 = tpu.memref_squeeze %dma_wait3A_269 : memref<1x128xi32, #tpu.memory_space<vmem>> -> memref<128xi32, #tpu.memory_space<vmem>>
      %dma_wait3A_271 = arith.constant 0 : i32
      %dma_wait3A_272 = arith.constant 0 : i32
      %dma_wait3A_273 = tpu.memref_slice %arg8[%dma_wait3A_271, %dma_wait3A_272] : memref<10240x128xf32, #tpu.memory_space<vmem_shared>> -> memref<10240x128xf32, #tpu.memory_space<vmem_shared>>
      tpu.wait_indirect_dma semaphore(%arg9 : memref<!tpu.dma_semaphore, #tpu.memory_space<semaphore_mem>>) src(%arg7 : memref<128x128xf32, #tpu.memory_space<vmem>>) dst(%dma_wait3A_273 : memref<10240x128xf32, #tpu.memory_space<vmem_shared>>)
      %mul3A_274 = arith.constant 8 : i32
      %mul3A_275 = arith.muli %scan3A_121, %mul3A_274 : i32
      %add3A_276 = arith.constant 7 : i32
      %add3A_277 = arith.addi %mul3A_275, %add3A_276 : i32
      %dma_wait3A_278 = arith.constant 0 : i32
      %dma_wait3A_279 = tpu.memref_slice %arg6[%add3A_277, %dma_wait3A_278] : memref<80x128xi32, #tpu.memory_space<vmem>> -> memref<1x128xi32, #tpu.memory_space<vmem>>
      %dma_wait3A_280 = tpu.memref_squeeze %dma_wait3A_279 : memref<1x128xi32, #tpu.memory_space<vmem>> -> memref<128xi32, #tpu.memory_space<vmem>>
      %dma_wait3A_281 = arith.constant 0 : i32
      %dma_wait3A_282 = arith.constant 0 : i32
      %dma_wait3A_283 = tpu.memref_slice %arg8[%dma_wait3A_281, %dma_wait3A_282] : memref<10240x128xf32, #tpu.memory_space<vmem_shared>> -> memref<10240x128xf32, #tpu.memory_space<vmem_shared>>
      tpu.wait_indirect_dma semaphore(%arg9 : memref<!tpu.dma_semaphore, #tpu.memory_space<semaphore_mem>>) src(%arg7 : memref<128x128xf32, #tpu.memory_space<vmem>>) dst(%dma_wait3A_283 : memref<10240x128xf32, #tpu.memory_space<vmem_shared>>)
    }
    %scan3A_64 = arith.constant 9 : i32
    %dma_wait3A = arith.constant 72 : i32
    %dma_wait3A_65 = arith.constant 0 : i32
    %dma_wait3A_66 = tpu.memref_slice %arg6[%dma_wait3A, %dma_wait3A_65] : memref<80x128xi32, #tpu.memory_space<vmem>> -> memref<1x128xi32, #tpu.memory_space<vmem>>
    %dma_wait3A_67 = tpu.memref_squeeze %dma_wait3A_66 : memref<1x128xi32, #tpu.memory_space<vmem>> -> memref<128xi32, #tpu.memory_space<vmem>>
    %dma_wait3A_68 = arith.constant 0 : i32
    %dma_wait3A_69 = arith.constant 0 : i32
    %dma_wait3A_70 = tpu.memref_slice %arg8[%dma_wait3A_68, %dma_wait3A_69] : memref<10240x128xf32, #tpu.memory_space<vmem_shared>> -> memref<10240x128xf32, #tpu.memory_space<vmem_shared>>
    tpu.wait_indirect_dma semaphore(%arg9 : memref<!tpu.dma_semaphore, #tpu.memory_space<semaphore_mem>>) src(%arg7 : memref<128x128xf32, #tpu.memory_space<vmem>>) dst(%dma_wait3A_70 : memref<10240x128xf32, #tpu.memory_space<vmem_shared>>)
    %dma_wait3A_71 = arith.constant 73 : i32
    %dma_wait3A_72 = arith.constant 0 : i32
    %dma_wait3A_73 = tpu.memref_slice %arg6[%dma_wait3A_71, %dma_wait3A_72] : memref<80x128xi32, #tpu.memory_space<vmem>> -> memref<1x128xi32, #tpu.memory_space<vmem>>
    %dma_wait3A_74 = tpu.memref_squeeze %dma_wait3A_73 : memref<1x128xi32, #tpu.memory_space<vmem>> -> memref<128xi32, #tpu.memory_space<vmem>>
    %dma_wait3A_75 = arith.constant 0 : i32
    %dma_wait3A_76 = arith.constant 0 : i32
    %dma_wait3A_77 = tpu.memref_slice %arg8[%dma_wait3A_75, %dma_wait3A_76] : memref<10240x128xf32, #tpu.memory_space<vmem_shared>> -> memref<10240x128xf32, #tpu.memory_space<vmem_shared>>
    tpu.wait_indirect_dma semaphore(%arg9 : memref<!tpu.dma_semaphore, #tpu.memory_space<semaphore_mem>>) src(%arg7 : memref<128x128xf32, #tpu.memory_space<vmem>>) dst(%dma_wait3A_77 : memref<10240x128xf32, #tpu.memory_space<vmem_shared>>)
    %dma_wait3A_78 = arith.constant 74 : i32
    %dma_wait3A_79 = arith.constant 0 : i32
    %dma_wait3A_80 = tpu.memref_slice %arg6[%dma_wait3A_78, %dma_wait3A_79] : memref<80x128xi32, #tpu.memory_space<vmem>> -> memref<1x128xi32, #tpu.memory_space<vmem>>
    %dma_wait3A_81 = tpu.memref_squeeze %dma_wait3A_80 : memref<1x128xi32, #tpu.memory_space<vmem>> -> memref<128xi32, #tpu.memory_space<vmem>>
    %dma_wait3A_82 = arith.constant 0 : i32
    %dma_wait3A_83 = arith.constant 0 : i32
    %dma_wait3A_84 = tpu.memref_slice %arg8[%dma_wait3A_82, %dma_wait3A_83] : memref<10240x128xf32, #tpu.memory_space<vmem_shared>> -> memref<10240x128xf32, #tpu.memory_space<vmem_shared>>
    tpu.wait_indirect_dma semaphore(%arg9 : memref<!tpu.dma_semaphore, #tpu.memory_space<semaphore_mem>>) src(%arg7 : memref<128x128xf32, #tpu.memory_space<vmem>>) dst(%dma_wait3A_84 : memref<10240x128xf32, #tpu.memory_space<vmem_shared>>)
    %dma_wait3A_85 = arith.constant 75 : i32
    %dma_wait3A_86 = arith.constant 0 : i32
    %dma_wait3A_87 = tpu.memref_slice %arg6[%dma_wait3A_85, %dma_wait3A_86] : memref<80x128xi32, #tpu.memory_space<vmem>> -> memref<1x128xi32, #tpu.memory_space<vmem>>
    %dma_wait3A_88 = tpu.memref_squeeze %dma_wait3A_87 : memref<1x128xi32, #tpu.memory_space<vmem>> -> memref<128xi32, #tpu.memory_space<vmem>>
    %dma_wait3A_89 = arith.constant 0 : i32
    %dma_wait3A_90 = arith.constant 0 : i32
    %dma_wait3A_91 = tpu.memref_slice %arg8[%dma_wait3A_89, %dma_wait3A_90] : memref<10240x128xf32, #tpu.memory_space<vmem_shared>> -> memref<10240x128xf32, #tpu.memory_space<vmem_shared>>
    tpu.wait_indirect_dma semaphore(%arg9 : memref<!tpu.dma_semaphore, #tpu.memory_space<semaphore_mem>>) src(%arg7 : memref<128x128xf32, #tpu.memory_space<vmem>>) dst(%dma_wait3A_91 : memref<10240x128xf32, #tpu.memory_space<vmem_shared>>)
    %dma_wait3A_92 = arith.constant 76 : i32
    %dma_wait3A_93 = arith.constant 0 : i32
    %dma_wait3A_94 = tpu.memref_slice %arg6[%dma_wait3A_92, %dma_wait3A_93] : memref<80x128xi32, #tpu.memory_space<vmem>> -> memref<1x128xi32, #tpu.memory_space<vmem>>
    %dma_wait3A_95 = tpu.memref_squeeze %dma_wait3A_94 : memref<1x128xi32, #tpu.memory_space<vmem>> -> memref<128xi32, #tpu.memory_space<vmem>>
    %dma_wait3A_96 = arith.constant 0 : i32
    %dma_wait3A_97 = arith.constant 0 : i32
    %dma_wait3A_98 = tpu.memref_slice %arg8[%dma_wait3A_96, %dma_wait3A_97] : memref<10240x128xf32, #tpu.memory_space<vmem_shared>> -> memref<10240x128xf32, #tpu.memory_space<vmem_shared>>
    tpu.wait_indirect_dma semaphore(%arg9 : memref<!tpu.dma_semaphore, #tpu.memory_space<semaphore_mem>>) src(%arg7 : memref<128x128xf32, #tpu.memory_space<vmem>>) dst(%dma_wait3A_98 : memref<10240x128xf32, #tpu.memory_space<vmem_shared>>)
    %dma_wait3A_99 = arith.constant 77 : i32
    %dma_wait3A_100 = arith.constant 0 : i32
    %dma_wait3A_101 = tpu.memref_slice %arg6[%dma_wait3A_99, %dma_wait3A_100] : memref<80x128xi32, #tpu.memory_space<vmem>> -> memref<1x128xi32, #tpu.memory_space<vmem>>
    %dma_wait3A_102 = tpu.memref_squeeze %dma_wait3A_101 : memref<1x128xi32, #tpu.memory_space<vmem>> -> memref<128xi32, #tpu.memory_space<vmem>>
    %dma_wait3A_103 = arith.constant 0 : i32
    %dma_wait3A_104 = arith.constant 0 : i32
    %dma_wait3A_105 = tpu.memref_slice %arg8[%dma_wait3A_103, %dma_wait3A_104] : memref<10240x128xf32, #tpu.memory_space<vmem_shared>> -> memref<10240x128xf32, #tpu.memory_space<vmem_shared>>
    tpu.wait_indirect_dma semaphore(%arg9 : memref<!tpu.dma_semaphore, #tpu.memory_space<semaphore_mem>>) src(%arg7 : memref<128x128xf32, #tpu.memory_space<vmem>>) dst(%dma_wait3A_105 : memref<10240x128xf32, #tpu.memory_space<vmem_shared>>)
    %dma_wait3A_106 = arith.constant 78 : i32
    %dma_wait3A_107 = arith.constant 0 : i32
    %dma_wait3A_108 = tpu.memref_slice %arg6[%dma_wait3A_106, %dma_wait3A_107] : memref<80x128xi32, #tpu.memory_space<vmem>> -> memref<1x128xi32, #tpu.memory_space<vmem>>
    %dma_wait3A_109 = tpu.memref_squeeze %dma_wait3A_108 : memref<1x128xi32, #tpu.memory_space<vmem>> -> memref<128xi32, #tpu.memory_space<vmem>>
    %dma_wait3A_110 = arith.constant 0 : i32
    %dma_wait3A_111 = arith.constant 0 : i32
    %dma_wait3A_112 = tpu.memref_slice %arg8[%dma_wait3A_110, %dma_wait3A_111] : memref<10240x128xf32, #tpu.memory_space<vmem_shared>> -> memref<10240x128xf32, #tpu.memory_space<vmem_shared>>
    tpu.wait_indirect_dma semaphore(%arg9 : memref<!tpu.dma_semaphore, #tpu.memory_space<semaphore_mem>>) src(%arg7 : memref<128x128xf32, #tpu.memory_space<vmem>>) dst(%dma_wait3A_112 : memref<10240x128xf32, #tpu.memory_space<vmem_shared>>)
    %dma_wait3A_113 = arith.constant 79 : i32
    %dma_wait3A_114 = arith.constant 0 : i32
    %dma_wait3A_115 = tpu.memref_slice %arg6[%dma_wait3A_113, %dma_wait3A_114] : memref<80x128xi32, #tpu.memory_space<vmem>> -> memref<1x128xi32, #tpu.memory_space<vmem>>
    %dma_wait3A_116 = tpu.memref_squeeze %dma_wait3A_115 : memref<1x128xi32, #tpu.memory_space<vmem>> -> memref<128xi32, #tpu.memory_space<vmem>>
    %dma_wait3A_117 = arith.constant 0 : i32
    %dma_wait3A_118 = arith.constant 0 : i32
    %dma_wait3A_119 = tpu.memref_slice %arg8[%dma_wait3A_117, %dma_wait3A_118] : memref<10240x128xf32, #tpu.memory_space<vmem_shared>> -> memref<10240x128xf32, #tpu.memory_space<vmem_shared>>
    tpu.wait_indirect_dma semaphore(%arg9 : memref<!tpu.dma_semaphore, #tpu.memory_space<semaphore_mem>>) src(%arg7 : memref<128x128xf32, #tpu.memory_space<vmem>>) dst(%dma_wait3A_119 : memref<10240x128xf32, #tpu.memory_space<vmem_shared>>)
    %barrier3A_120 = arith.constant 0 : index
    tpu.barrier barrier_id(%barrier3A_120)
    "tpu.region"() ({
      %run_scoped3A = tpu.sem_alloc : memref<!tpu.dma_semaphore, #tpu.memory_space<semaphore_mem>>
      %dma_start3A_121 = arith.constant 0 : i32
      %dma_start3A_122 = tpu.memref_slice %arg5[%arg0, %mul3A_2, %dma_start3A_121] : memref<2x10240x128xf32, #tpu.memory_space<hbm>> -> memref<1x640x128xf32, #tpu.memory_space<hbm>>
      %dma_start3A_123 = tpu.memref_squeeze %dma_start3A_122 : memref<1x640x128xf32, #tpu.memory_space<hbm>> -> memref<640x128xf32, #tpu.memory_space<hbm>>
      %dma_start3A_124 = arith.constant 0 : i32
      %dma_start3A_125 = tpu.memref_slice %arg8[%mul3A_2, %dma_start3A_124] : memref<10240x128xf32, #tpu.memory_space<vmem_shared>> -> memref<640x128xf32, #tpu.memory_space<vmem_shared>>
      tpu.enqueue_dma source(%dma_start3A_125 : memref<640x128xf32, #tpu.memory_space<vmem_shared>>) target(%dma_start3A_123 : memref<640x128xf32, #tpu.memory_space<hbm>>) target_semaphore(%run_scoped3A : memref<!tpu.dma_semaphore, #tpu.memory_space<semaphore_mem>>)
      %dma_wait3A_126 = arith.constant 0 : i32
      %dma_wait3A_127 = tpu.memref_slice %arg5[%arg0, %mul3A_2, %dma_wait3A_126] : memref<2x10240x128xf32, #tpu.memory_space<hbm>> -> memref<1x640x128xf32, #tpu.memory_space<hbm>>
      %dma_wait3A_128 = tpu.memref_squeeze %dma_wait3A_127 : memref<1x640x128xf32, #tpu.memory_space<hbm>> -> memref<640x128xf32, #tpu.memory_space<hbm>>
      %dma_wait3A_129 = arith.constant 0 : i32
      %dma_wait3A_130 = tpu.memref_slice %arg8[%mul3A_2, %dma_wait3A_129] : memref<10240x128xf32, #tpu.memory_space<vmem_shared>> -> memref<640x128xf32, #tpu.memory_space<vmem_shared>>
      tpu.wait_dma2 semaphore(%run_scoped3A : memref<!tpu.dma_semaphore, #tpu.memory_space<semaphore_mem>>) src(%dma_wait3A_130 : memref<640x128xf32, #tpu.memory_space<vmem_shared>>) dst(%dma_wait3A_128 : memref<640x128xf32, #tpu.memory_space<hbm>>)
      tpu.yield
    }) : () -> ()
    return
  }
}

#map = affine_map<(d0, d1) -> (0, 0)>
#map1 = affine_map<(d0, d1) -> (0, 0, 0)>
module attributes {stable_mosaic.version = 14 : i64} {
  func.func @body(%arg0: i32, %arg1: i32, %arg2: memref<10240x128xf32, #tpu.memory_space<hbm>>, %arg3: memref<2560x128xi32, #tpu.memory_space<hbm>>, %arg4: memref<2560x128xi32, #tpu.memory_space<hbm>>, %arg5: memref<10240x128xf32, #tpu.memory_space<hbm>>, %arg6: memref<2x10240x128xf32, #tpu.memory_space<hbm>>, %arg7: memref<8x128xi32, #tpu.memory_space<vmem>>, %arg8: memref<8x128xi32, #tpu.memory_space<vmem>>, %arg9: memref<128x128xf32, #tpu.memory_space<vmem>>, %arg10: memref<128x128xf32, #tpu.memory_space<vmem>>, %arg11: memref<10240x128xf32, #tpu.memory_space<vmem_shared>>, %arg12: memref<!tpu.dma_semaphore, #tpu.memory_space<semaphore_mem>>, %arg13: memref<!tpu.dma_semaphore, #tpu.memory_space<semaphore_mem>>, %arg14: memref<!tpu.dma_semaphore, #tpu.memory_space<semaphore_mem>>, %arg15: memref<!tpu.dma_semaphore, #tpu.memory_space<semaphore_mem>>) attributes {dimension_semantics = [#tpu.dimension_semantics<core_parallel>, #tpu.dimension_semantics<subcore_parallel>], iteration_bounds = array<i64: 2, 16>, scalar_prefetch = 0 : i64, scratch_operands = 9 : i64, tpu.core_type = #tpu.core_type<sc_vector_subcore>, window_params = [{transform_indices = #map}, {transform_indices = #map}, {transform_indices = #map}, {transform_indices = #map}, {transform_indices = #map1}]} {
    %mul3A = arith.constant 2 : i32
    %mul3A_0 = arith.muli %arg1, %mul3A : i32
    %add3A = arith.addi %mul3A_0, %arg0 : i32
    %mul3A_1 = arith.constant 640 : i32
    %mul3A_2 = arith.muli %arg1, %mul3A_1 : i32
    "tpu.region"() ({
      %run_scoped3A = tpu.sem_alloc : memref<!tpu.dma_semaphore, #tpu.memory_space<semaphore_mem>>
      %dma_start3A = arith.constant 0 : i32
      %dma_start3A_9 = tpu.memref_slice %arg11[%mul3A_2, %dma_start3A] : memref<10240x128xf32, #tpu.memory_space<vmem_shared>> -> memref<640x128xf32, #tpu.memory_space<vmem_shared>>
      %dma_start3A_10 = arith.constant 0 : i32
      %dma_start3A_11 = tpu.memref_slice %arg5[%mul3A_2, %dma_start3A_10] : memref<10240x128xf32, #tpu.memory_space<hbm>> -> memref<640x128xf32, #tpu.memory_space<hbm>>
      tpu.enqueue_dma source(%dma_start3A_11 : memref<640x128xf32, #tpu.memory_space<hbm>>) target(%dma_start3A_9 : memref<640x128xf32, #tpu.memory_space<vmem_shared>>) target_semaphore(%run_scoped3A : memref<!tpu.dma_semaphore, #tpu.memory_space<semaphore_mem>>)
      %dma_wait3A = arith.constant 0 : i32
      %dma_wait3A_12 = tpu.memref_slice %arg11[%mul3A_2, %dma_wait3A] : memref<10240x128xf32, #tpu.memory_space<vmem_shared>> -> memref<640x128xf32, #tpu.memory_space<vmem_shared>>
      %dma_wait3A_13 = arith.constant 0 : i32
      %dma_wait3A_14 = tpu.memref_slice %arg5[%mul3A_2, %dma_wait3A_13] : memref<10240x128xf32, #tpu.memory_space<hbm>> -> memref<640x128xf32, #tpu.memory_space<hbm>>
      tpu.wait_dma2 semaphore(%run_scoped3A : memref<!tpu.dma_semaphore, #tpu.memory_space<semaphore_mem>>) src(%dma_wait3A_14 : memref<640x128xf32, #tpu.memory_space<hbm>>) dst(%dma_wait3A_12 : memref<640x128xf32, #tpu.memory_space<vmem_shared>>)
      tpu.yield
    }) : () -> ()
    %barrier3A = arith.constant 0 : index
    tpu.barrier barrier_id(%barrier3A)
    %scan3A = arith.constant 0 : i32
    %scan3A_3 = arith.constant 0 : i32
    %scan3A_4 = arith.constant 10 : i32
    %scan3A_5 = arith.addi %scan3A_3, %scan3A_4 : i32
    %scan3A_6 = arith.constant 1 : i32
    scf.for %scan3A_9 = %scan3A_3 to %scan3A_5 step %scan3A_6  : i32 {
      %mul3A_10 = arith.constant 80 : i32
      %mul3A_11 = arith.muli %add3A, %mul3A_10 : i32
      %mul3A_12 = arith.constant 8 : i32
      %mul3A_13 = arith.muli %scan3A_9, %mul3A_12 : i32
      %add3A_14 = arith.addi %mul3A_11, %mul3A_13 : i32
      "tpu.region"() ({
        %run_scoped3A = tpu.sem_alloc : memref<!tpu.dma_semaphore, #tpu.memory_space<semaphore_mem>>
        %dma_start3A_237 = arith.constant 0 : i32
        %dma_start3A_238 = tpu.memref_slice %arg3[%add3A_14, %dma_start3A_237] : memref<2560x128xi32, #tpu.memory_space<hbm>> -> memref<8x128xi32, #tpu.memory_space<hbm>>
        %dma_start3A_239 = arith.constant 0 : i32
        %dma_start3A_240 = tpu.memref_slice %arg3[%add3A_14, %dma_start3A_239] : memref<2560x128xi32, #tpu.memory_space<hbm>> -> memref<8x128xi32, #tpu.memory_space<hbm>>
        tpu.enqueue_dma source(%dma_start3A_240 : memref<8x128xi32, #tpu.memory_space<hbm>>) target(%arg7 : memref<8x128xi32, #tpu.memory_space<vmem>>) target_semaphore(%run_scoped3A : memref<!tpu.dma_semaphore, #tpu.memory_space<semaphore_mem>>)
        %dma_wait3A_241 = arith.constant 0 : i32
        %dma_wait3A_242 = tpu.memref_slice %arg3[%add3A_14, %dma_wait3A_241] : memref<2560x128xi32, #tpu.memory_space<hbm>> -> memref<8x128xi32, #tpu.memory_space<hbm>>
        %dma_wait3A_243 = arith.constant 0 : i32
        %dma_wait3A_244 = tpu.memref_slice %arg3[%add3A_14, %dma_wait3A_243] : memref<2560x128xi32, #tpu.memory_space<hbm>> -> memref<8x128xi32, #tpu.memory_space<hbm>>
        tpu.wait_dma2 semaphore(%run_scoped3A : memref<!tpu.dma_semaphore, #tpu.memory_space<semaphore_mem>>) src(%dma_wait3A_244 : memref<8x128xi32, #tpu.memory_space<hbm>>) dst(%arg7 : memref<8x128xi32, #tpu.memory_space<vmem>>)
        tpu.yield
      }) : () -> ()
      "tpu.region"() ({
        %run_scoped3A = tpu.sem_alloc : memref<!tpu.dma_semaphore, #tpu.memory_space<semaphore_mem>>
        %dma_start3A_237 = arith.constant 0 : i32
        %dma_start3A_238 = tpu.memref_slice %arg4[%add3A_14, %dma_start3A_237] : memref<2560x128xi32, #tpu.memory_space<hbm>> -> memref<8x128xi32, #tpu.memory_space<hbm>>
        %dma_start3A_239 = arith.constant 0 : i32
        %dma_start3A_240 = tpu.memref_slice %arg4[%add3A_14, %dma_start3A_239] : memref<2560x128xi32, #tpu.memory_space<hbm>> -> memref<8x128xi32, #tpu.memory_space<hbm>>
        tpu.enqueue_dma source(%dma_start3A_240 : memref<8x128xi32, #tpu.memory_space<hbm>>) target(%arg8 : memref<8x128xi32, #tpu.memory_space<vmem>>) target_semaphore(%run_scoped3A : memref<!tpu.dma_semaphore, #tpu.memory_space<semaphore_mem>>)
        %dma_wait3A_241 = arith.constant 0 : i32
        %dma_wait3A_242 = tpu.memref_slice %arg4[%add3A_14, %dma_wait3A_241] : memref<2560x128xi32, #tpu.memory_space<hbm>> -> memref<8x128xi32, #tpu.memory_space<hbm>>
        %dma_wait3A_243 = arith.constant 0 : i32
        %dma_wait3A_244 = tpu.memref_slice %arg4[%add3A_14, %dma_wait3A_243] : memref<2560x128xi32, #tpu.memory_space<hbm>> -> memref<8x128xi32, #tpu.memory_space<hbm>>
        tpu.wait_dma2 semaphore(%run_scoped3A : memref<!tpu.dma_semaphore, #tpu.memory_space<semaphore_mem>>) src(%dma_wait3A_244 : memref<8x128xi32, #tpu.memory_space<hbm>>) dst(%arg8 : memref<8x128xi32, #tpu.memory_space<vmem>>)
        tpu.yield
      }) : () -> ()
      %dma_start3A = arith.constant 0 : i32
      %dma_start3A_15 = arith.constant 0 : i32
      %dma_start3A_16 = tpu.memref_slice %arg7[%dma_start3A, %dma_start3A_15] : memref<8x128xi32, #tpu.memory_space<vmem>> -> memref<1x128xi32, #tpu.memory_space<vmem>>
      %dma_start3A_17 = tpu.memref_squeeze %dma_start3A_16 : memref<1x128xi32, #tpu.memory_space<vmem>> -> memref<128xi32, #tpu.memory_space<vmem>>
      %dma_start3A_18 = arith.constant 0 : i32
      %dma_start3A_19 = arith.constant 0 : i32
      %dma_start3A_20 = tpu.memref_slice %arg2[%dma_start3A_18, %dma_start3A_19] : memref<10240x128xf32, #tpu.memory_space<hbm>> -> memref<10240x128xf32, #tpu.memory_space<hbm>>
      tpu.enqueue_indirect_dma source(%dma_start3A_20 : memref<10240x128xf32, #tpu.memory_space<hbm>>) target(%arg9 : memref<128x128xf32, #tpu.memory_space<vmem>>) offsets(%dma_start3A_17 : memref<128xi32, #tpu.memory_space<vmem>>) semaphore(%arg12 : memref<!tpu.dma_semaphore, #tpu.memory_space<semaphore_mem>>)
      %dma_wait3A = arith.constant 0 : i32
      %dma_wait3A_21 = arith.constant 0 : i32
      %dma_wait3A_22 = tpu.memref_slice %arg7[%dma_wait3A, %dma_wait3A_21] : memref<8x128xi32, #tpu.memory_space<vmem>> -> memref<1x128xi32, #tpu.memory_space<vmem>>
      %dma_wait3A_23 = tpu.memref_squeeze %dma_wait3A_22 : memref<1x128xi32, #tpu.memory_space<vmem>> -> memref<128xi32, #tpu.memory_space<vmem>>
      %dma_wait3A_24 = arith.constant 0 : i32
      %dma_wait3A_25 = arith.constant 0 : i32
      %dma_wait3A_26 = tpu.memref_slice %arg2[%dma_wait3A_24, %dma_wait3A_25] : memref<10240x128xf32, #tpu.memory_space<hbm>> -> memref<10240x128xf32, #tpu.memory_space<hbm>>
      tpu.wait_indirect_dma semaphore(%arg12 : memref<!tpu.dma_semaphore, #tpu.memory_space<semaphore_mem>>) src(%dma_wait3A_26 : memref<10240x128xf32, #tpu.memory_space<hbm>>) dst(%arg9 : memref<128x128xf32, #tpu.memory_space<vmem>>)
      %dma_start3A_27 = arith.constant 1 : i32
      %dma_start3A_28 = arith.constant 0 : i32
      %dma_start3A_29 = tpu.memref_slice %arg7[%dma_start3A_27, %dma_start3A_28] : memref<8x128xi32, #tpu.memory_space<vmem>> -> memref<1x128xi32, #tpu.memory_space<vmem>>
      %dma_start3A_30 = tpu.memref_squeeze %dma_start3A_29 : memref<1x128xi32, #tpu.memory_space<vmem>> -> memref<128xi32, #tpu.memory_space<vmem>>
      %dma_start3A_31 = arith.constant 0 : i32
      %dma_start3A_32 = arith.constant 0 : i32
      %dma_start3A_33 = tpu.memref_slice %arg2[%dma_start3A_31, %dma_start3A_32] : memref<10240x128xf32, #tpu.memory_space<hbm>> -> memref<10240x128xf32, #tpu.memory_space<hbm>>
      tpu.enqueue_indirect_dma source(%dma_start3A_33 : memref<10240x128xf32, #tpu.memory_space<hbm>>) target(%arg10 : memref<128x128xf32, #tpu.memory_space<vmem>>) offsets(%dma_start3A_30 : memref<128xi32, #tpu.memory_space<vmem>>) semaphore(%arg13 : memref<!tpu.dma_semaphore, #tpu.memory_space<semaphore_mem>>)
      %dma_start3A_34 = arith.constant 0 : i32
      %dma_start3A_35 = arith.constant 0 : i32
      %dma_start3A_36 = tpu.memref_slice %arg8[%dma_start3A_34, %dma_start3A_35] : memref<8x128xi32, #tpu.memory_space<vmem>> -> memref<1x128xi32, #tpu.memory_space<vmem>>
      %dma_start3A_37 = tpu.memref_squeeze %dma_start3A_36 : memref<1x128xi32, #tpu.memory_space<vmem>> -> memref<128xi32, #tpu.memory_space<vmem>>
      %dma_start3A_38 = arith.constant 0 : i32
      %dma_start3A_39 = arith.constant 0 : i32
      %dma_start3A_40 = tpu.memref_slice %arg11[%dma_start3A_38, %dma_start3A_39] : memref<10240x128xf32, #tpu.memory_space<vmem_shared>> -> memref<10240x128xf32, #tpu.memory_space<vmem_shared>>
      tpu.enqueue_indirect_dma source(%arg9 : memref<128x128xf32, #tpu.memory_space<vmem>>) target(%dma_start3A_40 : memref<10240x128xf32, #tpu.memory_space<vmem_shared>>) offsets(%dma_start3A_37 : memref<128xi32, #tpu.memory_space<vmem>>) semaphore(%arg14 : memref<!tpu.dma_semaphore, #tpu.memory_space<semaphore_mem>>) {add = true}
      %dma_wait3A_41 = arith.constant 1 : i32
      %dma_wait3A_42 = arith.constant 0 : i32
      %dma_wait3A_43 = tpu.memref_slice %arg7[%dma_wait3A_41, %dma_wait3A_42] : memref<8x128xi32, #tpu.memory_space<vmem>> -> memref<1x128xi32, #tpu.memory_space<vmem>>
      %dma_wait3A_44 = tpu.memref_squeeze %dma_wait3A_43 : memref<1x128xi32, #tpu.memory_space<vmem>> -> memref<128xi32, #tpu.memory_space<vmem>>
      %dma_wait3A_45 = arith.constant 0 : i32
      %dma_wait3A_46 = arith.constant 0 : i32
      %dma_wait3A_47 = tpu.memref_slice %arg2[%dma_wait3A_45, %dma_wait3A_46] : memref<10240x128xf32, #tpu.memory_space<hbm>> -> memref<10240x128xf32, #tpu.memory_space<hbm>>
      tpu.wait_indirect_dma semaphore(%arg13 : memref<!tpu.dma_semaphore, #tpu.memory_space<semaphore_mem>>) src(%dma_wait3A_47 : memref<10240x128xf32, #tpu.memory_space<hbm>>) dst(%arg10 : memref<128x128xf32, #tpu.memory_space<vmem>>)
      %dma_wait3A_48 = arith.constant 0 : i32
      %dma_wait3A_49 = arith.constant 0 : i32
      %dma_wait3A_50 = tpu.memref_slice %arg8[%dma_wait3A_48, %dma_wait3A_49] : memref<8x128xi32, #tpu.memory_space<vmem>> -> memref<1x128xi32, #tpu.memory_space<vmem>>
      %dma_wait3A_51 = tpu.memref_squeeze %dma_wait3A_50 : memref<1x128xi32, #tpu.memory_space<vmem>> -> memref<128xi32, #tpu.memory_space<vmem>>
      %dma_wait3A_52 = arith.constant 0 : i32
      %dma_wait3A_53 = arith.constant 0 : i32
      %dma_wait3A_54 = tpu.memref_slice %arg11[%dma_wait3A_52, %dma_wait3A_53] : memref<10240x128xf32, #tpu.memory_space<vmem_shared>> -> memref<10240x128xf32, #tpu.memory_space<vmem_shared>>
      tpu.wait_indirect_dma semaphore(%arg14 : memref<!tpu.dma_semaphore, #tpu.memory_space<semaphore_mem>>) src(%arg9 : memref<128x128xf32, #tpu.memory_space<vmem>>) dst(%dma_wait3A_54 : memref<10240x128xf32, #tpu.memory_space<vmem_shared>>)
      %dma_start3A_55 = arith.constant 2 : i32
      %dma_start3A_56 = arith.constant 0 : i32
      %dma_start3A_57 = tpu.memref_slice %arg7[%dma_start3A_55, %dma_start3A_56] : memref<8x128xi32, #tpu.memory_space<vmem>> -> memref<1x128xi32, #tpu.memory_space<vmem>>
      %dma_start3A_58 = tpu.memref_squeeze %dma_start3A_57 : memref<1x128xi32, #tpu.memory_space<vmem>> -> memref<128xi32, #tpu.memory_space<vmem>>
      %dma_start3A_59 = arith.constant 0 : i32
      %dma_start3A_60 = arith.constant 0 : i32
      %dma_start3A_61 = tpu.memref_slice %arg2[%dma_start3A_59, %dma_start3A_60] : memref<10240x128xf32, #tpu.memory_space<hbm>> -> memref<10240x128xf32, #tpu.memory_space<hbm>>
      tpu.enqueue_indirect_dma source(%dma_start3A_61 : memref<10240x128xf32, #tpu.memory_space<hbm>>) target(%arg9 : memref<128x128xf32, #tpu.memory_space<vmem>>) offsets(%dma_start3A_58 : memref<128xi32, #tpu.memory_space<vmem>>) semaphore(%arg12 : memref<!tpu.dma_semaphore, #tpu.memory_space<semaphore_mem>>)
      %dma_start3A_62 = arith.constant 1 : i32
      %dma_start3A_63 = arith.constant 0 : i32
      %dma_start3A_64 = tpu.memref_slice %arg8[%dma_start3A_62, %dma_start3A_63] : memref<8x128xi32, #tpu.memory_space<vmem>> -> memref<1x128xi32, #tpu.memory_space<vmem>>
      %dma_start3A_65 = tpu.memref_squeeze %dma_start3A_64 : memref<1x128xi32, #tpu.memory_space<vmem>> -> memref<128xi32, #tpu.memory_space<vmem>>
      %dma_start3A_66 = arith.constant 0 : i32
      %dma_start3A_67 = arith.constant 0 : i32
      %dma_start3A_68 = tpu.memref_slice %arg11[%dma_start3A_66, %dma_start3A_67] : memref<10240x128xf32, #tpu.memory_space<vmem_shared>> -> memref<10240x128xf32, #tpu.memory_space<vmem_shared>>
      tpu.enqueue_indirect_dma source(%arg10 : memref<128x128xf32, #tpu.memory_space<vmem>>) target(%dma_start3A_68 : memref<10240x128xf32, #tpu.memory_space<vmem_shared>>) offsets(%dma_start3A_65 : memref<128xi32, #tpu.memory_space<vmem>>) semaphore(%arg15 : memref<!tpu.dma_semaphore, #tpu.memory_space<semaphore_mem>>) {add = true}
      %dma_wait3A_69 = arith.constant 2 : i32
      %dma_wait3A_70 = arith.constant 0 : i32
      %dma_wait3A_71 = tpu.memref_slice %arg7[%dma_wait3A_69, %dma_wait3A_70] : memref<8x128xi32, #tpu.memory_space<vmem>> -> memref<1x128xi32, #tpu.memory_space<vmem>>
      %dma_wait3A_72 = tpu.memref_squeeze %dma_wait3A_71 : memref<1x128xi32, #tpu.memory_space<vmem>> -> memref<128xi32, #tpu.memory_space<vmem>>
      %dma_wait3A_73 = arith.constant 0 : i32
      %dma_wait3A_74 = arith.constant 0 : i32
      %dma_wait3A_75 = tpu.memref_slice %arg2[%dma_wait3A_73, %dma_wait3A_74] : memref<10240x128xf32, #tpu.memory_space<hbm>> -> memref<10240x128xf32, #tpu.memory_space<hbm>>
      tpu.wait_indirect_dma semaphore(%arg12 : memref<!tpu.dma_semaphore, #tpu.memory_space<semaphore_mem>>) src(%dma_wait3A_75 : memref<10240x128xf32, #tpu.memory_space<hbm>>) dst(%arg9 : memref<128x128xf32, #tpu.memory_space<vmem>>)
      %dma_wait3A_76 = arith.constant 1 : i32
      %dma_wait3A_77 = arith.constant 0 : i32
      %dma_wait3A_78 = tpu.memref_slice %arg8[%dma_wait3A_76, %dma_wait3A_77] : memref<8x128xi32, #tpu.memory_space<vmem>> -> memref<1x128xi32, #tpu.memory_space<vmem>>
      %dma_wait3A_79 = tpu.memref_squeeze %dma_wait3A_78 : memref<1x128xi32, #tpu.memory_space<vmem>> -> memref<128xi32, #tpu.memory_space<vmem>>
      %dma_wait3A_80 = arith.constant 0 : i32
      %dma_wait3A_81 = arith.constant 0 : i32
      %dma_wait3A_82 = tpu.memref_slice %arg11[%dma_wait3A_80, %dma_wait3A_81] : memref<10240x128xf32, #tpu.memory_space<vmem_shared>> -> memref<10240x128xf32, #tpu.memory_space<vmem_shared>>
      tpu.wait_indirect_dma semaphore(%arg15 : memref<!tpu.dma_semaphore, #tpu.memory_space<semaphore_mem>>) src(%arg10 : memref<128x128xf32, #tpu.memory_space<vmem>>) dst(%dma_wait3A_82 : memref<10240x128xf32, #tpu.memory_space<vmem_shared>>)
      %dma_start3A_83 = arith.constant 3 : i32
      %dma_start3A_84 = arith.constant 0 : i32
      %dma_start3A_85 = tpu.memref_slice %arg7[%dma_start3A_83, %dma_start3A_84] : memref<8x128xi32, #tpu.memory_space<vmem>> -> memref<1x128xi32, #tpu.memory_space<vmem>>
      %dma_start3A_86 = tpu.memref_squeeze %dma_start3A_85 : memref<1x128xi32, #tpu.memory_space<vmem>> -> memref<128xi32, #tpu.memory_space<vmem>>
      %dma_start3A_87 = arith.constant 0 : i32
      %dma_start3A_88 = arith.constant 0 : i32
      %dma_start3A_89 = tpu.memref_slice %arg2[%dma_start3A_87, %dma_start3A_88] : memref<10240x128xf32, #tpu.memory_space<hbm>> -> memref<10240x128xf32, #tpu.memory_space<hbm>>
      tpu.enqueue_indirect_dma source(%dma_start3A_89 : memref<10240x128xf32, #tpu.memory_space<hbm>>) target(%arg10 : memref<128x128xf32, #tpu.memory_space<vmem>>) offsets(%dma_start3A_86 : memref<128xi32, #tpu.memory_space<vmem>>) semaphore(%arg13 : memref<!tpu.dma_semaphore, #tpu.memory_space<semaphore_mem>>)
      %dma_start3A_90 = arith.constant 2 : i32
      %dma_start3A_91 = arith.constant 0 : i32
      %dma_start3A_92 = tpu.memref_slice %arg8[%dma_start3A_90, %dma_start3A_91] : memref<8x128xi32, #tpu.memory_space<vmem>> -> memref<1x128xi32, #tpu.memory_space<vmem>>
      %dma_start3A_93 = tpu.memref_squeeze %dma_start3A_92 : memref<1x128xi32, #tpu.memory_space<vmem>> -> memref<128xi32, #tpu.memory_space<vmem>>
      %dma_start3A_94 = arith.constant 0 : i32
      %dma_start3A_95 = arith.constant 0 : i32
      %dma_start3A_96 = tpu.memref_slice %arg11[%dma_start3A_94, %dma_start3A_95] : memref<10240x128xf32, #tpu.memory_space<vmem_shared>> -> memref<10240x128xf32, #tpu.memory_space<vmem_shared>>
      tpu.enqueue_indirect_dma source(%arg9 : memref<128x128xf32, #tpu.memory_space<vmem>>) target(%dma_start3A_96 : memref<10240x128xf32, #tpu.memory_space<vmem_shared>>) offsets(%dma_start3A_93 : memref<128xi32, #tpu.memory_space<vmem>>) semaphore(%arg14 : memref<!tpu.dma_semaphore, #tpu.memory_space<semaphore_mem>>) {add = true}
      %dma_wait3A_97 = arith.constant 3 : i32
      %dma_wait3A_98 = arith.constant 0 : i32
      %dma_wait3A_99 = tpu.memref_slice %arg7[%dma_wait3A_97, %dma_wait3A_98] : memref<8x128xi32, #tpu.memory_space<vmem>> -> memref<1x128xi32, #tpu.memory_space<vmem>>
      %dma_wait3A_100 = tpu.memref_squeeze %dma_wait3A_99 : memref<1x128xi32, #tpu.memory_space<vmem>> -> memref<128xi32, #tpu.memory_space<vmem>>
      %dma_wait3A_101 = arith.constant 0 : i32
      %dma_wait3A_102 = arith.constant 0 : i32
      %dma_wait3A_103 = tpu.memref_slice %arg2[%dma_wait3A_101, %dma_wait3A_102] : memref<10240x128xf32, #tpu.memory_space<hbm>> -> memref<10240x128xf32, #tpu.memory_space<hbm>>
      tpu.wait_indirect_dma semaphore(%arg13 : memref<!tpu.dma_semaphore, #tpu.memory_space<semaphore_mem>>) src(%dma_wait3A_103 : memref<10240x128xf32, #tpu.memory_space<hbm>>) dst(%arg10 : memref<128x128xf32, #tpu.memory_space<vmem>>)
      %dma_wait3A_104 = arith.constant 2 : i32
      %dma_wait3A_105 = arith.constant 0 : i32
      %dma_wait3A_106 = tpu.memref_slice %arg8[%dma_wait3A_104, %dma_wait3A_105] : memref<8x128xi32, #tpu.memory_space<vmem>> -> memref<1x128xi32, #tpu.memory_space<vmem>>
      %dma_wait3A_107 = tpu.memref_squeeze %dma_wait3A_106 : memref<1x128xi32, #tpu.memory_space<vmem>> -> memref<128xi32, #tpu.memory_space<vmem>>
      %dma_wait3A_108 = arith.constant 0 : i32
      %dma_wait3A_109 = arith.constant 0 : i32
      %dma_wait3A_110 = tpu.memref_slice %arg11[%dma_wait3A_108, %dma_wait3A_109] : memref<10240x128xf32, #tpu.memory_space<vmem_shared>> -> memref<10240x128xf32, #tpu.memory_space<vmem_shared>>
      tpu.wait_indirect_dma semaphore(%arg14 : memref<!tpu.dma_semaphore, #tpu.memory_space<semaphore_mem>>) src(%arg9 : memref<128x128xf32, #tpu.memory_space<vmem>>) dst(%dma_wait3A_110 : memref<10240x128xf32, #tpu.memory_space<vmem_shared>>)
      %dma_start3A_111 = arith.constant 4 : i32
      %dma_start3A_112 = arith.constant 0 : i32
      %dma_start3A_113 = tpu.memref_slice %arg7[%dma_start3A_111, %dma_start3A_112] : memref<8x128xi32, #tpu.memory_space<vmem>> -> memref<1x128xi32, #tpu.memory_space<vmem>>
      %dma_start3A_114 = tpu.memref_squeeze %dma_start3A_113 : memref<1x128xi32, #tpu.memory_space<vmem>> -> memref<128xi32, #tpu.memory_space<vmem>>
      %dma_start3A_115 = arith.constant 0 : i32
      %dma_start3A_116 = arith.constant 0 : i32
      %dma_start3A_117 = tpu.memref_slice %arg2[%dma_start3A_115, %dma_start3A_116] : memref<10240x128xf32, #tpu.memory_space<hbm>> -> memref<10240x128xf32, #tpu.memory_space<hbm>>
      tpu.enqueue_indirect_dma source(%dma_start3A_117 : memref<10240x128xf32, #tpu.memory_space<hbm>>) target(%arg9 : memref<128x128xf32, #tpu.memory_space<vmem>>) offsets(%dma_start3A_114 : memref<128xi32, #tpu.memory_space<vmem>>) semaphore(%arg12 : memref<!tpu.dma_semaphore, #tpu.memory_space<semaphore_mem>>)
      %dma_start3A_118 = arith.constant 3 : i32
      %dma_start3A_119 = arith.constant 0 : i32
      %dma_start3A_120 = tpu.memref_slice %arg8[%dma_start3A_118, %dma_start3A_119] : memref<8x128xi32, #tpu.memory_space<vmem>> -> memref<1x128xi32, #tpu.memory_space<vmem>>
      %dma_start3A_121 = tpu.memref_squeeze %dma_start3A_120 : memref<1x128xi32, #tpu.memory_space<vmem>> -> memref<128xi32, #tpu.memory_space<vmem>>
      %dma_start3A_122 = arith.constant 0 : i32
      %dma_start3A_123 = arith.constant 0 : i32
      %dma_start3A_124 = tpu.memref_slice %arg11[%dma_start3A_122, %dma_start3A_123] : memref<10240x128xf32, #tpu.memory_space<vmem_shared>> -> memref<10240x128xf32, #tpu.memory_space<vmem_shared>>
      tpu.enqueue_indirect_dma source(%arg10 : memref<128x128xf32, #tpu.memory_space<vmem>>) target(%dma_start3A_124 : memref<10240x128xf32, #tpu.memory_space<vmem_shared>>) offsets(%dma_start3A_121 : memref<128xi32, #tpu.memory_space<vmem>>) semaphore(%arg15 : memref<!tpu.dma_semaphore, #tpu.memory_space<semaphore_mem>>) {add = true}
      %dma_wait3A_125 = arith.constant 4 : i32
      %dma_wait3A_126 = arith.constant 0 : i32
      %dma_wait3A_127 = tpu.memref_slice %arg7[%dma_wait3A_125, %dma_wait3A_126] : memref<8x128xi32, #tpu.memory_space<vmem>> -> memref<1x128xi32, #tpu.memory_space<vmem>>
      %dma_wait3A_128 = tpu.memref_squeeze %dma_wait3A_127 : memref<1x128xi32, #tpu.memory_space<vmem>> -> memref<128xi32, #tpu.memory_space<vmem>>
      %dma_wait3A_129 = arith.constant 0 : i32
      %dma_wait3A_130 = arith.constant 0 : i32
      %dma_wait3A_131 = tpu.memref_slice %arg2[%dma_wait3A_129, %dma_wait3A_130] : memref<10240x128xf32, #tpu.memory_space<hbm>> -> memref<10240x128xf32, #tpu.memory_space<hbm>>
      tpu.wait_indirect_dma semaphore(%arg12 : memref<!tpu.dma_semaphore, #tpu.memory_space<semaphore_mem>>) src(%dma_wait3A_131 : memref<10240x128xf32, #tpu.memory_space<hbm>>) dst(%arg9 : memref<128x128xf32, #tpu.memory_space<vmem>>)
      %dma_wait3A_132 = arith.constant 3 : i32
      %dma_wait3A_133 = arith.constant 0 : i32
      %dma_wait3A_134 = tpu.memref_slice %arg8[%dma_wait3A_132, %dma_wait3A_133] : memref<8x128xi32, #tpu.memory_space<vmem>> -> memref<1x128xi32, #tpu.memory_space<vmem>>
      %dma_wait3A_135 = tpu.memref_squeeze %dma_wait3A_134 : memref<1x128xi32, #tpu.memory_space<vmem>> -> memref<128xi32, #tpu.memory_space<vmem>>
      %dma_wait3A_136 = arith.constant 0 : i32
      %dma_wait3A_137 = arith.constant 0 : i32
      %dma_wait3A_138 = tpu.memref_slice %arg11[%dma_wait3A_136, %dma_wait3A_137] : memref<10240x128xf32, #tpu.memory_space<vmem_shared>> -> memref<10240x128xf32, #tpu.memory_space<vmem_shared>>
      tpu.wait_indirect_dma semaphore(%arg15 : memref<!tpu.dma_semaphore, #tpu.memory_space<semaphore_mem>>) src(%arg10 : memref<128x128xf32, #tpu.memory_space<vmem>>) dst(%dma_wait3A_138 : memref<10240x128xf32, #tpu.memory_space<vmem_shared>>)
      %dma_start3A_139 = arith.constant 5 : i32
      %dma_start3A_140 = arith.constant 0 : i32
      %dma_start3A_141 = tpu.memref_slice %arg7[%dma_start3A_139, %dma_start3A_140] : memref<8x128xi32, #tpu.memory_space<vmem>> -> memref<1x128xi32, #tpu.memory_space<vmem>>
      %dma_start3A_142 = tpu.memref_squeeze %dma_start3A_141 : memref<1x128xi32, #tpu.memory_space<vmem>> -> memref<128xi32, #tpu.memory_space<vmem>>
      %dma_start3A_143 = arith.constant 0 : i32
      %dma_start3A_144 = arith.constant 0 : i32
      %dma_start3A_145 = tpu.memref_slice %arg2[%dma_start3A_143, %dma_start3A_144] : memref<10240x128xf32, #tpu.memory_space<hbm>> -> memref<10240x128xf32, #tpu.memory_space<hbm>>
      tpu.enqueue_indirect_dma source(%dma_start3A_145 : memref<10240x128xf32, #tpu.memory_space<hbm>>) target(%arg10 : memref<128x128xf32, #tpu.memory_space<vmem>>) offsets(%dma_start3A_142 : memref<128xi32, #tpu.memory_space<vmem>>) semaphore(%arg13 : memref<!tpu.dma_semaphore, #tpu.memory_space<semaphore_mem>>)
      %dma_start3A_146 = arith.constant 4 : i32
      %dma_start3A_147 = arith.constant 0 : i32
      %dma_start3A_148 = tpu.memref_slice %arg8[%dma_start3A_146, %dma_start3A_147] : memref<8x128xi32, #tpu.memory_space<vmem>> -> memref<1x128xi32, #tpu.memory_space<vmem>>
      %dma_start3A_149 = tpu.memref_squeeze %dma_start3A_148 : memref<1x128xi32, #tpu.memory_space<vmem>> -> memref<128xi32, #tpu.memory_space<vmem>>
      %dma_start3A_150 = arith.constant 0 : i32
      %dma_start3A_151 = arith.constant 0 : i32
      %dma_start3A_152 = tpu.memref_slice %arg11[%dma_start3A_150, %dma_start3A_151] : memref<10240x128xf32, #tpu.memory_space<vmem_shared>> -> memref<10240x128xf32, #tpu.memory_space<vmem_shared>>
      tpu.enqueue_indirect_dma source(%arg9 : memref<128x128xf32, #tpu.memory_space<vmem>>) target(%dma_start3A_152 : memref<10240x128xf32, #tpu.memory_space<vmem_shared>>) offsets(%dma_start3A_149 : memref<128xi32, #tpu.memory_space<vmem>>) semaphore(%arg14 : memref<!tpu.dma_semaphore, #tpu.memory_space<semaphore_mem>>) {add = true}
      %dma_wait3A_153 = arith.constant 5 : i32
      %dma_wait3A_154 = arith.constant 0 : i32
      %dma_wait3A_155 = tpu.memref_slice %arg7[%dma_wait3A_153, %dma_wait3A_154] : memref<8x128xi32, #tpu.memory_space<vmem>> -> memref<1x128xi32, #tpu.memory_space<vmem>>
      %dma_wait3A_156 = tpu.memref_squeeze %dma_wait3A_155 : memref<1x128xi32, #tpu.memory_space<vmem>> -> memref<128xi32, #tpu.memory_space<vmem>>
      %dma_wait3A_157 = arith.constant 0 : i32
      %dma_wait3A_158 = arith.constant 0 : i32
      %dma_wait3A_159 = tpu.memref_slice %arg2[%dma_wait3A_157, %dma_wait3A_158] : memref<10240x128xf32, #tpu.memory_space<hbm>> -> memref<10240x128xf32, #tpu.memory_space<hbm>>
      tpu.wait_indirect_dma semaphore(%arg13 : memref<!tpu.dma_semaphore, #tpu.memory_space<semaphore_mem>>) src(%dma_wait3A_159 : memref<10240x128xf32, #tpu.memory_space<hbm>>) dst(%arg10 : memref<128x128xf32, #tpu.memory_space<vmem>>)
      %dma_wait3A_160 = arith.constant 4 : i32
      %dma_wait3A_161 = arith.constant 0 : i32
      %dma_wait3A_162 = tpu.memref_slice %arg8[%dma_wait3A_160, %dma_wait3A_161] : memref<8x128xi32, #tpu.memory_space<vmem>> -> memref<1x128xi32, #tpu.memory_space<vmem>>
      %dma_wait3A_163 = tpu.memref_squeeze %dma_wait3A_162 : memref<1x128xi32, #tpu.memory_space<vmem>> -> memref<128xi32, #tpu.memory_space<vmem>>
      %dma_wait3A_164 = arith.constant 0 : i32
      %dma_wait3A_165 = arith.constant 0 : i32
      %dma_wait3A_166 = tpu.memref_slice %arg11[%dma_wait3A_164, %dma_wait3A_165] : memref<10240x128xf32, #tpu.memory_space<vmem_shared>> -> memref<10240x128xf32, #tpu.memory_space<vmem_shared>>
      tpu.wait_indirect_dma semaphore(%arg14 : memref<!tpu.dma_semaphore, #tpu.memory_space<semaphore_mem>>) src(%arg9 : memref<128x128xf32, #tpu.memory_space<vmem>>) dst(%dma_wait3A_166 : memref<10240x128xf32, #tpu.memory_space<vmem_shared>>)
      %dma_start3A_167 = arith.constant 6 : i32
      %dma_start3A_168 = arith.constant 0 : i32
      %dma_start3A_169 = tpu.memref_slice %arg7[%dma_start3A_167, %dma_start3A_168] : memref<8x128xi32, #tpu.memory_space<vmem>> -> memref<1x128xi32, #tpu.memory_space<vmem>>
      %dma_start3A_170 = tpu.memref_squeeze %dma_start3A_169 : memref<1x128xi32, #tpu.memory_space<vmem>> -> memref<128xi32, #tpu.memory_space<vmem>>
      %dma_start3A_171 = arith.constant 0 : i32
      %dma_start3A_172 = arith.constant 0 : i32
      %dma_start3A_173 = tpu.memref_slice %arg2[%dma_start3A_171, %dma_start3A_172] : memref<10240x128xf32, #tpu.memory_space<hbm>> -> memref<10240x128xf32, #tpu.memory_space<hbm>>
      tpu.enqueue_indirect_dma source(%dma_start3A_173 : memref<10240x128xf32, #tpu.memory_space<hbm>>) target(%arg9 : memref<128x128xf32, #tpu.memory_space<vmem>>) offsets(%dma_start3A_170 : memref<128xi32, #tpu.memory_space<vmem>>) semaphore(%arg12 : memref<!tpu.dma_semaphore, #tpu.memory_space<semaphore_mem>>)
      %dma_start3A_174 = arith.constant 5 : i32
      %dma_start3A_175 = arith.constant 0 : i32
      %dma_start3A_176 = tpu.memref_slice %arg8[%dma_start3A_174, %dma_start3A_175] : memref<8x128xi32, #tpu.memory_space<vmem>> -> memref<1x128xi32, #tpu.memory_space<vmem>>
      %dma_start3A_177 = tpu.memref_squeeze %dma_start3A_176 : memref<1x128xi32, #tpu.memory_space<vmem>> -> memref<128xi32, #tpu.memory_space<vmem>>
      %dma_start3A_178 = arith.constant 0 : i32
      %dma_start3A_179 = arith.constant 0 : i32
      %dma_start3A_180 = tpu.memref_slice %arg11[%dma_start3A_178, %dma_start3A_179] : memref<10240x128xf32, #tpu.memory_space<vmem_shared>> -> memref<10240x128xf32, #tpu.memory_space<vmem_shared>>
      tpu.enqueue_indirect_dma source(%arg10 : memref<128x128xf32, #tpu.memory_space<vmem>>) target(%dma_start3A_180 : memref<10240x128xf32, #tpu.memory_space<vmem_shared>>) offsets(%dma_start3A_177 : memref<128xi32, #tpu.memory_space<vmem>>) semaphore(%arg15 : memref<!tpu.dma_semaphore, #tpu.memory_space<semaphore_mem>>) {add = true}
      %dma_wait3A_181 = arith.constant 6 : i32
      %dma_wait3A_182 = arith.constant 0 : i32
      %dma_wait3A_183 = tpu.memref_slice %arg7[%dma_wait3A_181, %dma_wait3A_182] : memref<8x128xi32, #tpu.memory_space<vmem>> -> memref<1x128xi32, #tpu.memory_space<vmem>>
      %dma_wait3A_184 = tpu.memref_squeeze %dma_wait3A_183 : memref<1x128xi32, #tpu.memory_space<vmem>> -> memref<128xi32, #tpu.memory_space<vmem>>
      %dma_wait3A_185 = arith.constant 0 : i32
      %dma_wait3A_186 = arith.constant 0 : i32
      %dma_wait3A_187 = tpu.memref_slice %arg2[%dma_wait3A_185, %dma_wait3A_186] : memref<10240x128xf32, #tpu.memory_space<hbm>> -> memref<10240x128xf32, #tpu.memory_space<hbm>>
      tpu.wait_indirect_dma semaphore(%arg12 : memref<!tpu.dma_semaphore, #tpu.memory_space<semaphore_mem>>) src(%dma_wait3A_187 : memref<10240x128xf32, #tpu.memory_space<hbm>>) dst(%arg9 : memref<128x128xf32, #tpu.memory_space<vmem>>)
      %dma_wait3A_188 = arith.constant 5 : i32
      %dma_wait3A_189 = arith.constant 0 : i32
      %dma_wait3A_190 = tpu.memref_slice %arg8[%dma_wait3A_188, %dma_wait3A_189] : memref<8x128xi32, #tpu.memory_space<vmem>> -> memref<1x128xi32, #tpu.memory_space<vmem>>
      %dma_wait3A_191 = tpu.memref_squeeze %dma_wait3A_190 : memref<1x128xi32, #tpu.memory_space<vmem>> -> memref<128xi32, #tpu.memory_space<vmem>>
      %dma_wait3A_192 = arith.constant 0 : i32
      %dma_wait3A_193 = arith.constant 0 : i32
      %dma_wait3A_194 = tpu.memref_slice %arg11[%dma_wait3A_192, %dma_wait3A_193] : memref<10240x128xf32, #tpu.memory_space<vmem_shared>> -> memref<10240x128xf32, #tpu.memory_space<vmem_shared>>
      tpu.wait_indirect_dma semaphore(%arg15 : memref<!tpu.dma_semaphore, #tpu.memory_space<semaphore_mem>>) src(%arg10 : memref<128x128xf32, #tpu.memory_space<vmem>>) dst(%dma_wait3A_194 : memref<10240x128xf32, #tpu.memory_space<vmem_shared>>)
      %dma_start3A_195 = arith.constant 7 : i32
      %dma_start3A_196 = arith.constant 0 : i32
      %dma_start3A_197 = tpu.memref_slice %arg7[%dma_start3A_195, %dma_start3A_196] : memref<8x128xi32, #tpu.memory_space<vmem>> -> memref<1x128xi32, #tpu.memory_space<vmem>>
      %dma_start3A_198 = tpu.memref_squeeze %dma_start3A_197 : memref<1x128xi32, #tpu.memory_space<vmem>> -> memref<128xi32, #tpu.memory_space<vmem>>
      %dma_start3A_199 = arith.constant 0 : i32
      %dma_start3A_200 = arith.constant 0 : i32
      %dma_start3A_201 = tpu.memref_slice %arg2[%dma_start3A_199, %dma_start3A_200] : memref<10240x128xf32, #tpu.memory_space<hbm>> -> memref<10240x128xf32, #tpu.memory_space<hbm>>
      tpu.enqueue_indirect_dma source(%dma_start3A_201 : memref<10240x128xf32, #tpu.memory_space<hbm>>) target(%arg10 : memref<128x128xf32, #tpu.memory_space<vmem>>) offsets(%dma_start3A_198 : memref<128xi32, #tpu.memory_space<vmem>>) semaphore(%arg13 : memref<!tpu.dma_semaphore, #tpu.memory_space<semaphore_mem>>)
      %dma_start3A_202 = arith.constant 6 : i32
      %dma_start3A_203 = arith.constant 0 : i32
      %dma_start3A_204 = tpu.memref_slice %arg8[%dma_start3A_202, %dma_start3A_203] : memref<8x128xi32, #tpu.memory_space<vmem>> -> memref<1x128xi32, #tpu.memory_space<vmem>>
      %dma_start3A_205 = tpu.memref_squeeze %dma_start3A_204 : memref<1x128xi32, #tpu.memory_space<vmem>> -> memref<128xi32, #tpu.memory_space<vmem>>
      %dma_start3A_206 = arith.constant 0 : i32
      %dma_start3A_207 = arith.constant 0 : i32
      %dma_start3A_208 = tpu.memref_slice %arg11[%dma_start3A_206, %dma_start3A_207] : memref<10240x128xf32, #tpu.memory_space<vmem_shared>> -> memref<10240x128xf32, #tpu.memory_space<vmem_shared>>
      tpu.enqueue_indirect_dma source(%arg9 : memref<128x128xf32, #tpu.memory_space<vmem>>) target(%dma_start3A_208 : memref<10240x128xf32, #tpu.memory_space<vmem_shared>>) offsets(%dma_start3A_205 : memref<128xi32, #tpu.memory_space<vmem>>) semaphore(%arg14 : memref<!tpu.dma_semaphore, #tpu.memory_space<semaphore_mem>>) {add = true}
      %dma_wait3A_209 = arith.constant 7 : i32
      %dma_wait3A_210 = arith.constant 0 : i32
      %dma_wait3A_211 = tpu.memref_slice %arg7[%dma_wait3A_209, %dma_wait3A_210] : memref<8x128xi32, #tpu.memory_space<vmem>> -> memref<1x128xi32, #tpu.memory_space<vmem>>
      %dma_wait3A_212 = tpu.memref_squeeze %dma_wait3A_211 : memref<1x128xi32, #tpu.memory_space<vmem>> -> memref<128xi32, #tpu.memory_space<vmem>>
      %dma_wait3A_213 = arith.constant 0 : i32
      %dma_wait3A_214 = arith.constant 0 : i32
      %dma_wait3A_215 = tpu.memref_slice %arg2[%dma_wait3A_213, %dma_wait3A_214] : memref<10240x128xf32, #tpu.memory_space<hbm>> -> memref<10240x128xf32, #tpu.memory_space<hbm>>
      tpu.wait_indirect_dma semaphore(%arg13 : memref<!tpu.dma_semaphore, #tpu.memory_space<semaphore_mem>>) src(%dma_wait3A_215 : memref<10240x128xf32, #tpu.memory_space<hbm>>) dst(%arg10 : memref<128x128xf32, #tpu.memory_space<vmem>>)
      %dma_start3A_216 = arith.constant 7 : i32
      %dma_start3A_217 = arith.constant 0 : i32
      %dma_start3A_218 = tpu.memref_slice %arg8[%dma_start3A_216, %dma_start3A_217] : memref<8x128xi32, #tpu.memory_space<vmem>> -> memref<1x128xi32, #tpu.memory_space<vmem>>
      %dma_start3A_219 = tpu.memref_squeeze %dma_start3A_218 : memref<1x128xi32, #tpu.memory_space<vmem>> -> memref<128xi32, #tpu.memory_space<vmem>>
      %dma_start3A_220 = arith.constant 0 : i32
      %dma_start3A_221 = arith.constant 0 : i32
      %dma_start3A_222 = tpu.memref_slice %arg11[%dma_start3A_220, %dma_start3A_221] : memref<10240x128xf32, #tpu.memory_space<vmem_shared>> -> memref<10240x128xf32, #tpu.memory_space<vmem_shared>>
      tpu.enqueue_indirect_dma source(%arg10 : memref<128x128xf32, #tpu.memory_space<vmem>>) target(%dma_start3A_222 : memref<10240x128xf32, #tpu.memory_space<vmem_shared>>) offsets(%dma_start3A_219 : memref<128xi32, #tpu.memory_space<vmem>>) semaphore(%arg15 : memref<!tpu.dma_semaphore, #tpu.memory_space<semaphore_mem>>) {add = true}
      %dma_wait3A_223 = arith.constant 6 : i32
      %dma_wait3A_224 = arith.constant 0 : i32
      %dma_wait3A_225 = tpu.memref_slice %arg8[%dma_wait3A_223, %dma_wait3A_224] : memref<8x128xi32, #tpu.memory_space<vmem>> -> memref<1x128xi32, #tpu.memory_space<vmem>>
      %dma_wait3A_226 = tpu.memref_squeeze %dma_wait3A_225 : memref<1x128xi32, #tpu.memory_space<vmem>> -> memref<128xi32, #tpu.memory_space<vmem>>
      %dma_wait3A_227 = arith.constant 0 : i32
      %dma_wait3A_228 = arith.constant 0 : i32
      %dma_wait3A_229 = tpu.memref_slice %arg11[%dma_wait3A_227, %dma_wait3A_228] : memref<10240x128xf32, #tpu.memory_space<vmem_shared>> -> memref<10240x128xf32, #tpu.memory_space<vmem_shared>>
      tpu.wait_indirect_dma semaphore(%arg14 : memref<!tpu.dma_semaphore, #tpu.memory_space<semaphore_mem>>) src(%arg9 : memref<128x128xf32, #tpu.memory_space<vmem>>) dst(%dma_wait3A_229 : memref<10240x128xf32, #tpu.memory_space<vmem_shared>>)
      %dma_wait3A_230 = arith.constant 7 : i32
      %dma_wait3A_231 = arith.constant 0 : i32
      %dma_wait3A_232 = tpu.memref_slice %arg8[%dma_wait3A_230, %dma_wait3A_231] : memref<8x128xi32, #tpu.memory_space<vmem>> -> memref<1x128xi32, #tpu.memory_space<vmem>>
      %dma_wait3A_233 = tpu.memref_squeeze %dma_wait3A_232 : memref<1x128xi32, #tpu.memory_space<vmem>> -> memref<128xi32, #tpu.memory_space<vmem>>
      %dma_wait3A_234 = arith.constant 0 : i32
      %dma_wait3A_235 = arith.constant 0 : i32
      %dma_wait3A_236 = tpu.memref_slice %arg11[%dma_wait3A_234, %dma_wait3A_235] : memref<10240x128xf32, #tpu.memory_space<vmem_shared>> -> memref<10240x128xf32, #tpu.memory_space<vmem_shared>>
      tpu.wait_indirect_dma semaphore(%arg15 : memref<!tpu.dma_semaphore, #tpu.memory_space<semaphore_mem>>) src(%arg10 : memref<128x128xf32, #tpu.memory_space<vmem>>) dst(%dma_wait3A_236 : memref<10240x128xf32, #tpu.memory_space<vmem_shared>>)
    }
    %scan3A_7 = arith.constant 10 : i32
    %barrier3A_8 = arith.constant 0 : index
    tpu.barrier barrier_id(%barrier3A_8)
    "tpu.region"() ({
      %run_scoped3A = tpu.sem_alloc : memref<!tpu.dma_semaphore, #tpu.memory_space<semaphore_mem>>
      %dma_start3A = arith.constant 0 : i32
      %dma_start3A_9 = tpu.memref_slice %arg6[%arg0, %mul3A_2, %dma_start3A] : memref<2x10240x128xf32, #tpu.memory_space<hbm>> -> memref<1x640x128xf32, #tpu.memory_space<hbm>>
      %dma_start3A_10 = tpu.memref_squeeze %dma_start3A_9 : memref<1x640x128xf32, #tpu.memory_space<hbm>> -> memref<640x128xf32, #tpu.memory_space<hbm>>
      %dma_start3A_11 = arith.constant 0 : i32
      %dma_start3A_12 = tpu.memref_slice %arg11[%mul3A_2, %dma_start3A_11] : memref<10240x128xf32, #tpu.memory_space<vmem_shared>> -> memref<640x128xf32, #tpu.memory_space<vmem_shared>>
      tpu.enqueue_dma source(%dma_start3A_12 : memref<640x128xf32, #tpu.memory_space<vmem_shared>>) target(%dma_start3A_10 : memref<640x128xf32, #tpu.memory_space<hbm>>) target_semaphore(%run_scoped3A : memref<!tpu.dma_semaphore, #tpu.memory_space<semaphore_mem>>)
      %dma_wait3A = arith.constant 0 : i32
      %dma_wait3A_13 = tpu.memref_slice %arg6[%arg0, %mul3A_2, %dma_wait3A] : memref<2x10240x128xf32, #tpu.memory_space<hbm>> -> memref<1x640x128xf32, #tpu.memory_space<hbm>>
      %dma_wait3A_14 = tpu.memref_squeeze %dma_wait3A_13 : memref<1x640x128xf32, #tpu.memory_space<hbm>> -> memref<640x128xf32, #tpu.memory_space<hbm>>
      %dma_wait3A_15 = arith.constant 0 : i32
      %dma_wait3A_16 = tpu.memref_slice %arg11[%mul3A_2, %dma_wait3A_15] : memref<10240x128xf32, #tpu.memory_space<vmem_shared>> -> memref<640x128xf32, #tpu.memory_space<vmem_shared>>
      tpu.wait_dma2 semaphore(%run_scoped3A : memref<!tpu.dma_semaphore, #tpu.memory_space<semaphore_mem>>) src(%dma_wait3A_16 : memref<640x128xf32, #tpu.memory_space<vmem_shared>>) dst(%dma_wait3A_14 : memref<640x128xf32, #tpu.memory_space<hbm>>)
      tpu.yield
    }) : () -> ()
    return
  }
}

#map = affine_map<(d0, d1) -> (0, 0)>
#map1 = affine_map<(d0, d1) -> (0, 0, 0)>
module attributes {stable_mosaic.version = 14 : i64} {
  func.func @body(%arg0: i32, %arg1: i32, %arg2: memref<10240x128xf32, #tpu.memory_space<hbm>>, %arg3: memref<2560x128xi32, #tpu.memory_space<hbm>>, %arg4: memref<2560x128xi32, #tpu.memory_space<hbm>>, %arg5: memref<10240x128xf32, #tpu.memory_space<hbm>>, %arg6: memref<2x10240x128xf32, #tpu.memory_space<hbm>>, %arg7: memref<8x128xi32, #tpu.memory_space<vmem>>, %arg8: memref<8x128xi32, #tpu.memory_space<vmem>>, %arg9: memref<128x128xf32, #tpu.memory_space<vmem>>, %arg10: memref<128x128xf32, #tpu.memory_space<vmem>>, %arg11: memref<10240x128xf32, #tpu.memory_space<vmem_shared>>, %arg12: memref<!tpu.dma_semaphore, #tpu.memory_space<semaphore_mem>>, %arg13: memref<!tpu.dma_semaphore, #tpu.memory_space<semaphore_mem>>, %arg14: memref<!tpu.dma_semaphore, #tpu.memory_space<semaphore_mem>>, %arg15: memref<!tpu.dma_semaphore, #tpu.memory_space<semaphore_mem>>) attributes {dimension_semantics = [#tpu.dimension_semantics<core_parallel>, #tpu.dimension_semantics<subcore_parallel>], iteration_bounds = array<i64: 2, 16>, scalar_prefetch = 0 : i64, scratch_operands = 9 : i64, tpu.core_type = #tpu.core_type<sc_vector_subcore>, window_params = [{transform_indices = #map}, {transform_indices = #map}, {transform_indices = #map}, {transform_indices = #map}, {transform_indices = #map1}]} {
    %mul3A = arith.constant 2 : i32
    %mul3A_0 = arith.muli %arg1, %mul3A : i32
    %add3A = arith.addi %mul3A_0, %arg0 : i32
    %mul3A_1 = arith.constant 640 : i32
    %mul3A_2 = arith.muli %arg1, %mul3A_1 : i32
    "tpu.region"() ({
      %run_scoped3A = tpu.sem_alloc : memref<!tpu.dma_semaphore, #tpu.memory_space<semaphore_mem>>
      %dma_start3A = arith.constant 0 : i32
      %dma_start3A_9 = tpu.memref_slice %arg11[%mul3A_2, %dma_start3A] : memref<10240x128xf32, #tpu.memory_space<vmem_shared>> -> memref<640x128xf32, #tpu.memory_space<vmem_shared>>
      %dma_start3A_10 = arith.constant 0 : i32
      %dma_start3A_11 = tpu.memref_slice %arg5[%mul3A_2, %dma_start3A_10] : memref<10240x128xf32, #tpu.memory_space<hbm>> -> memref<640x128xf32, #tpu.memory_space<hbm>>
      tpu.enqueue_dma source(%dma_start3A_11 : memref<640x128xf32, #tpu.memory_space<hbm>>) target(%dma_start3A_9 : memref<640x128xf32, #tpu.memory_space<vmem_shared>>) target_semaphore(%run_scoped3A : memref<!tpu.dma_semaphore, #tpu.memory_space<semaphore_mem>>)
      %dma_wait3A = arith.constant 0 : i32
      %dma_wait3A_12 = tpu.memref_slice %arg11[%mul3A_2, %dma_wait3A] : memref<10240x128xf32, #tpu.memory_space<vmem_shared>> -> memref<640x128xf32, #tpu.memory_space<vmem_shared>>
      %dma_wait3A_13 = arith.constant 0 : i32
      %dma_wait3A_14 = tpu.memref_slice %arg5[%mul3A_2, %dma_wait3A_13] : memref<10240x128xf32, #tpu.memory_space<hbm>> -> memref<640x128xf32, #tpu.memory_space<hbm>>
      tpu.wait_dma2 semaphore(%run_scoped3A : memref<!tpu.dma_semaphore, #tpu.memory_space<semaphore_mem>>) src(%dma_wait3A_14 : memref<640x128xf32, #tpu.memory_space<hbm>>) dst(%dma_wait3A_12 : memref<640x128xf32, #tpu.memory_space<vmem_shared>>)
      tpu.yield
    }) : () -> ()
    %barrier3A = arith.constant 0 : index
    tpu.barrier barrier_id(%barrier3A)
    %scan3A = arith.constant 0 : i32
    %scan3A_3 = arith.constant 0 : i32
    %scan3A_4 = arith.constant 10 : i32
    %scan3A_5 = arith.addi %scan3A_3, %scan3A_4 : i32
    %scan3A_6 = arith.constant 1 : i32
    scf.for %scan3A_9 = %scan3A_3 to %scan3A_5 step %scan3A_6  : i32 {
      %mul3A_10 = arith.constant 80 : i32
      %mul3A_11 = arith.muli %add3A, %mul3A_10 : i32
      %mul3A_12 = arith.constant 8 : i32
      %mul3A_13 = arith.muli %scan3A_9, %mul3A_12 : i32
      %add3A_14 = arith.addi %mul3A_11, %mul3A_13 : i32
      "tpu.region"() ({
        %run_scoped3A = tpu.sem_alloc : memref<!tpu.dma_semaphore, #tpu.memory_space<semaphore_mem>>
        %dma_start3A_237 = arith.constant 0 : i32
        %dma_start3A_238 = tpu.memref_slice %arg3[%add3A_14, %dma_start3A_237] : memref<2560x128xi32, #tpu.memory_space<hbm>> -> memref<8x128xi32, #tpu.memory_space<hbm>>
        %dma_start3A_239 = arith.constant 0 : i32
        %dma_start3A_240 = tpu.memref_slice %arg3[%add3A_14, %dma_start3A_239] : memref<2560x128xi32, #tpu.memory_space<hbm>> -> memref<8x128xi32, #tpu.memory_space<hbm>>
        tpu.enqueue_dma source(%dma_start3A_240 : memref<8x128xi32, #tpu.memory_space<hbm>>) target(%arg7 : memref<8x128xi32, #tpu.memory_space<vmem>>) target_semaphore(%run_scoped3A : memref<!tpu.dma_semaphore, #tpu.memory_space<semaphore_mem>>)
        %dma_wait3A_241 = arith.constant 0 : i32
        %dma_wait3A_242 = tpu.memref_slice %arg3[%add3A_14, %dma_wait3A_241] : memref<2560x128xi32, #tpu.memory_space<hbm>> -> memref<8x128xi32, #tpu.memory_space<hbm>>
        %dma_wait3A_243 = arith.constant 0 : i32
        %dma_wait3A_244 = tpu.memref_slice %arg3[%add3A_14, %dma_wait3A_243] : memref<2560x128xi32, #tpu.memory_space<hbm>> -> memref<8x128xi32, #tpu.memory_space<hbm>>
        tpu.wait_dma2 semaphore(%run_scoped3A : memref<!tpu.dma_semaphore, #tpu.memory_space<semaphore_mem>>) src(%dma_wait3A_244 : memref<8x128xi32, #tpu.memory_space<hbm>>) dst(%arg7 : memref<8x128xi32, #tpu.memory_space<vmem>>)
        tpu.yield
      }) : () -> ()
      "tpu.region"() ({
        %run_scoped3A = tpu.sem_alloc : memref<!tpu.dma_semaphore, #tpu.memory_space<semaphore_mem>>
        %dma_start3A_237 = arith.constant 0 : i32
        %dma_start3A_238 = tpu.memref_slice %arg4[%add3A_14, %dma_start3A_237] : memref<2560x128xi32, #tpu.memory_space<hbm>> -> memref<8x128xi32, #tpu.memory_space<hbm>>
        %dma_start3A_239 = arith.constant 0 : i32
        %dma_start3A_240 = tpu.memref_slice %arg4[%add3A_14, %dma_start3A_239] : memref<2560x128xi32, #tpu.memory_space<hbm>> -> memref<8x128xi32, #tpu.memory_space<hbm>>
        tpu.enqueue_dma source(%dma_start3A_240 : memref<8x128xi32, #tpu.memory_space<hbm>>) target(%arg8 : memref<8x128xi32, #tpu.memory_space<vmem>>) target_semaphore(%run_scoped3A : memref<!tpu.dma_semaphore, #tpu.memory_space<semaphore_mem>>)
        %dma_wait3A_241 = arith.constant 0 : i32
        %dma_wait3A_242 = tpu.memref_slice %arg4[%add3A_14, %dma_wait3A_241] : memref<2560x128xi32, #tpu.memory_space<hbm>> -> memref<8x128xi32, #tpu.memory_space<hbm>>
        %dma_wait3A_243 = arith.constant 0 : i32
        %dma_wait3A_244 = tpu.memref_slice %arg4[%add3A_14, %dma_wait3A_243] : memref<2560x128xi32, #tpu.memory_space<hbm>> -> memref<8x128xi32, #tpu.memory_space<hbm>>
        tpu.wait_dma2 semaphore(%run_scoped3A : memref<!tpu.dma_semaphore, #tpu.memory_space<semaphore_mem>>) src(%dma_wait3A_244 : memref<8x128xi32, #tpu.memory_space<hbm>>) dst(%arg8 : memref<8x128xi32, #tpu.memory_space<vmem>>)
        tpu.yield
      }) : () -> ()
      %dma_start3A = arith.constant 0 : i32
      %dma_start3A_15 = arith.constant 0 : i32
      %dma_start3A_16 = tpu.memref_slice %arg7[%dma_start3A, %dma_start3A_15] : memref<8x128xi32, #tpu.memory_space<vmem>> -> memref<1x128xi32, #tpu.memory_space<vmem>>
      %dma_start3A_17 = tpu.memref_squeeze %dma_start3A_16 : memref<1x128xi32, #tpu.memory_space<vmem>> -> memref<128xi32, #tpu.memory_space<vmem>>
      %dma_start3A_18 = arith.constant 0 : i32
      %dma_start3A_19 = arith.constant 0 : i32
      %dma_start3A_20 = tpu.memref_slice %arg2[%dma_start3A_18, %dma_start3A_19] : memref<10240x128xf32, #tpu.memory_space<hbm>> -> memref<10240x128xf32, #tpu.memory_space<hbm>>
      tpu.enqueue_indirect_dma source(%dma_start3A_20 : memref<10240x128xf32, #tpu.memory_space<hbm>>) target(%arg9 : memref<128x128xf32, #tpu.memory_space<vmem>>) offsets(%dma_start3A_17 : memref<128xi32, #tpu.memory_space<vmem>>) semaphore(%arg12 : memref<!tpu.dma_semaphore, #tpu.memory_space<semaphore_mem>>)
      %dma_wait3A = arith.constant 0 : i32
      %dma_wait3A_21 = arith.constant 0 : i32
      %dma_wait3A_22 = tpu.memref_slice %arg7[%dma_wait3A, %dma_wait3A_21] : memref<8x128xi32, #tpu.memory_space<vmem>> -> memref<1x128xi32, #tpu.memory_space<vmem>>
      %dma_wait3A_23 = tpu.memref_squeeze %dma_wait3A_22 : memref<1x128xi32, #tpu.memory_space<vmem>> -> memref<128xi32, #tpu.memory_space<vmem>>
      %dma_wait3A_24 = arith.constant 0 : i32
      %dma_wait3A_25 = arith.constant 0 : i32
      %dma_wait3A_26 = tpu.memref_slice %arg2[%dma_wait3A_24, %dma_wait3A_25] : memref<10240x128xf32, #tpu.memory_space<hbm>> -> memref<10240x128xf32, #tpu.memory_space<hbm>>
      tpu.wait_indirect_dma semaphore(%arg12 : memref<!tpu.dma_semaphore, #tpu.memory_space<semaphore_mem>>) src(%dma_wait3A_26 : memref<10240x128xf32, #tpu.memory_space<hbm>>) dst(%arg9 : memref<128x128xf32, #tpu.memory_space<vmem>>)
      %dma_start3A_27 = arith.constant 1 : i32
      %dma_start3A_28 = arith.constant 0 : i32
      %dma_start3A_29 = tpu.memref_slice %arg7[%dma_start3A_27, %dma_start3A_28] : memref<8x128xi32, #tpu.memory_space<vmem>> -> memref<1x128xi32, #tpu.memory_space<vmem>>
      %dma_start3A_30 = tpu.memref_squeeze %dma_start3A_29 : memref<1x128xi32, #tpu.memory_space<vmem>> -> memref<128xi32, #tpu.memory_space<vmem>>
      %dma_start3A_31 = arith.constant 0 : i32
      %dma_start3A_32 = arith.constant 0 : i32
      %dma_start3A_33 = tpu.memref_slice %arg2[%dma_start3A_31, %dma_start3A_32] : memref<10240x128xf32, #tpu.memory_space<hbm>> -> memref<10240x128xf32, #tpu.memory_space<hbm>>
      tpu.enqueue_indirect_dma source(%dma_start3A_33 : memref<10240x128xf32, #tpu.memory_space<hbm>>) target(%arg10 : memref<128x128xf32, #tpu.memory_space<vmem>>) offsets(%dma_start3A_30 : memref<128xi32, #tpu.memory_space<vmem>>) semaphore(%arg13 : memref<!tpu.dma_semaphore, #tpu.memory_space<semaphore_mem>>)
      %dma_start3A_34 = arith.constant 0 : i32
      %dma_start3A_35 = arith.constant 0 : i32
      %dma_start3A_36 = tpu.memref_slice %arg8[%dma_start3A_34, %dma_start3A_35] : memref<8x128xi32, #tpu.memory_space<vmem>> -> memref<1x128xi32, #tpu.memory_space<vmem>>
      %dma_start3A_37 = tpu.memref_squeeze %dma_start3A_36 : memref<1x128xi32, #tpu.memory_space<vmem>> -> memref<128xi32, #tpu.memory_space<vmem>>
      %dma_start3A_38 = arith.constant 0 : i32
      %dma_start3A_39 = arith.constant 0 : i32
      %dma_start3A_40 = tpu.memref_slice %arg11[%dma_start3A_38, %dma_start3A_39] : memref<10240x128xf32, #tpu.memory_space<vmem_shared>> -> memref<10240x128xf32, #tpu.memory_space<vmem_shared>>
      tpu.enqueue_indirect_dma source(%arg9 : memref<128x128xf32, #tpu.memory_space<vmem>>) target(%dma_start3A_40 : memref<10240x128xf32, #tpu.memory_space<vmem_shared>>) offsets(%dma_start3A_37 : memref<128xi32, #tpu.memory_space<vmem>>) semaphore(%arg14 : memref<!tpu.dma_semaphore, #tpu.memory_space<semaphore_mem>>) {add = true}
      %dma_wait3A_41 = arith.constant 1 : i32
      %dma_wait3A_42 = arith.constant 0 : i32
      %dma_wait3A_43 = tpu.memref_slice %arg7[%dma_wait3A_41, %dma_wait3A_42] : memref<8x128xi32, #tpu.memory_space<vmem>> -> memref<1x128xi32, #tpu.memory_space<vmem>>
      %dma_wait3A_44 = tpu.memref_squeeze %dma_wait3A_43 : memref<1x128xi32, #tpu.memory_space<vmem>> -> memref<128xi32, #tpu.memory_space<vmem>>
      %dma_wait3A_45 = arith.constant 0 : i32
      %dma_wait3A_46 = arith.constant 0 : i32
      %dma_wait3A_47 = tpu.memref_slice %arg2[%dma_wait3A_45, %dma_wait3A_46] : memref<10240x128xf32, #tpu.memory_space<hbm>> -> memref<10240x128xf32, #tpu.memory_space<hbm>>
      tpu.wait_indirect_dma semaphore(%arg13 : memref<!tpu.dma_semaphore, #tpu.memory_space<semaphore_mem>>) src(%dma_wait3A_47 : memref<10240x128xf32, #tpu.memory_space<hbm>>) dst(%arg10 : memref<128x128xf32, #tpu.memory_space<vmem>>)
      %dma_wait3A_48 = arith.constant 0 : i32
      %dma_wait3A_49 = arith.constant 0 : i32
      %dma_wait3A_50 = tpu.memref_slice %arg8[%dma_wait3A_48, %dma_wait3A_49] : memref<8x128xi32, #tpu.memory_space<vmem>> -> memref<1x128xi32, #tpu.memory_space<vmem>>
      %dma_wait3A_51 = tpu.memref_squeeze %dma_wait3A_50 : memref<1x128xi32, #tpu.memory_space<vmem>> -> memref<128xi32, #tpu.memory_space<vmem>>
      %dma_wait3A_52 = arith.constant 0 : i32
      %dma_wait3A_53 = arith.constant 0 : i32
      %dma_wait3A_54 = tpu.memref_slice %arg11[%dma_wait3A_52, %dma_wait3A_53] : memref<10240x128xf32, #tpu.memory_space<vmem_shared>> -> memref<10240x128xf32, #tpu.memory_space<vmem_shared>>
      tpu.wait_indirect_dma semaphore(%arg14 : memref<!tpu.dma_semaphore, #tpu.memory_space<semaphore_mem>>) src(%arg9 : memref<128x128xf32, #tpu.memory_space<vmem>>) dst(%dma_wait3A_54 : memref<10240x128xf32, #tpu.memory_space<vmem_shared>>)
      %dma_start3A_55 = arith.constant 2 : i32
      %dma_start3A_56 = arith.constant 0 : i32
      %dma_start3A_57 = tpu.memref_slice %arg7[%dma_start3A_55, %dma_start3A_56] : memref<8x128xi32, #tpu.memory_space<vmem>> -> memref<1x128xi32, #tpu.memory_space<vmem>>
      %dma_start3A_58 = tpu.memref_squeeze %dma_start3A_57 : memref<1x128xi32, #tpu.memory_space<vmem>> -> memref<128xi32, #tpu.memory_space<vmem>>
      %dma_start3A_59 = arith.constant 0 : i32
      %dma_start3A_60 = arith.constant 0 : i32
      %dma_start3A_61 = tpu.memref_slice %arg2[%dma_start3A_59, %dma_start3A_60] : memref<10240x128xf32, #tpu.memory_space<hbm>> -> memref<10240x128xf32, #tpu.memory_space<hbm>>
      tpu.enqueue_indirect_dma source(%dma_start3A_61 : memref<10240x128xf32, #tpu.memory_space<hbm>>) target(%arg9 : memref<128x128xf32, #tpu.memory_space<vmem>>) offsets(%dma_start3A_58 : memref<128xi32, #tpu.memory_space<vmem>>) semaphore(%arg12 : memref<!tpu.dma_semaphore, #tpu.memory_space<semaphore_mem>>)
      %dma_start3A_62 = arith.constant 1 : i32
      %dma_start3A_63 = arith.constant 0 : i32
      %dma_start3A_64 = tpu.memref_slice %arg8[%dma_start3A_62, %dma_start3A_63] : memref<8x128xi32, #tpu.memory_space<vmem>> -> memref<1x128xi32, #tpu.memory_space<vmem>>
      %dma_start3A_65 = tpu.memref_squeeze %dma_start3A_64 : memref<1x128xi32, #tpu.memory_space<vmem>> -> memref<128xi32, #tpu.memory_space<vmem>>
      %dma_start3A_66 = arith.constant 0 : i32
      %dma_start3A_67 = arith.constant 0 : i32
      %dma_start3A_68 = tpu.memref_slice %arg11[%dma_start3A_66, %dma_start3A_67] : memref<10240x128xf32, #tpu.memory_space<vmem_shared>> -> memref<10240x128xf32, #tpu.memory_space<vmem_shared>>
      tpu.enqueue_indirect_dma source(%arg10 : memref<128x128xf32, #tpu.memory_space<vmem>>) target(%dma_start3A_68 : memref<10240x128xf32, #tpu.memory_space<vmem_shared>>) offsets(%dma_start3A_65 : memref<128xi32, #tpu.memory_space<vmem>>) semaphore(%arg15 : memref<!tpu.dma_semaphore, #tpu.memory_space<semaphore_mem>>) {add = true}
      %dma_wait3A_69 = arith.constant 2 : i32
      %dma_wait3A_70 = arith.constant 0 : i32
      %dma_wait3A_71 = tpu.memref_slice %arg7[%dma_wait3A_69, %dma_wait3A_70] : memref<8x128xi32, #tpu.memory_space<vmem>> -> memref<1x128xi32, #tpu.memory_space<vmem>>
      %dma_wait3A_72 = tpu.memref_squeeze %dma_wait3A_71 : memref<1x128xi32, #tpu.memory_space<vmem>> -> memref<128xi32, #tpu.memory_space<vmem>>
      %dma_wait3A_73 = arith.constant 0 : i32
      %dma_wait3A_74 = arith.constant 0 : i32
      %dma_wait3A_75 = tpu.memref_slice %arg2[%dma_wait3A_73, %dma_wait3A_74] : memref<10240x128xf32, #tpu.memory_space<hbm>> -> memref<10240x128xf32, #tpu.memory_space<hbm>>
      tpu.wait_indirect_dma semaphore(%arg12 : memref<!tpu.dma_semaphore, #tpu.memory_space<semaphore_mem>>) src(%dma_wait3A_75 : memref<10240x128xf32, #tpu.memory_space<hbm>>) dst(%arg9 : memref<128x128xf32, #tpu.memory_space<vmem>>)
      %dma_wait3A_76 = arith.constant 1 : i32
      %dma_wait3A_77 = arith.constant 0 : i32
      %dma_wait3A_78 = tpu.memref_slice %arg8[%dma_wait3A_76, %dma_wait3A_77] : memref<8x128xi32, #tpu.memory_space<vmem>> -> memref<1x128xi32, #tpu.memory_space<vmem>>
      %dma_wait3A_79 = tpu.memref_squeeze %dma_wait3A_78 : memref<1x128xi32, #tpu.memory_space<vmem>> -> memref<128xi32, #tpu.memory_space<vmem>>
      %dma_wait3A_80 = arith.constant 0 : i32
      %dma_wait3A_81 = arith.constant 0 : i32
      %dma_wait3A_82 = tpu.memref_slice %arg11[%dma_wait3A_80, %dma_wait3A_81] : memref<10240x128xf32, #tpu.memory_space<vmem_shared>> -> memref<10240x128xf32, #tpu.memory_space<vmem_shared>>
      tpu.wait_indirect_dma semaphore(%arg15 : memref<!tpu.dma_semaphore, #tpu.memory_space<semaphore_mem>>) src(%arg10 : memref<128x128xf32, #tpu.memory_space<vmem>>) dst(%dma_wait3A_82 : memref<10240x128xf32, #tpu.memory_space<vmem_shared>>)
      %dma_start3A_83 = arith.constant 3 : i32
      %dma_start3A_84 = arith.constant 0 : i32
      %dma_start3A_85 = tpu.memref_slice %arg7[%dma_start3A_83, %dma_start3A_84] : memref<8x128xi32, #tpu.memory_space<vmem>> -> memref<1x128xi32, #tpu.memory_space<vmem>>
      %dma_start3A_86 = tpu.memref_squeeze %dma_start3A_85 : memref<1x128xi32, #tpu.memory_space<vmem>> -> memref<128xi32, #tpu.memory_space<vmem>>
      %dma_start3A_87 = arith.constant 0 : i32
      %dma_start3A_88 = arith.constant 0 : i32
      %dma_start3A_89 = tpu.memref_slice %arg2[%dma_start3A_87, %dma_start3A_88] : memref<10240x128xf32, #tpu.memory_space<hbm>> -> memref<10240x128xf32, #tpu.memory_space<hbm>>
      tpu.enqueue_indirect_dma source(%dma_start3A_89 : memref<10240x128xf32, #tpu.memory_space<hbm>>) target(%arg10 : memref<128x128xf32, #tpu.memory_space<vmem>>) offsets(%dma_start3A_86 : memref<128xi32, #tpu.memory_space<vmem>>) semaphore(%arg13 : memref<!tpu.dma_semaphore, #tpu.memory_space<semaphore_mem>>)
      %dma_start3A_90 = arith.constant 2 : i32
      %dma_start3A_91 = arith.constant 0 : i32
      %dma_start3A_92 = tpu.memref_slice %arg8[%dma_start3A_90, %dma_start3A_91] : memref<8x128xi32, #tpu.memory_space<vmem>> -> memref<1x128xi32, #tpu.memory_space<vmem>>
      %dma_start3A_93 = tpu.memref_squeeze %dma_start3A_92 : memref<1x128xi32, #tpu.memory_space<vmem>> -> memref<128xi32, #tpu.memory_space<vmem>>
      %dma_start3A_94 = arith.constant 0 : i32
      %dma_start3A_95 = arith.constant 0 : i32
      %dma_start3A_96 = tpu.memref_slice %arg11[%dma_start3A_94, %dma_start3A_95] : memref<10240x128xf32, #tpu.memory_space<vmem_shared>> -> memref<10240x128xf32, #tpu.memory_space<vmem_shared>>
      tpu.enqueue_indirect_dma source(%arg9 : memref<128x128xf32, #tpu.memory_space<vmem>>) target(%dma_start3A_96 : memref<10240x128xf32, #tpu.memory_space<vmem_shared>>) offsets(%dma_start3A_93 : memref<128xi32, #tpu.memory_space<vmem>>) semaphore(%arg14 : memref<!tpu.dma_semaphore, #tpu.memory_space<semaphore_mem>>) {add = true}
      %dma_wait3A_97 = arith.constant 3 : i32
      %dma_wait3A_98 = arith.constant 0 : i32
      %dma_wait3A_99 = tpu.memref_slice %arg7[%dma_wait3A_97, %dma_wait3A_98] : memref<8x128xi32, #tpu.memory_space<vmem>> -> memref<1x128xi32, #tpu.memory_space<vmem>>
      %dma_wait3A_100 = tpu.memref_squeeze %dma_wait3A_99 : memref<1x128xi32, #tpu.memory_space<vmem>> -> memref<128xi32, #tpu.memory_space<vmem>>
      %dma_wait3A_101 = arith.constant 0 : i32
      %dma_wait3A_102 = arith.constant 0 : i32
      %dma_wait3A_103 = tpu.memref_slice %arg2[%dma_wait3A_101, %dma_wait3A_102] : memref<10240x128xf32, #tpu.memory_space<hbm>> -> memref<10240x128xf32, #tpu.memory_space<hbm>>
      tpu.wait_indirect_dma semaphore(%arg13 : memref<!tpu.dma_semaphore, #tpu.memory_space<semaphore_mem>>) src(%dma_wait3A_103 : memref<10240x128xf32, #tpu.memory_space<hbm>>) dst(%arg10 : memref<128x128xf32, #tpu.memory_space<vmem>>)
      %dma_wait3A_104 = arith.constant 2 : i32
      %dma_wait3A_105 = arith.constant 0 : i32
      %dma_wait3A_106 = tpu.memref_slice %arg8[%dma_wait3A_104, %dma_wait3A_105] : memref<8x128xi32, #tpu.memory_space<vmem>> -> memref<1x128xi32, #tpu.memory_space<vmem>>
      %dma_wait3A_107 = tpu.memref_squeeze %dma_wait3A_106 : memref<1x128xi32, #tpu.memory_space<vmem>> -> memref<128xi32, #tpu.memory_space<vmem>>
      %dma_wait3A_108 = arith.constant 0 : i32
      %dma_wait3A_109 = arith.constant 0 : i32
      %dma_wait3A_110 = tpu.memref_slice %arg11[%dma_wait3A_108, %dma_wait3A_109] : memref<10240x128xf32, #tpu.memory_space<vmem_shared>> -> memref<10240x128xf32, #tpu.memory_space<vmem_shared>>
      tpu.wait_indirect_dma semaphore(%arg14 : memref<!tpu.dma_semaphore, #tpu.memory_space<semaphore_mem>>) src(%arg9 : memref<128x128xf32, #tpu.memory_space<vmem>>) dst(%dma_wait3A_110 : memref<10240x128xf32, #tpu.memory_space<vmem_shared>>)
      %dma_start3A_111 = arith.constant 4 : i32
      %dma_start3A_112 = arith.constant 0 : i32
      %dma_start3A_113 = tpu.memref_slice %arg7[%dma_start3A_111, %dma_start3A_112] : memref<8x128xi32, #tpu.memory_space<vmem>> -> memref<1x128xi32, #tpu.memory_space<vmem>>
      %dma_start3A_114 = tpu.memref_squeeze %dma_start3A_113 : memref<1x128xi32, #tpu.memory_space<vmem>> -> memref<128xi32, #tpu.memory_space<vmem>>
      %dma_start3A_115 = arith.constant 0 : i32
      %dma_start3A_116 = arith.constant 0 : i32
      %dma_start3A_117 = tpu.memref_slice %arg2[%dma_start3A_115, %dma_start3A_116] : memref<10240x128xf32, #tpu.memory_space<hbm>> -> memref<10240x128xf32, #tpu.memory_space<hbm>>
      tpu.enqueue_indirect_dma source(%dma_start3A_117 : memref<10240x128xf32, #tpu.memory_space<hbm>>) target(%arg9 : memref<128x128xf32, #tpu.memory_space<vmem>>) offsets(%dma_start3A_114 : memref<128xi32, #tpu.memory_space<vmem>>) semaphore(%arg12 : memref<!tpu.dma_semaphore, #tpu.memory_space<semaphore_mem>>)
      %dma_start3A_118 = arith.constant 3 : i32
      %dma_start3A_119 = arith.constant 0 : i32
      %dma_start3A_120 = tpu.memref_slice %arg8[%dma_start3A_118, %dma_start3A_119] : memref<8x128xi32, #tpu.memory_space<vmem>> -> memref<1x128xi32, #tpu.memory_space<vmem>>
      %dma_start3A_121 = tpu.memref_squeeze %dma_start3A_120 : memref<1x128xi32, #tpu.memory_space<vmem>> -> memref<128xi32, #tpu.memory_space<vmem>>
      %dma_start3A_122 = arith.constant 0 : i32
      %dma_start3A_123 = arith.constant 0 : i32
      %dma_start3A_124 = tpu.memref_slice %arg11[%dma_start3A_122, %dma_start3A_123] : memref<10240x128xf32, #tpu.memory_space<vmem_shared>> -> memref<10240x128xf32, #tpu.memory_space<vmem_shared>>
      tpu.enqueue_indirect_dma source(%arg10 : memref<128x128xf32, #tpu.memory_space<vmem>>) target(%dma_start3A_124 : memref<10240x128xf32, #tpu.memory_space<vmem_shared>>) offsets(%dma_start3A_121 : memref<128xi32, #tpu.memory_space<vmem>>) semaphore(%arg15 : memref<!tpu.dma_semaphore, #tpu.memory_space<semaphore_mem>>) {add = true}
      %dma_wait3A_125 = arith.constant 4 : i32
      %dma_wait3A_126 = arith.constant 0 : i32
      %dma_wait3A_127 = tpu.memref_slice %arg7[%dma_wait3A_125, %dma_wait3A_126] : memref<8x128xi32, #tpu.memory_space<vmem>> -> memref<1x128xi32, #tpu.memory_space<vmem>>
      %dma_wait3A_128 = tpu.memref_squeeze %dma_wait3A_127 : memref<1x128xi32, #tpu.memory_space<vmem>> -> memref<128xi32, #tpu.memory_space<vmem>>
      %dma_wait3A_129 = arith.constant 0 : i32
      %dma_wait3A_130 = arith.constant 0 : i32
      %dma_wait3A_131 = tpu.memref_slice %arg2[%dma_wait3A_129, %dma_wait3A_130] : memref<10240x128xf32, #tpu.memory_space<hbm>> -> memref<10240x128xf32, #tpu.memory_space<hbm>>
      tpu.wait_indirect_dma semaphore(%arg12 : memref<!tpu.dma_semaphore, #tpu.memory_space<semaphore_mem>>) src(%dma_wait3A_131 : memref<10240x128xf32, #tpu.memory_space<hbm>>) dst(%arg9 : memref<128x128xf32, #tpu.memory_space<vmem>>)
      %dma_wait3A_132 = arith.constant 3 : i32
      %dma_wait3A_133 = arith.constant 0 : i32
      %dma_wait3A_134 = tpu.memref_slice %arg8[%dma_wait3A_132, %dma_wait3A_133] : memref<8x128xi32, #tpu.memory_space<vmem>> -> memref<1x128xi32, #tpu.memory_space<vmem>>
      %dma_wait3A_135 = tpu.memref_squeeze %dma_wait3A_134 : memref<1x128xi32, #tpu.memory_space<vmem>> -> memref<128xi32, #tpu.memory_space<vmem>>
      %dma_wait3A_136 = arith.constant 0 : i32
      %dma_wait3A_137 = arith.constant 0 : i32
      %dma_wait3A_138 = tpu.memref_slice %arg11[%dma_wait3A_136, %dma_wait3A_137] : memref<10240x128xf32, #tpu.memory_space<vmem_shared>> -> memref<10240x128xf32, #tpu.memory_space<vmem_shared>>
      tpu.wait_indirect_dma semaphore(%arg15 : memref<!tpu.dma_semaphore, #tpu.memory_space<semaphore_mem>>) src(%arg10 : memref<128x128xf32, #tpu.memory_space<vmem>>) dst(%dma_wait3A_138 : memref<10240x128xf32, #tpu.memory_space<vmem_shared>>)
      %dma_start3A_139 = arith.constant 5 : i32
      %dma_start3A_140 = arith.constant 0 : i32
      %dma_start3A_141 = tpu.memref_slice %arg7[%dma_start3A_139, %dma_start3A_140] : memref<8x128xi32, #tpu.memory_space<vmem>> -> memref<1x128xi32, #tpu.memory_space<vmem>>
      %dma_start3A_142 = tpu.memref_squeeze %dma_start3A_141 : memref<1x128xi32, #tpu.memory_space<vmem>> -> memref<128xi32, #tpu.memory_space<vmem>>
      %dma_start3A_143 = arith.constant 0 : i32
      %dma_start3A_144 = arith.constant 0 : i32
      %dma_start3A_145 = tpu.memref_slice %arg2[%dma_start3A_143, %dma_start3A_144] : memref<10240x128xf32, #tpu.memory_space<hbm>> -> memref<10240x128xf32, #tpu.memory_space<hbm>>
      tpu.enqueue_indirect_dma source(%dma_start3A_145 : memref<10240x128xf32, #tpu.memory_space<hbm>>) target(%arg10 : memref<128x128xf32, #tpu.memory_space<vmem>>) offsets(%dma_start3A_142 : memref<128xi32, #tpu.memory_space<vmem>>) semaphore(%arg13 : memref<!tpu.dma_semaphore, #tpu.memory_space<semaphore_mem>>)
      %dma_start3A_146 = arith.constant 4 : i32
      %dma_start3A_147 = arith.constant 0 : i32
      %dma_start3A_148 = tpu.memref_slice %arg8[%dma_start3A_146, %dma_start3A_147] : memref<8x128xi32, #tpu.memory_space<vmem>> -> memref<1x128xi32, #tpu.memory_space<vmem>>
      %dma_start3A_149 = tpu.memref_squeeze %dma_start3A_148 : memref<1x128xi32, #tpu.memory_space<vmem>> -> memref<128xi32, #tpu.memory_space<vmem>>
      %dma_start3A_150 = arith.constant 0 : i32
      %dma_start3A_151 = arith.constant 0 : i32
      %dma_start3A_152 = tpu.memref_slice %arg11[%dma_start3A_150, %dma_start3A_151] : memref<10240x128xf32, #tpu.memory_space<vmem_shared>> -> memref<10240x128xf32, #tpu.memory_space<vmem_shared>>
      tpu.enqueue_indirect_dma source(%arg9 : memref<128x128xf32, #tpu.memory_space<vmem>>) target(%dma_start3A_152 : memref<10240x128xf32, #tpu.memory_space<vmem_shared>>) offsets(%dma_start3A_149 : memref<128xi32, #tpu.memory_space<vmem>>) semaphore(%arg14 : memref<!tpu.dma_semaphore, #tpu.memory_space<semaphore_mem>>) {add = true}
      %dma_wait3A_153 = arith.constant 5 : i32
      %dma_wait3A_154 = arith.constant 0 : i32
      %dma_wait3A_155 = tpu.memref_slice %arg7[%dma_wait3A_153, %dma_wait3A_154] : memref<8x128xi32, #tpu.memory_space<vmem>> -> memref<1x128xi32, #tpu.memory_space<vmem>>
      %dma_wait3A_156 = tpu.memref_squeeze %dma_wait3A_155 : memref<1x128xi32, #tpu.memory_space<vmem>> -> memref<128xi32, #tpu.memory_space<vmem>>
      %dma_wait3A_157 = arith.constant 0 : i32
      %dma_wait3A_158 = arith.constant 0 : i32
      %dma_wait3A_159 = tpu.memref_slice %arg2[%dma_wait3A_157, %dma_wait3A_158] : memref<10240x128xf32, #tpu.memory_space<hbm>> -> memref<10240x128xf32, #tpu.memory_space<hbm>>
      tpu.wait_indirect_dma semaphore(%arg13 : memref<!tpu.dma_semaphore, #tpu.memory_space<semaphore_mem>>) src(%dma_wait3A_159 : memref<10240x128xf32, #tpu.memory_space<hbm>>) dst(%arg10 : memref<128x128xf32, #tpu.memory_space<vmem>>)
      %dma_wait3A_160 = arith.constant 4 : i32
      %dma_wait3A_161 = arith.constant 0 : i32
      %dma_wait3A_162 = tpu.memref_slice %arg8[%dma_wait3A_160, %dma_wait3A_161] : memref<8x128xi32, #tpu.memory_space<vmem>> -> memref<1x128xi32, #tpu.memory_space<vmem>>
      %dma_wait3A_163 = tpu.memref_squeeze %dma_wait3A_162 : memref<1x128xi32, #tpu.memory_space<vmem>> -> memref<128xi32, #tpu.memory_space<vmem>>
      %dma_wait3A_164 = arith.constant 0 : i32
      %dma_wait3A_165 = arith.constant 0 : i32
      %dma_wait3A_166 = tpu.memref_slice %arg11[%dma_wait3A_164, %dma_wait3A_165] : memref<10240x128xf32, #tpu.memory_space<vmem_shared>> -> memref<10240x128xf32, #tpu.memory_space<vmem_shared>>
      tpu.wait_indirect_dma semaphore(%arg14 : memref<!tpu.dma_semaphore, #tpu.memory_space<semaphore_mem>>) src(%arg9 : memref<128x128xf32, #tpu.memory_space<vmem>>) dst(%dma_wait3A_166 : memref<10240x128xf32, #tpu.memory_space<vmem_shared>>)
      %dma_start3A_167 = arith.constant 6 : i32
      %dma_start3A_168 = arith.constant 0 : i32
      %dma_start3A_169 = tpu.memref_slice %arg7[%dma_start3A_167, %dma_start3A_168] : memref<8x128xi32, #tpu.memory_space<vmem>> -> memref<1x128xi32, #tpu.memory_space<vmem>>
      %dma_start3A_170 = tpu.memref_squeeze %dma_start3A_169 : memref<1x128xi32, #tpu.memory_space<vmem>> -> memref<128xi32, #tpu.memory_space<vmem>>
      %dma_start3A_171 = arith.constant 0 : i32
      %dma_start3A_172 = arith.constant 0 : i32
      %dma_start3A_173 = tpu.memref_slice %arg2[%dma_start3A_171, %dma_start3A_172] : memref<10240x128xf32, #tpu.memory_space<hbm>> -> memref<10240x128xf32, #tpu.memory_space<hbm>>
      tpu.enqueue_indirect_dma source(%dma_start3A_173 : memref<10240x128xf32, #tpu.memory_space<hbm>>) target(%arg9 : memref<128x128xf32, #tpu.memory_space<vmem>>) offsets(%dma_start3A_170 : memref<128xi32, #tpu.memory_space<vmem>>) semaphore(%arg12 : memref<!tpu.dma_semaphore, #tpu.memory_space<semaphore_mem>>)
      %dma_start3A_174 = arith.constant 5 : i32
      %dma_start3A_175 = arith.constant 0 : i32
      %dma_start3A_176 = tpu.memref_slice %arg8[%dma_start3A_174, %dma_start3A_175] : memref<8x128xi32, #tpu.memory_space<vmem>> -> memref<1x128xi32, #tpu.memory_space<vmem>>
      %dma_start3A_177 = tpu.memref_squeeze %dma_start3A_176 : memref<1x128xi32, #tpu.memory_space<vmem>> -> memref<128xi32, #tpu.memory_space<vmem>>
      %dma_start3A_178 = arith.constant 0 : i32
      %dma_start3A_179 = arith.constant 0 : i32
      %dma_start3A_180 = tpu.memref_slice %arg11[%dma_start3A_178, %dma_start3A_179] : memref<10240x128xf32, #tpu.memory_space<vmem_shared>> -> memref<10240x128xf32, #tpu.memory_space<vmem_shared>>
      tpu.enqueue_indirect_dma source(%arg10 : memref<128x128xf32, #tpu.memory_space<vmem>>) target(%dma_start3A_180 : memref<10240x128xf32, #tpu.memory_space<vmem_shared>>) offsets(%dma_start3A_177 : memref<128xi32, #tpu.memory_space<vmem>>) semaphore(%arg15 : memref<!tpu.dma_semaphore, #tpu.memory_space<semaphore_mem>>) {add = true}
      %dma_wait3A_181 = arith.constant 6 : i32
      %dma_wait3A_182 = arith.constant 0 : i32
      %dma_wait3A_183 = tpu.memref_slice %arg7[%dma_wait3A_181, %dma_wait3A_182] : memref<8x128xi32, #tpu.memory_space<vmem>> -> memref<1x128xi32, #tpu.memory_space<vmem>>
      %dma_wait3A_184 = tpu.memref_squeeze %dma_wait3A_183 : memref<1x128xi32, #tpu.memory_space<vmem>> -> memref<128xi32, #tpu.memory_space<vmem>>
      %dma_wait3A_185 = arith.constant 0 : i32
      %dma_wait3A_186 = arith.constant 0 : i32
      %dma_wait3A_187 = tpu.memref_slice %arg2[%dma_wait3A_185, %dma_wait3A_186] : memref<10240x128xf32, #tpu.memory_space<hbm>> -> memref<10240x128xf32, #tpu.memory_space<hbm>>
      tpu.wait_indirect_dma semaphore(%arg12 : memref<!tpu.dma_semaphore, #tpu.memory_space<semaphore_mem>>) src(%dma_wait3A_187 : memref<10240x128xf32, #tpu.memory_space<hbm>>) dst(%arg9 : memref<128x128xf32, #tpu.memory_space<vmem>>)
      %dma_wait3A_188 = arith.constant 5 : i32
      %dma_wait3A_189 = arith.constant 0 : i32
      %dma_wait3A_190 = tpu.memref_slice %arg8[%dma_wait3A_188, %dma_wait3A_189] : memref<8x128xi32, #tpu.memory_space<vmem>> -> memref<1x128xi32, #tpu.memory_space<vmem>>
      %dma_wait3A_191 = tpu.memref_squeeze %dma_wait3A_190 : memref<1x128xi32, #tpu.memory_space<vmem>> -> memref<128xi32, #tpu.memory_space<vmem>>
      %dma_wait3A_192 = arith.constant 0 : i32
      %dma_wait3A_193 = arith.constant 0 : i32
      %dma_wait3A_194 = tpu.memref_slice %arg11[%dma_wait3A_192, %dma_wait3A_193] : memref<10240x128xf32, #tpu.memory_space<vmem_shared>> -> memref<10240x128xf32, #tpu.memory_space<vmem_shared>>
      tpu.wait_indirect_dma semaphore(%arg15 : memref<!tpu.dma_semaphore, #tpu.memory_space<semaphore_mem>>) src(%arg10 : memref<128x128xf32, #tpu.memory_space<vmem>>) dst(%dma_wait3A_194 : memref<10240x128xf32, #tpu.memory_space<vmem_shared>>)
      %dma_start3A_195 = arith.constant 7 : i32
      %dma_start3A_196 = arith.constant 0 : i32
      %dma_start3A_197 = tpu.memref_slice %arg7[%dma_start3A_195, %dma_start3A_196] : memref<8x128xi32, #tpu.memory_space<vmem>> -> memref<1x128xi32, #tpu.memory_space<vmem>>
      %dma_start3A_198 = tpu.memref_squeeze %dma_start3A_197 : memref<1x128xi32, #tpu.memory_space<vmem>> -> memref<128xi32, #tpu.memory_space<vmem>>
      %dma_start3A_199 = arith.constant 0 : i32
      %dma_start3A_200 = arith.constant 0 : i32
      %dma_start3A_201 = tpu.memref_slice %arg2[%dma_start3A_199, %dma_start3A_200] : memref<10240x128xf32, #tpu.memory_space<hbm>> -> memref<10240x128xf32, #tpu.memory_space<hbm>>
      tpu.enqueue_indirect_dma source(%dma_start3A_201 : memref<10240x128xf32, #tpu.memory_space<hbm>>) target(%arg10 : memref<128x128xf32, #tpu.memory_space<vmem>>) offsets(%dma_start3A_198 : memref<128xi32, #tpu.memory_space<vmem>>) semaphore(%arg13 : memref<!tpu.dma_semaphore, #tpu.memory_space<semaphore_mem>>)
      %dma_start3A_202 = arith.constant 6 : i32
      %dma_start3A_203 = arith.constant 0 : i32
      %dma_start3A_204 = tpu.memref_slice %arg8[%dma_start3A_202, %dma_start3A_203] : memref<8x128xi32, #tpu.memory_space<vmem>> -> memref<1x128xi32, #tpu.memory_space<vmem>>
      %dma_start3A_205 = tpu.memref_squeeze %dma_start3A_204 : memref<1x128xi32, #tpu.memory_space<vmem>> -> memref<128xi32, #tpu.memory_space<vmem>>
      %dma_start3A_206 = arith.constant 0 : i32
      %dma_start3A_207 = arith.constant 0 : i32
      %dma_start3A_208 = tpu.memref_slice %arg11[%dma_start3A_206, %dma_start3A_207] : memref<10240x128xf32, #tpu.memory_space<vmem_shared>> -> memref<10240x128xf32, #tpu.memory_space<vmem_shared>>
      tpu.enqueue_indirect_dma source(%arg9 : memref<128x128xf32, #tpu.memory_space<vmem>>) target(%dma_start3A_208 : memref<10240x128xf32, #tpu.memory_space<vmem_shared>>) offsets(%dma_start3A_205 : memref<128xi32, #tpu.memory_space<vmem>>) semaphore(%arg14 : memref<!tpu.dma_semaphore, #tpu.memory_space<semaphore_mem>>) {add = true}
      %dma_wait3A_209 = arith.constant 7 : i32
      %dma_wait3A_210 = arith.constant 0 : i32
      %dma_wait3A_211 = tpu.memref_slice %arg7[%dma_wait3A_209, %dma_wait3A_210] : memref<8x128xi32, #tpu.memory_space<vmem>> -> memref<1x128xi32, #tpu.memory_space<vmem>>
      %dma_wait3A_212 = tpu.memref_squeeze %dma_wait3A_211 : memref<1x128xi32, #tpu.memory_space<vmem>> -> memref<128xi32, #tpu.memory_space<vmem>>
      %dma_wait3A_213 = arith.constant 0 : i32
      %dma_wait3A_214 = arith.constant 0 : i32
      %dma_wait3A_215 = tpu.memref_slice %arg2[%dma_wait3A_213, %dma_wait3A_214] : memref<10240x128xf32, #tpu.memory_space<hbm>> -> memref<10240x128xf32, #tpu.memory_space<hbm>>
      tpu.wait_indirect_dma semaphore(%arg13 : memref<!tpu.dma_semaphore, #tpu.memory_space<semaphore_mem>>) src(%dma_wait3A_215 : memref<10240x128xf32, #tpu.memory_space<hbm>>) dst(%arg10 : memref<128x128xf32, #tpu.memory_space<vmem>>)
      %dma_start3A_216 = arith.constant 7 : i32
      %dma_start3A_217 = arith.constant 0 : i32
      %dma_start3A_218 = tpu.memref_slice %arg8[%dma_start3A_216, %dma_start3A_217] : memref<8x128xi32, #tpu.memory_space<vmem>> -> memref<1x128xi32, #tpu.memory_space<vmem>>
      %dma_start3A_219 = tpu.memref_squeeze %dma_start3A_218 : memref<1x128xi32, #tpu.memory_space<vmem>> -> memref<128xi32, #tpu.memory_space<vmem>>
      %dma_start3A_220 = arith.constant 0 : i32
      %dma_start3A_221 = arith.constant 0 : i32
      %dma_start3A_222 = tpu.memref_slice %arg11[%dma_start3A_220, %dma_start3A_221] : memref<10240x128xf32, #tpu.memory_space<vmem_shared>> -> memref<10240x128xf32, #tpu.memory_space<vmem_shared>>
      tpu.enqueue_indirect_dma source(%arg10 : memref<128x128xf32, #tpu.memory_space<vmem>>) target(%dma_start3A_222 : memref<10240x128xf32, #tpu.memory_space<vmem_shared>>) offsets(%dma_start3A_219 : memref<128xi32, #tpu.memory_space<vmem>>) semaphore(%arg15 : memref<!tpu.dma_semaphore, #tpu.memory_space<semaphore_mem>>) {add = true}
      %dma_wait3A_223 = arith.constant 6 : i32
      %dma_wait3A_224 = arith.constant 0 : i32
      %dma_wait3A_225 = tpu.memref_slice %arg8[%dma_wait3A_223, %dma_wait3A_224] : memref<8x128xi32, #tpu.memory_space<vmem>> -> memref<1x128xi32, #tpu.memory_space<vmem>>
      %dma_wait3A_226 = tpu.memref_squeeze %dma_wait3A_225 : memref<1x128xi32, #tpu.memory_space<vmem>> -> memref<128xi32, #tpu.memory_space<vmem>>
      %dma_wait3A_227 = arith.constant 0 : i32
      %dma_wait3A_228 = arith.constant 0 : i32
      %dma_wait3A_229 = tpu.memref_slice %arg11[%dma_wait3A_227, %dma_wait3A_228] : memref<10240x128xf32, #tpu.memory_space<vmem_shared>> -> memref<10240x128xf32, #tpu.memory_space<vmem_shared>>
      tpu.wait_indirect_dma semaphore(%arg14 : memref<!tpu.dma_semaphore, #tpu.memory_space<semaphore_mem>>) src(%arg9 : memref<128x128xf32, #tpu.memory_space<vmem>>) dst(%dma_wait3A_229 : memref<10240x128xf32, #tpu.memory_space<vmem_shared>>)
      %dma_wait3A_230 = arith.constant 7 : i32
      %dma_wait3A_231 = arith.constant 0 : i32
      %dma_wait3A_232 = tpu.memref_slice %arg8[%dma_wait3A_230, %dma_wait3A_231] : memref<8x128xi32, #tpu.memory_space<vmem>> -> memref<1x128xi32, #tpu.memory_space<vmem>>
      %dma_wait3A_233 = tpu.memref_squeeze %dma_wait3A_232 : memref<1x128xi32, #tpu.memory_space<vmem>> -> memref<128xi32, #tpu.memory_space<vmem>>
      %dma_wait3A_234 = arith.constant 0 : i32
      %dma_wait3A_235 = arith.constant 0 : i32
      %dma_wait3A_236 = tpu.memref_slice %arg11[%dma_wait3A_234, %dma_wait3A_235] : memref<10240x128xf32, #tpu.memory_space<vmem_shared>> -> memref<10240x128xf32, #tpu.memory_space<vmem_shared>>
      tpu.wait_indirect_dma semaphore(%arg15 : memref<!tpu.dma_semaphore, #tpu.memory_space<semaphore_mem>>) src(%arg10 : memref<128x128xf32, #tpu.memory_space<vmem>>) dst(%dma_wait3A_236 : memref<10240x128xf32, #tpu.memory_space<vmem_shared>>)
    }
    %scan3A_7 = arith.constant 10 : i32
    %barrier3A_8 = arith.constant 0 : index
    tpu.barrier barrier_id(%barrier3A_8)
    "tpu.region"() ({
      %run_scoped3A = tpu.sem_alloc : memref<!tpu.dma_semaphore, #tpu.memory_space<semaphore_mem>>
      %dma_start3A = arith.constant 0 : i32
      %dma_start3A_9 = tpu.memref_slice %arg6[%arg0, %mul3A_2, %dma_start3A] : memref<2x10240x128xf32, #tpu.memory_space<hbm>> -> memref<1x640x128xf32, #tpu.memory_space<hbm>>
      %dma_start3A_10 = tpu.memref_squeeze %dma_start3A_9 : memref<1x640x128xf32, #tpu.memory_space<hbm>> -> memref<640x128xf32, #tpu.memory_space<hbm>>
      %dma_start3A_11 = arith.constant 0 : i32
      %dma_start3A_12 = tpu.memref_slice %arg11[%mul3A_2, %dma_start3A_11] : memref<10240x128xf32, #tpu.memory_space<vmem_shared>> -> memref<640x128xf32, #tpu.memory_space<vmem_shared>>
      tpu.enqueue_dma source(%dma_start3A_12 : memref<640x128xf32, #tpu.memory_space<vmem_shared>>) target(%dma_start3A_10 : memref<640x128xf32, #tpu.memory_space<hbm>>) target_semaphore(%run_scoped3A : memref<!tpu.dma_semaphore, #tpu.memory_space<semaphore_mem>>)
      %dma_wait3A = arith.constant 0 : i32
      %dma_wait3A_13 = tpu.memref_slice %arg6[%arg0, %mul3A_2, %dma_wait3A] : memref<2x10240x128xf32, #tpu.memory_space<hbm>> -> memref<1x640x128xf32, #tpu.memory_space<hbm>>
      %dma_wait3A_14 = tpu.memref_squeeze %dma_wait3A_13 : memref<1x640x128xf32, #tpu.memory_space<hbm>> -> memref<640x128xf32, #tpu.memory_space<hbm>>
      %dma_wait3A_15 = arith.constant 0 : i32
      %dma_wait3A_16 = tpu.memref_slice %arg11[%mul3A_2, %dma_wait3A_15] : memref<10240x128xf32, #tpu.memory_space<vmem_shared>> -> memref<640x128xf32, #tpu.memory_space<vmem_shared>>
      tpu.wait_dma2 semaphore(%run_scoped3A : memref<!tpu.dma_semaphore, #tpu.memory_space<semaphore_mem>>) src(%dma_wait3A_16 : memref<640x128xf32, #tpu.memory_space<vmem_shared>>) dst(%dma_wait3A_14 : memref<640x128xf32, #tpu.memory_space<hbm>>)
      tpu.yield
    }) : () -> ()
    return
  }
}

module attributes {stable_mosaic.version = 14 : i64} {
  func.func @_tc_first_body(%arg0: i32, %arg1: memref<2x1024x128xf32, #tpu.memory_space<vmem>>, %arg2: memref<1024x128xf32, #tpu.memory_space<vmem>>, %arg3: memref<128x128xf32, #tpu.memory_space<vmem>>, %arg4: memref<1024x128xf32, #tpu.memory_space<vmem>>, %arg5: memref<1024x128xf32, #tpu.memory_space<vmem>>) attributes {dimension_semantics = [#tpu.dimension_semantics<arbitrary>], iteration_bounds = array<i64: 10>, scalar_prefetch = 0 : i64, scratch_operands = 0 : i64, tpu.core_type = #tpu.core_type<tc>, window_params = [{transform_indices = @transform_0, window_bounds = array<i64: 2, 1024, 128>}, {transform_indices = @transform_1, window_bounds = array<i64: 1024, 128>}, {pipeline_mode = #tpu.pipeline_mode<synchronous>, transform_indices = @transform_2, window_bounds = array<i64: 128, 128>}, {transform_indices = @transform_3, window_bounds = array<i64: 1024, 128>}, {transform_indices = @transform_4, window_bounds = array<i64: 1024, 128>}]} {
    %get3A = arith.constant 0 : index
    %get3A_0 = arith.constant 0 : index
    %get3A_1 = arith.constant 0 : index
    %get3A_2 = vector.load %arg1[%get3A, %get3A_0, %get3A_1] : memref<2x1024x128xf32, #tpu.memory_space<vmem>>, vector<1x1024x1xf32>
    %get3A_3 = vector.shape_cast %get3A_2 : vector<1x1024x1xf32> to vector<1024x1xf32>
    %get3A_4 = arith.constant 1 : index
    %get3A_5 = arith.constant 0 : index
    %get3A_6 = arith.constant 0 : index
    %get3A_7 = vector.load %arg1[%get3A_4, %get3A_5, %get3A_6] : memref<2x1024x128xf32, #tpu.memory_space<vmem>>, vector<1x1024x1xf32>
    %get3A_8 = vector.shape_cast %get3A_7 : vector<1x1024x1xf32> to vector<1024x1xf32>
    %add3A = arith.addf %get3A_3, %get3A_8 : vector<1024x1xf32>
    %add3A_9 = arith.constant 1.000000e+00 : f32
    %add3A_10 = vector.broadcast %add3A_9 : f32 to vector<1024x1xf32>
    %add3A_11 = arith.addf %add3A, %add3A_10 : vector<1024x1xf32>
    %rsqrt3A = math.rsqrt %add3A_11 : vector<1024x1xf32>
    %broadcast_in_dim3A = vector.shape_cast %rsqrt3A : vector<1024x1xf32> to vector<1024x1xf32>
    %broadcast_in_dim3A_12 = vector.broadcast %broadcast_in_dim3A : vector<1024x1xf32> to vector<1024x128xf32>
    %swap3A = arith.constant 0 : index
    %swap3A_13 = arith.constant 0 : index
    %swap3A_14 = vector.load %arg4[%swap3A, %swap3A_13] : memref<1024x128xf32, #tpu.memory_space<vmem>>, vector<1024x128xf32>
    tpu.vector_store %arg4[%swap3A, %swap3A_13], %broadcast_in_dim3A_12 {strides = array<i32>} : memref<1024x128xf32, #tpu.memory_space<vmem>>, vector<1024x128xf32>,
    %get3A_15 = arith.constant 0 : index
    %get3A_16 = arith.constant 0 : index
    %get3A_17 = vector.load %arg2[%get3A_15, %get3A_16] : memref<1024x128xf32, #tpu.memory_space<vmem>>, vector<1024x128xf32>
    %get3A_18 = arith.constant 0 : index
    %get3A_19 = arith.constant 0 : index
    %get3A_20 = vector.load %arg3[%get3A_18, %get3A_19] : memref<128x128xf32, #tpu.memory_space<vmem>>, vector<128x128xf32>
    %dot_general3A = arith.constant dense<0.000000e+00> : vector<1024x128xf32>
    %dot_general3A_21 = tpu.matmul %get3A_17, %get3A_20, %dot_general3A {dimension_numbers = #tpu.dot_dimension_numbers<[1], [0], [0], [1], [0, 0, 1, 1], [], []>, transpose_lhs_hint = false} : vector<1024x128xf32>, vector<128x128xf32>, vector<1024x128xf32> -> vector<1024x128xf32>
    %mul3A = arith.mulf %broadcast_in_dim3A_12, %dot_general3A_21 : vector<1024x128xf32>
    %swap3A_22 = arith.constant 0 : index
    %swap3A_23 = arith.constant 0 : index
    %swap3A_24 = vector.load %arg5[%swap3A_22, %swap3A_23] : memref<1024x128xf32, #tpu.memory_space<vmem>>, vector<1024x128xf32>
    tpu.vector_store %arg5[%swap3A_22, %swap3A_23], %mul3A {strides = array<i32>} : memref<1024x128xf32, #tpu.memory_space<vmem>>, vector<1024x128xf32>,
    return
  }
  func.func @transform_0(%arg0: i32) -> (i32, i32, i32) {
    %c0_i32 = arith.constant 0 : i32
    %c0_i32_0 = arith.constant 0 : i32
    %c0_i32_1 = arith.constant 0 : i32
    return %c0_i32, %arg0, %c0_i32_0 : i32, i32, i32
  }
  func.func @transform_1(%arg0: i32) -> (i32, i32) {
    %c0_i32 = arith.constant 0 : i32
    %c0_i32_0 = arith.constant 0 : i32
    return %arg0, %c0_i32 : i32, i32
  }
  func.func @transform_2(%arg0: i32) -> (i32, i32) {
    %c0_i32 = arith.constant 0 : i32
    %c0_i32_0 = arith.constant 0 : i32
    %c0_i32_1 = arith.constant 0 : i32
    return %c0_i32, %c0_i32_0 : i32, i32
  }
  func.func @transform_3(%arg0: i32) -> (i32, i32) {
    %c0_i32 = arith.constant 0 : i32
    %c0_i32_0 = arith.constant 0 : i32
    return %arg0, %c0_i32 : i32, i32
  }
  func.func @transform_4(%arg0: i32) -> (i32, i32) {
    %c0_i32 = arith.constant 0 : i32
    %c0_i32_0 = arith.constant 0 : i32
    return %arg0, %c0_i32 : i32, i32
  }
}

module attributes {stable_mosaic.version = 14 : i64} {
  func.func @_tc_head_body(%arg0: i32, %arg1: memref<2x1024x128xf32, #tpu.memory_space<vmem>>, %arg2: memref<1024x128xf32, #tpu.memory_space<vmem>>, %arg3: memref<1024x128xf32, #tpu.memory_space<vmem>>, %arg4: memref<8x128xf32, #tpu.memory_space<vmem>>, %arg5: memref<1x1x1024xi32, #tpu.memory_space<vmem>>, %arg6: memref<128x128xf32, #tpu.memory_space<vmem>>, %arg7: memref<8x128xf32, #tpu.memory_space<vmem>>, %arg8: memref<128x128xf32, #tpu.memory_space<vmem>>, %arg9: memref<8x128xf32, #tpu.memory_space<vmem>>, %arg10: memref<128x128xf32, #tpu.memory_space<vmem>>, %arg11: memref<128x128xf32, #tpu.memory_space<vmem>>, %arg12: memref<128x128xf32, #tpu.memory_space<vmem>>) attributes {dimension_semantics = [#tpu.dimension_semantics<arbitrary>], iteration_bounds = array<i64: 10>, scalar_prefetch = 0 : i64, scratch_operands = 2 : i64, tpu.core_type = #tpu.core_type<tc>, window_params = [{transform_indices = @transform_0, window_bounds = array<i64: 2, 1024, 128>}, {transform_indices = @transform_1, window_bounds = array<i64: 1024, 128>}, {transform_indices = @transform_2, window_bounds = array<i64: 1024, 128>}, {pipeline_mode = #tpu.pipeline_mode<synchronous>, transform_indices = @transform_3, window_bounds = array<i64: 8, 128>}, {transform_indices = @transform_4, window_bounds = array<i64: 1, 1, 1024>}, {pipeline_mode = #tpu.pipeline_mode<synchronous>, transform_indices = @transform_5, window_bounds = array<i64: 128, 128>}, {pipeline_mode = #tpu.pipeline_mode<synchronous>, transform_indices = @transform_6, window_bounds = array<i64: 8, 128>}, {pipeline_mode = #tpu.pipeline_mode<synchronous>, transform_indices = @transform_7, window_bounds = array<i64: 128, 128>}, {pipeline_mode = #tpu.pipeline_mode<synchronous>, transform_indices = @transform_8, window_bounds = array<i64: 8, 128>}, {pipeline_mode = #tpu.pipeline_mode<synchronous>, transform_indices = @transform_9, window_bounds = array<i64: 128, 128>}]} {
    %eq3A = arith.constant 0 : i32
    %eq3A_0 = arith.cmpi eq, %arg0, %eq3A : i32
    %convert_element_type3A = arith.extui %eq3A_0 : i1 to i32
    %cond3A = arith.constant 0 : i32
    %cond3A_1 = arith.cmpi ne, %convert_element_type3A, %cond3A : i32
    scf.if %cond3A_1 {
      %broadcast_in_dim3A_58 = arith.constant 0.000000e+00 : f32
      %broadcast_in_dim3A_59 = vector.broadcast %broadcast_in_dim3A_58 : f32 to vector<128x128xf32>
      %swap3A_60 = arith.constant 0 : index
      %swap3A_61 = arith.constant 0 : index
      %swap3A_62 = vector.load %arg11[%swap3A_60, %swap3A_61] : memref<128x128xf32, #tpu.memory_space<vmem>>, vector<128x128xf32>
      tpu.vector_store %arg11[%swap3A_60, %swap3A_61], %broadcast_in_dim3A_59 {strides = array<i32>} : memref<128x128xf32, #tpu.memory_space<vmem>>, vector<128x128xf32>,
      %broadcast_in_dim3A_63 = arith.constant 0.000000e+00 : f32
      %broadcast_in_dim3A_64 = vector.broadcast %broadcast_in_dim3A_63 : f32 to vector<128x128xf32>
      %swap3A_65 = arith.constant 0 : index
      %swap3A_66 = arith.constant 0 : index
      %swap3A_67 = vector.load %arg12[%swap3A_65, %swap3A_66] : memref<128x128xf32, #tpu.memory_space<vmem>>, vector<128x128xf32>
      tpu.vector_store %arg12[%swap3A_65, %swap3A_66], %broadcast_in_dim3A_64 {strides = array<i32>} : memref<128x128xf32, #tpu.memory_space<vmem>>, vector<128x128xf32>,
    } else {
    }
    %get3A = arith.constant 0 : index
    %get3A_2 = arith.constant 0 : index
    %get3A_3 = arith.constant 0 : index
    %get3A_4 = vector.load %arg1[%get3A, %get3A_2, %get3A_3] : memref<2x1024x128xf32, #tpu.memory_space<vmem>>, vector<1x1024x128xf32>
    %get3A_5 = vector.shape_cast %get3A_4 : vector<1x1024x128xf32> to vector<1024x128xf32>
    %get3A_6 = arith.constant 1 : index
    %get3A_7 = arith.constant 0 : index
    %get3A_8 = arith.constant 0 : index
    %get3A_9 = vector.load %arg1[%get3A_6, %get3A_7, %get3A_8] : memref<2x1024x128xf32, #tpu.memory_space<vmem>>, vector<1x1024x128xf32>
    %get3A_10 = vector.shape_cast %get3A_9 : vector<1x1024x128xf32> to vector<1024x128xf32>
    %add3A = arith.addf %get3A_5, %get3A_10 : vector<1024x128xf32>
    %get3A_11 = arith.constant 0 : index
    %get3A_12 = arith.constant 0 : index
    %get3A_13 = vector.load %arg3[%get3A_11, %get3A_12] : memref<1024x128xf32, #tpu.memory_space<vmem>>, vector<1024x128xf32>
    %get3A_14 = arith.constant 0 : index
    %get3A_15 = arith.constant 0 : index
    %get3A_16 = vector.load %arg2[%get3A_14, %get3A_15] : memref<1024x128xf32, #tpu.memory_space<vmem>>, vector<1024x128xf32>
    %add3A_17 = arith.addf %add3A, %get3A_16 : vector<1024x128xf32>
    %mul3A = arith.mulf %get3A_13, %add3A_17 : vector<1024x128xf32>
    %get3A_18 = arith.constant 0 : index
    %get3A_19 = arith.constant 0 : index
    %get3A_20 = vector.load %arg4[%get3A_18, %get3A_19] : memref<8x128xf32, #tpu.memory_space<vmem>>, vector<1x128xf32>
    %add3A_21 = vector.broadcast %get3A_20 : vector<1x128xf32> to vector<1024x128xf32>
    %add3A_22 = arith.addf %mul3A, %add3A_21 : vector<1024x128xf32>
    %max3A = arith.constant 0.000000e+00 : f32
    %max3A_23 = vector.broadcast %max3A : f32 to vector<1024x128xf32>
    %max3A_24 = arith.maximumf %add3A_22, %max3A_23 : vector<1024x128xf32>
    %get3A_25 = arith.constant 0 : index
    %get3A_26 = arith.constant 0 : index
    %get3A_27 = arith.constant 0 : index
    %get3A_28 = vector.load %arg5[%get3A_25, %get3A_26, %get3A_27] : memref<1x1x1024xi32, #tpu.memory_space<vmem>>, vector<1x1x1024xi32>
    %get3A_29 = vector.shape_cast %get3A_28 : vector<1x1x1024xi32> to vector<1x1024xi32>
    %iota3A = tpu.iota {dimensions = array<i32: 0>} : vector<128x1xi32>
    %broadcast_in_dim3A = vector.shape_cast %get3A_29 : vector<1x1024xi32> to vector<1x1024xi32>
    %broadcast_in_dim3A_30 = vector.broadcast %broadcast_in_dim3A : vector<1x1024xi32> to vector<128x1024xi32>
    %eq3A_31 = vector.broadcast %iota3A : vector<128x1xi32> to vector<128x1024xi32>
    %eq3A_32 = arith.cmpi eq, %broadcast_in_dim3A_30, %eq3A_31 : vector<128x1024xi32>
    %convert_element_type3A_33 = arith.extui %eq3A_32 : vector<128x1024xi1> to vector<128x1024xi32>
    %convert_element_type3A_34 = arith.sitofp %convert_element_type3A_33 : vector<128x1024xi32> to vector<128x1024xf32>
    %get3A_35 = arith.constant 0 : index
    %get3A_36 = arith.constant 0 : index
    %get3A_37 = vector.load %arg11[%get3A_35, %get3A_36] : memref<128x128xf32, #tpu.memory_space<vmem>>, vector<128x128xf32>
    %dot_general3A = arith.constant dense<0.000000e+00> : vector<128x128xf32>
    %dot_general3A_38 = tpu.matmul %convert_element_type3A_34, %max3A_24, %dot_general3A {dimension_numbers = #tpu.dot_dimension_numbers<[1], [0], [0], [1], [0, 0, 1, 1], [], []>, transpose_lhs_hint = false} : vector<128x1024xf32>, vector<1024x128xf32>, vector<128x128xf32> -> vector<128x128xf32>
    %add3A_39 = arith.addf %get3A_37, %dot_general3A_38 : vector<128x128xf32>
    %swap3A = arith.constant 0 : index
    %swap3A_40 = arith.constant 0 : index
    %swap3A_41 = vector.load %arg11[%swap3A, %swap3A_40] : memref<128x128xf32, #tpu.memory_space<vmem>>, vector<128x128xf32>
    tpu.vector_store %arg11[%swap3A, %swap3A_40], %add3A_39 {strides = array<i32>} : memref<128x128xf32, #tpu.memory_space<vmem>>, vector<128x128xf32>,
    %get3A_42 = arith.constant 0 : index
    %get3A_43 = arith.constant 0 : index
    %get3A_44 = vector.load %arg12[%get3A_42, %get3A_43] : memref<128x128xf32, #tpu.memory_space<vmem>>, vector<128x128xf32>
    %reduce_sum3A = arith.constant dense<0.000000e+00> : vector<128xf32>
    %reduce_sum3A_45 = vector.multi_reduction <add>, %convert_element_type3A_34, %reduce_sum3A [1] : vector<128x1024xf32> to vector<128xf32>
    %broadcast_in_dim3A_46 = vector.shape_cast %reduce_sum3A_45 : vector<128xf32> to vector<128x1xf32>
    %broadcast_in_dim3A_47 = vector.shape_cast %broadcast_in_dim3A_46 : vector<128x1xf32> to vector<128x1xf32>
    %broadcast_in_dim3A_48 = vector.broadcast %broadcast_in_dim3A_47 : vector<128x1xf32> to vector<128x128xf32>
    %add3A_49 = arith.addf %get3A_44, %broadcast_in_dim3A_48 : vector<128x128xf32>
    %swap3A_50 = arith.constant 0 : index
    %swap3A_51 = arith.constant 0 : index
    %swap3A_52 = vector.load %arg12[%swap3A_50, %swap3A_51] : memref<128x128xf32, #tpu.memory_space<vmem>>, vector<128x128xf32>
    tpu.vector_store %arg12[%swap3A_50, %swap3A_51], %add3A_49 {strides = array<i32>} : memref<128x128xf32, #tpu.memory_space<vmem>>, vector<128x128xf32>,
    %eq3A_53 = arith.constant 9 : i32
    %eq3A_54 = arith.cmpi eq, %arg0, %eq3A_53 : i32
    %convert_element_type3A_55 = arith.extui %eq3A_54 : i1 to i32
    %cond3A_56 = arith.constant 0 : i32
    %cond3A_57 = arith.cmpi ne, %convert_element_type3A_55, %cond3A_56 : i32
    scf.if %cond3A_57 {
      %get3A_58 = arith.constant 0 : index
      %get3A_59 = arith.constant 0 : index
      %get3A_60 = vector.load %arg11[%get3A_58, %get3A_59] : memref<128x128xf32, #tpu.memory_space<vmem>>, vector<128x128xf32>
      %get3A_61 = arith.constant 0 : index
      %get3A_62 = arith.constant 0 : index
      %get3A_63 = vector.load %arg12[%get3A_61, %get3A_62] : memref<128x128xf32, #tpu.memory_space<vmem>>, vector<128x128xf32>
      %max3A_64 = arith.constant 1.000000e+00 : f32
      %max3A_65 = vector.broadcast %max3A_64 : f32 to vector<128x128xf32>
      %max3A_66 = arith.maximumf %get3A_63, %max3A_65 : vector<128x128xf32>
      %div3A = arith.divf %get3A_60, %max3A_66 : vector<128x128xf32>
      %get3A_67 = arith.constant 0 : index
      %get3A_68 = arith.constant 0 : index
      %get3A_69 = vector.load %arg6[%get3A_67, %get3A_68] : memref<128x128xf32, #tpu.memory_space<vmem>>, vector<128x128xf32>
      %dot_general3A_70 = arith.constant dense<0.000000e+00> : vector<128x128xf32>
      %dot_general3A_71 = tpu.matmul %div3A, %get3A_69, %dot_general3A_70 {dimension_numbers = #tpu.dot_dimension_numbers<[1], [0], [0], [1], [0, 0, 1, 1], [], []>, transpose_lhs_hint = false} : vector<128x128xf32>, vector<128x128xf32>, vector<128x128xf32> -> vector<128x128xf32>
      %get3A_72 = arith.constant 0 : index
      %get3A_73 = arith.constant 0 : index
      %get3A_74 = vector.load %arg7[%get3A_72, %get3A_73] : memref<8x128xf32, #tpu.memory_space<vmem>>, vector<1x128xf32>
      %add3A_75 = vector.broadcast %get3A_74 : vector<1x128xf32> to vector<128x128xf32>
      %add3A_76 = arith.addf %dot_general3A_71, %add3A_75 : vector<128x128xf32>
      %max3A_77 = arith.constant 0.000000e+00 : f32
      %max3A_78 = vector.broadcast %max3A_77 : f32 to vector<128x128xf32>
      %max3A_79 = arith.maximumf %add3A_76, %max3A_78 : vector<128x128xf32>
      %get3A_80 = arith.constant 0 : index
      %get3A_81 = arith.constant 0 : index
      %get3A_82 = vector.load %arg8[%get3A_80, %get3A_81] : memref<128x128xf32, #tpu.memory_space<vmem>>, vector<128x128xf32>
      %dot_general3A_83 = arith.constant dense<0.000000e+00> : vector<128x128xf32>
      %dot_general3A_84 = tpu.matmul %max3A_79, %get3A_82, %dot_general3A_83 {dimension_numbers = #tpu.dot_dimension_numbers<[1], [0], [0], [1], [0, 0, 1, 1], [], []>, transpose_lhs_hint = false} : vector<128x128xf32>, vector<128x128xf32>, vector<128x128xf32> -> vector<128x128xf32>
      %get3A_85 = arith.constant 0 : index
      %get3A_86 = arith.constant 0 : index
      %get3A_87 = vector.load %arg9[%get3A_85, %get3A_86] : memref<8x128xf32, #tpu.memory_space<vmem>>, vector<1x128xf32>
      %add3A_88 = vector.broadcast %get3A_87 : vector<1x128xf32> to vector<128x128xf32>
      %add3A_89 = arith.addf %dot_general3A_84, %add3A_88 : vector<128x128xf32>
      %swap3A_90 = arith.constant 0 : index
      %swap3A_91 = arith.constant 0 : index
      %swap3A_92 = vector.load %arg10[%swap3A_90, %swap3A_91] : memref<128x128xf32, #tpu.memory_space<vmem>>, vector<128x128xf32>
      tpu.vector_store %arg10[%swap3A_90, %swap3A_91], %add3A_89 {strides = array<i32>} : memref<128x128xf32, #tpu.memory_space<vmem>>, vector<128x128xf32>,
    } else {
    }
    return
  }
  func.func @transform_0(%arg0: i32) -> (i32, i32, i32) {
    %c0_i32 = arith.constant 0 : i32
    %c0_i32_0 = arith.constant 0 : i32
    %c0_i32_1 = arith.constant 0 : i32
    return %c0_i32, %arg0, %c0_i32_0 : i32, i32, i32
  }
  func.func @transform_1(%arg0: i32) -> (i32, i32) {
    %c0_i32 = arith.constant 0 : i32
    %c0_i32_0 = arith.constant 0 : i32
    return %arg0, %c0_i32 : i32, i32
  }
  func.func @transform_2(%arg0: i32) -> (i32, i32) {
    %c0_i32 = arith.constant 0 : i32
    %c0_i32_0 = arith.constant 0 : i32
    return %arg0, %c0_i32 : i32, i32
  }
  func.func @transform_3(%arg0: i32) -> (i32, i32) {
    %c0_i32 = arith.constant 0 : i32
    %c0_i32_0 = arith.constant 0 : i32
    %c0_i32_1 = arith.constant 0 : i32
    return %c0_i32, %c0_i32_0 : i32, i32
  }
  func.func @transform_4(%arg0: i32) -> (i32, i32, i32) {
    %c0_i32 = arith.constant 0 : i32
    %c0_i32_0 = arith.constant 0 : i32
    %c0_i32_1 = arith.constant 0 : i32
    return %arg0, %c0_i32, %c0_i32_0 : i32, i32, i32
  }
  func.func @transform_5(%arg0: i32) -> (i32, i32) {
    %c0_i32 = arith.constant 0 : i32
    %c0_i32_0 = arith.constant 0 : i32
    %c0_i32_1 = arith.constant 0 : i32
    return %c0_i32, %c0_i32_0 : i32, i32
  }
  func.func @transform_6(%arg0: i32) -> (i32, i32) {
    %c0_i32 = arith.constant 0 : i32
    %c0_i32_0 = arith.constant 0 : i32
    %c0_i32_1 = arith.constant 0 : i32
    return %c0_i32, %c0_i32_0 : i32, i32
  }
  func.func @transform_7(%arg0: i32) -> (i32, i32) {
    %c0_i32 = arith.constant 0 : i32
    %c0_i32_0 = arith.constant 0 : i32
    %c0_i32_1 = arith.constant 0 : i32
    return %c0_i32, %c0_i32_0 : i32, i32
  }
  func.func @transform_8(%arg0: i32) -> (i32, i32) {
    %c0_i32 = arith.constant 0 : i32
    %c0_i32_0 = arith.constant 0 : i32
    %c0_i32_1 = arith.constant 0 : i32
    return %c0_i32, %c0_i32_0 : i32, i32
  }
  func.func @transform_9(%arg0: i32) -> (i32, i32) {
    %c0_i32 = arith.constant 0 : i32
    %c0_i32_0 = arith.constant 0 : i32
    %c0_i32_1 = arith.constant 0 : i32
    return %c0_i32, %c0_i32_0 : i32, i32
  }
}

module attributes {stable_mosaic.version = 14 : i64} {
  func.func @_tc_layer_body(%arg0: i32, %arg1: memref<2x1024x128xf32, #tpu.memory_space<vmem>>, %arg2: memref<1024x128xf32, #tpu.memory_space<vmem>>, %arg3: memref<1024x128xf32, #tpu.memory_space<vmem>>, %arg4: memref<8x128xf32, #tpu.memory_space<vmem>>, %arg5: memref<128x128xf32, #tpu.memory_space<vmem>>, %arg6: memref<1024x128xf32, #tpu.memory_space<vmem>>) attributes {dimension_semantics = [#tpu.dimension_semantics<arbitrary>], iteration_bounds = array<i64: 10>, scalar_prefetch = 0 : i64, scratch_operands = 0 : i64, tpu.core_type = #tpu.core_type<tc>, window_params = [{transform_indices = @transform_0, window_bounds = array<i64: 2, 1024, 128>}, {transform_indices = @transform_1, window_bounds = array<i64: 1024, 128>}, {transform_indices = @transform_2, window_bounds = array<i64: 1024, 128>}, {pipeline_mode = #tpu.pipeline_mode<synchronous>, transform_indices = @transform_3, window_bounds = array<i64: 8, 128>}, {pipeline_mode = #tpu.pipeline_mode<synchronous>, transform_indices = @transform_4, window_bounds = array<i64: 128, 128>}, {transform_indices = @transform_5, window_bounds = array<i64: 1024, 128>}]} {
    %get3A = arith.constant 0 : index
    %get3A_0 = arith.constant 0 : index
    %get3A_1 = arith.constant 0 : index
    %get3A_2 = vector.load %arg1[%get3A, %get3A_0, %get3A_1] : memref<2x1024x128xf32, #tpu.memory_space<vmem>>, vector<1x1024x128xf32>
    %get3A_3 = vector.shape_cast %get3A_2 : vector<1x1024x128xf32> to vector<1024x128xf32>
    %get3A_4 = arith.constant 1 : index
    %get3A_5 = arith.constant 0 : index
    %get3A_6 = arith.constant 0 : index
    %get3A_7 = vector.load %arg1[%get3A_4, %get3A_5, %get3A_6] : memref<2x1024x128xf32, #tpu.memory_space<vmem>>, vector<1x1024x128xf32>
    %get3A_8 = vector.shape_cast %get3A_7 : vector<1x1024x128xf32> to vector<1024x128xf32>
    %add3A = arith.addf %get3A_3, %get3A_8 : vector<1024x128xf32>
    %get3A_9 = arith.constant 0 : index
    %get3A_10 = arith.constant 0 : index
    %get3A_11 = vector.load %arg3[%get3A_9, %get3A_10] : memref<1024x128xf32, #tpu.memory_space<vmem>>, vector<1024x128xf32>
    %get3A_12 = arith.constant 0 : index
    %get3A_13 = arith.constant 0 : index
    %get3A_14 = vector.load %arg2[%get3A_12, %get3A_13] : memref<1024x128xf32, #tpu.memory_space<vmem>>, vector<1024x128xf32>
    %add3A_15 = arith.addf %add3A, %get3A_14 : vector<1024x128xf32>
    %mul3A = arith.mulf %get3A_11, %add3A_15 : vector<1024x128xf32>
    %get3A_16 = arith.constant 0 : index
    %get3A_17 = arith.constant 0 : index
    %get3A_18 = vector.load %arg4[%get3A_16, %get3A_17] : memref<8x128xf32, #tpu.memory_space<vmem>>, vector<1x128xf32>
    %add3A_19 = vector.broadcast %get3A_18 : vector<1x128xf32> to vector<1024x128xf32>
    %add3A_20 = arith.addf %mul3A, %add3A_19 : vector<1024x128xf32>
    %max3A = arith.constant 0.000000e+00 : f32
    %max3A_21 = vector.broadcast %max3A : f32 to vector<1024x128xf32>
    %max3A_22 = arith.maximumf %add3A_20, %max3A_21 : vector<1024x128xf32>
    %get3A_23 = arith.constant 0 : index
    %get3A_24 = arith.constant 0 : index
    %get3A_25 = vector.load %arg3[%get3A_23, %get3A_24] : memref<1024x128xf32, #tpu.memory_space<vmem>>, vector<1024x128xf32>
    %get3A_26 = arith.constant 0 : index
    %get3A_27 = arith.constant 0 : index
    %get3A_28 = vector.load %arg5[%get3A_26, %get3A_27] : memref<128x128xf32, #tpu.memory_space<vmem>>, vector<128x128xf32>
    %dot_general3A = arith.constant dense<0.000000e+00> : vector<1024x128xf32>
    %dot_general3A_29 = tpu.matmul %max3A_22, %get3A_28, %dot_general3A {dimension_numbers = #tpu.dot_dimension_numbers<[1], [0], [0], [1], [0, 0, 1, 1], [], []>, transpose_lhs_hint = false} : vector<1024x128xf32>, vector<128x128xf32>, vector<1024x128xf32> -> vector<1024x128xf32>
    %mul3A_30 = arith.mulf %get3A_25, %dot_general3A_29 : vector<1024x128xf32>
    %swap3A = arith.constant 0 : index
    %swap3A_31 = arith.constant 0 : index
    %swap3A_32 = vector.load %arg6[%swap3A, %swap3A_31] : memref<1024x128xf32, #tpu.memory_space<vmem>>, vector<1024x128xf32>
    tpu.vector_store %arg6[%swap3A, %swap3A_31], %mul3A_30 {strides = array<i32>} : memref<1024x128xf32, #tpu.memory_space<vmem>>, vector<1024x128xf32>,
    return
  }
  func.func @transform_0(%arg0: i32) -> (i32, i32, i32) {
    %c0_i32 = arith.constant 0 : i32
    %c0_i32_0 = arith.constant 0 : i32
    %c0_i32_1 = arith.constant 0 : i32
    return %c0_i32, %arg0, %c0_i32_0 : i32, i32, i32
  }
  func.func @transform_1(%arg0: i32) -> (i32, i32) {
    %c0_i32 = arith.constant 0 : i32
    %c0_i32_0 = arith.constant 0 : i32
    return %arg0, %c0_i32 : i32, i32
  }
  func.func @transform_2(%arg0: i32) -> (i32, i32) {
    %c0_i32 = arith.constant 0 : i32
    %c0_i32_0 = arith.constant 0 : i32
    return %arg0, %c0_i32 : i32, i32
  }
  func.func @transform_3(%arg0: i32) -> (i32, i32) {
    %c0_i32 = arith.constant 0 : i32
    %c0_i32_0 = arith.constant 0 : i32
    %c0_i32_1 = arith.constant 0 : i32
    return %c0_i32, %c0_i32_0 : i32, i32
  }
  func.func @transform_4(%arg0: i32) -> (i32, i32) {
    %c0_i32 = arith.constant 0 : i32
    %c0_i32_0 = arith.constant 0 : i32
    %c0_i32_1 = arith.constant 0 : i32
    return %c0_i32, %c0_i32_0 : i32, i32
  }
  func.func @transform_5(%arg0: i32) -> (i32, i32) {
    %c0_i32 = arith.constant 0 : i32
    %c0_i32_0 = arith.constant 0 : i32
    return %arg0, %c0_i32 : i32, i32
  }
}

</mosaic_0001>

<sc_bundles>
// kernel: kernel.10.cloned.1.call-start
scs
__scs_entry_jumppad:
0x0: {  	(pc) =	sbr.rel $0x88, $3  }
0x1: {  	(tag) =	ssettag $0x0;
	lr =	simm.s32 $0x1  }
0x2: {  	[smem:$0x3F94] =	sst lr;
	_ =	strace $0xD0000000  }
0x3: {  	_ = 	snop  }
0x4: {  	_ = 	snop  }
0x5: {  	_ = 	snop  }
0x6: {  	_ = 	snop  }
0x7: {  	_ = 	snop  }
__scs_overlays_trampoline_lowered:
0x8: {  	[smem:$0x3FA3] =	sst s0  }
0x9: {  	[smem:$0x3FA4] =	sst s1  }
0xa: {  	[smem:$0x3FA5] =	sst s2  }
0xb: {  	[smem:$0x3FA6] =	sst s3  }
0xc: {  	[smem:$0x3FA7] =	sst s4  }
0xd: {  	[smem:$0x3FA8] =	sst s5  }
0xe: {  	[smem:$0x3FA9] =	sst s6  }
0xf: {  	[smem:$0x3FAA] =	sst s7  }
0x10: {  	[smem:$0x3FAB] =	sst s8  }
0x11: {  	[smem:$0x3FAC] =	sst s9;
	s0 =	simm.s32 @!p0 $0x0  }
0x12: {  	s1 =	sld [smem:$0x3F92];
	s0 =	simm.s32 @p0 $0x1  }
0x13: {  	[smem:$0x3FAD] =	sst s0;
	s0 =	simm.s32 @!p1 $0x0  }
0x14: {  	s2 =	sld [smem:$0x3F91];
	s0 =	simm.s32 @p1 $0x1  }
0x15: {  	[smem:$0x3FAE] =	sst s0;
	s0 =	simm.s32 @!p2 $0x0  }
0x16: {  	s3 =	sld [smem:$0x3FDB];
	s0 =	simm.s32 @p2 $0x1  }
0x17: {  	s4 =	simm.s32 $0x1BF5;
	[smem:$0x3FB0] =	sst s0  }
0x18: {  	s0 =	sld [smem:$0x3F93];
	_ =	swait.ge [sflag:s4], $0x0  }
0x19: {  	s7 =	sld [smem:$0x3F94]  }
0x1a: {  	s8 =	sadd.s32 $0xFFFFE003, lr  }
0x1b: {  	s9 =	sadd.s32 $0xFFFFFEF7, lr;
	s5 =	simm.s32 $0xFFFFFFFF;
	p2 =	slt.u32 s8, $0xFFFFF086  }
0x1c: {  	p1 =	slt.u32 s9, $0xF7A;
	s5 =	simm.s32 @!p2 $0x0  }
0x1d: {  	s5 =	simm.s32 @p1 $0x1;
	p0 =	seq.s32 s7, s2  }
0x1e: {  	s7 =	smul.u32 @!p0 $0xF7A, s2;
	p2 =	seq.s32 @!p0 s5, $0x0  }
0x1f: {  	s9 =	smul.u32 $0xF7A, s1;
	s8 =	simm.s32 @!p0 $0x1BF5;
	p2 =	por !p2, p0  }
0x20: {  	[sflag:s8] =	ssyncset.s32 @!p0 $0xFFFFF086;
	s6 =	sadd.s32 @!p0 s3, s7;
	s7 =	simm.s32 @!p0 $0x108  }
0x21: {  	s3 =	sadd.s32 s3, s9;
	s6 =	sadd.s32 @!p0 $0x88, s6;
	s7 =	simm.s32 @p2 $0x1082  }
0x22: {  	[simem:s7], [sflag:s8] =	dma.local @!p0 [hbm:s6], $0xF7A  }
0x23: {  	s9 =	sor.u32 $0xD0000000, s2;
	s6 =	simm.s32 $0x108;
	_ =	swait.ge @!p0 [sflag:s8], $0x0  }
0x24: {  	s3 =	sadd.s32 $0x88, s3;
	s6 =	simm.s32 @!p1 $0x1082;
	[sflag:s4] =	ssyncset.s32 $0xFFFFF086  }
0x25: {  	[simem:s6], [sflag:s4] =	dma.local [hbm:s3], $0xF7A  }
0x26: {  	[smem:$0x3F94] =	sst s1;
	(tag) =	ssettag s2;
	_ =	strace s9  }
0x27: {  	s1 =	sld [smem:$0x3FA4]  }
0x28: {  	s2 =	sld [smem:$0x3FA5]  }
0x29: {  	s4 =	sld [smem:$0x3FA7]  }
0x2a: {  	p0 =	seq.s32 s5, $0x0;
	s5 =	sld [smem:$0x3FA8]  }
0x2b: {  	s6 =	sld [smem:$0x3FA9]  }
0x2c: {  	s7 =	sld [smem:$0x3FAA]  }
0x2d: {  	s3 =	simm.s32 $0x108;
	s8 =	sld [smem:$0x3FAB]  }
0x2e: {  	s3 =	simm.s32 @!p0 $0x1082;
	s9 =	sld [smem:$0x3FAC]  }
0x2f: {  	lr =	sadd.s32 s0, s3;
	s0 =	sld [smem:$0x3FA3]  }
0x30: {  	s3 =	sld [smem:$0x3FA6]  }
0x31: {  	[smem:$0x3FAF] =	sst s10  }
0x32: {  	s10 =	sld [smem:$0x3FAD];
	_ =	sdelay $0x3  }
0x33: {  	p0 =	seq.s32 s10, $0x1;
	s10 =	sld [smem:$0x3FAF];
	_ =	sdelay $0x3  }
0x34: {  	[smem:$0x3FAF] =	sst s10  }
0x35: {  	s10 =	sld [smem:$0x3FAE];
	_ =	sdelay $0x3  }
0x36: {  	p1 =	seq.s32 s10, $0x1;
	s10 =	sld [smem:$0x3FAF];
	_ =	sdelay $0x3  }
0x37: {  	[smem:$0x3FAF] =	sst s10  }
0x38: {  	s10 =	sld [smem:$0x3FB0]  }
0x39: {  	_ = 	snop;
	(pc) =	sbr.ind lr, $3  }
0x3a: {  	_ = 	snop  }
0x3b: {  	_ = 	snop  }
0x3c: {  	p2 =	seq.s32 s10, $0x1;
	s10 =	sld [smem:$0x3FAF]  }
0x3d: {  	_ =	shalt  }
0x3e: {  	_ =	shalt  }
0x3f: {  	_ =	shalt  }
0x40: {  	_ =	shalt  }
0x41: {  	_ =	shalt  }
0x42: {  	_ =	shalt  }
0x43: {  	_ =	shalt  }
0x44: {  	_ =	shalt  }
0x45: {  	_ =	shalt  }
0x46: {  	_ =	shalt  }
0x47: {  	_ =	shalt  }
0x48: {  	_ =	shalt  }
0x49: {  	_ =	shalt  }
0x4a: {  	_ =	shalt  }
0x4b: {  	_ =	shalt  }
0x4c: {  	_ =	shalt  }
0x4d: {  	_ =	shalt  }
0x4e: {  	_ =	shalt  }
0x4f: {  	_ =	shalt  }
0x50: {  	_ =	shalt  }
0x51: {  	_ =	shalt  }
0x52: {  	_ =	shalt  }
0x53: {  	_ =	shalt  }
0x54: {  	_ =	shalt  }
0x55: {  	_ =	shalt  }
0x56: {  	_ =	shalt  }
0x57: {  	_ =	shalt  }
0x58: {  	_ =	shalt  }
0x59: {  	_ =	shalt  }
0x5a: {  	_ =	shalt  }
0x5b: {  	_ =	shalt  }
0x5c: {  	_ =	shalt  }
0x5d: {  	_ =	shalt  }
0x5e: {  	_ =	shalt  }
0x5f: {  	_ =	shalt  }
0x60: {  	_ =	shalt  }
0x61: {  	_ =	shalt  }
0x62: {  	_ =	shalt  }
0x63: {  	_ =	shalt  }
0x64: {  	_ =	shalt  }
0x65: {  	_ =	shalt  }
0x66: {  	_ =	shalt  }
0x67: {  	_ =	shalt  }
0x68: {  	_ =	shalt  }
0x69: {  	_ =	shalt  }
0x6a: {  	_ =	shalt  }
0x6b: {  	_ =	shalt  }
0x6c: {  	_ =	shalt  }
0x6d: {  	_ =	shalt  }
0x6e: {  	_ =	shalt  }
0x6f: {  	_ =	shalt  }
0x70: {  	_ =	shalt  }
0x71: {  	_ =	shalt  }
0x72: {  	_ =	shalt  }
0x73: {  	_ =	shalt  }
0x74: {  	_ =	shalt  }
0x75: {  	_ =	shalt  }
0x76: {  	_ =	shalt  }
0x77: {  	_ =	shalt  }
0x78: {  	_ =	shalt  }
0x79: {  	_ =	shalt  }
0x7a: {  	_ =	shalt  }
0x7b: {  	_ =	shalt  }
0x7c: {  	_ =	shalt  }
0x7d: {  	_ =	shalt  }
0x7e: {  	_ =	shalt  }
0x7f: {  	_ =	shalt  }
0x80: {  	_ =	shalt  }
0x81: {  	_ =	shalt  }
0x82: {  	_ =	shalt  }
0x83: {  	_ =	shalt  }
0x84: {  	_ =	shalt  }
0x85: {  	_ =	shalt  }
0x86: {  	_ =	shalt  }
0x87: {  	_ =	shalt  }
.Lfunc_end0:
.L_simem_size_0:
called_computation_lowered:
.L_overlay_start_0:
0x88: {  	s2 =	sld [smem:$0x3FD9]  }
0x89: {  	s3 =	sld [smem:$0x3FFE];
	_ =	sdelay $0x1  }
0x8a: {  	s1 =	srdreg.scid  }
0x8b: {  	s0 =	sand.u32 $0x1, s1  }
0x8c: {  	s16 =	sshll.u32 s0, $0xA;
	s2 =	sadd.s32 s3, s2  }
0x8d: {  	s2 =	sadd.s32 s2, s16  }
0x8e: {  	[smem:$0x3FBB] =	sst s2  }
0x8f: {  	_ = 	snop  }
0x90: {  	(tm) =	ssettm $0x1  }
0x91: {  	s17 =	sld [smem:$0x3FFB];
	_ =	sdelay $0x3  }
0x92: {  	_ =	strace s17  }
0x93: {  	s2 =	sld [smem:$0x3FFC];
	_ =	sdelay $0x3  }
0x94: {  	_ =	strace s2  }
0x95: {  	s2 =	sld [smem:$0x3FFD];
	_ =	sdelay $0x3  }
0x96: {  	_ =	strace s2  }
0x97: {  	_ =	strace $0x8FFFFFFF  }
0x98: {  	s18 =	sld [smem:$0x3FDB];
	_ =	sdelay $0x1  }
0x99: {  	s19 =	simm.s32 $_scs_section_size  }
0x9a: {  	s4 =	simm.s32 $_size__tile_overlayer_lowered;
	s5 =	simm.s32 $_tile_overlayer_lowered  }
0x9b: {  	s22 =	simm.s32 $0x1BFF;
	s21 =	sshll.u32 s5, $0x1;
	s2 =	sadd.s32 s19, s18  }
0x9c: {  	s6 =	simm.s32 $0x0;
	s20 =	sshll.u32 s4, $0x1;
	s4 =	sadd.s32 s21, s2  }
0x9d: {  	[timem:s6], [sflag:s22] =	dma.local [hbm:s4], s20  }
0x9e: {  	_ =	swait.ge [sflag:s22], s20  }
0x9f: {  	s3 =	ssub.s32 $0x0, s20;
	[sflag:s22] =	ssyncset.done $0x0  }
0xa0: {  	[sflag:s22] =	ssyncadd.s32 s3;
	_ =	sdelay $0x1  }
0xa1: {  	s23 =	simm.s32 $0x1B8B  }
0xa2: {  	_ =	swait.ge [sflag:s23], $0x1  }
0xa3: {  	[sflag:s23] =	ssyncset.done $0x0  }
0xa4: {  	s25 =	simm.s32 $0x1B8E;
	s24 =	sld [smem:$0x3FFE];
	[sflag:s23] =	ssyncadd.s32 $0xFFFFFFFF  }
0xa5: {  	s26 =	simm.s32 $execute0_lowered;
	[smem:$0x3FD2] =	sst s25  }
0xa6: {  	s4 =	sshll.u32 s26, $0x1;
	_ =	strace $0x80000046;
	[dreg:$0x1] =	wrdreg $0xFFFFFFFF  }
0xa7: {  	s28 =	simm.s32 $_size_execute0_lowered;
	s2 =	sadd.s32 s2, s4;
	[dreg:$0x0] =	wrdreg $0x0  }
0xa8: {  	s4 =	sshll.u32 s28, $0x1;
	[dreg:$0x2] =	wrdreg s2  }
0xa9: {  	[dreg:$0x3] =	wrdreg s4  }
0xaa: {  	[dreg:$0x4] =	wrdreg $0xC0  }
0xab: {  	_ =	task [dreg:s6], $0x5FFFF  }
0xac: {  	[dreg:$0x1] =	wrdreg $0xFFFFFFFF  }
0xad: {  	[dreg:$0x0] =	wrdreg $0x60  }
0xae: {  	[dreg:$0x2] =	wrdreg s24  }
0xaf: {  	[dreg:$0x3] =	wrdreg $0x68000  }
0xb0: {  	[dreg:$0x4] =	wrdreg $0x9  }
0xb1: {  	_ =	task.clear_ibuf [dreg:s6], $0x5FFFF;
	_ =	strace $0x90000046  }
0xb2: {  	s29 =	simm.s32 $0x9;
	_ =	strace $0x80000048  }
0xb3: {  	_ =	swait.ge [sflag:s29], $0x1  }
0xb4: {  	[sflag:s29] =	ssyncadd.s32 $0xFFFFFFFF  }
0xb5: {  	_ =	strace $0x90000048  }
0xb6: {  	_ =	sfence  }
0xb7: {  	s30 =	sld [smem:$0x0];
	_ =	sdelay $0x2  }
0xb8: {  	s31 =	sshll.u32 s1, $0xD;
	s1 =	sshrl.u32 s1, $0x2  }
0xb9: {  	s3 =	sand.u32 $0x4000, s31;
	s1 =	sadd.s32 s1, s30  }
0xba: {  	s0 =	sor.u32 s3, s0;
	s1 =	sshll.u32 s1, $0x11  }
0xbb: {  	s0 =	sor.u32 s1, s0  }
0xbc: {  	s0 =	sadd.s32 $0x8F2B, s0  }
0xbd: {  	[sflag:s0] =	ssyncadd.remote.s32 $0x1  }
0xbe: {  	_ =	sfence.sel $0xFFFF  }
0xbf: {  	[dreg:$0x0] =	wrdreg $0xFFFFFFFF;
	(pc) =	sbr.abs _section_cstart, $3  }
0xc0: {  	[dreg:$0x1] =	wrdreg $0xFFFFFFFF  }
0xc1: {  	_ =	task.clear_ibuf [dreg:s6], $0x2FFFF;
	_ =	strace $0x9FFFFFFF  }
0xc2: {  	(tm) =	ssettm $0x7FFFFFFF  }
0xc3: {  	_ =	shalt  }
tec
execute0_lowered:
.L_overlay_start_1:
0x0: {  	(tag) =	ssettag $0x1  }
0x1: {  	s1 =	srdreg.scid  }
0x2: {  	s0 =	stileid.u32;
	s6 =	rddreg [dreg:$0x0]  }
0x3: {  	s2 =	rddreg [dreg:$0x1];
	s3 =	simm.s32 $0x0;
	s14 =	simm.s32 $0x100  }
0x4: {  	s15 =	simm.s32 $0x180;
	s16 =	simm.s32 $0x200;
	s17 =	simm.s32 $0x280  }
0x5: {  	s18 =	simm.s32 $0x300;
	s19 =	simm.s32 $0x380;
	s20 =	simm.s32 $0x1  }
0x6: {  	s21 =	simm.s32 $0x0;
	s5 =	sand.u32 $0x1, s1;
	s7 =	smul.u32 $0x14000, s0  }
0x7: {  	s26 =	sshll.u32 s0, $0x1;
	[smem:$0x7FF] =	sst s3;
	s28 =	smul.u32 $0x50000, s0  }
0x8: {  	s31 =	sshll.u32 s0, $0x6;
	s1 =	sor.u32 s5, s26;
	s8 =	smul.u32 $0x140000, s5  }
0x9: {  	s5 =	ssub.s32 $0x2, s5;
	s4 =	smul.u32 $0x500, s1;
	s1 =	rddreg [dreg:$0x2]  }
0xa: {  	_ =	strace $0x80000047;
	s10 =	sshrl.u32 s7, $0x3;
	s29 =	sshrl.u32 s5, $0x1  }
0xb: {  	s30 =	sshrl.u32 s28, $0x2;
	s7 =	sadd.s32 s7, s8;
	s10 =	sadd.s32 s10, s6  }
0xc: {  	s12 =	ssub.s32 s5, s29;
	s13 =	sadd.s32 s30, s2;
	s9 =	sadd.s32 s4, s6  }
0xd: {  	s4 =	sadd.s32 $0x3F600, s6;
	s7 =	sshrl.u32 s7, $0x3;
	s5 =	sadd.s32 $0x17600, s10  }
0xe: {  	s10 =	sshrl.u32 s13, $0x3;
	s13 =	simm.s32 $0x80;
	s11 =	sadd.s32 s7, s6  }
0xf: {  	s6 =	sor.u32 $0x1C02, s31;
	s7 =	sadd.s32 $0xD600, s9;
	s9 =	smax.u32 s12, $0x1  }
0x10: {  	s12 =	simm.s32 $0x2800;
	s8 =	sadd.s32 $0x3FE00, s11;
	s11 =	simm.s32 $0x2  }
.LBB2_1:
0x11: {  	[spmem:s10], [sflag:s6] =	dma.local [hbm:s5], $0x2800  }
0x12: {  	_ =	swait.ge [sflag:s11], $0x2800  }
0x13: {  	[sflag:s11] =	ssyncset.done $0x0  }
0x14: {  	[sflag:s11] =	ssyncadd.s32 $0xFFFFD800  }
0x15: {  	[tilespmem:s12], [sflag:$0x2] =	stream.linear.gather [hbm4b:s4+s3], $0x4000, $0x38;
	[tilespmem:$0x1A800] =	vst v63  }
0x16: {  	_ =	swait.ge [sflag:s11], $0x4000  }
0x17: {  	[sflag:s11] =	ssyncset.done $0x0  }
0x18: {  	[sflag:s11] =	ssyncadd.s32 $0xFFFFC000  }
0x19: {  	[tilespmem:s3], [sflag:$0x2] =	stream.linear.gather [hbm4b:s7+s3], $0x2800, $0x38;
	[tilespmem:$0x1A800] =	vst v63  }
0x1a: {  	_ =	swait.ge [sflag:s11], $0x2800  }
0x1b: {  	[sflag:s11] =	ssyncset.done $0x0  }
0x1c: {  	[sflag:s11] =	ssyncadd.s32 $0xFFFFD800  }
0x1d: {  	[bflag:$0x0] =	sbarrier.arrive $0xFFFF  }
0x1e: {  	[spmem:s2] =	stream.indirect.scatter.add.f32 [tilespmem:s12], [sflag:$0x1], $0x80, s3, s13, $0xb8;
	[tilespmem:$0x1A800] =	vst v63  }
0x1f: {  	_ = 	snop  }
0x20: {  	[spmem:s2] =	stream.indirect.scatter.add.f32 [tilespmem:s12], [sflag:$0x1], $0x80, s13, s13, $0xb8;
	[tilespmem:$0x1A800] =	vst v63  }
0x21: {  	_ = 	snop  }
0x22: {  	[spmem:s2] =	stream.indirect.scatter.add.f32 [tilespmem:s12], [sflag:$0x1], $0x80, s14, s13, $0xb8;
	[tilespmem:$0x1A800] =	vst v63  }
0x23: {  	_ = 	snop  }
0x24: {  	[spmem:s2] =	stream.indirect.scatter.add.f32 [tilespmem:s12], [sflag:$0x1], $0x80, s15, s13, $0xb8;
	[tilespmem:$0x1A800] =	vst v63  }
0x25: {  	_ = 	snop  }
0x26: {  	[spmem:s2] =	stream.indirect.scatter.add.f32 [tilespmem:s12], [sflag:$0x1], $0x80, s16, s13, $0xb8;
	[tilespmem:$0x1A800] =	vst v63  }
0x27: {  	_ = 	snop  }
0x28: {  	[spmem:s2] =	stream.indirect.scatter.add.f32 [tilespmem:s12], [sflag:$0x1], $0x80, s17, s13, $0xb8;
	[tilespmem:$0x1A800] =	vst v63  }
0x29: {  	_ = 	snop  }
0x2a: {  	[spmem:s2] =	stream.indirect.scatter.add.f32 [tilespmem:s12], [sflag:$0x1], $0x80, s18, s13, $0xb8;
	[tilespmem:$0x1A800] =	vst v63  }
0x2b: {  	_ = 	snop  }
0x2c: {  	[spmem:s2] =	stream.indirect.scatter.add.f32 [tilespmem:s12], [sflag:$0x1], $0x80, s19, s13, $0xb8;
	[tilespmem:$0x1A800] =	vst v63  }
0x2d: {  	s22 =	simm.s32 $0x400  }
0x2e: {  	[spmem:s2] =	stream.indirect.scatter.add.f32 [tilespmem:s12], [sflag:$0x1], $0x80, s22, s13, $0xb8;
	[tilespmem:$0x1A800] =	vst v63  }
0x2f: {  	s24 =	simm.s32 $0x480  }
0x30: {  	[spmem:s2] =	stream.indirect.scatter.add.f32 [tilespmem:s12], [sflag:$0x1], $0x80, s24, s13, $0xb8;
	[tilespmem:$0x1A800] =	vst v63  }
0x31: {  	s25 =	simm.s32 $0x500  }
0x32: {  	[spmem:s2] =	stream.indirect.scatter.add.f32 [tilespmem:s12], [sflag:$0x1], $0x80, s25, s13, $0xb8;
	[tilespmem:$0x1A800] =	vst v63  }
0x33: {  	s26 =	simm.s32 $0x580  }
0x34: {  	[spmem:s2] =	stream.indirect.scatter.add.f32 [tilespmem:s12], [sflag:$0x1], $0x80, s26, s13, $0xb8;
	[tilespmem:$0x1A800] =	vst v63  }
0x35: {  	s28 =	simm.s32 $0x600  }
0x36: {  	[spmem:s2] =	stream.indirect.scatter.add.f32 [tilespmem:s12], [sflag:$0x1], $0x80, s28, s13, $0xb8;
	[tilespmem:$0x1A800] =	vst v63  }
0x37: {  	s29 =	simm.s32 $0x680  }
0x38: {  	[spmem:s2] =	stream.indirect.scatter.add.f32 [tilespmem:s12], [sflag:$0x1], $0x80, s29, s13, $0xb8;
	[tilespmem:$0x1A800] =	vst v63  }
0x39: {  	s30 =	simm.s32 $0x700  }
0x3a: {  	[spmem:s2] =	stream.indirect.scatter.add.f32 [tilespmem:s12], [sflag:$0x1], $0x80, s30, s13, $0xb8;
	[tilespmem:$0x1A800] =	vst v63  }
0x3b: {  	s31 =	simm.s32 $0x780  }
0x3c: {  	[spmem:s2] =	stream.indirect.scatter.add.f32 [tilespmem:s12], [sflag:$0x1], $0x80, s31, s13, $0xb8;
	[tilespmem:$0x1A800] =	vst v63  }
0x3d: {  	_ =	swait.ge [sflag:s20], $0x4000  }
0x3e: {  	[sflag:s20] =	ssyncset.done $0x0  }
0x3f: {  	[sflag:s20] =	ssyncadd.s32 $0xFFFFC000  }
0x40: {  	_ =	swait.ge [sflag:s20], $0x4000  }
0x41: {  	[sflag:s20] =	ssyncset.done $0x0  }
0x42: {  	[sflag:s20] =	ssyncadd.s32 $0xFFFFC000  }
0x43: {  	_ =	swait.ge [sflag:s20], $0x4000  }
0x44: {  	[sflag:s20] =	ssyncset.done $0x0  }
0x45: {  	[sflag:s20] =	ssyncadd.s32 $0xFFFFC000  }
0x46: {  	_ =	swait.ge [sflag:s20], $0x4000  }
0x47: {  	[sflag:s20] =	ssyncset.done $0x0  }
0x48: {  	[sflag:s20] =	ssyncadd.s32 $0xFFFFC000  }
0x49: {  	_ =	swait.ge [sflag:s20], $0x4000  }
0x4a: {  	[sflag:s20] =	ssyncset.done $0x0  }
0x4b: {  	[sflag:s20] =	ssyncadd.s32 $0xFFFFC000  }
0x4c: {  	_ =	swait.ge [sflag:s20], $0x4000  }
0x4d: {  	[sflag:s20] =	ssyncset.done $0x0  }
0x4e: {  	[sflag:s20] =	ssyncadd.s32 $0xFFFFC000  }
0x4f: {  	_ =	swait.ge [sflag:s20], $0x4000  }
0x50: {  	[sflag:s20] =	ssyncset.done $0x0  }
0x51: {  	[sflag:s20] =	ssyncadd.s32 $0xFFFFC000  }
0x52: {  	_ =	swait.ge [sflag:s20], $0x4000  }
0x53: {  	s24 =	simm.s32 $0x400;
	s25 =	simm.s32 $0x2000;
	[sflag:s20] =	ssyncset.done $0x0  }
.LBB2_2:
0x54: {  	s26 =	sadd.s32 $0x400, s24  }
0x55: {  	[sflag:s20] =	ssyncadd.s32 $0xFFFFC000;
	s23 =	smov.u32 s25;
	s22 =	sadd.s32 $0x1000, s25  }
0x56: {  	[spmem:s2] =	stream.indirect.scatter.add.f32 [tilespmem:s12], [sflag:$0x1], $0x80, s26, s13, $0xb8;
	[tilespmem:$0x1A800] =	vst v63  }
0x57: {  	p0 =	sne.s32 s25, $0x8000;
	s25 =	sadd.s32 $0x480, s24  }
0x58: {  	[spmem:s2] =	stream.indirect.scatter.add.f32 [tilespmem:s12], [sflag:$0x1], $0x80, s25, s13, $0xb8;
	[tilespmem:$0x1A800] =	vst v63  }
0x59: {  	s25 =	sadd.s32 $0x500, s24  }
0x5a: {  	[spmem:s2] =	stream.indirect.scatter.add.f32 [tilespmem:s12], [sflag:$0x1], $0x80, s25, s13, $0xb8;
	[tilespmem:$0x1A800] =	vst v63  }
0x5b: {  	s25 =	sadd.s32 $0x580, s24  }
0x5c: {  	[spmem:s2] =	stream.indirect.scatter.add.f32 [tilespmem:s12], [sflag:$0x1], $0x80, s25, s13, $0xb8;
	[tilespmem:$0x1A800] =	vst v63  }
0x5d: {  	s25 =	sadd.s32 $0x600, s24  }
0x5e: {  	[spmem:s2] =	stream.indirect.scatter.add.f32 [tilespmem:s12], [sflag:$0x1], $0x80, s25, s13, $0xb8;
	[tilespmem:$0x1A800] =	vst v63  }
0x5f: {  	s25 =	sadd.s32 $0x680, s24  }
0x60: {  	[spmem:s2] =	stream.indirect.scatter.add.f32 [tilespmem:s12], [sflag:$0x1], $0x80, s25, s13, $0xb8;
	[tilespmem:$0x1A800] =	vst v63  }
0x61: {  	s25 =	sadd.s32 $0x700, s24  }
0x62: {  	[spmem:s2] =	stream.indirect.scatter.add.f32 [tilespmem:s12], [sflag:$0x1], $0x80, s25, s13, $0xb8;
	[tilespmem:$0x1A800] =	vst v63  }
0x63: {  	s24 =	sadd.s32 $0x780, s24  }
0x64: {  	[spmem:s2] =	stream.indirect.scatter.add.f32 [tilespmem:s12], [sflag:$0x1], $0x80, s24, s13, $0xb8;
	[tilespmem:$0x1A800] =	vst v63  }
0x65: {  	_ =	swait.ge [sflag:s20], $0x4000  }
0x66: {  	[sflag:s20] =	ssyncset.done $0x0  }
0x67: {  	[sflag:s20] =	ssyncadd.s32 $0xFFFFC000  }
0x68: {  	_ =	swait.ge [sflag:s20], $0x4000  }
0x69: {  	[sflag:s20] =	ssyncset.done $0x0  }
0x6a: {  	[sflag:s20] =	ssyncadd.s32 $0xFFFFC000  }
0x6b: {  	_ =	swait.ge [sflag:s20], $0x4000  }
0x6c: {  	[sflag:s20] =	ssyncset.done $0x0  }
0x6d: {  	[sflag:s20] =	ssyncadd.s32 $0xFFFFC000  }
0x6e: {  	_ =	swait.ge [sflag:s20], $0x4000  }
0x6f: {  	[sflag:s20] =	ssyncset.done $0x0  }
0x70: {  	[sflag:s20] =	ssyncadd.s32 $0xFFFFC000  }
0x71: {  	_ =	swait.ge [sflag:s20], $0x4000  }
0x72: {  	[sflag:s20] =	ssyncset.done $0x0  }
0x73: {  	[sflag:s20] =	ssyncadd.s32 $0xFFFFC000  }
0x74: {  	_ =	swait.ge [sflag:s20], $0x4000  }
0x75: {  	[sflag:s20] =	ssyncset.done $0x0  }
0x76: {  	[sflag:s20] =	ssyncadd.s32 $0xFFFFC000  }
.Ltmp0:
0x77: {  	_ =	swait.ge [sflag:s20], $0x4000;
	(pc) =	sbr.rel @p0 .LBB2_2-.Ltmp0, $4  }
0x78: {  	[sflag:s20] =	ssyncset.done $0x0  }
0x79: {  	[sflag:s20] =	ssyncadd.s32 $0xFFFFC000  }
0x7a: {  	_ =	swait.ge [sflag:s20], $0x4000  }
0x7b: {  	s25 =	smov.u32 s22;
	s24 =	sshra.s32 s23, $0x2;
	[sflag:s20] =	ssyncset.done $0x0  }
0x7c: {  	s22 =	sadd.s32 $0x400, s24;
	[sflag:s20] =	ssyncadd.s32 $0xFFFFC000  }
0x7d: {  	[spmem:s2] =	stream.indirect.scatter.add.f32 [tilespmem:s12], [sflag:$0x1], $0x80, s22, s13, $0xb8;
	[tilespmem:$0x1A800] =	vst v63  }
0x7e: {  	s23 =	sadd.s32 $0x480, s24  }
0x7f: {  	[spmem:s2] =	stream.indirect.scatter.add.f32 [tilespmem:s12], [sflag:$0x1], $0x80, s23, s13, $0xb8;
	[tilespmem:$0x1A800] =	vst v63  }
0x80: {  	s25 =	sadd.s32 $0x500, s24  }
0x81: {  	[spmem:s2] =	stream.indirect.scatter.add.f32 [tilespmem:s12], [sflag:$0x1], $0x80, s25, s13, $0xb8;
	[tilespmem:$0x1A800] =	vst v63  }
0x82: {  	s26 =	sadd.s32 $0x580, s24  }
0x83: {  	[spmem:s2] =	stream.indirect.scatter.add.f32 [tilespmem:s12], [sflag:$0x1], $0x80, s26, s13, $0xb8;
	[tilespmem:$0x1A800] =	vst v63  }
0x84: {  	s28 =	sadd.s32 $0x600, s24  }
0x85: {  	[spmem:s2] =	stream.indirect.scatter.add.f32 [tilespmem:s12], [sflag:$0x1], $0x80, s28, s13, $0xb8;
	[tilespmem:$0x1A800] =	vst v63  }
0x86: {  	s29 =	sadd.s32 $0x680, s24  }
0x87: {  	[spmem:s2] =	stream.indirect.scatter.add.f32 [tilespmem:s12], [sflag:$0x1], $0x80, s29, s13, $0xb8;
	[tilespmem:$0x1A800] =	vst v63  }
0x88: {  	s30 =	sadd.s32 $0x700, s24  }
0x89: {  	[spmem:s2] =	stream.indirect.scatter.add.f32 [tilespmem:s12], [sflag:$0x1], $0x80, s30, s13, $0xb8;
	[tilespmem:$0x1A800] =	vst v63  }
0x8a: {  	s31 =	sadd.s32 $0x780, s24  }
0x8b: {  	[spmem:s2] =	stream.indirect.scatter.add.f32 [tilespmem:s12], [sflag:$0x1], $0x80, s31, s13, $0xb8;
	[tilespmem:$0x1A800] =	vst v63  }
0x8c: {  	_ =	swait.ge [sflag:s20], $0x4000  }
0x8d: {  	[sflag:s20] =	ssyncset.done $0x0  }
0x8e: {  	[sflag:s20] =	ssyncadd.s32 $0xFFFFC000  }
0x8f: {  	_ =	swait.ge [sflag:s20], $0x4000  }
0x90: {  	[sflag:s20] =	ssyncset.done $0x0  }
0x91: {  	[sflag:s20] =	ssyncadd.s32 $0xFFFFC000  }
0x92: {  	_ =	swait.ge [sflag:s20], $0x4000  }
0x93: {  	[sflag:s20] =	ssyncset.done $0x0  }
0x94: {  	[sflag:s20] =	ssyncadd.s32 $0xFFFFC000  }
0x95: {  	_ =	swait.ge [sflag:s20], $0x4000  }
0x96: {  	[sflag:s20] =	ssyncset.done $0x0  }
0x97: {  	[sflag:s20] =	ssyncadd.s32 $0xFFFFC000  }
0x98: {  	_ =	swait.ge [sflag:s20], $0x4000  }
0x99: {  	[sflag:s20] =	ssyncset.done $0x0  }
0x9a: {  	[sflag:s20] =	ssyncadd.s32 $0xFFFFC000  }
0x9b: {  	_ =	swait.ge [sflag:s20], $0x4000  }
0x9c: {  	[sflag:s20] =	ssyncset.done $0x0  }
0x9d: {  	[sflag:s20] =	ssyncadd.s32 $0xFFFFC000  }
0x9e: {  	_ =	swait.ge [sflag:s20], $0x4000  }
0x9f: {  	[sflag:s20] =	ssyncset.done $0x0  }
0xa0: {  	[sflag:s20] =	ssyncadd.s32 $0xFFFFC000  }
0xa1: {  	_ =	swait.ge [sflag:s20], $0x4000  }
0xa2: {  	[sflag:s20] =	ssyncset.done $0x0  }
0xa3: {  	[sflag:s20] =	ssyncadd.s32 $0xFFFFC000  }
0xa4: {  	_ =	swait.ge [sflag:s20], $0x4000  }
0xa5: {  	[sflag:s20] =	ssyncset.done $0x0  }
0xa6: {  	[sflag:s20] =	ssyncadd.s32 $0xFFFFC000  }
0xa7: {  	_ =	swait.ge [sflag:s20], $0x4000  }
0xa8: {  	[sflag:s20] =	ssyncset.done $0x0  }
0xa9: {  	[sflag:s20] =	ssyncadd.s32 $0xFFFFC000  }
0xaa: {  	_ =	swait.ge [sflag:s20], $0x4000  }
0xab: {  	[sflag:s20] =	ssyncset.done $0x0  }
0xac: {  	[sflag:s20] =	ssyncadd.s32 $0xFFFFC000  }
0xad: {  	_ =	swait.ge [sflag:s20], $0x4000  }
0xae: {  	[sflag:s20] =	ssyncset.done $0x0  }
0xaf: {  	[sflag:s20] =	ssyncadd.s32 $0xFFFFC000  }
0xb0: {  	_ =	swait.ge [sflag:s20], $0x4000  }
0xb1: {  	[sflag:s20] =	ssyncset.done $0x0  }
0xb2: {  	[sflag:s20] =	ssyncadd.s32 $0xFFFFC000  }
0xb3: {  	_ =	swait.ge [sflag:s20], $0x4000  }
0xb4: {  	[sflag:s20] =	ssyncset.done $0x0  }
0xb5: {  	[sflag:s20] =	ssyncadd.s32 $0xFFFFC000  }
0xb6: {  	_ =	swait.ge [sflag:s20], $0x4000  }
0xb7: {  	[sflag:s20] =	ssyncset.done $0x0  }
0xb8: {  	[sflag:s20] =	ssyncadd.s32 $0xFFFFC000  }
0xb9: {  	_ =	swait.ge [sflag:s20], $0x4000  }
0xba: {  	s21 =	sadd.s32 $0x1, s21;
	[sflag:s20] =	ssyncset.done $0x0  }
0xbb: {  	p0 =	sne.s32 s21, s9;
	[sflag:s20] =	ssyncadd.s32 $0xFFFFC000  }
.Ltmp1:
0xbc: {  	[bflag:$0x0] =	sbarrier.arrive $0xFFFF;
	(pc) =	sbr.rel @p0 .LBB2_1-.Ltmp1, $4  }
0xbd: {  	[hbm:s8], [sflag:s6] =	dma.local [spmem:s10], $0x2800  }
0xbe: {  	_ =	swait.ge [sflag:s11], $0x2800  }
0xbf: {  	[sflag:s11] =	ssyncset.done $0x0  }
0xc0: {  	[sflag:s11] =	ssyncadd.s32 $0xFFFFD800  }
0xc1: {  	_ =	sfence.sel $0x180000  }
0xc2: {  	[bflag:$0x0] =	sbarrier.arrive $0xFFFF  }
0xc3: {  	p0 =	sne.s32 s0, $0x0;
	_ =	strace $0x90000047  }
0xc4: {  	s0 =	sadd.s32 @!p0 $0x100000, s1;
	[bflag:$0x2] =	sbarrier.arrive $0xFFFF  }
0xc5: {  	[sflag:s0] =	ssyncadd.tile.s32 @!p0 $0x1;
	_ =	shalt  }
.Lfunc_end2:
_tile_overlayer_lowered:
.L_overlay_start_2:
0xc6: {  	(tag) =	ssettag $0x2  }
0xc7: {  	s0 =	rddreg [dreg:$0x0];
	s2 =	stileid.u32  }
0xc8: {  	s1 =	rddreg [dreg:$0x1];
	p0 =	sne.s32 s2, $0x0  }
0xc9: {  	s3 =	rddreg [dreg:$0x2];
	[bflag:$0x3] =	sbarrier.arrive $0xFFFF;
	s2 =	simm.s32 @!p0 $0x1C02  }
0xca: {  	[timem:s3], [sflag:s2] =	dma.local @!p0 [hbm:s0], s1  }
0xcb: {  	s0 =	simm.s32 @!p0 $0x2  }
0xcc: {  	_ =	swait.ge @!p0 [sflag:s0], s1  }
0xcd: {  	s1 =	ssub.s32 @!p0 $0x0, s1;
	[sflag:s0] =	ssyncset.done @!p0 $0x0  }
0xce: {  	[sflag:s0] =	ssyncadd.s32 @!p0 s1  }
0xcf: {  	[bflag:$0x3] =	sbarrier.arrive $0xFFFF  }
0xd0: {  	_ =	shalt  }

// kernel: kernel.13.cloned.1.call-start
scs
__scs_entry_jumppad:
0x0: {  	(pc) =	sbr.rel $0x88, $3  }
0x1: {  	(tag) =	ssettag $0x0;
	lr =	simm.s32 $0x1  }
0x2: {  	[smem:$0x3F94] =	sst lr;
	_ =	strace $0xD0000000  }
0x3: {  	_ = 	snop  }
0x4: {  	_ = 	snop  }
0x5: {  	_ = 	snop  }
0x6: {  	_ = 	snop  }
0x7: {  	_ = 	snop  }
__scs_overlays_trampoline_lowered:
0x8: {  	[smem:$0x3FA3] =	sst s0  }
0x9: {  	[smem:$0x3FA4] =	sst s1  }
0xa: {  	[smem:$0x3FA5] =	sst s2  }
0xb: {  	[smem:$0x3FA6] =	sst s3  }
0xc: {  	[smem:$0x3FA7] =	sst s4  }
0xd: {  	[smem:$0x3FA8] =	sst s5  }
0xe: {  	[smem:$0x3FA9] =	sst s6  }
0xf: {  	[smem:$0x3FAA] =	sst s7  }
0x10: {  	[smem:$0x3FAB] =	sst s8  }
0x11: {  	[smem:$0x3FAC] =	sst s9;
	s0 =	simm.s32 @!p0 $0x0  }
0x12: {  	s1 =	sld [smem:$0x3F92];
	s0 =	simm.s32 @p0 $0x1  }
0x13: {  	[smem:$0x3FAD] =	sst s0;
	s0 =	simm.s32 @!p1 $0x0  }
0x14: {  	s2 =	sld [smem:$0x3F91];
	s0 =	simm.s32 @p1 $0x1  }
0x15: {  	[smem:$0x3FAE] =	sst s0;
	s0 =	simm.s32 @!p2 $0x0  }
0x16: {  	s3 =	sld [smem:$0x3FDB];
	s0 =	simm.s32 @p2 $0x1  }
0x17: {  	s4 =	simm.s32 $0x1BF5;
	[smem:$0x3FB0] =	sst s0  }
0x18: {  	s0 =	sld [smem:$0x3F93];
	_ =	swait.ge [sflag:s4], $0x0  }
0x19: {  	s7 =	sld [smem:$0x3F94]  }
0x1a: {  	s8 =	sadd.s32 $0xFFFFE003, lr  }
0x1b: {  	s9 =	sadd.s32 $0xFFFFFEF7, lr;
	s5 =	simm.s32 $0xFFFFFFFF;
	p2 =	slt.u32 s8, $0xFFFFF086  }
0x1c: {  	p1 =	slt.u32 s9, $0xF7A;
	s5 =	simm.s32 @!p2 $0x0  }
0x1d: {  	s5 =	simm.s32 @p1 $0x1;
	p0 =	seq.s32 s7, s2  }
0x1e: {  	s7 =	smul.u32 @!p0 $0xF7A, s2;
	p2 =	seq.s32 @!p0 s5, $0x0  }
0x1f: {  	s9 =	smul.u32 $0xF7A, s1;
	s8 =	simm.s32 @!p0 $0x1BF5;
	p2 =	por !p2, p0  }
0x20: {  	[sflag:s8] =	ssyncset.s32 @!p0 $0xFFFFF086;
	s6 =	sadd.s32 @!p0 s3, s7;
	s7 =	simm.s32 @!p0 $0x108  }
0x21: {  	s3 =	sadd.s32 s3, s9;
	s6 =	sadd.s32 @!p0 $0x88, s6;
	s7 =	simm.s32 @p2 $0x1082  }
0x22: {  	[simem:s7], [sflag:s8] =	dma.local @!p0 [hbm:s6], $0xF7A  }
0x23: {  	s9 =	sor.u32 $0xD0000000, s2;
	s6 =	simm.s32 $0x108;
	_ =	swait.ge @!p0 [sflag:s8], $0x0  }
0x24: {  	s3 =	sadd.s32 $0x88, s3;
	s6 =	simm.s32 @!p1 $0x1082;
	[sflag:s4] =	ssyncset.s32 $0xFFFFF086  }
0x25: {  	[simem:s6], [sflag:s4] =	dma.local [hbm:s3], $0xF7A  }
0x26: {  	[smem:$0x3F94] =	sst s1;
	(tag) =	ssettag s2;
	_ =	strace s9  }
0x27: {  	s1 =	sld [smem:$0x3FA4]  }
0x28: {  	s2 =	sld [smem:$0x3FA5]  }
0x29: {  	s4 =	sld [smem:$0x3FA7]  }
0x2a: {  	p0 =	seq.s32 s5, $0x0;
	s5 =	sld [smem:$0x3FA8]  }
0x2b: {  	s6 =	sld [smem:$0x3FA9]  }
0x2c: {  	s7 =	sld [smem:$0x3FAA]  }
0x2d: {  	s3 =	simm.s32 $0x108;
	s8 =	sld [smem:$0x3FAB]  }
0x2e: {  	s3 =	simm.s32 @!p0 $0x1082;
	s9 =	sld [smem:$0x3FAC]  }
0x2f: {  	lr =	sadd.s32 s0, s3;
	s0 =	sld [smem:$0x3FA3]  }
0x30: {  	s3 =	sld [smem:$0x3FA6]  }
0x31: {  	[smem:$0x3FAF] =	sst s10  }
0x32: {  	s10 =	sld [smem:$0x3FAD];
	_ =	sdelay $0x3  }
0x33: {  	p0 =	seq.s32 s10, $0x1;
	s10 =	sld [smem:$0x3FAF];
	_ =	sdelay $0x3  }
0x34: {  	[smem:$0x3FAF] =	sst s10  }
0x35: {  	s10 =	sld [smem:$0x3FAE];
	_ =	sdelay $0x3  }
0x36: {  	p1 =	seq.s32 s10, $0x1;
	s10 =	sld [smem:$0x3FAF];
	_ =	sdelay $0x3  }
0x37: {  	[smem:$0x3FAF] =	sst s10  }
0x38: {  	s10 =	sld [smem:$0x3FB0]  }
0x39: {  	_ = 	snop;
	(pc) =	sbr.ind lr, $3  }
0x3a: {  	_ = 	snop  }
0x3b: {  	_ = 	snop  }
0x3c: {  	p2 =	seq.s32 s10, $0x1;
	s10 =	sld [smem:$0x3FAF]  }
0x3d: {  	_ =	shalt  }
0x3e: {  	_ =	shalt  }
0x3f: {  	_ =	shalt  }
0x40: {  	_ =	shalt  }
0x41: {  	_ =	shalt  }
0x42: {  	_ =	shalt  }
0x43: {  	_ =	shalt  }
0x44: {  	_ =	shalt  }
0x45: {  	_ =	shalt  }
0x46: {  	_ =	shalt  }
0x47: {  	_ =	shalt  }
0x48: {  	_ =	shalt  }
0x49: {  	_ =	shalt  }
0x4a: {  	_ =	shalt  }
0x4b: {  	_ =	shalt  }
0x4c: {  	_ =	shalt  }
0x4d: {  	_ =	shalt  }
0x4e: {  	_ =	shalt  }
0x4f: {  	_ =	shalt  }
0x50: {  	_ =	shalt  }
0x51: {  	_ =	shalt  }
0x52: {  	_ =	shalt  }
0x53: {  	_ =	shalt  }
0x54: {  	_ =	shalt  }
0x55: {  	_ =	shalt  }
0x56: {  	_ =	shalt  }
0x57: {  	_ =	shalt  }
0x58: {  	_ =	shalt  }
0x59: {  	_ =	shalt  }
0x5a: {  	_ =	shalt  }
0x5b: {  	_ =	shalt  }
0x5c: {  	_ =	shalt  }
0x5d: {  	_ =	shalt  }
0x5e: {  	_ =	shalt  }
0x5f: {  	_ =	shalt  }
0x60: {  	_ =	shalt  }
0x61: {  	_ =	shalt  }
0x62: {  	_ =	shalt  }
0x63: {  	_ =	shalt  }
0x64: {  	_ =	shalt  }
0x65: {  	_ =	shalt  }
0x66: {  	_ =	shalt  }
0x67: {  	_ =	shalt  }
0x68: {  	_ =	shalt  }
0x69: {  	_ =	shalt  }
0x6a: {  	_ =	shalt  }
0x6b: {  	_ =	shalt  }
0x6c: {  	_ =	shalt  }
0x6d: {  	_ =	shalt  }
0x6e: {  	_ =	shalt  }
0x6f: {  	_ =	shalt  }
0x70: {  	_ =	shalt  }
0x71: {  	_ =	shalt  }
0x72: {  	_ =	shalt  }
0x73: {  	_ =	shalt  }
0x74: {  	_ =	shalt  }
0x75: {  	_ =	shalt  }
0x76: {  	_ =	shalt  }
0x77: {  	_ =	shalt  }
0x78: {  	_ =	shalt  }
0x79: {  	_ =	shalt  }
0x7a: {  	_ =	shalt  }
0x7b: {  	_ =	shalt  }
0x7c: {  	_ =	shalt  }
0x7d: {  	_ =	shalt  }
0x7e: {  	_ =	shalt  }
0x7f: {  	_ =	shalt  }
0x80: {  	_ =	shalt  }
0x81: {  	_ =	shalt  }
0x82: {  	_ =	shalt  }
0x83: {  	_ =	shalt  }
0x84: {  	_ =	shalt  }
0x85: {  	_ =	shalt  }
0x86: {  	_ =	shalt  }
0x87: {  	_ =	shalt  }
.Lfunc_end0:
.L_simem_size_0:
called_computation.1_lowered:
.L_overlay_start_0:
0x88: {  	s2 =	sld [smem:$0x3FD9]  }
0x89: {  	s3 =	sld [smem:$0x3FFE];
	_ =	sdelay $0x1  }
0x8a: {  	s1 =	srdreg.scid  }
0x8b: {  	s0 =	sand.u32 $0x1, s1  }
0x8c: {  	s16 =	sshll.u32 s0, $0xA;
	s2 =	sadd.s32 s3, s2  }
0x8d: {  	s2 =	sadd.s32 s2, s16  }
0x8e: {  	[smem:$0x3FBB] =	sst s2  }
0x8f: {  	_ = 	snop  }
0x90: {  	(tm) =	ssettm $0x1  }
0x91: {  	s17 =	sld [smem:$0x3FFB];
	_ =	sdelay $0x3  }
0x92: {  	_ =	strace s17  }
0x93: {  	s2 =	sld [smem:$0x3FFC];
	_ =	sdelay $0x3  }
0x94: {  	_ =	strace s2  }
0x95: {  	s2 =	sld [smem:$0x3FFD];
	_ =	sdelay $0x3  }
0x96: {  	_ =	strace s2  }
0x97: {  	_ =	strace $0x8FFFFFFF  }
0x98: {  	s18 =	sld [smem:$0x3FDB];
	_ =	sdelay $0x1  }
0x99: {  	s19 =	simm.s32 $_scs_section_size  }
0x9a: {  	s4 =	simm.s32 $_size__tile_overlayer_lowered;
	s5 =	simm.s32 $_tile_overlayer_lowered  }
0x9b: {  	s22 =	simm.s32 $0x1BFF;
	s21 =	sshll.u32 s5, $0x1;
	s2 =	sadd.s32 s19, s18  }
0x9c: {  	s6 =	simm.s32 $0x0;
	s20 =	sshll.u32 s4, $0x1;
	s4 =	sadd.s32 s21, s2  }
0x9d: {  	[timem:s6], [sflag:s22] =	dma.local [hbm:s4], s20  }
0x9e: {  	_ =	swait.ge [sflag:s22], s20  }
0x9f: {  	s3 =	ssub.s32 $0x0, s20;
	[sflag:s22] =	ssyncset.done $0x0  }
0xa0: {  	[sflag:s22] =	ssyncadd.s32 s3;
	_ =	sdelay $0x1  }
0xa1: {  	s23 =	simm.s32 $0x1B8B  }
0xa2: {  	_ =	swait.ge [sflag:s23], $0x1  }
0xa3: {  	[sflag:s23] =	ssyncset.done $0x0  }
0xa4: {  	s25 =	simm.s32 $0x1B8E;
	s24 =	sld [smem:$0x3FFE];
	[sflag:s23] =	ssyncadd.s32 $0xFFFFFFFF  }
0xa5: {  	s26 =	simm.s32 $execute0_lowered;
	[smem:$0x3FD2] =	sst s25  }
0xa6: {  	s4 =	sshll.u32 s26, $0x1;
	_ =	strace $0x80000049;
	[dreg:$0x1] =	wrdreg $0xFFFFFFFF  }
0xa7: {  	s28 =	simm.s32 $_size_execute0_lowered;
	s2 =	sadd.s32 s2, s4;
	[dreg:$0x0] =	wrdreg $0x0  }
0xa8: {  	s4 =	sshll.u32 s28, $0x1;
	[dreg:$0x2] =	wrdreg s2  }
0xa9: {  	[dreg:$0x3] =	wrdreg s4  }
0xaa: {  	[dreg:$0x4] =	wrdreg $0xC0  }
0xab: {  	_ =	task [dreg:s6], $0x5FFFF  }
0xac: {  	[dreg:$0x1] =	wrdreg $0xFFFFFFFF  }
0xad: {  	[dreg:$0x0] =	wrdreg $0x60  }
0xae: {  	[dreg:$0x2] =	wrdreg s24  }
0xaf: {  	[dreg:$0x3] =	wrdreg $0x88000  }
0xb0: {  	[dreg:$0x4] =	wrdreg $0x9  }
0xb1: {  	_ =	task.clear_ibuf [dreg:s6], $0x5FFFF;
	_ =	strace $0x90000049  }
0xb2: {  	s29 =	simm.s32 $0x9;
	_ =	strace $0x8000004B  }
0xb3: {  	_ =	swait.ge [sflag:s29], $0x1  }
0xb4: {  	[sflag:s29] =	ssyncadd.s32 $0xFFFFFFFF  }
0xb5: {  	_ =	strace $0x9000004B  }
0xb6: {  	_ =	sfence  }
0xb7: {  	s30 =	sld [smem:$0x0];
	_ =	sdelay $0x2  }
0xb8: {  	s31 =	sshll.u32 s1, $0xD;
	s1 =	sshrl.u32 s1, $0x2  }
0xb9: {  	s3 =	sand.u32 $0x4000, s31;
	s1 =	sadd.s32 s1, s30  }
0xba: {  	s0 =	sor.u32 s3, s0;
	s1 =	sshll.u32 s1, $0x11  }
0xbb: {  	s0 =	sor.u32 s1, s0  }
0xbc: {  	s0 =	sadd.s32 $0x8F2B, s0  }
0xbd: {  	[sflag:s0] =	ssyncadd.remote.s32 $0x1  }
0xbe: {  	_ =	sfence.sel $0xFFFF  }
0xbf: {  	[dreg:$0x0] =	wrdreg $0xFFFFFFFF;
	(pc) =	sbr.abs _section_cstart, $3  }
0xc0: {  	[dreg:$0x1] =	wrdreg $0xFFFFFFFF  }
0xc1: {  	_ =	task.clear_ibuf [dreg:s6], $0x2FFFF;
	_ =	strace $0x9FFFFFFF  }
0xc2: {  	(tm) =	ssettm $0x7FFFFFFF  }
0xc3: {  	_ =	shalt  }
tec
execute0_lowered:
.L_overlay_start_1:
0x0: {  	(tag) =	ssettag $0x1  }
0x1: {  	s0 =	rddreg [dreg:$0x0]  }
0x2: {  	s2 =	rddreg [dreg:$0x1];
	s11 =	stileid.u32  }
0x3: {  	s4 =	srdreg.scid;
	s3 =	simm.s32 $0x0;
	s12 =	simm.s32 $0x400  }
0x4: {  	s13 =	simm.s32 $0x80;
	s14 =	simm.s32 $0x800;
	s15 =	simm.s32 $0x1  }
0x5: {  	s16 =	simm.s32 $0x4800;
	s17 =	simm.s32 $0x2;
	s18 =	simm.s32 $0x3  }
0x6: {  	s19 =	simm.s32 $0x100;
	s20 =	simm.s32 $0x480;
	s21 =	simm.s32 $0x4  }
0x7: {  	s22 =	simm.s32 $0x180;
	s28 =	simm.s32 $0x600;
	s29 =	simm.s32 $0x300  }
0x8: {  	s30 =	simm.s32 $0x680;
	s31 =	simm.s32 $0x380;
	s1 =	smul.u32 $0xA00, s11  }
0x9: {  	s5 =	smul.u32 $0x14000, s11;
	s6 =	sand.u32 $0x1, s4;
	[smem:$0x7FF] =	sst s3  }
0xa: {  	s4 =	sadd.s32 $0x3F600, s0;
	s23 =	smul.u32 $0x50000, s11;
	s25 =	sshll.u32 s11, $0x6  }
0xb: {  	s11 =	simm.s32 $0x5;
	s7 =	smul.u32 $0x140000, s6;
	_ =	strace $0x8000004A  }
0xc: {  	s9 =	ssub.s32 $0x2, s6;
	s6 =	smul.u32 $0x500, s6;
	s1 =	sadd.s32 s1, s0  }
0xd: {  	s8 =	sshrl.u32 s5, $0x3;
	s10 =	sshrl.u32 s9, $0x1;
	s5 =	sadd.s32 s5, s7  }
0xe: {  	s8 =	sadd.s32 s8, s0;
	s7 =	sshrl.u32 s23, $0x2;
	s24 =	ssub.s32 s9, s10  }
0xf: {  	s1 =	sadd.s32 s6, s1;
	s6 =	sor.u32 $0x1C05, s25;
	s23 =	simm.s32 $0x500  }
0x10: {  	s25 =	simm.s32 $0x580;
	s5 =	sshrl.u32 s5, $0x3;
	s7 =	sadd.s32 s7, s2  }
0x11: {  	s8 =	sadd.s32 $0x17600, s8;
	s26 =	sadd.s32 $0xD600, s1;
	[dreg:$0x5] =	wrdreg s6  }
0x12: {  	s9 =	sadd.s32 $0x3600, s1;
	s1 =	simm.s32 $0x780;
	[dreg:$0x4] =	wrdreg s8  }
0x13: {  	s0 =	sadd.s32 s5, s0;
	s5 =	smax.u32 s24, $0x1;
	[dreg:$0x3] =	wrdreg s26  }
0x14: {  	s7 =	sshrl.u32 s7, $0x3;
	s24 =	simm.s32 $0x200;
	[dreg:$0x7] =	wrdreg s5  }
0x15: {  	s26 =	simm.s32 $0x280;
	s0 =	sadd.s32 $0x67600, s0;
	[dreg:$0x8] =	wrdreg s7  }
0x16: {  	s8 =	simm.s32 $0x0;
	[dreg:$0x6] =	wrdreg s0;
	s0 =	simm.s32 $0x700  }
.LBB2_1:
0x17: {  	[dreg:$0x9] =	wrdreg s8  }
0x18: {  	s5 =	rddreg [dreg:$0x4]  }
0x19: {  	[spmem:s7], [sflag:s6] =	dma.local [hbm:s5], $0x2800  }
0x1a: {  	_ =	swait.ge [sflag:s11], $0x2800  }
0x1b: {  	[sflag:s11] =	ssyncset.done $0x0  }
0x1c: {  	[sflag:s11] =	ssyncadd.s32 $0xFFFFD800  }
0x1d: {  	s8 =	sadd.s32 $0x0, s9;
	[bflag:$0x0] =	sbarrier.arrive $0xFFFF  }
0x1e: {  	[tilespmem:s3], [sflag:$0x5] =	stream.linear.gather [hbm4b:s8+s3], $0x400, $0x38;
	[tilespmem:$0x1C800] =	vst v63  }
0x1f: {  	_ =	swait.ge [sflag:s11], $0x400  }
0x20: {  	s10 =	rddreg [dreg:$0x3];
	[sflag:s11] =	ssyncset.done $0x0  }
0x21: {  	[sflag:s11] =	ssyncadd.s32 $0xFFFFFC00;
	s6 =	sadd.s32 $0x0, s10  }
0x22: {  	[tilespmem:s12], [sflag:$0x5] =	stream.linear.gather [hbm4b:s6+s3], $0x400, $0x38;
	[tilespmem:$0x1C800] =	vst v63  }
0x23: {  	_ =	swait.ge [sflag:s11], $0x400  }
0x24: {  	[sflag:s11] =	ssyncset.done $0x0  }
0x25: {  	[sflag:s11] =	ssyncadd.s32 $0xFFFFFC00  }
0x26: {  	[tilespmem:s14], [sflag:$0x1] =	stream.indirect.gather [hbm4b:s4+s13], $0x80, s3, s13, $0xb8;
	[tilespmem:$0x1C800] =	vst v63  }
0x27: {  	_ =	swait.ge [sflag:s15], $0x4000  }
0x28: {  	[sflag:s15] =	ssyncset.done $0x0  }
0x29: {  	[sflag:s15] =	ssyncadd.s32 $0xFFFFC000  }
0x2a: {  	[tilespmem:s16], [sflag:$0x2] =	stream.indirect.gather [hbm4b:s4+s13], $0x80, s13, s13, $0xb8;
	[tilespmem:$0x1C800] =	vst v63  }
0x2b: {  	_ = 	snop  }
0x2c: {  	[spmem:s2] =	stream.indirect.scatter.add.f32 [tilespmem:s14], [sflag:$0x3], $0x80, s12, s13, $0xb8;
	[tilespmem:$0x1C800] =	vst v63  }
0x2d: {  	_ =	swait.ge [sflag:s17], $0x4000  }
0x2e: {  	[sflag:s17] =	ssyncset.done $0x0  }
0x2f: {  	[sflag:s17] =	ssyncadd.s32 $0xFFFFC000  }
0x30: {  	_ =	swait.ge [sflag:s18], $0x4000  }
0x31: {  	[sflag:s18] =	ssyncset.done $0x0  }
0x32: {  	[sflag:s18] =	ssyncadd.s32 $0xFFFFC000  }
0x33: {  	[tilespmem:s14], [sflag:$0x1] =	stream.indirect.gather [hbm4b:s4+s13], $0x80, s19, s13, $0xb8;
	[tilespmem:$0x1C800] =	vst v63  }
0x34: {  	_ = 	snop  }
0x35: {  	[spmem:s2] =	stream.indirect.scatter.add.f32 [tilespmem:s16], [sflag:$0x4], $0x80, s20, s13, $0xb8;
	[tilespmem:$0x1C800] =	vst v63  }
0x36: {  	_ =	swait.ge [sflag:s15], $0x4000  }
0x37: {  	[sflag:s15] =	ssyncset.done $0x0  }
0x38: {  	[sflag:s15] =	ssyncadd.s32 $0xFFFFC000  }
0x39: {  	_ =	swait.ge [sflag:s21], $0x4000  }
0x3a: {  	[sflag:s21] =	ssyncset.done $0x0  }
0x3b: {  	[sflag:s21] =	ssyncadd.s32 $0xFFFFC000  }
0x3c: {  	[tilespmem:s16], [sflag:$0x2] =	stream.indirect.gather [hbm4b:s4+s13], $0x80, s22, s13, $0xb8;
	[tilespmem:$0x1C800] =	vst v63  }
0x3d: {  	_ = 	snop  }
0x3e: {  	[spmem:s2] =	stream.indirect.scatter.add.f32 [tilespmem:s14], [sflag:$0x3], $0x80, s23, s13, $0xb8;
	[tilespmem:$0x1C800] =	vst v63  }
0x3f: {  	_ =	swait.ge [sflag:s17], $0x4000  }
0x40: {  	[sflag:s17] =	ssyncset.done $0x0  }
0x41: {  	[sflag:s17] =	ssyncadd.s32 $0xFFFFC000  }
0x42: {  	_ =	swait.ge [sflag:s18], $0x4000  }
0x43: {  	[sflag:s18] =	ssyncset.done $0x0  }
0x44: {  	[sflag:s18] =	ssyncadd.s32 $0xFFFFC000  }
0x45: {  	[tilespmem:s14], [sflag:$0x1] =	stream.indirect.gather [hbm4b:s4+s13], $0x80, s24, s13, $0xb8;
	[tilespmem:$0x1C800] =	vst v63  }
0x46: {  	_ = 	snop  }
0x47: {  	[spmem:s2] =	stream.indirect.scatter.add.f32 [tilespmem:s16], [sflag:$0x4], $0x80, s25, s13, $0xb8;
	[tilespmem:$0x1C800] =	vst v63  }
0x48: {  	_ =	swait.ge [sflag:s15], $0x4000  }
0x49: {  	[sflag:s15] =	ssyncset.done $0x0  }
0x4a: {  	[sflag:s15] =	ssyncadd.s32 $0xFFFFC000  }
0x4b: {  	_ =	swait.ge [sflag:s21], $0x4000  }
0x4c: {  	[sflag:s21] =	ssyncset.done $0x0  }
0x4d: {  	[sflag:s21] =	ssyncadd.s32 $0xFFFFC000  }
0x4e: {  	[tilespmem:s16], [sflag:$0x2] =	stream.indirect.gather [hbm4b:s4+s13], $0x80, s26, s13, $0xb8;
	[tilespmem:$0x1C800] =	vst v63  }
0x4f: {  	_ = 	snop  }
0x50: {  	[spmem:s2] =	stream.indirect.scatter.add.f32 [tilespmem:s14], [sflag:$0x3], $0x80, s28, s13, $0xb8;
	[tilespmem:$0x1C800] =	vst v63  }
0x51: {  	_ =	swait.ge [sflag:s17], $0x4000  }
0x52: {  	[sflag:s17] =	ssyncset.done $0x0  }
0x53: {  	[sflag:s17] =	ssyncadd.s32 $0xFFFFC000  }
0x54: {  	_ =	swait.ge [sflag:s18], $0x4000  }
0x55: {  	[sflag:s18] =	ssyncset.done $0x0  }
0x56: {  	[sflag:s18] =	ssyncadd.s32 $0xFFFFC000  }
0x57: {  	[tilespmem:s14], [sflag:$0x1] =	stream.indirect.gather [hbm4b:s4+s13], $0x80, s29, s13, $0xb8;
	[tilespmem:$0x1C800] =	vst v63  }
0x58: {  	_ = 	snop  }
0x59: {  	[spmem:s2] =	stream.indirect.scatter.add.f32 [tilespmem:s16], [sflag:$0x4], $0x80, s30, s13, $0xb8;
	[tilespmem:$0x1C800] =	vst v63  }
0x5a: {  	_ =	swait.ge [sflag:s15], $0x4000  }
0x5b: {  	[sflag:s15] =	ssyncset.done $0x0  }
0x5c: {  	[sflag:s15] =	ssyncadd.s32 $0xFFFFC000  }
0x5d: {  	_ =	swait.ge [sflag:s21], $0x4000  }
0x5e: {  	[sflag:s21] =	ssyncset.done $0x0  }
0x5f: {  	[sflag:s21] =	ssyncadd.s32 $0xFFFFC000  }
0x60: {  	[tilespmem:s16], [sflag:$0x2] =	stream.indirect.gather [hbm4b:s4+s13], $0x80, s31, s13, $0xb8;
	[tilespmem:$0x1C800] =	vst v63  }
0x61: {  	_ = 	snop  }
0x62: {  	[spmem:s2] =	stream.indirect.scatter.add.f32 [tilespmem:s14], [sflag:$0x3], $0x80, s0, s13, $0xb8;
	[tilespmem:$0x1C800] =	vst v63  }
0x63: {  	_ =	swait.ge [sflag:s17], $0x4000  }
0x64: {  	[sflag:s17] =	ssyncset.done $0x0  }
0x65: {  	[sflag:s17] =	ssyncadd.s32 $0xFFFFC000  }
0x66: {  	[spmem:s2] =	stream.indirect.scatter.add.f32 [tilespmem:s16], [sflag:$0x4], $0x80, s1, s13, $0xb8;
	[tilespmem:$0x1C800] =	vst v63  }
0x67: {  	_ =	swait.ge [sflag:s18], $0x4000  }
0x68: {  	[sflag:s18] =	ssyncset.done $0x0  }
0x69: {  	[sflag:s18] =	ssyncadd.s32 $0xFFFFC000  }
0x6a: {  	_ =	swait.ge [sflag:s21], $0x4000  }
0x6b: {  	s7 =	simm.s32 $0x80;
	s8 =	simm.s32 $0x100;
	[sflag:s21] =	ssyncset.done $0x0  }
.LBB2_2:
0x6c: {  	s10 =	sadd.s32 s7, s9;
	[sflag:s21] =	ssyncadd.s32 $0xFFFFC000  }
0x6d: {  	[tilespmem:s3], [sflag:$0x5] =	stream.linear.gather [hbm4b:s10+s3], $0x400, $0x38;
	[tilespmem:$0x1C800] =	vst v63  }
0x6e: {  	s5 =	smov.u32 s8;
	_ =	swait.ge [sflag:s11], $0x400  }
0x6f: {  	s6 =	sadd.s32 $0x80, s8;
	s10 =	rddreg [dreg:$0x3];
	[sflag:s11] =	ssyncset.done $0x0  }
0x70: {  	p0 =	sne.s32 s8, $0x480;
	[sflag:s11] =	ssyncadd.s32 $0xFFFFFC00;
	s8 =	sadd.s32 s7, s10  }
0x71: {  	[tilespmem:s12], [sflag:$0x5] =	stream.linear.gather [hbm4b:s8+s3], $0x400, $0x38;
	[tilespmem:$0x1C800] =	vst v63  }
0x72: {  	_ =	swait.ge [sflag:s11], $0x400  }
0x73: {  	[sflag:s11] =	ssyncset.done $0x0  }
0x74: {  	[sflag:s11] =	ssyncadd.s32 $0xFFFFFC00  }
0x75: {  	[tilespmem:s14], [sflag:$0x1] =	stream.indirect.gather [hbm4b:s4+s13], $0x80, s3, s13, $0xb8;
	[tilespmem:$0x1C800] =	vst v63  }
0x76: {  	_ =	swait.ge [sflag:s15], $0x4000  }
0x77: {  	[sflag:s15] =	ssyncset.done $0x0  }
0x78: {  	[sflag:s15] =	ssyncadd.s32 $0xFFFFC000  }
0x79: {  	[tilespmem:s16], [sflag:$0x2] =	stream.indirect.gather [hbm4b:s4+s13], $0x80, s13, s13, $0xb8;
	[tilespmem:$0x1C800] =	vst v63  }
0x7a: {  	_ = 	snop  }
0x7b: {  	[spmem:s2] =	stream.indirect.scatter.add.f32 [tilespmem:s14], [sflag:$0x3], $0x80, s12, s13, $0xb8;
	[tilespmem:$0x1C800] =	vst v63  }
0x7c: {  	_ =	swait.ge [sflag:s17], $0x4000  }
0x7d: {  	[sflag:s17] =	ssyncset.done $0x0  }
0x7e: {  	[sflag:s17] =	ssyncadd.s32 $0xFFFFC000  }
0x7f: {  	_ =	swait.ge [sflag:s18], $0x4000  }
0x80: {  	[sflag:s18] =	ssyncset.done $0x0  }
0x81: {  	[sflag:s18] =	ssyncadd.s32 $0xFFFFC000  }
0x82: {  	[tilespmem:s14], [sflag:$0x1] =	stream.indirect.gather [hbm4b:s4+s13], $0x80, s19, s13, $0xb8;
	[tilespmem:$0x1C800] =	vst v63  }
0x83: {  	_ = 	snop  }
0x84: {  	[spmem:s2] =	stream.indirect.scatter.add.f32 [tilespmem:s16], [sflag:$0x4], $0x80, s20, s13, $0xb8;
	[tilespmem:$0x1C800] =	vst v63  }
0x85: {  	_ =	swait.ge [sflag:s15], $0x4000  }
0x86: {  	[sflag:s15] =	ssyncset.done $0x0  }
0x87: {  	[sflag:s15] =	ssyncadd.s32 $0xFFFFC000  }
0x88: {  	_ =	swait.ge [sflag:s21], $0x4000  }
0x89: {  	[sflag:s21] =	ssyncset.done $0x0  }
0x8a: {  	[sflag:s21] =	ssyncadd.s32 $0xFFFFC000  }
0x8b: {  	[tilespmem:s16], [sflag:$0x2] =	stream.indirect.gather [hbm4b:s4+s13], $0x80, s22, s13, $0xb8;
	[tilespmem:$0x1C800] =	vst v63  }
0x8c: {  	_ = 	snop  }
0x8d: {  	[spmem:s2] =	stream.indirect.scatter.add.f32 [tilespmem:s14], [sflag:$0x3], $0x80, s23, s13, $0xb8;
	[tilespmem:$0x1C800] =	vst v63  }
0x8e: {  	_ =	swait.ge [sflag:s17], $0x4000  }
0x8f: {  	[sflag:s17] =	ssyncset.done $0x0  }
0x90: {  	[sflag:s17] =	ssyncadd.s32 $0xFFFFC000  }
0x91: {  	_ =	swait.ge [sflag:s18], $0x4000  }
0x92: {  	[sflag:s18] =	ssyncset.done $0x0  }
0x93: {  	[sflag:s18] =	ssyncadd.s32 $0xFFFFC000  }
0x94: {  	[tilespmem:s14], [sflag:$0x1] =	stream.indirect.gather [hbm4b:s4+s13], $0x80, s24, s13, $0xb8;
	[tilespmem:$0x1C800] =	vst v63  }
0x95: {  	_ = 	snop  }
0x96: {  	[spmem:s2] =	stream.indirect.scatter.add.f32 [tilespmem:s16], [sflag:$0x4], $0x80, s25, s13, $0xb8;
	[tilespmem:$0x1C800] =	vst v63  }
0x97: {  	_ =	swait.ge [sflag:s15], $0x4000  }
0x98: {  	[sflag:s15] =	ssyncset.done $0x0  }
0x99: {  	[sflag:s15] =	ssyncadd.s32 $0xFFFFC000  }
0x9a: {  	_ =	swait.ge [sflag:s21], $0x4000  }
0x9b: {  	[sflag:s21] =	ssyncset.done $0x0  }
0x9c: {  	[sflag:s21] =	ssyncadd.s32 $0xFFFFC000  }
0x9d: {  	[tilespmem:s16], [sflag:$0x2] =	stream.indirect.gather [hbm4b:s4+s13], $0x80, s26, s13, $0xb8;
	[tilespmem:$0x1C800] =	vst v63  }
0x9e: {  	_ = 	snop  }
0x9f: {  	[spmem:s2] =	stream.indirect.scatter.add.f32 [tilespmem:s14], [sflag:$0x3], $0x80, s28, s13, $0xb8;
	[tilespmem:$0x1C800] =	vst v63  }
0xa0: {  	_ =	swait.ge [sflag:s17], $0x4000  }
0xa1: {  	[sflag:s17] =	ssyncset.done $0x0  }
0xa2: {  	[sflag:s17] =	ssyncadd.s32 $0xFFFFC000  }
0xa3: {  	_ =	swait.ge [sflag:s18], $0x4000  }
0xa4: {  	[sflag:s18] =	ssyncset.done $0x0  }
0xa5: {  	[sflag:s18] =	ssyncadd.s32 $0xFFFFC000  }
0xa6: {  	[tilespmem:s14], [sflag:$0x1] =	stream.indirect.gather [hbm4b:s4+s13], $0x80, s29, s13, $0xb8;
	[tilespmem:$0x1C800] =	vst v63  }
0xa7: {  	_ = 	snop  }
0xa8: {  	[spmem:s2] =	stream.indirect.scatter.add.f32 [tilespmem:s16], [sflag:$0x4], $0x80, s30, s13, $0xb8;
	[tilespmem:$0x1C800] =	vst v63  }
0xa9: {  	_ =	swait.ge [sflag:s15], $0x4000  }
0xaa: {  	[sflag:s15] =	ssyncset.done $0x0  }
0xab: {  	[sflag:s15] =	ssyncadd.s32 $0xFFFFC000  }
0xac: {  	_ =	swait.ge [sflag:s21], $0x4000  }
0xad: {  	[sflag:s21] =	ssyncset.done $0x0  }
0xae: {  	[sflag:s21] =	ssyncadd.s32 $0xFFFFC000  }
0xaf: {  	[tilespmem:s16], [sflag:$0x2] =	stream.indirect.gather [hbm4b:s4+s13], $0x80, s31, s13, $0xb8;
	[tilespmem:$0x1C800] =	vst v63  }
0xb0: {  	_ = 	snop  }
0xb1: {  	[spmem:s2] =	stream.indirect.scatter.add.f32 [tilespmem:s14], [sflag:$0x3], $0x80, s0, s13, $0xb8;
	[tilespmem:$0x1C800] =	vst v63  }
0xb2: {  	_ =	swait.ge [sflag:s17], $0x4000  }
0xb3: {  	[sflag:s17] =	ssyncset.done $0x0  }
0xb4: {  	[sflag:s17] =	ssyncadd.s32 $0xFFFFC000  }
0xb5: {  	[spmem:s2] =	stream.indirect.scatter.add.f32 [tilespmem:s16], [sflag:$0x4], $0x80, s1, s13, $0xb8;
	[tilespmem:$0x1C800] =	vst v63  }
.Ltmp0:
0xb6: {  	_ =	swait.ge [sflag:s18], $0x4000;
	(pc) =	sbr.rel @p0 .LBB2_2-.Ltmp0, $4  }
0xb7: {  	[sflag:s18] =	ssyncset.done $0x0  }
0xb8: {  	[sflag:s18] =	ssyncadd.s32 $0xFFFFC000  }
0xb9: {  	_ =	swait.ge [sflag:s21], $0x4000  }
0xba: {  	s7 =	smov.u32 s5;
	s8 =	smov.u32 s6;
	[sflag:s21] =	ssyncset.done $0x0  }
0xbb: {  	s5 =	sadd.s32 s7, s9;
	[sflag:s21] =	ssyncadd.s32 $0xFFFFC000  }
0xbc: {  	[tilespmem:s3], [sflag:$0x5] =	stream.linear.gather [hbm4b:s5+s3], $0x400, $0x38;
	[tilespmem:$0x1C800] =	vst v63  }
0xbd: {  	_ =	swait.ge [sflag:s11], $0x400  }
0xbe: {  	s6 =	rddreg [dreg:$0x3];
	[sflag:s11] =	ssyncset.done $0x0  }
0xbf: {  	s5 =	sadd.s32 s7, s6;
	[sflag:s11] =	ssyncadd.s32 $0xFFFFFC00  }
0xc0: {  	[tilespmem:s12], [sflag:$0x5] =	stream.linear.gather [hbm4b:s5+s3], $0x400, $0x38;
	[tilespmem:$0x1C800] =	vst v63  }
0xc1: {  	_ =	swait.ge [sflag:s11], $0x400  }
0xc2: {  	[sflag:s11] =	ssyncset.done $0x0  }
0xc3: {  	[sflag:s11] =	ssyncadd.s32 $0xFFFFFC00  }
0xc4: {  	[tilespmem:s14], [sflag:$0x1] =	stream.indirect.gather [hbm4b:s4+s13], $0x80, s3, s13, $0xb8;
	[tilespmem:$0x1C800] =	vst v63  }
0xc5: {  	_ =	swait.ge [sflag:s15], $0x4000  }
0xc6: {  	[sflag:s15] =	ssyncset.done $0x0  }
0xc7: {  	[sflag:s15] =	ssyncadd.s32 $0xFFFFC000  }
0xc8: {  	[tilespmem:s16], [sflag:$0x2] =	stream.indirect.gather [hbm4b:s4+s13], $0x80, s13, s13, $0xb8;
	[tilespmem:$0x1C800] =	vst v63  }
0xc9: {  	_ = 	snop  }
0xca: {  	[spmem:s2] =	stream.indirect.scatter.add.f32 [tilespmem:s14], [sflag:$0x3], $0x80, s12, s13, $0xb8;
	[tilespmem:$0x1C800] =	vst v63  }
0xcb: {  	_ =	swait.ge [sflag:s17], $0x4000  }
0xcc: {  	[sflag:s17] =	ssyncset.done $0x0  }
0xcd: {  	[sflag:s17] =	ssyncadd.s32 $0xFFFFC000  }
0xce: {  	_ =	swait.ge [sflag:s18], $0x4000  }
0xcf: {  	[sflag:s18] =	ssyncset.done $0x0  }
0xd0: {  	[sflag:s18] =	ssyncadd.s32 $0xFFFFC000  }
0xd1: {  	[tilespmem:s14], [sflag:$0x1] =	stream.indirect.gather [hbm4b:s4+s13], $0x80, s19, s13, $0xb8;
	[tilespmem:$0x1C800] =	vst v63  }
0xd2: {  	_ = 	snop  }
0xd3: {  	[spmem:s2] =	stream.indirect.scatter.add.f32 [tilespmem:s16], [sflag:$0x4], $0x80, s20, s13, $0xb8;
	[tilespmem:$0x1C800] =	vst v63  }
0xd4: {  	_ =	swait.ge [sflag:s15], $0x4000  }
0xd5: {  	[sflag:s15] =	ssyncset.done $0x0  }
0xd6: {  	[sflag:s15] =	ssyncadd.s32 $0xFFFFC000  }
0xd7: {  	_ =	swait.ge [sflag:s21], $0x4000  }
0xd8: {  	[sflag:s21] =	ssyncset.done $0x0  }
0xd9: {  	[sflag:s21] =	ssyncadd.s32 $0xFFFFC000  }
0xda: {  	[tilespmem:s16], [sflag:$0x2] =	stream.indirect.gather [hbm4b:s4+s13], $0x80, s22, s13, $0xb8;
	[tilespmem:$0x1C800] =	vst v63  }
0xdb: {  	_ = 	snop  }
0xdc: {  	[spmem:s2] =	stream.indirect.scatter.add.f32 [tilespmem:s14], [sflag:$0x3], $0x80, s23, s13, $0xb8;
	[tilespmem:$0x1C800] =	vst v63  }
0xdd: {  	_ =	swait.ge [sflag:s17], $0x4000  }
0xde: {  	[sflag:s17] =	ssyncset.done $0x0  }
0xdf: {  	[sflag:s17] =	ssyncadd.s32 $0xFFFFC000  }
0xe0: {  	_ =	swait.ge [sflag:s18], $0x4000  }
0xe1: {  	[sflag:s18] =	ssyncset.done $0x0  }
0xe2: {  	[sflag:s18] =	ssyncadd.s32 $0xFFFFC000  }
0xe3: {  	[tilespmem:s14], [sflag:$0x1] =	stream.indirect.gather [hbm4b:s4+s13], $0x80, s24, s13, $0xb8;
	[tilespmem:$0x1C800] =	vst v63  }
0xe4: {  	_ = 	snop  }
0xe5: {  	[spmem:s2] =	stream.indirect.scatter.add.f32 [tilespmem:s16], [sflag:$0x4], $0x80, s25, s13, $0xb8;
	[tilespmem:$0x1C800] =	vst v63  }
0xe6: {  	_ =	swait.ge [sflag:s15], $0x4000  }
0xe7: {  	[sflag:s15] =	ssyncset.done $0x0  }
0xe8: {  	[sflag:s15] =	ssyncadd.s32 $0xFFFFC000  }
0xe9: {  	_ =	swait.ge [sflag:s21], $0x4000  }
0xea: {  	[sflag:s21] =	ssyncset.done $0x0  }
0xeb: {  	[sflag:s21] =	ssyncadd.s32 $0xFFFFC000  }
0xec: {  	[tilespmem:s16], [sflag:$0x2] =	stream.indirect.gather [hbm4b:s4+s13], $0x80, s26, s13, $0xb8;
	[tilespmem:$0x1C800] =	vst v63  }
0xed: {  	_ = 	snop  }
0xee: {  	[spmem:s2] =	stream.indirect.scatter.add.f32 [tilespmem:s14], [sflag:$0x3], $0x80, s28, s13, $0xb8;
	[tilespmem:$0x1C800] =	vst v63  }
0xef: {  	_ =	swait.ge [sflag:s17], $0x4000  }
0xf0: {  	[sflag:s17] =	ssyncset.done $0x0  }
0xf1: {  	[sflag:s17] =	ssyncadd.s32 $0xFFFFC000  }
0xf2: {  	_ =	swait.ge [sflag:s18], $0x4000  }
0xf3: {  	[sflag:s18] =	ssyncset.done $0x0  }
0xf4: {  	[sflag:s18] =	ssyncadd.s32 $0xFFFFC000  }
0xf5: {  	[tilespmem:s14], [sflag:$0x1] =	stream.indirect.gather [hbm4b:s4+s13], $0x80, s29, s13, $0xb8;
	[tilespmem:$0x1C800] =	vst v63  }
0xf6: {  	_ = 	snop  }
0xf7: {  	[spmem:s2] =	stream.indirect.scatter.add.f32 [tilespmem:s16], [sflag:$0x4], $0x80, s30, s13, $0xb8;
	[tilespmem:$0x1C800] =	vst v63  }
0xf8: {  	_ =	swait.ge [sflag:s15], $0x4000  }
0xf9: {  	[sflag:s15] =	ssyncset.done $0x0  }
0xfa: {  	[sflag:s15] =	ssyncadd.s32 $0xFFFFC000  }
0xfb: {  	_ =	swait.ge [sflag:s21], $0x4000  }
0xfc: {  	[sflag:s21] =	ssyncset.done $0x0  }
0xfd: {  	[sflag:s21] =	ssyncadd.s32 $0xFFFFC000  }
0xfe: {  	[tilespmem:s16], [sflag:$0x2] =	stream.indirect.gather [hbm4b:s4+s13], $0x80, s31, s13, $0xb8;
	[tilespmem:$0x1C800] =	vst v63  }
0xff: {  	_ = 	snop  }
0x100: {  	[spmem:s2] =	stream.indirect.scatter.add.f32 [tilespmem:s14], [sflag:$0x3], $0x80, s0, s13, $0xb8;
	[tilespmem:$0x1C800] =	vst v63  }
0x101: {  	_ =	swait.ge [sflag:s17], $0x4000  }
0x102: {  	[sflag:s17] =	ssyncset.done $0x0  }
0x103: {  	[sflag:s17] =	ssyncadd.s32 $0xFFFFC000  }
0x104: {  	[spmem:s2] =	stream.indirect.scatter.add.f32 [tilespmem:s16], [sflag:$0x4], $0x80, s1, s13, $0xb8;
	[tilespmem:$0x1C800] =	vst v63  }
0x105: {  	_ =	swait.ge [sflag:s18], $0x4000  }
0x106: {  	[sflag:s18] =	ssyncset.done $0x0  }
0x107: {  	[sflag:s18] =	ssyncadd.s32 $0xFFFFC000  }
0x108: {  	_ =	swait.ge [sflag:s21], $0x4000  }
0x109: {  	[sflag:s21] =	ssyncset.done $0x0  }
0x10a: {  	[sflag:s21] =	ssyncadd.s32 $0xFFFFC000  }
0x10b: {  	[bflag:$0x0] =	sbarrier.arrive $0xFFFF  }
0x10c: {  	s6 =	rddreg [dreg:$0x5]  }
0x10d: {  	s8 =	rddreg [dreg:$0x6]  }
0x10e: {  	s7 =	rddreg [dreg:$0x8]  }
0x10f: {  	[hbm:s8], [sflag:s6] =	dma.local [spmem:s7], $0x2800  }
0x110: {  	_ =	swait.ge [sflag:s11], $0x2800  }
0x111: {  	s8 =	rddreg [dreg:$0x9]  }
0x112: {  	s10 =	rddreg [dreg:$0x7];
	s8 =	sadd.s32 $0x1, s8  }
0x113: {  	p0 =	sne.s32 s8, s10  }
.Ltmp1:
0x114: {  	_ = 	snop;
	(pc) =	sbr.rel @p0 .LBB2_1-.Ltmp1, $3  }
0x115: {  	_ =	sdelay $0x1  }
0x116: {  	[sflag:s11] =	ssyncset.done $0x0  }
0x117: {  	[sflag:s11] =	ssyncadd.s32 $0xFFFFD800  }
0x118: {  	_ =	sfence.sel $0x180000  }
0x119: {  	[bflag:$0x0] =	sbarrier.arrive $0xFFFF  }
0x11a: {  	_ =	strace $0x9000004A  }
0x11b: {  	s0 =	stileid.u32;
	[bflag:$0x2] =	sbarrier.arrive $0xFFFF  }
0x11c: {  	p0 =	sne.s32 s0, $0x0;
	s0 =	rddreg [dreg:$0x2]  }
0x11d: {  	s0 =	sadd.s32 @!p0 $0x100000, s0  }
0x11e: {  	[sflag:s0] =	ssyncadd.tile.s32 @!p0 $0x1;
	_ =	shalt  }
.Lfunc_end2:
_tile_overlayer_lowered:
.L_overlay_start_2:
0x11f: {  	(tag) =	ssettag $0x2  }
0x120: {  	s0 =	rddreg [dreg:$0x0];
	s2 =	stileid.u32  }
0x121: {  	s1 =	rddreg [dreg:$0x1];
	p0 =	sne.s32 s2, $0x0  }
0x122: {  	s3 =	rddreg [dreg:$0x2];
	[bflag:$0x3] =	sbarrier.arrive $0xFFFF;
	s2 =	simm.s32 @!p0 $0x1C05  }
0x123: {  	[timem:s3], [sflag:s2] =	dma.local @!p0 [hbm:s0], s1  }
0x124: {  	s0 =	simm.s32 @!p0 $0x5  }
0x125: {  	_ =	swait.ge @!p0 [sflag:s0], s1  }
0x126: {  	s1 =	ssub.s32 @!p0 $0x0, s1;
	[sflag:s0] =	ssyncset.done @!p0 $0x0  }
0x127: {  	[sflag:s0] =	ssyncadd.s32 @!p0 s1  }
0x128: {  	[bflag:$0x3] =	sbarrier.arrive $0xFFFF  }
0x129: {  	_ =	shalt  }

// kernel: kernel.16.cloned.1.call-start
scs
__scs_entry_jumppad:
0x0: {  	(pc) =	sbr.rel $0x88, $3  }
0x1: {  	(tag) =	ssettag $0x0;
	lr =	simm.s32 $0x1  }
0x2: {  	[smem:$0x3F94] =	sst lr;
	_ =	strace $0xD0000000  }
0x3: {  	_ = 	snop  }
0x4: {  	_ = 	snop  }
0x5: {  	_ = 	snop  }
0x6: {  	_ = 	snop  }
0x7: {  	_ = 	snop  }
__scs_overlays_trampoline_lowered:
0x8: {  	[smem:$0x3FA3] =	sst s0  }
0x9: {  	[smem:$0x3FA4] =	sst s1  }
0xa: {  	[smem:$0x3FA5] =	sst s2  }
0xb: {  	[smem:$0x3FA6] =	sst s3  }
0xc: {  	[smem:$0x3FA7] =	sst s4  }
0xd: {  	[smem:$0x3FA8] =	sst s5  }
0xe: {  	[smem:$0x3FA9] =	sst s6  }
0xf: {  	[smem:$0x3FAA] =	sst s7  }
0x10: {  	[smem:$0x3FAB] =	sst s8  }
0x11: {  	[smem:$0x3FAC] =	sst s9;
	s0 =	simm.s32 @!p0 $0x0  }
0x12: {  	s1 =	sld [smem:$0x3F92];
	s0 =	simm.s32 @p0 $0x1  }
0x13: {  	[smem:$0x3FAD] =	sst s0;
	s0 =	simm.s32 @!p1 $0x0  }
0x14: {  	s2 =	sld [smem:$0x3F91];
	s0 =	simm.s32 @p1 $0x1  }
0x15: {  	[smem:$0x3FAE] =	sst s0;
	s0 =	simm.s32 @!p2 $0x0  }
0x16: {  	s3 =	sld [smem:$0x3FDB];
	s0 =	simm.s32 @p2 $0x1  }
0x17: {  	s4 =	simm.s32 $0x1BF5;
	[smem:$0x3FB0] =	sst s0  }
0x18: {  	s0 =	sld [smem:$0x3F93];
	_ =	swait.ge [sflag:s4], $0x0  }
0x19: {  	s7 =	sld [smem:$0x3F94]  }
0x1a: {  	s8 =	sadd.s32 $0xFFFFE003, lr  }
0x1b: {  	s9 =	sadd.s32 $0xFFFFFEF7, lr;
	s5 =	simm.s32 $0xFFFFFFFF;
	p2 =	slt.u32 s8, $0xFFFFF086  }
0x1c: {  	p1 =	slt.u32 s9, $0xF7A;
	s5 =	simm.s32 @!p2 $0x0  }
0x1d: {  	s5 =	simm.s32 @p1 $0x1;
	p0 =	seq.s32 s7, s2  }
0x1e: {  	s7 =	smul.u32 @!p0 $0xF7A, s2;
	p2 =	seq.s32 @!p0 s5, $0x0  }
0x1f: {  	s9 =	smul.u32 $0xF7A, s1;
	s8 =	simm.s32 @!p0 $0x1BF5;
	p2 =	por !p2, p0  }
0x20: {  	[sflag:s8] =	ssyncset.s32 @!p0 $0xFFFFF086;
	s6 =	sadd.s32 @!p0 s3, s7;
	s7 =	simm.s32 @!p0 $0x108  }
0x21: {  	s3 =	sadd.s32 s3, s9;
	s6 =	sadd.s32 @!p0 $0x88, s6;
	s7 =	simm.s32 @p2 $0x1082  }
0x22: {  	[simem:s7], [sflag:s8] =	dma.local @!p0 [hbm:s6], $0xF7A  }
0x23: {  	s9 =	sor.u32 $0xD0000000, s2;
	s6 =	simm.s32 $0x108;
	_ =	swait.ge @!p0 [sflag:s8], $0x0  }
0x24: {  	s3 =	sadd.s32 $0x88, s3;
	s6 =	simm.s32 @!p1 $0x1082;
	[sflag:s4] =	ssyncset.s32 $0xFFFFF086  }
0x25: {  	[simem:s6], [sflag:s4] =	dma.local [hbm:s3], $0xF7A  }
0x26: {  	[smem:$0x3F94] =	sst s1;
	(tag) =	ssettag s2;
	_ =	strace s9  }
0x27: {  	s1 =	sld [smem:$0x3FA4]  }
0x28: {  	s2 =	sld [smem:$0x3FA5]  }
0x29: {  	s4 =	sld [smem:$0x3FA7]  }
0x2a: {  	p0 =	seq.s32 s5, $0x0;
	s5 =	sld [smem:$0x3FA8]  }
0x2b: {  	s6 =	sld [smem:$0x3FA9]  }
0x2c: {  	s7 =	sld [smem:$0x3FAA]  }
0x2d: {  	s3 =	simm.s32 $0x108;
	s8 =	sld [smem:$0x3FAB]  }
0x2e: {  	s3 =	simm.s32 @!p0 $0x1082;
	s9 =	sld [smem:$0x3FAC]  }
0x2f: {  	lr =	sadd.s32 s0, s3;
	s0 =	sld [smem:$0x3FA3]  }
0x30: {  	s3 =	sld [smem:$0x3FA6]  }
0x31: {  	[smem:$0x3FAF] =	sst s10  }
0x32: {  	s10 =	sld [smem:$0x3FAD];
	_ =	sdelay $0x3  }
0x33: {  	p0 =	seq.s32 s10, $0x1;
	s10 =	sld [smem:$0x3FAF];
	_ =	sdelay $0x3  }
0x34: {  	[smem:$0x3FAF] =	sst s10  }
0x35: {  	s10 =	sld [smem:$0x3FAE];
	_ =	sdelay $0x3  }
0x36: {  	p1 =	seq.s32 s10, $0x1;
	s10 =	sld [smem:$0x3FAF];
	_ =	sdelay $0x3  }
0x37: {  	[smem:$0x3FAF] =	sst s10  }
0x38: {  	s10 =	sld [smem:$0x3FB0]  }
0x39: {  	_ = 	snop;
	(pc) =	sbr.ind lr, $3  }
0x3a: {  	_ = 	snop  }
0x3b: {  	_ = 	snop  }
0x3c: {  	p2 =	seq.s32 s10, $0x1;
	s10 =	sld [smem:$0x3FAF]  }
0x3d: {  	_ =	shalt  }
0x3e: {  	_ =	shalt  }
0x3f: {  	_ =	shalt  }
0x40: {  	_ =	shalt  }
0x41: {  	_ =	shalt  }
0x42: {  	_ =	shalt  }
0x43: {  	_ =	shalt  }
0x44: {  	_ =	shalt  }
0x45: {  	_ =	shalt  }
0x46: {  	_ =	shalt  }
0x47: {  	_ =	shalt  }
0x48: {  	_ =	shalt  }
0x49: {  	_ =	shalt  }
0x4a: {  	_ =	shalt  }
0x4b: {  	_ =	shalt  }
0x4c: {  	_ =	shalt  }
0x4d: {  	_ =	shalt  }
0x4e: {  	_ =	shalt  }
0x4f: {  	_ =	shalt  }
0x50: {  	_ =	shalt  }
0x51: {  	_ =	shalt  }
0x52: {  	_ =	shalt  }
0x53: {  	_ =	shalt  }
0x54: {  	_ =	shalt  }
0x55: {  	_ =	shalt  }
0x56: {  	_ =	shalt  }
0x57: {  	_ =	shalt  }
0x58: {  	_ =	shalt  }
0x59: {  	_ =	shalt  }
0x5a: {  	_ =	shalt  }
0x5b: {  	_ =	shalt  }
0x5c: {  	_ =	shalt  }
0x5d: {  	_ =	shalt  }
0x5e: {  	_ =	shalt  }
0x5f: {  	_ =	shalt  }
0x60: {  	_ =	shalt  }
0x61: {  	_ =	shalt  }
0x62: {  	_ =	shalt  }
0x63: {  	_ =	shalt  }
0x64: {  	_ =	shalt  }
0x65: {  	_ =	shalt  }
0x66: {  	_ =	shalt  }
0x67: {  	_ =	shalt  }
0x68: {  	_ =	shalt  }
0x69: {  	_ =	shalt  }
0x6a: {  	_ =	shalt  }
0x6b: {  	_ =	shalt  }
0x6c: {  	_ =	shalt  }
0x6d: {  	_ =	shalt  }
0x6e: {  	_ =	shalt  }
0x6f: {  	_ =	shalt  }
0x70: {  	_ =	shalt  }
0x71: {  	_ =	shalt  }
0x72: {  	_ =	shalt  }
0x73: {  	_ =	shalt  }
0x74: {  	_ =	shalt  }
0x75: {  	_ =	shalt  }
0x76: {  	_ =	shalt  }
0x77: {  	_ =	shalt  }
0x78: {  	_ =	shalt  }
0x79: {  	_ =	shalt  }
0x7a: {  	_ =	shalt  }
0x7b: {  	_ =	shalt  }
0x7c: {  	_ =	shalt  }
0x7d: {  	_ =	shalt  }
0x7e: {  	_ =	shalt  }
0x7f: {  	_ =	shalt  }
0x80: {  	_ =	shalt  }
0x81: {  	_ =	shalt  }
0x82: {  	_ =	shalt  }
0x83: {  	_ =	shalt  }
0x84: {  	_ =	shalt  }
0x85: {  	_ =	shalt  }
0x86: {  	_ =	shalt  }
0x87: {  	_ =	shalt  }
.Lfunc_end0:
.L_simem_size_0:
called_computation.2_lowered:
.L_overlay_start_0:
0x88: {  	s2 =	sld [smem:$0x3FD9]  }
0x89: {  	s3 =	sld [smem:$0x3FFE];
	_ =	sdelay $0x1  }
0x8a: {  	s1 =	srdreg.scid  }
0x8b: {  	s0 =	sand.u32 $0x1, s1  }
0x8c: {  	s16 =	sshll.u32 s0, $0xA;
	s2 =	sadd.s32 s3, s2  }
0x8d: {  	s2 =	sadd.s32 s2, s16  }
0x8e: {  	[smem:$0x3FBB] =	sst s2  }
0x8f: {  	_ = 	snop  }
0x90: {  	(tm) =	ssettm $0x1  }
0x91: {  	s17 =	sld [smem:$0x3FFB];
	_ =	sdelay $0x3  }
0x92: {  	_ =	strace s17  }
0x93: {  	s2 =	sld [smem:$0x3FFC];
	_ =	sdelay $0x3  }
0x94: {  	_ =	strace s2  }
0x95: {  	s2 =	sld [smem:$0x3FFD];
	_ =	sdelay $0x3  }
0x96: {  	_ =	strace s2  }
0x97: {  	_ =	strace $0x8FFFFFFF  }
0x98: {  	s18 =	sld [smem:$0x3FDB];
	_ =	sdelay $0x1  }
0x99: {  	s19 =	simm.s32 $_scs_section_size  }
0x9a: {  	s4 =	simm.s32 $_size__tile_overlayer_lowered;
	s5 =	simm.s32 $_tile_overlayer_lowered  }
0x9b: {  	s22 =	simm.s32 $0x1BFF;
	s21 =	sshll.u32 s5, $0x1;
	s2 =	sadd.s32 s19, s18  }
0x9c: {  	s6 =	simm.s32 $0x0;
	s20 =	sshll.u32 s4, $0x1;
	s4 =	sadd.s32 s21, s2  }
0x9d: {  	[timem:s6], [sflag:s22] =	dma.local [hbm:s4], s20  }
0x9e: {  	_ =	swait.ge [sflag:s22], s20  }
0x9f: {  	s3 =	ssub.s32 $0x0, s20;
	[sflag:s22] =	ssyncset.done $0x0  }
0xa0: {  	[sflag:s22] =	ssyncadd.s32 s3;
	_ =	sdelay $0x1  }
0xa1: {  	s23 =	simm.s32 $0x1B8B  }
0xa2: {  	_ =	swait.ge [sflag:s23], $0x1  }
0xa3: {  	[sflag:s23] =	ssyncset.done $0x0  }
0xa4: {  	s25 =	simm.s32 $0x1B8E;
	s24 =	sld [smem:$0x3FFE];
	[sflag:s23] =	ssyncadd.s32 $0xFFFFFFFF  }
0xa5: {  	s26 =	simm.s32 $execute0_lowered;
	[smem:$0x3FD2] =	sst s25  }
0xa6: {  	s4 =	sshll.u32 s26, $0x1;
	_ =	strace $0x8000004C;
	[dreg:$0x1] =	wrdreg $0xFFFFFFFF  }
0xa7: {  	s28 =	simm.s32 $_size_execute0_lowered;
	s2 =	sadd.s32 s2, s4;
	[dreg:$0x0] =	wrdreg $0x0  }
0xa8: {  	s4 =	sshll.u32 s28, $0x1;
	[dreg:$0x2] =	wrdreg s2  }
0xa9: {  	[dreg:$0x3] =	wrdreg s4  }
0xaa: {  	[dreg:$0x4] =	wrdreg $0xC0  }
0xab: {  	_ =	task [dreg:s6], $0x5FFFF  }
0xac: {  	[dreg:$0x1] =	wrdreg $0xFFFFFFFF  }
0xad: {  	[dreg:$0x0] =	wrdreg $0x60  }
0xae: {  	[dreg:$0x2] =	wrdreg s24  }
0xaf: {  	[dreg:$0x3] =	wrdreg $0x88000  }
0xb0: {  	[dreg:$0x4] =	wrdreg $0x9  }
0xb1: {  	_ =	task.clear_ibuf [dreg:s6], $0x5FFFF;
	_ =	strace $0x9000004C  }
0xb2: {  	s29 =	simm.s32 $0x9;
	_ =	strace $0x8000004E  }
0xb3: {  	_ =	swait.ge [sflag:s29], $0x1  }
0xb4: {  	[sflag:s29] =	ssyncadd.s32 $0xFFFFFFFF  }
0xb5: {  	_ =	strace $0x9000004E  }
0xb6: {  	_ =	sfence  }
0xb7: {  	s30 =	sld [smem:$0x0];
	_ =	sdelay $0x2  }
0xb8: {  	s31 =	sshll.u32 s1, $0xD;
	s1 =	sshrl.u32 s1, $0x2  }
0xb9: {  	s3 =	sand.u32 $0x4000, s31;
	s1 =	sadd.s32 s1, s30  }
0xba: {  	s0 =	sor.u32 s3, s0;
	s1 =	sshll.u32 s1, $0x11  }
0xbb: {  	s0 =	sor.u32 s1, s0  }
0xbc: {  	s0 =	sadd.s32 $0x8F2B, s0  }
0xbd: {  	[sflag:s0] =	ssyncadd.remote.s32 $0x1  }
0xbe: {  	_ =	sfence.sel $0xFFFF  }
0xbf: {  	[dreg:$0x0] =	wrdreg $0xFFFFFFFF;
	(pc) =	sbr.abs _section_cstart, $3  }
0xc0: {  	[dreg:$0x1] =	wrdreg $0xFFFFFFFF  }
0xc1: {  	_ =	task.clear_ibuf [dreg:s6], $0x2FFFF;
	_ =	strace $0x9FFFFFFF  }
0xc2: {  	(tm) =	ssettm $0x7FFFFFFF  }
0xc3: {  	_ =	shalt  }
tec
execute0_lowered:
.L_overlay_start_1:
0x0: {  	(tag) =	ssettag $0x1  }
0x1: {  	s0 =	rddreg [dreg:$0x0]  }
0x2: {  	s2 =	rddreg [dreg:$0x1];
	s11 =	stileid.u32  }
0x3: {  	s4 =	srdreg.scid;
	s3 =	simm.s32 $0x0;
	s12 =	simm.s32 $0x400  }
0x4: {  	s13 =	simm.s32 $0x80;
	s14 =	simm.s32 $0x800;
	s15 =	simm.s32 $0x1  }
0x5: {  	s16 =	simm.s32 $0x4800;
	s17 =	simm.s32 $0x2;
	s18 =	simm.s32 $0x3  }
0x6: {  	s19 =	simm.s32 $0x100;
	s20 =	simm.s32 $0x480;
	s21 =	simm.s32 $0x4  }
0x7: {  	s22 =	simm.s32 $0x180;
	s28 =	simm.s32 $0x600;
	s29 =	simm.s32 $0x300  }
0x8: {  	s30 =	simm.s32 $0x680;
	s31 =	simm.s32 $0x380;
	s1 =	smul.u32 $0xA00, s11  }
0x9: {  	s5 =	smul.u32 $0x14000, s11;
	s6 =	sand.u32 $0x1, s4;
	[smem:$0x7FF] =	sst s3  }
0xa: {  	s4 =	sadd.s32 $0x3F600, s0;
	s23 =	smul.u32 $0x50000, s11;
	s25 =	sshll.u32 s11, $0x6  }
0xb: {  	s11 =	simm.s32 $0x5;
	s7 =	smul.u32 $0x140000, s6;
	_ =	strace $0x8000004D  }
0xc: {  	s9 =	ssub.s32 $0x2, s6;
	s6 =	smul.u32 $0x500, s6;
	s1 =	sadd.s32 s1, s0  }
0xd: {  	s8 =	sshrl.u32 s5, $0x3;
	s10 =	sshrl.u32 s9, $0x1;
	s5 =	sadd.s32 s5, s7  }
0xe: {  	s8 =	sadd.s32 s8, s0;
	s7 =	sshrl.u32 s23, $0x2;
	s24 =	ssub.s32 s9, s10  }
0xf: {  	s1 =	sadd.s32 s6, s1;
	s6 =	sor.u32 $0x1C05, s25;
	s23 =	simm.s32 $0x500  }
0x10: {  	s25 =	simm.s32 $0x580;
	s5 =	sshrl.u32 s5, $0x3;
	s7 =	sadd.s32 s7, s2  }
0x11: {  	s8 =	sadd.s32 $0x17600, s8;
	s26 =	sadd.s32 $0xD600, s1;
	[dreg:$0x5] =	wrdreg s6  }
0x12: {  	s9 =	sadd.s32 $0x3600, s1;
	s1 =	simm.s32 $0x780;
	[dreg:$0x4] =	wrdreg s8  }
0x13: {  	s0 =	sadd.s32 s5, s0;
	s5 =	smax.u32 s24, $0x1;
	[dreg:$0x3] =	wrdreg s26  }
0x14: {  	s7 =	sshrl.u32 s7, $0x3;
	s24 =	simm.s32 $0x200;
	[dreg:$0x7] =	wrdreg s5  }
0x15: {  	s26 =	simm.s32 $0x280;
	s0 =	sadd.s32 $0x67600, s0;
	[dreg:$0x8] =	wrdreg s7  }
0x16: {  	s8 =	simm.s32 $0x0;
	[dreg:$0x6] =	wrdreg s0;
	s0 =	simm.s32 $0x700  }
.LBB2_1:
0x17: {  	[dreg:$0x9] =	wrdreg s8  }
0x18: {  	s5 =	rddreg [dreg:$0x4]  }
0x19: {  	[spmem:s7], [sflag:s6] =	dma.local [hbm:s5], $0x2800  }
0x1a: {  	_ =	swait.ge [sflag:s11], $0x2800  }
0x1b: {  	[sflag:s11] =	ssyncset.done $0x0  }
0x1c: {  	[sflag:s11] =	ssyncadd.s32 $0xFFFFD800  }
0x1d: {  	s8 =	sadd.s32 $0x0, s9;
	[bflag:$0x0] =	sbarrier.arrive $0xFFFF  }
0x1e: {  	[tilespmem:s3], [sflag:$0x5] =	stream.linear.gather [hbm4b:s8+s3], $0x400, $0x38;
	[tilespmem:$0x1C800] =	vst v63  }
0x1f: {  	_ =	swait.ge [sflag:s11], $0x400  }
0x20: {  	s10 =	rddreg [dreg:$0x3];
	[sflag:s11] =	ssyncset.done $0x0  }
0x21: {  	[sflag:s11] =	ssyncadd.s32 $0xFFFFFC00;
	s6 =	sadd.s32 $0x0, s10  }
0x22: {  	[tilespmem:s12], [sflag:$0x5] =	stream.linear.gather [hbm4b:s6+s3], $0x400, $0x38;
	[tilespmem:$0x1C800] =	vst v63  }
0x23: {  	_ =	swait.ge [sflag:s11], $0x400  }
0x24: {  	[sflag:s11] =	ssyncset.done $0x0  }
0x25: {  	[sflag:s11] =	ssyncadd.s32 $0xFFFFFC00  }
0x26: {  	[tilespmem:s14], [sflag:$0x1] =	stream.indirect.gather [hbm4b:s4+s13], $0x80, s3, s13, $0xb8;
	[tilespmem:$0x1C800] =	vst v63  }
0x27: {  	_ =	swait.ge [sflag:s15], $0x4000  }
0x28: {  	[sflag:s15] =	ssyncset.done $0x0  }
0x29: {  	[sflag:s15] =	ssyncadd.s32 $0xFFFFC000  }
0x2a: {  	[tilespmem:s16], [sflag:$0x2] =	stream.indirect.gather [hbm4b:s4+s13], $0x80, s13, s13, $0xb8;
	[tilespmem:$0x1C800] =	vst v63  }
0x2b: {  	_ = 	snop  }
0x2c: {  	[spmem:s2] =	stream.indirect.scatter.add.f32 [tilespmem:s14], [sflag:$0x3], $0x80, s12, s13, $0xb8;
	[tilespmem:$0x1C800] =	vst v63  }
0x2d: {  	_ =	swait.ge [sflag:s17], $0x4000  }
0x2e: {  	[sflag:s17] =	ssyncset.done $0x0  }
0x2f: {  	[sflag:s17] =	ssyncadd.s32 $0xFFFFC000  }
0x30: {  	_ =	swait.ge [sflag:s18], $0x4000  }
0x31: {  	[sflag:s18] =	ssyncset.done $0x0  }
0x32: {  	[sflag:s18] =	ssyncadd.s32 $0xFFFFC000  }
0x33: {  	[tilespmem:s14], [sflag:$0x1] =	stream.indirect.gather [hbm4b:s4+s13], $0x80, s19, s13, $0xb8;
	[tilespmem:$0x1C800] =	vst v63  }
0x34: {  	_ = 	snop  }
0x35: {  	[spmem:s2] =	stream.indirect.scatter.add.f32 [tilespmem:s16], [sflag:$0x4], $0x80, s20, s13, $0xb8;
	[tilespmem:$0x1C800] =	vst v63  }
0x36: {  	_ =	swait.ge [sflag:s15], $0x4000  }
0x37: {  	[sflag:s15] =	ssyncset.done $0x0  }
0x38: {  	[sflag:s15] =	ssyncadd.s32 $0xFFFFC000  }
0x39: {  	_ =	swait.ge [sflag:s21], $0x4000  }
0x3a: {  	[sflag:s21] =	ssyncset.done $0x0  }
0x3b: {  	[sflag:s21] =	ssyncadd.s32 $0xFFFFC000  }
0x3c: {  	[tilespmem:s16], [sflag:$0x2] =	stream.indirect.gather [hbm4b:s4+s13], $0x80, s22, s13, $0xb8;
	[tilespmem:$0x1C800] =	vst v63  }
0x3d: {  	_ = 	snop  }
0x3e: {  	[spmem:s2] =	stream.indirect.scatter.add.f32 [tilespmem:s14], [sflag:$0x3], $0x80, s23, s13, $0xb8;
	[tilespmem:$0x1C800] =	vst v63  }
0x3f: {  	_ =	swait.ge [sflag:s17], $0x4000  }
0x40: {  	[sflag:s17] =	ssyncset.done $0x0  }
0x41: {  	[sflag:s17] =	ssyncadd.s32 $0xFFFFC000  }
0x42: {  	_ =	swait.ge [sflag:s18], $0x4000  }
0x43: {  	[sflag:s18] =	ssyncset.done $0x0  }
0x44: {  	[sflag:s18] =	ssyncadd.s32 $0xFFFFC000  }
0x45: {  	[tilespmem:s14], [sflag:$0x1] =	stream.indirect.gather [hbm4b:s4+s13], $0x80, s24, s13, $0xb8;
	[tilespmem:$0x1C800] =	vst v63  }
0x46: {  	_ = 	snop  }
0x47: {  	[spmem:s2] =	stream.indirect.scatter.add.f32 [tilespmem:s16], [sflag:$0x4], $0x80, s25, s13, $0xb8;
	[tilespmem:$0x1C800] =	vst v63  }
0x48: {  	_ =	swait.ge [sflag:s15], $0x4000  }
0x49: {  	[sflag:s15] =	ssyncset.done $0x0  }
0x4a: {  	[sflag:s15] =	ssyncadd.s32 $0xFFFFC000  }
0x4b: {  	_ =	swait.ge [sflag:s21], $0x4000  }
0x4c: {  	[sflag:s21] =	ssyncset.done $0x0  }
0x4d: {  	[sflag:s21] =	ssyncadd.s32 $0xFFFFC000  }
0x4e: {  	[tilespmem:s16], [sflag:$0x2] =	stream.indirect.gather [hbm4b:s4+s13], $0x80, s26, s13, $0xb8;
	[tilespmem:$0x1C800] =	vst v63  }
0x4f: {  	_ = 	snop  }
0x50: {  	[spmem:s2] =	stream.indirect.scatter.add.f32 [tilespmem:s14], [sflag:$0x3], $0x80, s28, s13, $0xb8;
	[tilespmem:$0x1C800] =	vst v63  }
0x51: {  	_ =	swait.ge [sflag:s17], $0x4000  }
0x52: {  	[sflag:s17] =	ssyncset.done $0x0  }
0x53: {  	[sflag:s17] =	ssyncadd.s32 $0xFFFFC000  }
0x54: {  	_ =	swait.ge [sflag:s18], $0x4000  }
0x55: {  	[sflag:s18] =	ssyncset.done $0x0  }
0x56: {  	[sflag:s18] =	ssyncadd.s32 $0xFFFFC000  }
0x57: {  	[tilespmem:s14], [sflag:$0x1] =	stream.indirect.gather [hbm4b:s4+s13], $0x80, s29, s13, $0xb8;
	[tilespmem:$0x1C800] =	vst v63  }
0x58: {  	_ = 	snop  }
0x59: {  	[spmem:s2] =	stream.indirect.scatter.add.f32 [tilespmem:s16], [sflag:$0x4], $0x80, s30, s13, $0xb8;
	[tilespmem:$0x1C800] =	vst v63  }
0x5a: {  	_ =	swait.ge [sflag:s15], $0x4000  }
0x5b: {  	[sflag:s15] =	ssyncset.done $0x0  }
0x5c: {  	[sflag:s15] =	ssyncadd.s32 $0xFFFFC000  }
0x5d: {  	_ =	swait.ge [sflag:s21], $0x4000  }
0x5e: {  	[sflag:s21] =	ssyncset.done $0x0  }
0x5f: {  	[sflag:s21] =	ssyncadd.s32 $0xFFFFC000  }
0x60: {  	[tilespmem:s16], [sflag:$0x2] =	stream.indirect.gather [hbm4b:s4+s13], $0x80, s31, s13, $0xb8;
	[tilespmem:$0x1C800] =	vst v63  }
0x61: {  	_ = 	snop  }
0x62: {  	[spmem:s2] =	stream.indirect.scatter.add.f32 [tilespmem:s14], [sflag:$0x3], $0x80, s0, s13, $0xb8;
	[tilespmem:$0x1C800] =	vst v63  }
0x63: {  	_ =	swait.ge [sflag:s17], $0x4000  }
0x64: {  	[sflag:s17] =	ssyncset.done $0x0  }
0x65: {  	[sflag:s17] =	ssyncadd.s32 $0xFFFFC000  }
0x66: {  	[spmem:s2] =	stream.indirect.scatter.add.f32 [tilespmem:s16], [sflag:$0x4], $0x80, s1, s13, $0xb8;
	[tilespmem:$0x1C800] =	vst v63  }
0x67: {  	_ =	swait.ge [sflag:s18], $0x4000  }
0x68: {  	[sflag:s18] =	ssyncset.done $0x0  }
0x69: {  	[sflag:s18] =	ssyncadd.s32 $0xFFFFC000  }
0x6a: {  	_ =	swait.ge [sflag:s21], $0x4000  }
0x6b: {  	s7 =	simm.s32 $0x80;
	s8 =	simm.s32 $0x100;
	[sflag:s21] =	ssyncset.done $0x0  }
.LBB2_2:
0x6c: {  	s10 =	sadd.s32 s7, s9;
	[sflag:s21] =	ssyncadd.s32 $0xFFFFC000  }
0x6d: {  	[tilespmem:s3], [sflag:$0x5] =	stream.linear.gather [hbm4b:s10+s3], $0x400, $0x38;
	[tilespmem:$0x1C800] =	vst v63  }
0x6e: {  	s5 =	smov.u32 s8;
	_ =	swait.ge [sflag:s11], $0x400  }
0x6f: {  	s6 =	sadd.s32 $0x80, s8;
	s10 =	rddreg [dreg:$0x3];
	[sflag:s11] =	ssyncset.done $0x0  }
0x70: {  	p0 =	sne.s32 s8, $0x480;
	[sflag:s11] =	ssyncadd.s32 $0xFFFFFC00;
	s8 =	sadd.s32 s7, s10  }
0x71: {  	[tilespmem:s12], [sflag:$0x5] =	stream.linear.gather [hbm4b:s8+s3], $0x400, $0x38;
	[tilespmem:$0x1C800] =	vst v63  }
0x72: {  	_ =	swait.ge [sflag:s11], $0x400  }
0x73: {  	[sflag:s11] =	ssyncset.done $0x0  }
0x74: {  	[sflag:s11] =	ssyncadd.s32 $0xFFFFFC00  }
0x75: {  	[tilespmem:s14], [sflag:$0x1] =	stream.indirect.gather [hbm4b:s4+s13], $0x80, s3, s13, $0xb8;
	[tilespmem:$0x1C800] =	vst v63  }
0x76: {  	_ =	swait.ge [sflag:s15], $0x4000  }
0x77: {  	[sflag:s15] =	ssyncset.done $0x0  }
0x78: {  	[sflag:s15] =	ssyncadd.s32 $0xFFFFC000  }
0x79: {  	[tilespmem:s16], [sflag:$0x2] =	stream.indirect.gather [hbm4b:s4+s13], $0x80, s13, s13, $0xb8;
	[tilespmem:$0x1C800] =	vst v63  }
0x7a: {  	_ = 	snop  }
0x7b: {  	[spmem:s2] =	stream.indirect.scatter.add.f32 [tilespmem:s14], [sflag:$0x3], $0x80, s12, s13, $0xb8;
	[tilespmem:$0x1C800] =	vst v63  }
0x7c: {  	_ =	swait.ge [sflag:s17], $0x4000  }
0x7d: {  	[sflag:s17] =	ssyncset.done $0x0  }
0x7e: {  	[sflag:s17] =	ssyncadd.s32 $0xFFFFC000  }
0x7f: {  	_ =	swait.ge [sflag:s18], $0x4000  }
0x80: {  	[sflag:s18] =	ssyncset.done $0x0  }
0x81: {  	[sflag:s18] =	ssyncadd.s32 $0xFFFFC000  }
0x82: {  	[tilespmem:s14], [sflag:$0x1] =	stream.indirect.gather [hbm4b:s4+s13], $0x80, s19, s13, $0xb8;
	[tilespmem:$0x1C800] =	vst v63  }
0x83: {  	_ = 	snop  }
0x84: {  	[spmem:s2] =	stream.indirect.scatter.add.f32 [tilespmem:s16], [sflag:$0x4], $0x80, s20, s13, $0xb8;
	[tilespmem:$0x1C800] =	vst v63  }
0x85: {  	_ =	swait.ge [sflag:s15], $0x4000  }
0x86: {  	[sflag:s15] =	ssyncset.done $0x0  }
0x87: {  	[sflag:s15] =	ssyncadd.s32 $0xFFFFC000  }
0x88: {  	_ =	swait.ge [sflag:s21], $0x4000  }
0x89: {  	[sflag:s21] =	ssyncset.done $0x0  }
0x8a: {  	[sflag:s21] =	ssyncadd.s32 $0xFFFFC000  }
0x8b: {  	[tilespmem:s16], [sflag:$0x2] =	stream.indirect.gather [hbm4b:s4+s13], $0x80, s22, s13, $0xb8;
	[tilespmem:$0x1C800] =	vst v63  }
0x8c: {  	_ = 	snop  }
0x8d: {  	[spmem:s2] =	stream.indirect.scatter.add.f32 [tilespmem:s14], [sflag:$0x3], $0x80, s23, s13, $0xb8;
	[tilespmem:$0x1C800] =	vst v63  }
0x8e: {  	_ =	swait.ge [sflag:s17], $0x4000  }
0x8f: {  	[sflag:s17] =	ssyncset.done $0x0  }
0x90: {  	[sflag:s17] =	ssyncadd.s32 $0xFFFFC000  }
0x91: {  	_ =	swait.ge [sflag:s18], $0x4000  }
0x92: {  	[sflag:s18] =	ssyncset.done $0x0  }
0x93: {  	[sflag:s18] =	ssyncadd.s32 $0xFFFFC000  }
0x94: {  	[tilespmem:s14], [sflag:$0x1] =	stream.indirect.gather [hbm4b:s4+s13], $0x80, s24, s13, $0xb8;
	[tilespmem:$0x1C800] =	vst v63  }
0x95: {  	_ = 	snop  }
0x96: {  	[spmem:s2] =	stream.indirect.scatter.add.f32 [tilespmem:s16], [sflag:$0x4], $0x80, s25, s13, $0xb8;
	[tilespmem:$0x1C800] =	vst v63  }
0x97: {  	_ =	swait.ge [sflag:s15], $0x4000  }
0x98: {  	[sflag:s15] =	ssyncset.done $0x0  }
0x99: {  	[sflag:s15] =	ssyncadd.s32 $0xFFFFC000  }
0x9a: {  	_ =	swait.ge [sflag:s21], $0x4000  }
0x9b: {  	[sflag:s21] =	ssyncset.done $0x0  }
0x9c: {  	[sflag:s21] =	ssyncadd.s32 $0xFFFFC000  }
0x9d: {  	[tilespmem:s16], [sflag:$0x2] =	stream.indirect.gather [hbm4b:s4+s13], $0x80, s26, s13, $0xb8;
	[tilespmem:$0x1C800] =	vst v63  }
0x9e: {  	_ = 	snop  }
0x9f: {  	[spmem:s2] =	stream.indirect.scatter.add.f32 [tilespmem:s14], [sflag:$0x3], $0x80, s28, s13, $0xb8;
	[tilespmem:$0x1C800] =	vst v63  }
0xa0: {  	_ =	swait.ge [sflag:s17], $0x4000  }
0xa1: {  	[sflag:s17] =	ssyncset.done $0x0  }
0xa2: {  	[sflag:s17] =	ssyncadd.s32 $0xFFFFC000  }
0xa3: {  	_ =	swait.ge [sflag:s18], $0x4000  }
0xa4: {  	[sflag:s18] =	ssyncset.done $0x0  }
0xa5: {  	[sflag:s18] =	ssyncadd.s32 $0xFFFFC000  }
0xa6: {  	[tilespmem:s14], [sflag:$0x1] =	stream.indirect.gather [hbm4b:s4+s13], $0x80, s29, s13, $0xb8;
	[tilespmem:$0x1C800] =	vst v63  }
0xa7: {  	_ = 	snop  }
0xa8: {  	[spmem:s2] =	stream.indirect.scatter.add.f32 [tilespmem:s16], [sflag:$0x4], $0x80, s30, s13, $0xb8;
	[tilespmem:$0x1C800] =	vst v63  }
0xa9: {  	_ =	swait.ge [sflag:s15], $0x4000  }
0xaa: {  	[sflag:s15] =	ssyncset.done $0x0  }
0xab: {  	[sflag:s15] =	ssyncadd.s32 $0xFFFFC000  }
0xac: {  	_ =	swait.ge [sflag:s21], $0x4000  }
0xad: {  	[sflag:s21] =	ssyncset.done $0x0  }
0xae: {  	[sflag:s21] =	ssyncadd.s32 $0xFFFFC000  }
0xaf: {  	[tilespmem:s16], [sflag:$0x2] =	stream.indirect.gather [hbm4b:s4+s13], $0x80, s31, s13, $0xb8;
	[tilespmem:$0x1C800] =	vst v63  }
0xb0: {  	_ = 	snop  }
0xb1: {  	[spmem:s2] =	stream.indirect.scatter.add.f32 [tilespmem:s14], [sflag:$0x3], $0x80, s0, s13, $0xb8;
	[tilespmem:$0x1C800] =	vst v63  }
0xb2: {  	_ =	swait.ge [sflag:s17], $0x4000  }
0xb3: {  	[sflag:s17] =	ssyncset.done $0x0  }
0xb4: {  	[sflag:s17] =	ssyncadd.s32 $0xFFFFC000  }
0xb5: {  	[spmem:s2] =	stream.indirect.scatter.add.f32 [tilespmem:s16], [sflag:$0x4], $0x80, s1, s13, $0xb8;
	[tilespmem:$0x1C800] =	vst v63  }
.Ltmp0:
0xb6: {  	_ =	swait.ge [sflag:s18], $0x4000;
	(pc) =	sbr.rel @p0 .LBB2_2-.Ltmp0, $4  }
0xb7: {  	[sflag:s18] =	ssyncset.done $0x0  }
0xb8: {  	[sflag:s18] =	ssyncadd.s32 $0xFFFFC000  }
0xb9: {  	_ =	swait.ge [sflag:s21], $0x4000  }
0xba: {  	s7 =	smov.u32 s5;
	s8 =	smov.u32 s6;
	[sflag:s21] =	ssyncset.done $0x0  }
0xbb: {  	s5 =	sadd.s32 s7, s9;
	[sflag:s21] =	ssyncadd.s32 $0xFFFFC000  }
0xbc: {  	[tilespmem:s3], [sflag:$0x5] =	stream.linear.gather [hbm4b:s5+s3], $0x400, $0x38;
	[tilespmem:$0x1C800] =	vst v63  }
0xbd: {  	_ =	swait.ge [sflag:s11], $0x400  }
0xbe: {  	s6 =	rddreg [dreg:$0x3];
	[sflag:s11] =	ssyncset.done $0x0  }
0xbf: {  	s5 =	sadd.s32 s7, s6;
	[sflag:s11] =	ssyncadd.s32 $0xFFFFFC00  }
0xc0: {  	[tilespmem:s12], [sflag:$0x5] =	stream.linear.gather [hbm4b:s5+s3], $0x400, $0x38;
	[tilespmem:$0x1C800] =	vst v63  }
0xc1: {  	_ =	swait.ge [sflag:s11], $0x400  }
0xc2: {  	[sflag:s11] =	ssyncset.done $0x0  }
0xc3: {  	[sflag:s11] =	ssyncadd.s32 $0xFFFFFC00  }
0xc4: {  	[tilespmem:s14], [sflag:$0x1] =	stream.indirect.gather [hbm4b:s4+s13], $0x80, s3, s13, $0xb8;
	[tilespmem:$0x1C800] =	vst v63  }
0xc5: {  	_ =	swait.ge [sflag:s15], $0x4000  }
0xc6: {  	[sflag:s15] =	ssyncset.done $0x0  }
0xc7: {  	[sflag:s15] =	ssyncadd.s32 $0xFFFFC000  }
0xc8: {  	[tilespmem:s16], [sflag:$0x2] =	stream.indirect.gather [hbm4b:s4+s13], $0x80, s13, s13, $0xb8;
	[tilespmem:$0x1C800] =	vst v63  }
0xc9: {  	_ = 	snop  }
0xca: {  	[spmem:s2] =	stream.indirect.scatter.add.f32 [tilespmem:s14], [sflag:$0x3], $0x80, s12, s13, $0xb8;
	[tilespmem:$0x1C800] =	vst v63  }
0xcb: {  	_ =	swait.ge [sflag:s17], $0x4000  }
0xcc: {  	[sflag:s17] =	ssyncset.done $0x0  }
0xcd: {  	[sflag:s17] =	ssyncadd.s32 $0xFFFFC000  }
0xce: {  	_ =	swait.ge [sflag:s18], $0x4000  }
0xcf: {  	[sflag:s18] =	ssyncset.done $0x0  }
0xd0: {  	[sflag:s18] =	ssyncadd.s32 $0xFFFFC000  }
0xd1: {  	[tilespmem:s14], [sflag:$0x1] =	stream.indirect.gather [hbm4b:s4+s13], $0x80, s19, s13, $0xb8;
	[tilespmem:$0x1C800] =	vst v63  }
0xd2: {  	_ = 	snop  }
0xd3: {  	[spmem:s2] =	stream.indirect.scatter.add.f32 [tilespmem:s16], [sflag:$0x4], $0x80, s20, s13, $0xb8;
	[tilespmem:$0x1C800] =	vst v63  }
0xd4: {  	_ =	swait.ge [sflag:s15], $0x4000  }
0xd5: {  	[sflag:s15] =	ssyncset.done $0x0  }
0xd6: {  	[sflag:s15] =	ssyncadd.s32 $0xFFFFC000  }
0xd7: {  	_ =	swait.ge [sflag:s21], $0x4000  }
0xd8: {  	[sflag:s21] =	ssyncset.done $0x0  }
0xd9: {  	[sflag:s21] =	ssyncadd.s32 $0xFFFFC000  }
0xda: {  	[tilespmem:s16], [sflag:$0x2] =	stream.indirect.gather [hbm4b:s4+s13], $0x80, s22, s13, $0xb8;
	[tilespmem:$0x1C800] =	vst v63  }
0xdb: {  	_ = 	snop  }
0xdc: {  	[spmem:s2] =	stream.indirect.scatter.add.f32 [tilespmem:s14], [sflag:$0x3], $0x80, s23, s13, $0xb8;
	[tilespmem:$0x1C800] =	vst v63  }
0xdd: {  	_ =	swait.ge [sflag:s17], $0x4000  }
0xde: {  	[sflag:s17] =	ssyncset.done $0x0  }
0xdf: {  	[sflag:s17] =	ssyncadd.s32 $0xFFFFC000  }
0xe0: {  	_ =	swait.ge [sflag:s18], $0x4000  }
0xe1: {  	[sflag:s18] =	ssyncset.done $0x0  }
0xe2: {  	[sflag:s18] =	ssyncadd.s32 $0xFFFFC000  }
0xe3: {  	[tilespmem:s14], [sflag:$0x1] =	stream.indirect.gather [hbm4b:s4+s13], $0x80, s24, s13, $0xb8;
	[tilespmem:$0x1C800] =	vst v63  }
0xe4: {  	_ = 	snop  }
0xe5: {  	[spmem:s2] =	stream.indirect.scatter.add.f32 [tilespmem:s16], [sflag:$0x4], $0x80, s25, s13, $0xb8;
	[tilespmem:$0x1C800] =	vst v63  }
0xe6: {  	_ =	swait.ge [sflag:s15], $0x4000  }
0xe7: {  	[sflag:s15] =	ssyncset.done $0x0  }
0xe8: {  	[sflag:s15] =	ssyncadd.s32 $0xFFFFC000  }
0xe9: {  	_ =	swait.ge [sflag:s21], $0x4000  }
0xea: {  	[sflag:s21] =	ssyncset.done $0x0  }
0xeb: {  	[sflag:s21] =	ssyncadd.s32 $0xFFFFC000  }
0xec: {  	[tilespmem:s16], [sflag:$0x2] =	stream.indirect.gather [hbm4b:s4+s13], $0x80, s26, s13, $0xb8;
	[tilespmem:$0x1C800] =	vst v63  }
0xed: {  	_ = 	snop  }
0xee: {  	[spmem:s2] =	stream.indirect.scatter.add.f32 [tilespmem:s14], [sflag:$0x3], $0x80, s28, s13, $0xb8;
	[tilespmem:$0x1C800] =	vst v63  }
0xef: {  	_ =	swait.ge [sflag:s17], $0x4000  }
0xf0: {  	[sflag:s17] =	ssyncset.done $0x0  }
0xf1: {  	[sflag:s17] =	ssyncadd.s32 $0xFFFFC000  }
0xf2: {  	_ =	swait.ge [sflag:s18], $0x4000  }
0xf3: {  	[sflag:s18] =	ssyncset.done $0x0  }
0xf4: {  	[sflag:s18] =	ssyncadd.s32 $0xFFFFC000  }
0xf5: {  	[tilespmem:s14], [sflag:$0x1] =	stream.indirect.gather [hbm4b:s4+s13], $0x80, s29, s13, $0xb8;
	[tilespmem:$0x1C800] =	vst v63  }
0xf6: {  	_ = 	snop  }
0xf7: {  	[spmem:s2] =	stream.indirect.scatter.add.f32 [tilespmem:s16], [sflag:$0x4], $0x80, s30, s13, $0xb8;
	[tilespmem:$0x1C800] =	vst v63  }
0xf8: {  	_ =	swait.ge [sflag:s15], $0x4000  }
0xf9: {  	[sflag:s15] =	ssyncset.done $0x0  }
0xfa: {  	[sflag:s15] =	ssyncadd.s32 $0xFFFFC000  }
0xfb: {  	_ =	swait.ge [sflag:s21], $0x4000  }
0xfc: {  	[sflag:s21] =	ssyncset.done $0x0  }
0xfd: {  	[sflag:s21] =	ssyncadd.s32 $0xFFFFC000  }
0xfe: {  	[tilespmem:s16], [sflag:$0x2] =	stream.indirect.gather [hbm4b:s4+s13], $0x80, s31, s13, $0xb8;
	[tilespmem:$0x1C800] =	vst v63  }
0xff: {  	_ = 	snop  }
0x100: {  	[spmem:s2] =	stream.indirect.scatter.add.f32 [tilespmem:s14], [sflag:$0x3], $0x80, s0, s13, $0xb8;
	[tilespmem:$0x1C800] =	vst v63  }
0x101: {  	_ =	swait.ge [sflag:s17], $0x4000  }
0x102: {  	[sflag:s17] =	ssyncset.done $0x0  }
0x103: {  	[sflag:s17] =	ssyncadd.s32 $0xFFFFC000  }
0x104: {  	[spmem:s2] =	stream.indirect.scatter.add.f32 [tilespmem:s16], [sflag:$0x4], $0x80, s1, s13, $0xb8;
	[tilespmem:$0x1C800] =	vst v63  }
0x105: {  	_ =	swait.ge [sflag:s18], $0x4000  }
0x106: {  	[sflag:s18] =	ssyncset.done $0x0  }
0x107: {  	[sflag:s18] =	ssyncadd.s32 $0xFFFFC000  }
0x108: {  	_ =	swait.ge [sflag:s21], $0x4000  }
0x109: {  	[sflag:s21] =	ssyncset.done $0x0  }
0x10a: {  	[sflag:s21] =	ssyncadd.s32 $0xFFFFC000  }
0x10b: {  	[bflag:$0x0] =	sbarrier.arrive $0xFFFF  }
0x10c: {  	s6 =	rddreg [dreg:$0x5]  }
0x10d: {  	s8 =	rddreg [dreg:$0x6]  }
0x10e: {  	s7 =	rddreg [dreg:$0x8]  }
0x10f: {  	[hbm:s8], [sflag:s6] =	dma.local [spmem:s7], $0x2800  }
0x110: {  	_ =	swait.ge [sflag:s11], $0x2800  }
0x111: {  	s8 =	rddreg [dreg:$0x9]  }
0x112: {  	s10 =	rddreg [dreg:$0x7];
	s8 =	sadd.s32 $0x1, s8  }
0x113: {  	p0 =	sne.s32 s8, s10  }
.Ltmp1:
0x114: {  	_ = 	snop;
	(pc) =	sbr.rel @p0 .LBB2_1-.Ltmp1, $3  }
0x115: {  	_ =	sdelay $0x1  }
0x116: {  	[sflag:s11] =	ssyncset.done $0x0  }
0x117: {  	[sflag:s11] =	ssyncadd.s32 $0xFFFFD800  }
0x118: {  	_ =	sfence.sel $0x180000  }
0x119: {  	[bflag:$0x0] =	sbarrier.arrive $0xFFFF  }
0x11a: {  	_ =	strace $0x9000004D  }
0x11b: {  	s0 =	stileid.u32;
	[bflag:$0x2] =	sbarrier.arrive $0xFFFF  }
0x11c: {  	p0 =	sne.s32 s0, $0x0;
	s0 =	rddreg [dreg:$0x2]  }
0x11d: {  	s0 =	sadd.s32 @!p0 $0x100000, s0  }
0x11e: {  	[sflag:s0] =	ssyncadd.tile.s32 @!p0 $0x1;
	_ =	shalt  }
.Lfunc_end2:
_tile_overlayer_lowered:
.L_overlay_start_2:
0x11f: {  	(tag) =	ssettag $0x2  }
0x120: {  	s0 =	rddreg [dreg:$0x0];
	s2 =	stileid.u32  }
0x121: {  	s1 =	rddreg [dreg:$0x1];
	p0 =	sne.s32 s2, $0x0  }
0x122: {  	s3 =	rddreg [dreg:$0x2];
	[bflag:$0x3] =	sbarrier.arrive $0xFFFF;
	s2 =	simm.s32 @!p0 $0x1C05  }
0x123: {  	[timem:s3], [sflag:s2] =	dma.local @!p0 [hbm:s0], s1  }
0x124: {  	s0 =	simm.s32 @!p0 $0x5  }
0x125: {  	_ =	swait.ge @!p0 [sflag:s0], s1  }
0x126: {  	s1 =	ssub.s32 @!p0 $0x0, s1;
	[sflag:s0] =	ssyncset.done @!p0 $0x0  }
0x127: {  	[sflag:s0] =	ssyncadd.s32 @!p0 s1  }
0x128: {  	[bflag:$0x3] =	sbarrier.arrive $0xFFFF  }
0x129: {  	_ =	shalt  }

// kernel: kernel.19.cloned.1.call-start
scs
__scs_entry_jumppad:
0x0: {  	(pc) =	sbr.rel $0x88, $3  }
0x1: {  	(tag) =	ssettag $0x0;
	lr =	simm.s32 $0x1  }
0x2: {  	[smem:$0x3F94] =	sst lr;
	_ =	strace $0xD0000000  }
0x3: {  	_ = 	snop  }
0x4: {  	_ = 	snop  }
0x5: {  	_ = 	snop  }
0x6: {  	_ = 	snop  }
0x7: {  	_ = 	snop  }
__scs_overlays_trampoline_lowered:
0x8: {  	[smem:$0x3FA3] =	sst s0  }
0x9: {  	[smem:$0x3FA4] =	sst s1  }
0xa: {  	[smem:$0x3FA5] =	sst s2  }
0xb: {  	[smem:$0x3FA6] =	sst s3  }
0xc: {  	[smem:$0x3FA7] =	sst s4  }
0xd: {  	[smem:$0x3FA8] =	sst s5  }
0xe: {  	[smem:$0x3FA9] =	sst s6  }
0xf: {  	[smem:$0x3FAA] =	sst s7  }
0x10: {  	[smem:$0x3FAB] =	sst s8  }
0x11: {  	[smem:$0x3FAC] =	sst s9;
	s0 =	simm.s32 @!p0 $0x0  }
0x12: {  	s1 =	sld [smem:$0x3F92];
	s0 =	simm.s32 @p0 $0x1  }
0x13: {  	[smem:$0x3FAD] =	sst s0;
	s0 =	simm.s32 @!p1 $0x0  }
0x14: {  	s2 =	sld [smem:$0x3F91];
	s0 =	simm.s32 @p1 $0x1  }
0x15: {  	[smem:$0x3FAE] =	sst s0;
	s0 =	simm.s32 @!p2 $0x0  }
0x16: {  	s3 =	sld [smem:$0x3FDB];
	s0 =	simm.s32 @p2 $0x1  }
0x17: {  	s4 =	simm.s32 $0x1BF5;
	[smem:$0x3FB0] =	sst s0  }
0x18: {  	s0 =	sld [smem:$0x3F93];
	_ =	swait.ge [sflag:s4], $0x0  }
0x19: {  	s7 =	sld [smem:$0x3F94]  }
0x1a: {  	s8 =	sadd.s32 $0xFFFFE003, lr  }
0x1b: {  	s9 =	sadd.s32 $0xFFFFFEF7, lr;
	s5 =	simm.s32 $0xFFFFFFFF;
	p2 =	slt.u32 s8, $0xFFFFF086  }
0x1c: {  	p1 =	slt.u32 s9, $0xF7A;
	s5 =	simm.s32 @!p2 $0x0  }
0x1d: {  	s5 =	simm.s32 @p1 $0x1;
	p0 =	seq.s32 s7, s2  }
0x1e: {  	s7 =	smul.u32 @!p0 $0xF7A, s2;
	p2 =	seq.s32 @!p0 s5, $0x0  }
0x1f: {  	s9 =	smul.u32 $0xF7A, s1;
	s8 =	simm.s32 @!p0 $0x1BF5;
	p2 =	por !p2, p0  }
0x20: {  	[sflag:s8] =	ssyncset.s32 @!p0 $0xFFFFF086;
	s6 =	sadd.s32 @!p0 s3, s7;
	s7 =	simm.s32 @!p0 $0x108  }
0x21: {  	s3 =	sadd.s32 s3, s9;
	s6 =	sadd.s32 @!p0 $0x88, s6;
	s7 =	simm.s32 @p2 $0x1082  }
0x22: {  	[simem:s7], [sflag:s8] =	dma.local @!p0 [hbm:s6], $0xF7A  }
0x23: {  	s9 =	sor.u32 $0xD0000000, s2;
	s6 =	simm.s32 $0x108;
	_ =	swait.ge @!p0 [sflag:s8], $0x0  }
0x24: {  	s3 =	sadd.s32 $0x88, s3;
	s6 =	simm.s32 @!p1 $0x1082;
	[sflag:s4] =	ssyncset.s32 $0xFFFFF086  }
0x25: {  	[simem:s6], [sflag:s4] =	dma.local [hbm:s3], $0xF7A  }
0x26: {  	[smem:$0x3F94] =	sst s1;
	(tag) =	ssettag s2;
	_ =	strace s9  }
0x27: {  	s1 =	sld [smem:$0x3FA4]  }
0x28: {  	s2 =	sld [smem:$0x3FA5]  }
0x29: {  	s4 =	sld [smem:$0x3FA7]  }
0x2a: {  	p0 =	seq.s32 s5, $0x0;
	s5 =	sld [smem:$0x3FA8]  }
0x2b: {  	s6 =	sld [smem:$0x3FA9]  }
0x2c: {  	s7 =	sld [smem:$0x3FAA]  }
0x2d: {  	s3 =	simm.s32 $0x108;
	s8 =	sld [smem:$0x3FAB]  }
0x2e: {  	s3 =	simm.s32 @!p0 $0x1082;
	s9 =	sld [smem:$0x3FAC]  }
0x2f: {  	lr =	sadd.s32 s0, s3;
	s0 =	sld [smem:$0x3FA3]  }
0x30: {  	s3 =	sld [smem:$0x3FA6]  }
0x31: {  	[smem:$0x3FAF] =	sst s10  }
0x32: {  	s10 =	sld [smem:$0x3FAD];
	_ =	sdelay $0x3  }
0x33: {  	p0 =	seq.s32 s10, $0x1;
	s10 =	sld [smem:$0x3FAF];
	_ =	sdelay $0x3  }
0x34: {  	[smem:$0x3FAF] =	sst s10  }
0x35: {  	s10 =	sld [smem:$0x3FAE];
	_ =	sdelay $0x3  }
0x36: {  	p1 =	seq.s32 s10, $0x1;
	s10 =	sld [smem:$0x3FAF];
	_ =	sdelay $0x3  }
0x37: {  	[smem:$0x3FAF] =	sst s10  }
0x38: {  	s10 =	sld [smem:$0x3FB0]  }
0x39: {  	_ = 	snop;
	(pc) =	sbr.ind lr, $3  }
0x3a: {  	_ = 	snop  }
0x3b: {  	_ = 	snop  }
0x3c: {  	p2 =	seq.s32 s10, $0x1;
	s10 =	sld [smem:$0x3FAF]  }
0x3d: {  	_ =	shalt  }
0x3e: {  	_ =	shalt  }
0x3f: {  	_ =	shalt  }
0x40: {  	_ =	shalt  }
0x41: {  	_ =	shalt  }
0x42: {  	_ =	shalt  }
0x43: {  	_ =	shalt  }
0x44: {  	_ =	shalt  }
0x45: {  	_ =	shalt  }
0x46: {  	_ =	shalt  }
0x47: {  	_ =	shalt  }
0x48: {  	_ =	shalt  }
0x49: {  	_ =	shalt  }
0x4a: {  	_ =	shalt  }
0x4b: {  	_ =	shalt  }
0x4c: {  	_ =	shalt  }
0x4d: {  	_ =	shalt  }
0x4e: {  	_ =	shalt  }
0x4f: {  	_ =	shalt  }
0x50: {  	_ =	shalt  }
0x51: {  	_ =	shalt  }
0x52: {  	_ =	shalt  }
0x53: {  	_ =	shalt  }
0x54: {  	_ =	shalt  }
0x55: {  	_ =	shalt  }
0x56: {  	_ =	shalt  }
0x57: {  	_ =	shalt  }
0x58: {  	_ =	shalt  }
0x59: {  	_ =	shalt  }
0x5a: {  	_ =	shalt  }
0x5b: {  	_ =	shalt  }
0x5c: {  	_ =	shalt  }
0x5d: {  	_ =	shalt  }
0x5e: {  	_ =	shalt  }
0x5f: {  	_ =	shalt  }
0x60: {  	_ =	shalt  }
0x61: {  	_ =	shalt  }
0x62: {  	_ =	shalt  }
0x63: {  	_ =	shalt  }
0x64: {  	_ =	shalt  }
0x65: {  	_ =	shalt  }
0x66: {  	_ =	shalt  }
0x67: {  	_ =	shalt  }
0x68: {  	_ =	shalt  }
0x69: {  	_ =	shalt  }
0x6a: {  	_ =	shalt  }
0x6b: {  	_ =	shalt  }
0x6c: {  	_ =	shalt  }
0x6d: {  	_ =	shalt  }
0x6e: {  	_ =	shalt  }
0x6f: {  	_ =	shalt  }
0x70: {  	_ =	shalt  }
0x71: {  	_ =	shalt  }
0x72: {  	_ =	shalt  }
0x73: {  	_ =	shalt  }
0x74: {  	_ =	shalt  }
0x75: {  	_ =	shalt  }
0x76: {  	_ =	shalt  }
0x77: {  	_ =	shalt  }
0x78: {  	_ =	shalt  }
0x79: {  	_ =	shalt  }
0x7a: {  	_ =	shalt  }
0x7b: {  	_ =	shalt  }
0x7c: {  	_ =	shalt  }
0x7d: {  	_ =	shalt  }
0x7e: {  	_ =	shalt  }
0x7f: {  	_ =	shalt  }
0x80: {  	_ =	shalt  }
0x81: {  	_ =	shalt  }
0x82: {  	_ =	shalt  }
0x83: {  	_ =	shalt  }
0x84: {  	_ =	shalt  }
0x85: {  	_ =	shalt  }
0x86: {  	_ =	shalt  }
0x87: {  	_ =	shalt  }
.Lfunc_end0:
.L_simem_size_0:
called_computation.3_lowered:
.L_overlay_start_0:
0x88: {  	s2 =	sld [smem:$0x3FD9]  }
0x89: {  	s3 =	sld [smem:$0x3FFE];
	_ =	sdelay $0x1  }
0x8a: {  	s1 =	srdreg.scid  }
0x8b: {  	s0 =	sand.u32 $0x1, s1  }
0x8c: {  	s16 =	sshll.u32 s0, $0xA;
	s2 =	sadd.s32 s3, s2  }
0x8d: {  	s2 =	sadd.s32 s2, s16  }
0x8e: {  	[smem:$0x3FBB] =	sst s2  }
0x8f: {  	_ = 	snop  }
0x90: {  	(tm) =	ssettm $0x1  }
0x91: {  	s17 =	sld [smem:$0x3FFB];
	_ =	sdelay $0x3  }
0x92: {  	_ =	strace s17  }
0x93: {  	s2 =	sld [smem:$0x3FFC];
	_ =	sdelay $0x3  }
0x94: {  	_ =	strace s2  }
0x95: {  	s2 =	sld [smem:$0x3FFD];
	_ =	sdelay $0x3  }
0x96: {  	_ =	strace s2  }
0x97: {  	_ =	strace $0x8FFFFFFF  }
0x98: {  	s18 =	sld [smem:$0x3FDB];
	_ =	sdelay $0x1  }
0x99: {  	s19 =	simm.s32 $_scs_section_size  }
0x9a: {  	s4 =	simm.s32 $_size__tile_overlayer_lowered;
	s5 =	simm.s32 $_tile_overlayer_lowered  }
0x9b: {  	s22 =	simm.s32 $0x1BFF;
	s21 =	sshll.u32 s5, $0x1;
	s2 =	sadd.s32 s19, s18  }
0x9c: {  	s6 =	simm.s32 $0x0;
	s20 =	sshll.u32 s4, $0x1;
	s4 =	sadd.s32 s21, s2  }
0x9d: {  	[timem:s6], [sflag:s22] =	dma.local [hbm:s4], s20  }
0x9e: {  	_ =	swait.ge [sflag:s22], s20  }
0x9f: {  	s3 =	ssub.s32 $0x0, s20;
	[sflag:s22] =	ssyncset.done $0x0  }
0xa0: {  	[sflag:s22] =	ssyncadd.s32 s3;
	_ =	sdelay $0x1  }
0xa1: {  	s23 =	simm.s32 $0x1B8B  }
0xa2: {  	_ =	swait.ge [sflag:s23], $0x1  }
0xa3: {  	[sflag:s23] =	ssyncset.done $0x0  }
0xa4: {  	s25 =	simm.s32 $0x1B8E;
	s24 =	sld [smem:$0x3FFE];
	[sflag:s23] =	ssyncadd.s32 $0xFFFFFFFF  }
0xa5: {  	s26 =	simm.s32 $execute0_lowered;
	[smem:$0x3FD2] =	sst s25  }
0xa6: {  	s4 =	sshll.u32 s26, $0x1;
	_ =	strace $0x8000004F;
	[dreg:$0x1] =	wrdreg $0xFFFFFFFF  }
0xa7: {  	s28 =	simm.s32 $_size_execute0_lowered;
	s2 =	sadd.s32 s2, s4;
	[dreg:$0x0] =	wrdreg $0x0  }
0xa8: {  	s4 =	sshll.u32 s28, $0x1;
	[dreg:$0x2] =	wrdreg s2  }
0xa9: {  	[dreg:$0x3] =	wrdreg s4  }
0xaa: {  	[dreg:$0x4] =	wrdreg $0xC0  }
0xab: {  	_ =	task [dreg:s6], $0x5FFFF  }
0xac: {  	[dreg:$0x1] =	wrdreg $0xFFFFFFFF  }
0xad: {  	[dreg:$0x0] =	wrdreg $0x60  }
0xae: {  	[dreg:$0x2] =	wrdreg s24  }
0xaf: {  	[dreg:$0x3] =	wrdreg $0x88000  }
0xb0: {  	[dreg:$0x4] =	wrdreg $0x9  }
0xb1: {  	_ =	task.clear_ibuf [dreg:s6], $0x5FFFF;
	_ =	strace $0x9000004F  }
0xb2: {  	s29 =	simm.s32 $0x9;
	_ =	strace $0x80000051  }
0xb3: {  	_ =	swait.ge [sflag:s29], $0x1  }
0xb4: {  	[sflag:s29] =	ssyncadd.s32 $0xFFFFFFFF  }
0xb5: {  	_ =	strace $0x90000051  }
0xb6: {  	_ =	sfence  }
0xb7: {  	s30 =	sld [smem:$0x0];
	_ =	sdelay $0x2  }
0xb8: {  	s31 =	sshll.u32 s1, $0xD;
	s1 =	sshrl.u32 s1, $0x2  }
0xb9: {  	s3 =	sand.u32 $0x4000, s31;
	s1 =	sadd.s32 s1, s30  }
0xba: {  	s0 =	sor.u32 s3, s0;
	s1 =	sshll.u32 s1, $0x11  }
0xbb: {  	s0 =	sor.u32 s1, s0  }
0xbc: {  	s0 =	sadd.s32 $0x8F2B, s0  }
0xbd: {  	[sflag:s0] =	ssyncadd.remote.s32 $0x1  }
0xbe: {  	_ =	sfence.sel $0xFFFF  }
0xbf: {  	[dreg:$0x0] =	wrdreg $0xFFFFFFFF;
	(pc) =	sbr.abs _section_cstart, $3  }
0xc0: {  	[dreg:$0x1] =	wrdreg $0xFFFFFFFF  }
0xc1: {  	_ =	task.clear_ibuf [dreg:s6], $0x2FFFF;
	_ =	strace $0x9FFFFFFF  }
0xc2: {  	(tm) =	ssettm $0x7FFFFFFF  }
0xc3: {  	_ =	shalt  }
tec
execute0_lowered:
.L_overlay_start_1:
0x0: {  	(tag) =	ssettag $0x1  }
0x1: {  	s0 =	rddreg [dreg:$0x0]  }
0x2: {  	s2 =	rddreg [dreg:$0x1];
	s11 =	stileid.u32  }
0x3: {  	s4 =	srdreg.scid;
	s3 =	simm.s32 $0x0;
	s12 =	simm.s32 $0x400  }
0x4: {  	s13 =	simm.s32 $0x80;
	s14 =	simm.s32 $0x800;
	s15 =	simm.s32 $0x1  }
0x5: {  	s16 =	simm.s32 $0x4800;
	s17 =	simm.s32 $0x2;
	s18 =	simm.s32 $0x3  }
0x6: {  	s19 =	simm.s32 $0x100;
	s20 =	simm.s32 $0x480;
	s21 =	simm.s32 $0x4  }
0x7: {  	s22 =	simm.s32 $0x180;
	s28 =	simm.s32 $0x600;
	s29 =	simm.s32 $0x300  }
0x8: {  	s30 =	simm.s32 $0x680;
	s31 =	simm.s32 $0x380;
	s1 =	smul.u32 $0xA00, s11  }
0x9: {  	s5 =	smul.u32 $0x14000, s11;
	s6 =	sand.u32 $0x1, s4;
	[smem:$0x7FF] =	sst s3  }
0xa: {  	s4 =	sadd.s32 $0x3F600, s0;
	s23 =	smul.u32 $0x50000, s11;
	s25 =	sshll.u32 s11, $0x6  }
0xb: {  	s11 =	simm.s32 $0x5;
	s7 =	smul.u32 $0x140000, s6;
	_ =	strace $0x80000050  }
0xc: {  	s9 =	ssub.s32 $0x2, s6;
	s6 =	smul.u32 $0x500, s6;
	s1 =	sadd.s32 s1, s0  }
0xd: {  	s8 =	sshrl.u32 s5, $0x3;
	s10 =	sshrl.u32 s9, $0x1;
	s5 =	sadd.s32 s5, s7  }
0xe: {  	s8 =	sadd.s32 s8, s0;
	s7 =	sshrl.u32 s23, $0x2;
	s24 =	ssub.s32 s9, s10  }
0xf: {  	s1 =	sadd.s32 s6, s1;
	s6 =	sor.u32 $0x1C05, s25;
	s23 =	simm.s32 $0x500  }
0x10: {  	s25 =	simm.s32 $0x580;
	s5 =	sshrl.u32 s5, $0x3;
	s7 =	sadd.s32 s7, s2  }
0x11: {  	s8 =	sadd.s32 $0x17600, s8;
	s26 =	sadd.s32 $0xD600, s1;
	[dreg:$0x5] =	wrdreg s6  }
0x12: {  	s9 =	sadd.s32 $0x3600, s1;
	s1 =	simm.s32 $0x780;
	[dreg:$0x4] =	wrdreg s8  }
0x13: {  	s0 =	sadd.s32 s5, s0;
	s5 =	smax.u32 s24, $0x1;
	[dreg:$0x3] =	wrdreg s26  }
0x14: {  	s7 =	sshrl.u32 s7, $0x3;
	s24 =	simm.s32 $0x200;
	[dreg:$0x7] =	wrdreg s5  }
0x15: {  	s26 =	simm.s32 $0x280;
	s0 =	sadd.s32 $0x67600, s0;
	[dreg:$0x8] =	wrdreg s7  }
0x16: {  	s8 =	simm.s32 $0x0;
	[dreg:$0x6] =	wrdreg s0;
	s0 =	simm.s32 $0x700  }
.LBB2_1:
0x17: {  	[dreg:$0x9] =	wrdreg s8  }
0x18: {  	s5 =	rddreg [dreg:$0x4]  }
0x19: {  	[spmem:s7], [sflag:s6] =	dma.local [hbm:s5], $0x2800  }
0x1a: {  	_ =	swait.ge [sflag:s11], $0x2800  }
0x1b: {  	[sflag:s11] =	ssyncset.done $0x0  }
0x1c: {  	[sflag:s11] =	ssyncadd.s32 $0xFFFFD800  }
0x1d: {  	s8 =	sadd.s32 $0x0, s9;
	[bflag:$0x0] =	sbarrier.arrive $0xFFFF  }
0x1e: {  	[tilespmem:s3], [sflag:$0x5] =	stream.linear.gather [hbm4b:s8+s3], $0x400, $0x38;
	[tilespmem:$0x1C800] =	vst v63  }
0x1f: {  	_ =	swait.ge [sflag:s11], $0x400  }
0x20: {  	s10 =	rddreg [dreg:$0x3];
	[sflag:s11] =	ssyncset.done $0x0  }
0x21: {  	[sflag:s11] =	ssyncadd.s32 $0xFFFFFC00;
	s6 =	sadd.s32 $0x0, s10  }
0x22: {  	[tilespmem:s12], [sflag:$0x5] =	stream.linear.gather [hbm4b:s6+s3], $0x400, $0x38;
	[tilespmem:$0x1C800] =	vst v63  }
0x23: {  	_ =	swait.ge [sflag:s11], $0x400  }
0x24: {  	[sflag:s11] =	ssyncset.done $0x0  }
0x25: {  	[sflag:s11] =	ssyncadd.s32 $0xFFFFFC00  }
0x26: {  	[tilespmem:s14], [sflag:$0x1] =	stream.indirect.gather [hbm4b:s4+s13], $0x80, s3, s13, $0xb8;
	[tilespmem:$0x1C800] =	vst v63  }
0x27: {  	_ =	swait.ge [sflag:s15], $0x4000  }
0x28: {  	[sflag:s15] =	ssyncset.done $0x0  }
0x29: {  	[sflag:s15] =	ssyncadd.s32 $0xFFFFC000  }
0x2a: {  	[tilespmem:s16], [sflag:$0x2] =	stream.indirect.gather [hbm4b:s4+s13], $0x80, s13, s13, $0xb8;
	[tilespmem:$0x1C800] =	vst v63  }
0x2b: {  	_ = 	snop  }
0x2c: {  	[spmem:s2] =	stream.indirect.scatter.add.f32 [tilespmem:s14], [sflag:$0x3], $0x80, s12, s13, $0xb8;
	[tilespmem:$0x1C800] =	vst v63  }
0x2d: {  	_ =	swait.ge [sflag:s17], $0x4000  }
0x2e: {  	[sflag:s17] =	ssyncset.done $0x0  }
0x2f: {  	[sflag:s17] =	ssyncadd.s32 $0xFFFFC000  }
0x30: {  	_ =	swait.ge [sflag:s18], $0x4000  }
0x31: {  	[sflag:s18] =	ssyncset.done $0x0  }
0x32: {  	[sflag:s18] =	ssyncadd.s32 $0xFFFFC000  }
0x33: {  	[tilespmem:s14], [sflag:$0x1] =	stream.indirect.gather [hbm4b:s4+s13], $0x80, s19, s13, $0xb8;
	[tilespmem:$0x1C800] =	vst v63  }
0x34: {  	_ = 	snop  }
0x35: {  	[spmem:s2] =	stream.indirect.scatter.add.f32 [tilespmem:s16], [sflag:$0x4], $0x80, s20, s13, $0xb8;
	[tilespmem:$0x1C800] =	vst v63  }
0x36: {  	_ =	swait.ge [sflag:s15], $0x4000  }
0x37: {  	[sflag:s15] =	ssyncset.done $0x0  }
0x38: {  	[sflag:s15] =	ssyncadd.s32 $0xFFFFC000  }
0x39: {  	_ =	swait.ge [sflag:s21], $0x4000  }
0x3a: {  	[sflag:s21] =	ssyncset.done $0x0  }
0x3b: {  	[sflag:s21] =	ssyncadd.s32 $0xFFFFC000  }
0x3c: {  	[tilespmem:s16], [sflag:$0x2] =	stream.indirect.gather [hbm4b:s4+s13], $0x80, s22, s13, $0xb8;
	[tilespmem:$0x1C800] =	vst v63  }
0x3d: {  	_ = 	snop  }
0x3e: {  	[spmem:s2] =	stream.indirect.scatter.add.f32 [tilespmem:s14], [sflag:$0x3], $0x80, s23, s13, $0xb8;
	[tilespmem:$0x1C800] =	vst v63  }
0x3f: {  	_ =	swait.ge [sflag:s17], $0x4000  }
0x40: {  	[sflag:s17] =	ssyncset.done $0x0  }
0x41: {  	[sflag:s17] =	ssyncadd.s32 $0xFFFFC000  }
0x42: {  	_ =	swait.ge [sflag:s18], $0x4000  }
0x43: {  	[sflag:s18] =	ssyncset.done $0x0  }
0x44: {  	[sflag:s18] =	ssyncadd.s32 $0xFFFFC000  }
0x45: {  	[tilespmem:s14], [sflag:$0x1] =	stream.indirect.gather [hbm4b:s4+s13], $0x80, s24, s13, $0xb8;
	[tilespmem:$0x1C800] =	vst v63  }
0x46: {  	_ = 	snop  }
0x47: {  	[spmem:s2] =	stream.indirect.scatter.add.f32 [tilespmem:s16], [sflag:$0x4], $0x80, s25, s13, $0xb8;
	[tilespmem:$0x1C800] =	vst v63  }
0x48: {  	_ =	swait.ge [sflag:s15], $0x4000  }
0x49: {  	[sflag:s15] =	ssyncset.done $0x0  }
0x4a: {  	[sflag:s15] =	ssyncadd.s32 $0xFFFFC000  }
0x4b: {  	_ =	swait.ge [sflag:s21], $0x4000  }
0x4c: {  	[sflag:s21] =	ssyncset.done $0x0  }
0x4d: {  	[sflag:s21] =	ssyncadd.s32 $0xFFFFC000  }
0x4e: {  	[tilespmem:s16], [sflag:$0x2] =	stream.indirect.gather [hbm4b:s4+s13], $0x80, s26, s13, $0xb8;
	[tilespmem:$0x1C800] =	vst v63  }
0x4f: {  	_ = 	snop  }
0x50: {  	[spmem:s2] =	stream.indirect.scatter.add.f32 [tilespmem:s14], [sflag:$0x3], $0x80, s28, s13, $0xb8;
	[tilespmem:$0x1C800] =	vst v63  }
0x51: {  	_ =	swait.ge [sflag:s17], $0x4000  }
0x52: {  	[sflag:s17] =	ssyncset.done $0x0  }
0x53: {  	[sflag:s17] =	ssyncadd.s32 $0xFFFFC000  }
0x54: {  	_ =	swait.ge [sflag:s18], $0x4000  }
0x55: {  	[sflag:s18] =	ssyncset.done $0x0  }
0x56: {  	[sflag:s18] =	ssyncadd.s32 $0xFFFFC000  }
0x57: {  	[tilespmem:s14], [sflag:$0x1] =	stream.indirect.gather [hbm4b:s4+s13], $0x80, s29, s13, $0xb8;
	[tilespmem:$0x1C800] =	vst v63  }
0x58: {  	_ = 	snop  }
0x59: {  	[spmem:s2] =	stream.indirect.scatter.add.f32 [tilespmem:s16], [sflag:$0x4], $0x80, s30, s13, $0xb8;
	[tilespmem:$0x1C800] =	vst v63  }
0x5a: {  	_ =	swait.ge [sflag:s15], $0x4000  }
0x5b: {  	[sflag:s15] =	ssyncset.done $0x0  }
0x5c: {  	[sflag:s15] =	ssyncadd.s32 $0xFFFFC000  }
0x5d: {  	_ =	swait.ge [sflag:s21], $0x4000  }
0x5e: {  	[sflag:s21] =	ssyncset.done $0x0  }
0x5f: {  	[sflag:s21] =	ssyncadd.s32 $0xFFFFC000  }
0x60: {  	[tilespmem:s16], [sflag:$0x2] =	stream.indirect.gather [hbm4b:s4+s13], $0x80, s31, s13, $0xb8;
	[tilespmem:$0x1C800] =	vst v63  }
0x61: {  	_ = 	snop  }
0x62: {  	[spmem:s2] =	stream.indirect.scatter.add.f32 [tilespmem:s14], [sflag:$0x3], $0x80, s0, s13, $0xb8;
	[tilespmem:$0x1C800] =	vst v63  }
0x63: {  	_ =	swait.ge [sflag:s17], $0x4000  }
0x64: {  	[sflag:s17] =	ssyncset.done $0x0  }
0x65: {  	[sflag:s17] =	ssyncadd.s32 $0xFFFFC000  }
0x66: {  	[spmem:s2] =	stream.indirect.scatter.add.f32 [tilespmem:s16], [sflag:$0x4], $0x80, s1, s13, $0xb8;
	[tilespmem:$0x1C800] =	vst v63  }
0x67: {  	_ =	swait.ge [sflag:s18], $0x4000  }
0x68: {  	[sflag:s18] =	ssyncset.done $0x0  }
0x69: {  	[sflag:s18] =	ssyncadd.s32 $0xFFFFC000  }
0x6a: {  	_ =	swait.ge [sflag:s21], $0x4000  }
0x6b: {  	s7 =	simm.s32 $0x80;
	s8 =	simm.s32 $0x100;
	[sflag:s21] =	ssyncset.done $0x0  }
.LBB2_2:
0x6c: {  	s10 =	sadd.s32 s7, s9;
	[sflag:s21] =	ssyncadd.s32 $0xFFFFC000  }
0x6d: {  	[tilespmem:s3], [sflag:$0x5] =	stream.linear.gather [hbm4b:s10+s3], $0x400, $0x38;
	[tilespmem:$0x1C800] =	vst v63  }
0x6e: {  	s5 =	smov.u32 s8;
	_ =	swait.ge [sflag:s11], $0x400  }
0x6f: {  	s6 =	sadd.s32 $0x80, s8;
	s10 =	rddreg [dreg:$0x3];
	[sflag:s11] =	ssyncset.done $0x0  }
0x70: {  	p0 =	sne.s32 s8, $0x480;
	[sflag:s11] =	ssyncadd.s32 $0xFFFFFC00;
	s8 =	sadd.s32 s7, s10  }
0x71: {  	[tilespmem:s12], [sflag:$0x5] =	stream.linear.gather [hbm4b:s8+s3], $0x400, $0x38;
	[tilespmem:$0x1C800] =	vst v63  }
0x72: {  	_ =	swait.ge [sflag:s11], $0x400  }
0x73: {  	[sflag:s11] =	ssyncset.done $0x0  }
0x74: {  	[sflag:s11] =	ssyncadd.s32 $0xFFFFFC00  }
0x75: {  	[tilespmem:s14], [sflag:$0x1] =	stream.indirect.gather [hbm4b:s4+s13], $0x80, s3, s13, $0xb8;
	[tilespmem:$0x1C800] =	vst v63  }
0x76: {  	_ =	swait.ge [sflag:s15], $0x4000  }
0x77: {  	[sflag:s15] =	ssyncset.done $0x0  }
0x78: {  	[sflag:s15] =	ssyncadd.s32 $0xFFFFC000  }
0x79: {  	[tilespmem:s16], [sflag:$0x2] =	stream.indirect.gather [hbm4b:s4+s13], $0x80, s13, s13, $0xb8;
	[tilespmem:$0x1C800] =	vst v63  }
0x7a: {  	_ = 	snop  }
0x7b: {  	[spmem:s2] =	stream.indirect.scatter.add.f32 [tilespmem:s14], [sflag:$0x3], $0x80, s12, s13, $0xb8;
	[tilespmem:$0x1C800] =	vst v63  }
0x7c: {  	_ =	swait.ge [sflag:s17], $0x4000  }
0x7d: {  	[sflag:s17] =	ssyncset.done $0x0  }
0x7e: {  	[sflag:s17] =	ssyncadd.s32 $0xFFFFC000  }
0x7f: {  	_ =	swait.ge [sflag:s18], $0x4000  }
0x80: {  	[sflag:s18] =	ssyncset.done $0x0  }
0x81: {  	[sflag:s18] =	ssyncadd.s32 $0xFFFFC000  }
0x82: {  	[tilespmem:s14], [sflag:$0x1] =	stream.indirect.gather [hbm4b:s4+s13], $0x80, s19, s13, $0xb8;
	[tilespmem:$0x1C800] =	vst v63  }
0x83: {  	_ = 	snop  }
0x84: {  	[spmem:s2] =	stream.indirect.scatter.add.f32 [tilespmem:s16], [sflag:$0x4], $0x80, s20, s13, $0xb8;
	[tilespmem:$0x1C800] =	vst v63  }
0x85: {  	_ =	swait.ge [sflag:s15], $0x4000  }
0x86: {  	[sflag:s15] =	ssyncset.done $0x0  }
0x87: {  	[sflag:s15] =	ssyncadd.s32 $0xFFFFC000  }
0x88: {  	_ =	swait.ge [sflag:s21], $0x4000  }
0x89: {  	[sflag:s21] =	ssyncset.done $0x0  }
0x8a: {  	[sflag:s21] =	ssyncadd.s32 $0xFFFFC000  }
0x8b: {  	[tilespmem:s16], [sflag:$0x2] =	stream.indirect.gather [hbm4b:s4+s13], $0x80, s22, s13, $0xb8;
	[tilespmem:$0x1C800] =	vst v63  }
0x8c: {  	_ = 	snop  }
0x8d: {  	[spmem:s2] =	stream.indirect.scatter.add.f32 [tilespmem:s14], [sflag:$0x3], $0x80, s23, s13, $0xb8;
	[tilespmem:$0x1C800] =	vst v63  }
0x8e: {  	_ =	swait.ge [sflag:s17], $0x4000  }
0x8f: {  	[sflag:s17] =	ssyncset.done $0x0  }
0x90: {  	[sflag:s17] =	ssyncadd.s32 $0xFFFFC000  }
0x91: {  	_ =	swait.ge [sflag:s18], $0x4000  }
0x92: {  	[sflag:s18] =	ssyncset.done $0x0  }
0x93: {  	[sflag:s18] =	ssyncadd.s32 $0xFFFFC000  }
0x94: {  	[tilespmem:s14], [sflag:$0x1] =	stream.indirect.gather [hbm4b:s4+s13], $0x80, s24, s13, $0xb8;
	[tilespmem:$0x1C800] =	vst v63  }
0x95: {  	_ = 	snop  }
0x96: {  	[spmem:s2] =	stream.indirect.scatter.add.f32 [tilespmem:s16], [sflag:$0x4], $0x80, s25, s13, $0xb8;
	[tilespmem:$0x1C800] =	vst v63  }
0x97: {  	_ =	swait.ge [sflag:s15], $0x4000  }
0x98: {  	[sflag:s15] =	ssyncset.done $0x0  }
0x99: {  	[sflag:s15] =	ssyncadd.s32 $0xFFFFC000  }
0x9a: {  	_ =	swait.ge [sflag:s21], $0x4000  }
0x9b: {  	[sflag:s21] =	ssyncset.done $0x0  }
0x9c: {  	[sflag:s21] =	ssyncadd.s32 $0xFFFFC000  }
0x9d: {  	[tilespmem:s16], [sflag:$0x2] =	stream.indirect.gather [hbm4b:s4+s13], $0x80, s26, s13, $0xb8;
	[tilespmem:$0x1C800] =	vst v63  }
0x9e: {  	_ = 	snop  }
0x9f: {  	[spmem:s2] =	stream.indirect.scatter.add.f32 [tilespmem:s14], [sflag:$0x3], $0x80, s28, s13, $0xb8;
	[tilespmem:$0x1C800] =	vst v63  }
0xa0: {  	_ =	swait.ge [sflag:s17], $0x4000  }
0xa1: {  	[sflag:s17] =	ssyncset.done $0x0  }
0xa2: {  	[sflag:s17] =	ssyncadd.s32 $0xFFFFC000  }
0xa3: {  	_ =	swait.ge [sflag:s18], $0x4000  }
0xa4: {  	[sflag:s18] =	ssyncset.done $0x0  }
0xa5: {  	[sflag:s18] =	ssyncadd.s32 $0xFFFFC000  }
0xa6: {  	[tilespmem:s14], [sflag:$0x1] =	stream.indirect.gather [hbm4b:s4+s13], $0x80, s29, s13, $0xb8;
	[tilespmem:$0x1C800] =	vst v63  }
0xa7: {  	_ = 	snop  }
0xa8: {  	[spmem:s2] =	stream.indirect.scatter.add.f32 [tilespmem:s16], [sflag:$0x4], $0x80, s30, s13, $0xb8;
	[tilespmem:$0x1C800] =	vst v63  }
0xa9: {  	_ =	swait.ge [sflag:s15], $0x4000  }
0xaa: {  	[sflag:s15] =	ssyncset.done $0x0  }
0xab: {  	[sflag:s15] =	ssyncadd.s32 $0xFFFFC000  }
0xac: {  	_ =	swait.ge [sflag:s21], $0x4000  }
0xad: {  	[sflag:s21] =	ssyncset.done $0x0  }
0xae: {  	[sflag:s21] =	ssyncadd.s32 $0xFFFFC000  }
0xaf: {  	[tilespmem:s16], [sflag:$0x2] =	stream.indirect.gather [hbm4b:s4+s13], $0x80, s31, s13, $0xb8;
	[tilespmem:$0x1C800] =	vst v63  }
0xb0: {  	_ = 	snop  }
0xb1: {  	[spmem:s2] =	stream.indirect.scatter.add.f32 [tilespmem:s14], [sflag:$0x3], $0x80, s0, s13, $0xb8;
	[tilespmem:$0x1C800] =	vst v63  }
0xb2: {  	_ =	swait.ge [sflag:s17], $0x4000  }
0xb3: {  	[sflag:s17] =	ssyncset.done $0x0  }
0xb4: {  	[sflag:s17] =	ssyncadd.s32 $0xFFFFC000  }
0xb5: {  	[spmem:s2] =	stream.indirect.scatter.add.f32 [tilespmem:s16], [sflag:$0x4], $0x80, s1, s13, $0xb8;
	[tilespmem:$0x1C800] =	vst v63  }
.Ltmp0:
0xb6: {  	_ =	swait.ge [sflag:s18], $0x4000;
	(pc) =	sbr.rel @p0 .LBB2_2-.Ltmp0, $4  }
0xb7: {  	[sflag:s18] =	ssyncset.done $0x0  }
0xb8: {  	[sflag:s18] =	ssyncadd.s32 $0xFFFFC000  }
0xb9: {  	_ =	swait.ge [sflag:s21], $0x4000  }
0xba: {  	s7 =	smov.u32 s5;
	s8 =	smov.u32 s6;
	[sflag:s21] =	ssyncset.done $0x0  }
0xbb: {  	s5 =	sadd.s32 s7, s9;
	[sflag:s21] =	ssyncadd.s32 $0xFFFFC000  }
0xbc: {  	[tilespmem:s3], [sflag:$0x5] =	stream.linear.gather [hbm4b:s5+s3], $0x400, $0x38;
	[tilespmem:$0x1C800] =	vst v63  }
0xbd: {  	_ =	swait.ge [sflag:s11], $0x400  }
0xbe: {  	s6 =	rddreg [dreg:$0x3];
	[sflag:s11] =	ssyncset.done $0x0  }
0xbf: {  	s5 =	sadd.s32 s7, s6;
	[sflag:s11] =	ssyncadd.s32 $0xFFFFFC00  }
0xc0: {  	[tilespmem:s12], [sflag:$0x5] =	stream.linear.gather [hbm4b:s5+s3], $0x400, $0x38;
	[tilespmem:$0x1C800] =	vst v63  }
0xc1: {  	_ =	swait.ge [sflag:s11], $0x400  }
0xc2: {  	[sflag:s11] =	ssyncset.done $0x0  }
0xc3: {  	[sflag:s11] =	ssyncadd.s32 $0xFFFFFC00  }
0xc4: {  	[tilespmem:s14], [sflag:$0x1] =	stream.indirect.gather [hbm4b:s4+s13], $0x80, s3, s13, $0xb8;
	[tilespmem:$0x1C800] =	vst v63  }
0xc5: {  	_ =	swait.ge [sflag:s15], $0x4000  }
0xc6: {  	[sflag:s15] =	ssyncset.done $0x0  }
0xc7: {  	[sflag:s15] =	ssyncadd.s32 $0xFFFFC000  }
0xc8: {  	[tilespmem:s16], [sflag:$0x2] =	stream.indirect.gather [hbm4b:s4+s13], $0x80, s13, s13, $0xb8;
	[tilespmem:$0x1C800] =	vst v63  }
0xc9: {  	_ = 	snop  }
0xca: {  	[spmem:s2] =	stream.indirect.scatter.add.f32 [tilespmem:s14], [sflag:$0x3], $0x80, s12, s13, $0xb8;
	[tilespmem:$0x1C800] =	vst v63  }
0xcb: {  	_ =	swait.ge [sflag:s17], $0x4000  }
0xcc: {  	[sflag:s17] =	ssyncset.done $0x0  }
0xcd: {  	[sflag:s17] =	ssyncadd.s32 $0xFFFFC000  }
0xce: {  	_ =	swait.ge [sflag:s18], $0x4000  }
0xcf: {  	[sflag:s18] =	ssyncset.done $0x0  }
0xd0: {  	[sflag:s18] =	ssyncadd.s32 $0xFFFFC000  }
0xd1: {  	[tilespmem:s14], [sflag:$0x1] =	stream.indirect.gather [hbm4b:s4+s13], $0x80, s19, s13, $0xb8;
	[tilespmem:$0x1C800] =	vst v63  }
0xd2: {  	_ = 	snop  }
0xd3: {  	[spmem:s2] =	stream.indirect.scatter.add.f32 [tilespmem:s16], [sflag:$0x4], $0x80, s20, s13, $0xb8;
	[tilespmem:$0x1C800] =	vst v63  }
0xd4: {  	_ =	swait.ge [sflag:s15], $0x4000  }
0xd5: {  	[sflag:s15] =	ssyncset.done $0x0  }
0xd6: {  	[sflag:s15] =	ssyncadd.s32 $0xFFFFC000  }
0xd7: {  	_ =	swait.ge [sflag:s21], $0x4000  }
0xd8: {  	[sflag:s21] =	ssyncset.done $0x0  }
0xd9: {  	[sflag:s21] =	ssyncadd.s32 $0xFFFFC000  }
0xda: {  	[tilespmem:s16], [sflag:$0x2] =	stream.indirect.gather [hbm4b:s4+s13], $0x80, s22, s13, $0xb8;
	[tilespmem:$0x1C800] =	vst v63  }
0xdb: {  	_ = 	snop  }
0xdc: {  	[spmem:s2] =	stream.indirect.scatter.add.f32 [tilespmem:s14], [sflag:$0x3], $0x80, s23, s13, $0xb8;
	[tilespmem:$0x1C800] =	vst v63  }
0xdd: {  	_ =	swait.ge [sflag:s17], $0x4000  }
0xde: {  	[sflag:s17] =	ssyncset.done $0x0  }
0xdf: {  	[sflag:s17] =	ssyncadd.s32 $0xFFFFC000  }
0xe0: {  	_ =	swait.ge [sflag:s18], $0x4000  }
0xe1: {  	[sflag:s18] =	ssyncset.done $0x0  }
0xe2: {  	[sflag:s18] =	ssyncadd.s32 $0xFFFFC000  }
0xe3: {  	[tilespmem:s14], [sflag:$0x1] =	stream.indirect.gather [hbm4b:s4+s13], $0x80, s24, s13, $0xb8;
	[tilespmem:$0x1C800] =	vst v63  }
0xe4: {  	_ = 	snop  }
0xe5: {  	[spmem:s2] =	stream.indirect.scatter.add.f32 [tilespmem:s16], [sflag:$0x4], $0x80, s25, s13, $0xb8;
	[tilespmem:$0x1C800] =	vst v63  }
0xe6: {  	_ =	swait.ge [sflag:s15], $0x4000  }
0xe7: {  	[sflag:s15] =	ssyncset.done $0x0  }
0xe8: {  	[sflag:s15] =	ssyncadd.s32 $0xFFFFC000  }
0xe9: {  	_ =	swait.ge [sflag:s21], $0x4000  }
0xea: {  	[sflag:s21] =	ssyncset.done $0x0  }
0xeb: {  	[sflag:s21] =	ssyncadd.s32 $0xFFFFC000  }
0xec: {  	[tilespmem:s16], [sflag:$0x2] =	stream.indirect.gather [hbm4b:s4+s13], $0x80, s26, s13, $0xb8;
	[tilespmem:$0x1C800] =	vst v63  }
0xed: {  	_ = 	snop  }
0xee: {  	[spmem:s2] =	stream.indirect.scatter.add.f32 [tilespmem:s14], [sflag:$0x3], $0x80, s28, s13, $0xb8;
	[tilespmem:$0x1C800] =	vst v63  }
0xef: {  	_ =	swait.ge [sflag:s17], $0x4000  }
0xf0: {  	[sflag:s17] =	ssyncset.done $0x0  }
0xf1: {  	[sflag:s17] =	ssyncadd.s32 $0xFFFFC000  }
0xf2: {  	_ =	swait.ge [sflag:s18], $0x4000  }
0xf3: {  	[sflag:s18] =	ssyncset.done $0x0  }
0xf4: {  	[sflag:s18] =	ssyncadd.s32 $0xFFFFC000  }
0xf5: {  	[tilespmem:s14], [sflag:$0x1] =	stream.indirect.gather [hbm4b:s4+s13], $0x80, s29, s13, $0xb8;
	[tilespmem:$0x1C800] =	vst v63  }
0xf6: {  	_ = 	snop  }
0xf7: {  	[spmem:s2] =	stream.indirect.scatter.add.f32 [tilespmem:s16], [sflag:$0x4], $0x80, s30, s13, $0xb8;
	[tilespmem:$0x1C800] =	vst v63  }
0xf8: {  	_ =	swait.ge [sflag:s15], $0x4000  }
0xf9: {  	[sflag:s15] =	ssyncset.done $0x0  }
0xfa: {  	[sflag:s15] =	ssyncadd.s32 $0xFFFFC000  }
0xfb: {  	_ =	swait.ge [sflag:s21], $0x4000  }
0xfc: {  	[sflag:s21] =	ssyncset.done $0x0  }
0xfd: {  	[sflag:s21] =	ssyncadd.s32 $0xFFFFC000  }
0xfe: {  	[tilespmem:s16], [sflag:$0x2] =	stream.indirect.gather [hbm4b:s4+s13], $0x80, s31, s13, $0xb8;
	[tilespmem:$0x1C800] =	vst v63  }
0xff: {  	_ = 	snop  }
0x100: {  	[spmem:s2] =	stream.indirect.scatter.add.f32 [tilespmem:s14], [sflag:$0x3], $0x80, s0, s13, $0xb8;
	[tilespmem:$0x1C800] =	vst v63  }
0x101: {  	_ =	swait.ge [sflag:s17], $0x4000  }
0x102: {  	[sflag:s17] =	ssyncset.done $0x0  }
0x103: {  	[sflag:s17] =	ssyncadd.s32 $0xFFFFC000  }
0x104: {  	[spmem:s2] =	stream.indirect.scatter.add.f32 [tilespmem:s16], [sflag:$0x4], $0x80, s1, s13, $0xb8;
	[tilespmem:$0x1C800] =	vst v63  }
0x105: {  	_ =	swait.ge [sflag:s18], $0x4000  }
0x106: {  	[sflag:s18] =	ssyncset.done $0x0  }
0x107: {  	[sflag:s18] =	ssyncadd.s32 $0xFFFFC000  }
0x108: {  	_ =	swait.ge [sflag:s21], $0x4000  }
0x109: {  	[sflag:s21] =	ssyncset.done $0x0  }
0x10a: {  	[sflag:s21] =	ssyncadd.s32 $0xFFFFC000  }
0x10b: {  	[bflag:$0x0] =	sbarrier.arrive $0xFFFF  }
0x10c: {  	s6 =	rddreg [dreg:$0x5]  }
0x10d: {  	s8 =	rddreg [dreg:$0x6]  }
0x10e: {  	s7 =	rddreg [dreg:$0x8]  }
0x10f: {  	[hbm:s8], [sflag:s6] =	dma.local [spmem:s7], $0x2800  }
0x110: {  	_ =	swait.ge [sflag:s11], $0x2800  }
0x111: {  	s8 =	rddreg [dreg:$0x9]  }
0x112: {  	s10 =	rddreg [dreg:$0x7];
	s8 =	sadd.s32 $0x1, s8  }
0x113: {  	p0 =	sne.s32 s8, s10  }
.Ltmp1:
0x114: {  	_ = 	snop;
	(pc) =	sbr.rel @p0 .LBB2_1-.Ltmp1, $3  }
0x115: {  	_ =	sdelay $0x1  }
0x116: {  	[sflag:s11] =	ssyncset.done $0x0  }
0x117: {  	[sflag:s11] =	ssyncadd.s32 $0xFFFFD800  }
0x118: {  	_ =	sfence.sel $0x180000  }
0x119: {  	[bflag:$0x0] =	sbarrier.arrive $0xFFFF  }
0x11a: {  	_ =	strace $0x90000050  }
0x11b: {  	s0 =	stileid.u32;
	[bflag:$0x2] =	sbarrier.arrive $0xFFFF  }
0x11c: {  	p0 =	sne.s32 s0, $0x0;
	s0 =	rddreg [dreg:$0x2]  }
0x11d: {  	s0 =	sadd.s32 @!p0 $0x100000, s0  }
0x11e: {  	[sflag:s0] =	ssyncadd.tile.s32 @!p0 $0x1;
	_ =	shalt  }
.Lfunc_end2:
_tile_overlayer_lowered:
.L_overlay_start_2:
0x11f: {  	(tag) =	ssettag $0x2  }
0x120: {  	s0 =	rddreg [dreg:$0x0];
	s2 =	stileid.u32  }
0x121: {  	s1 =	rddreg [dreg:$0x1];
	p0 =	sne.s32 s2, $0x0  }
0x122: {  	s3 =	rddreg [dreg:$0x2];
	[bflag:$0x3] =	sbarrier.arrive $0xFFFF;
	s2 =	simm.s32 @!p0 $0x1C05  }
0x123: {  	[timem:s3], [sflag:s2] =	dma.local @!p0 [hbm:s0], s1  }
0x124: {  	s0 =	simm.s32 @!p0 $0x5  }
0x125: {  	_ =	swait.ge @!p0 [sflag:s0], s1  }
0x126: {  	s1 =	ssub.s32 @!p0 $0x0, s1;
	[sflag:s0] =	ssyncset.done @!p0 $0x0  }
0x127: {  	[sflag:s0] =	ssyncadd.s32 @!p0 s1  }
0x128: {  	[bflag:$0x3] =	sbarrier.arrive $0xFFFF  }
0x129: {  	_ =	shalt  }

</sc_bundles>
